<compile_context>
chip_gen: v7x
topology: tpu7x:2x2x1
jax: 0.10.2.dev20260603
libtpu: 0.0.44.dev20260713+nightly
codegen_flags: <defaults>
</compile_context>

<pallas_src>
import functools

import jax
import jax.numpy as jnp
from jax import lax
from jax.experimental import pallas as pl
from jax.experimental.pallas import tpu as pltpu
from jax.experimental.pallas import tpu_sc as plsc

N = 10000
E = 320000
D = 128

NC = 2
NS = 16
NW = NC * NS
EPT = E // NW
K = 80
CH = EPT // K
NB = 8
GROUPS = CH // NB
TAIL = CH - GROUPS * NB
CPH = 2
NH = CH // CPH
MSG_TAIL = CH - NH * CPH
NP = 10240
RPT = NP // NS
DEGW = 128

_MESH = plsc.VectorSubcoreMesh(core_axis_name="c", subcore_axis_name="s")


@functools.partial(
    pl.kernel,
    out_type=jax.ShapeDtypeStruct((NC * NP, DEGW), jnp.float32),
    mesh=_MESH,
    scratch_types=(
        [pltpu.VMEM((NB, K), jnp.int32)]
        + [pltpu.VMEM((K, DEGW), jnp.float32)]
        + [pltpu.VMEM_SHARED((NP, DEGW), jnp.float32)]
        + [pltpu.SemaphoreType.DMA] * (NB + 1)
    ),
)
def _deg_call(dst_hbm, ones_hbm, zeros_hbm, out_hbm, *scr):
  idx_v = scr[0]
  ones_v = scr[1]
  acc_sh = scr[2]
  isem = scr[3:3 + NB]
  ssem = scr[3 + NB]
  cid = lax.axis_index("c")
  sid = lax.axis_index("s")
  wid = sid * NC + cid
  rbase = pl.multiple_of(sid * RPT, 8)

  pltpu.sync_copy(ones_hbm, ones_v)
  pltpu.sync_copy(zeros_hbm.at[pl.ds(rbase, RPT)], acc_sh.at[pl.ds(rbase, RPT)])
  plsc.subcore_barrier()

  def group(g, carry):
    @pl.when(g > 0)
    def _():
      for b in range(NB):
        pltpu.make_async_copy(ones_v, acc_sh.at[idx_v.at[b]], ssem).wait()

    gbase = wid * EPT + g * (NB * K)
    idesc = []
    for b in range(NB):
      base = pl.multiple_of(gbase + b * K, 8)
      idesc.append(
          pltpu.async_copy(dst_hbm.at[pl.ds(base, K)], idx_v.at[b], isem[b]))
    for b in range(NB):
      idesc[b].wait()
    for b in range(NB):
      pltpu.async_copy(ones_v, acc_sh.at[idx_v.at[b]], ssem, add=True)
    return carry

  lax.fori_loop(0, GROUPS, group, 0)
  for b in range(NB):
    pltpu.make_async_copy(ones_v, acc_sh.at[idx_v.at[b]], ssem).wait()
  for t in range(TAIL):
    base = pl.multiple_of(wid * EPT + (GROUPS * NB + t) * K, 8)
    pltpu.sync_copy(dst_hbm.at[pl.ds(base, K)], idx_v.at[0])
    pltpu.sync_copy(ones_v, acc_sh.at[idx_v.at[0]], add=True)
  plsc.subcore_barrier()

  obase = pl.multiple_of(cid * NP + sid * RPT, 8)
  pltpu.sync_copy(acc_sh.at[pl.ds(rbase, RPT)], out_hbm.at[pl.ds(obase, RPT)])


@functools.partial(
    pl.kernel,
    out_type=jax.ShapeDtypeStruct((NC * NP, D), jnp.float32),
    mesh=_MESH,
    scratch_types=(
        [pltpu.VMEM((2 * CPH * K,), jnp.int32)]
        + [pltpu.VMEM((2 * CPH, K), jnp.int32)]
        + [pltpu.VMEM((2 * CPH * K, D), jnp.float32)]
        + [pltpu.VMEM_SHARED((NP, D), jnp.float32)]
        + [pltpu.SemaphoreType.DMA] * 6
    ),
)
def _msg_call(hp_hbm, src_hbm, dst_hbm, zeros_hbm, out_hbm, *scr):
  sidx = scr[0]
  didx = scr[1]
  rows = scr[2]
  acc_sh = scr[3]
  isem = scr[4:6]
  gsem = scr[6:8]
  ssem = scr[8:10]
  cid = lax.axis_index("c")
  sid = lax.axis_index("s")
  wid = sid * NC + cid
  rbase = pl.multiple_of(sid * RPT, 8)

  @pl.when(cid == 0)
  def _():
    pltpu.sync_copy(hp_hbm.at[pl.ds(rbase, RPT)], acc_sh.at[pl.ds(rbase, RPT)])

  @pl.when(cid != 0)
  def _():
    pltpu.sync_copy(zeros_hbm.at[pl.ds(rbase, RPT)],
                    acc_sh.at[pl.ds(rbase, RPT)])

  plsc.subcore_barrier()

  def drain_scatters(slot):
    for b in range(CPH):
      off = slot * (CPH * K) + b * K
      pltpu.make_async_copy(rows.at[pl.ds(off, K)],
                            acc_sh.at[didx.at[CPH * slot + b]],
                            ssem[slot]).wait()

  def issue_half(h, slot):
    hbase = pl.multiple_of(wid * EPT + h * (CPH * K), 8)
    soff = slot * (CPH * K)
    descs = [pltpu.async_copy(src_hbm.at[pl.ds(hbase, CPH * K)],
                              sidx.at[pl.ds(soff, CPH * K)], isem[slot])]
    for b in range(CPH):
      base = pl.multiple_of(hbase + b * K, 8)
      descs.append(pltpu.async_copy(dst_hbm.at[pl.ds(base, K)],
                                    didx.at[CPH * slot + b], isem[slot]))
    for d in descs:
      d.wait()
    for b in range(CPH):
      pltpu.async_copy(hp_hbm.at[sidx.at[pl.ds(soff + b * K, K)]],
                       rows.at[pl.ds(soff + b * K, K)], gsem[slot])

  def drain_half(slot):
    for b in range(CPH):
      off = slot * (CPH * K) + b * K
      pltpu.make_async_copy(hp_hbm.at[sidx.at[pl.ds(off, K)]],
                            rows.at[pl.ds(off, K)], gsem[slot]).wait()

  issue_half(0, 0)

  def half_body(h, carry):
    slot = lax.rem(h, 2)

    @pl.when(jnp.logical_and(slot == 0, h + 1 < NH))
    def _():
      @pl.when(h >= 1)
      def _():
        drain_scatters(1)
      issue_half(h + 1, 1)

    @pl.when(jnp.logical_and(slot != 0, h + 1 < NH))
    def _():
      drain_scatters(0)
      issue_half(h + 1, 0)

    @pl.when(slot == 0)
    def _():
      drain_half(0)
      for b in range(CPH):
        pltpu.async_copy(rows.at[pl.ds(b * K, K)],
                         acc_sh.at[didx.at[b]], ssem[0], add=True)

    @pl.when(slot != 0)
    def _():
      drain_half(1)
      for b in range(CPH):
        off = CPH * K + b * K
        pltpu.async_copy(rows.at[pl.ds(off, K)],
                         acc_sh.at[didx.at[CPH + b]], ssem[1], add=True)

    return carry

  lax.fori_loop(0, NH, half_body, 0)
  drain_scatters(0)
  drain_scatters(1)

  for t in range(MSG_TAIL):
    base = pl.multiple_of(wid * EPT + (NH * CPH + t) * K, 8)
    pltpu.sync_copy(src_hbm.at[pl.ds(base, K)], sidx.at[pl.ds(0, K)])
    pltpu.sync_copy(dst_hbm.at[pl.ds(base, K)], didx.at[0])
    pltpu.async_copy(hp_hbm.at[sidx.at[pl.ds(0, K)]],
                     rows.at[pl.ds(0, K)], gsem[0]).wait()
    pltpu.sync_copy(rows.at[pl.ds(0, K)], acc_sh.at[didx.at[0]], add=True)
  plsc.subcore_barrier()

  obase = pl.multiple_of(cid * NP + sid * RPT, 8)
  pltpu.sync_copy(acc_sh.at[pl.ds(rbase, RPT)], out_hbm.at[pl.ds(obase, RPT)])


BLK = 1280
GRID = NP // BLK
FBLK = BLK
FGRID = GRID
DW = 8

_row_spec = pl.BlockSpec((BLK, D), lambda i: (i, 0))
_row1_spec = pl.BlockSpec((BLK, D), lambda i: (i + GRID, 0))
_deg_spec = pl.BlockSpec((BLK, DEGW), lambda i: (i, 0))
_deg1_spec = pl.BlockSpec((BLK, DEGW), lambda i: (i + GRID, 0))
_dinv_spec = pl.BlockSpec((BLK, DW), lambda i: (i, 0))
_mat_spec = pl.BlockSpec((D, D), lambda i: (0, 0))
_vec_spec = pl.BlockSpec((1, D), lambda i: (0, 0))
_scl_spec = pl.BlockSpec((1, 1), lambda i: (0, 0))
_frow1_spec = pl.BlockSpec((FBLK, D), lambda i: (i + GRID, 0))


def _pre_body(x_ref, w_ref, deg0_ref, deg1_ref, hp_ref, dinv_ref):
  dinv = lax.rsqrt(deg0_ref[:, :1] + deg1_ref[:, :1] + 1.0)
  h = jnp.dot(x_ref[...], w_ref[...], preferred_element_type=jnp.float32)
  hp_ref[...] = dinv * h
  dinv_ref[...] = jnp.broadcast_to(dinv, (dinv.shape[0], DW))


def _ln_prelu(z, g_ref, be_ref, a_ref):
  mu = jnp.mean(z, axis=-1, keepdims=True)
  var = jnp.mean((z - mu) ** 2, axis=-1, keepdims=True)
  zn = (z - mu) * lax.rsqrt(var + 1e-5) * g_ref[...] + be_ref[...]
  return jnp.where(zn >= 0, zn, a_ref[0, 0] * zn)


def _mid_body(p0_ref, p1_ref, dinv_ref, b_ref, g_ref, be_ref,
              a_ref, w_ref, out_ref):
  dinv = dinv_ref[:, :1]
  z = dinv * (p0_ref[...] + p1_ref[...]) + b_ref[...]
  y = _ln_prelu(z, g_ref, be_ref, a_ref)
  out_ref[...] = dinv * jnp.dot(y, w_ref[...],
                                preferred_element_type=jnp.float32)


def _fin_body(p0_ref, p1_ref, dinv_ref, b_ref, g_ref, be_ref,
              a_ref, out_ref):
  dinv = dinv_ref[:, :1]
  z = dinv * (p0_ref[...] + p1_ref[...]) + b_ref[...]
  out_ref[...] = _ln_prelu(z, g_ref, be_ref, a_ref)


_pre_call = pl.pallas_call(
    _pre_body,
    grid=(GRID,),
    in_specs=[_row_spec, _mat_spec, _deg_spec, _deg1_spec],
    out_specs=[_row_spec, _dinv_spec],
    out_shape=[jax.ShapeDtypeStruct((NP, D), jnp.float32),
               jax.ShapeDtypeStruct((NP, DW), jnp.float32)],
)

_mid_call = pl.pallas_call(
    _mid_body,
    grid=(GRID,),
    in_specs=[_row_spec, _row1_spec, _dinv_spec,
              _vec_spec, _vec_spec, _vec_spec, _scl_spec, _mat_spec],
    out_specs=_row_spec,
    out_shape=jax.ShapeDtypeStruct((NP, D), jnp.float32),
)

_fin_call = pl.pallas_call(
    _fin_body,
    grid=(FGRID,),
    in_specs=[_row_spec, _frow1_spec, _dinv_spec,
              _vec_spec, _vec_spec, _vec_spec, _scl_spec],
    out_specs=_row_spec,
    out_shape=jax.ShapeDtypeStruct((NP, D), jnp.float32),
)


def kernel(x, edge_index, W1, b1, g1, be1, a1, W2, b2, g2, be2, a2):
  src = edge_index[0]
  dst = edge_index[1]
  ones_blk = jnp.ones((K, DEGW), jnp.float32)
  zeros_deg = jnp.zeros((NP, DEGW), jnp.float32)
  zerosd = jnp.zeros((NP, D), jnp.float32)

  degp = _deg_call(dst, ones_blk, zeros_deg)

  b1r, g1r, be1r = b1.reshape(1, D), g1.reshape(1, D), be1.reshape(1, D)
  b2r, g2r, be2r = b2.reshape(1, D), g2.reshape(1, D), be2.reshape(1, D)
  a1r, a2r = a1.reshape(1, 1), a2.reshape(1, 1)

  hp1, dinv8 = _pre_call(x, W1, degp, degp)
  parts1 = _msg_call(hp1, src, dst, zerosd)
  hp2 = _mid_call(parts1, parts1, dinv8, b1r, g1r, be1r, a1r, W2)
  parts2 = _msg_call(hp2, src, dst, zerosd)
  return _fin_call(parts2, parts2, dinv8, b2r, g2r, be2r, a2r)[:N]

# --- scband reference (transcript-rebuilt; emitter-appended) ---
"""Pipeline reference for scband-gcn-31164282699921 (READ-ONLY COPY).

The authoritative reference and input builder live on the scoring server;
editing this copy changes nothing except your own understanding.
"""

import jax, jax.numpy as jnp
import numpy as np

N = 10000
E = 320000
D = 128


def setup_inputs(seed: int = 0) -> dict:
    key = jax.random.key(seed)
    ks = jax.random.split(key, 6)
    x = jax.random.normal(ks[0], (N, D), dtype=jnp.float32)
    edge_index = jax.random.randint(ks[1], (2, E), 0, N, dtype=jnp.int32)
    glorot = 1.0 / np.sqrt(D)
    W1 = jax.random.uniform(ks[2], (D, D), dtype=jnp.float32, minval=-glorot, maxval=glorot)
    b1 = jnp.zeros((D,), dtype=jnp.float32)
    g1 = jnp.ones((D,), dtype=jnp.float32)
    be1 = jnp.zeros((D,), dtype=jnp.float32)
    a1 = jnp.full((1,), 0.25, dtype=jnp.float32)
    W2 = jax.random.uniform(ks[3], (D, D), dtype=jnp.float32, minval=-glorot, maxval=glorot)
    b2 = jnp.zeros((D,), dtype=jnp.float32)
    g2 = jnp.ones((D,), dtype=jnp.float32)
    be2 = jnp.zeros((D,), dtype=jnp.float32)
    a2 = jnp.full((1,), 0.25, dtype=jnp.float32)
    return {"x": x, "edge_index": edge_index, "W1": W1, "b1": b1, "g1": g1, "be1": be1, "a1": a1, "W2": W2, "b2": b2, "g2": g2, "be2": be2, "a2": a2}


def _gcn_conv(x, edge_index, W, b):
    # PyG GCNConv: x' = D^{-1/2} (A + I) D^{-1/2} X W + b
    src = edge_index[0]
    dst = edge_index[1]
    loop = jnp.arange(N, dtype=src.dtype)
    src2 = jnp.concatenate([src, loop])
    dst2 = jnp.concatenate([dst, loop])
    deg = jnp.zeros((N,), dtype=x.dtype).at[dst2].add(1.0)
    dinv = jnp.where(deg > 0, deg ** -0.5, 0.0)
    norm = dinv[src2] * dinv[dst2]
    h = x @ W
    msg = h[src2] * norm[:, None]
    out = jax.ops.segment_sum(msg, dst2, num_segments=N)
    return out + b


def _layer_norm(x, g, b, eps=1e-5):
    mu = jnp.mean(x, axis=-1, keepdims=True)
    var = jnp.mean((x - mu) ** 2, axis=-1, keepdims=True)
    return (x - mu) / jnp.sqrt(var + eps) * g + b


def _prelu(x, a):
    return jnp.where(x >= 0, x, a * x)


def reference(x, edge_index, W1, b1, g1, be1, a1, W2, b2, g2, be2, a2):
    h = _gcn_conv(x, edge_index, W1, b1)
    h = _layer_norm(h, g1, be1)
    h = _prelu(h, a1)
    h = _gcn_conv(h, edge_index, W2, b2)
    h = _layer_norm(h, g2, be2)
    h = _prelu(h, a2)
    return h

if __name__ == "__main__":
    import jax
    _d = setup_inputs()
    print(jax.jit(kernel)(*tuple(_d.values())))

</pallas_src>

<mosaic_0001>
#map = affine_map<(d0, d1) -> (0, 0)>
#map1 = affine_map<(d0, d1) -> (0)>
module attributes {stable_mosaic.version = 14 : i64} {
  func.func @_msg_call(%arg0: i32, %arg1: i32, %arg2: memref<10240x128xf32, #tpu.memory_space<hbm>>, %arg3: memref<320000xi32, #tpu.memory_space<hbm>>, %arg4: memref<320000xi32, #tpu.memory_space<hbm>>, %arg5: memref<10240x128xf32, #tpu.memory_space<hbm>>, %arg6: memref<20480x128xf32, #tpu.memory_space<hbm>>, %arg7: memref<320xi32, #tpu.memory_space<vmem>>, %arg8: memref<4x80xi32, #tpu.memory_space<vmem>>, %arg9: memref<320x128xf32, #tpu.memory_space<vmem>>, %arg10: memref<10240x128xf32, #tpu.memory_space<vmem_shared>>, %arg11: memref<!tpu.dma_semaphore, #tpu.memory_space<semaphore_mem>>, %arg12: memref<!tpu.dma_semaphore, #tpu.memory_space<semaphore_mem>>, %arg13: memref<!tpu.dma_semaphore, #tpu.memory_space<semaphore_mem>>, %arg14: memref<!tpu.dma_semaphore, #tpu.memory_space<semaphore_mem>>, %arg15: memref<!tpu.dma_semaphore, #tpu.memory_space<semaphore_mem>>, %arg16: memref<!tpu.dma_semaphore, #tpu.memory_space<semaphore_mem>>) attributes {dimension_semantics = [#tpu.dimension_semantics<core_parallel>, #tpu.dimension_semantics<subcore_parallel>], iteration_bounds = array<i64: 2, 16>, scalar_prefetch = 0 : i64, scratch_operands = 10 : i64, tpu.core_type = #tpu.core_type<sc_vector_subcore>, window_params = [{transform_indices = #map}, {transform_indices = #map1}, {transform_indices = #map1}, {transform_indices = #map}, {transform_indices = #map}]} {
    %mul3A = arith.constant 2 : i32
    %mul3A_0 = arith.muli %arg1, %mul3A : i32
    %add3A = arith.addi %mul3A_0, %arg0 : i32
    %mul3A_1 = arith.constant 640 : i32
    %mul3A_2 = arith.muli %arg1, %mul3A_1 : i32
    %multiple_of3A = tpu.assume_multiple %mul3A_2, 8 : i32
    %eq3A = arith.constant 0 : i32
    %eq3A_3 = arith.cmpi eq, %arg0, %eq3A : i32
    %convert_element_type3A = arith.extui %eq3A_3 : i1 to i32
    %cond3A = arith.constant 0 : i32
    %cond3A_4 = arith.cmpi ne, %convert_element_type3A, %cond3A : i32
    scf.if %cond3A_4 {
      "tpu.region"() ({
        %run_scoped3A_156 = tpu.sem_alloc : memref<!tpu.dma_semaphore, #tpu.memory_space<semaphore_mem>>
        %dma_start3A_157 = arith.constant 0 : i32
        %dma_start3A_158 = tpu.memref_slice %arg10[%multiple_of3A, %dma_start3A_157] : memref<10240x128xf32, #tpu.memory_space<vmem_shared>> -> memref<640x128xf32, #tpu.memory_space<vmem_shared>>
        %dma_start3A_159 = arith.constant 0 : i32
        %dma_start3A_160 = tpu.memref_slice %arg2[%multiple_of3A, %dma_start3A_159] : memref<10240x128xf32, #tpu.memory_space<hbm>> -> memref<640x128xf32, #tpu.memory_space<hbm>>
        tpu.enqueue_dma source(%dma_start3A_160 : memref<640x128xf32, #tpu.memory_space<hbm>>) target(%dma_start3A_158 : memref<640x128xf32, #tpu.memory_space<vmem_shared>>) target_semaphore(%run_scoped3A_156 : memref<!tpu.dma_semaphore, #tpu.memory_space<semaphore_mem>>)
        %dma_wait3A_161 = arith.constant 0 : i32
        %dma_wait3A_162 = tpu.memref_slice %arg10[%multiple_of3A, %dma_wait3A_161] : memref<10240x128xf32, #tpu.memory_space<vmem_shared>> -> memref<640x128xf32, #tpu.memory_space<vmem_shared>>
        %dma_wait3A_163 = arith.constant 0 : i32
        %dma_wait3A_164 = tpu.memref_slice %arg2[%multiple_of3A, %dma_wait3A_163] : memref<10240x128xf32, #tpu.memory_space<hbm>> -> memref<640x128xf32, #tpu.memory_space<hbm>>
        tpu.wait_dma2 semaphore(%run_scoped3A_156 : memref<!tpu.dma_semaphore, #tpu.memory_space<semaphore_mem>>) src(%dma_wait3A_164 : memref<640x128xf32, #tpu.memory_space<hbm>>) dst(%dma_wait3A_162 : memref<640x128xf32, #tpu.memory_space<vmem_shared>>)
        tpu.yield
      }) : () -> ()
    } else {
    }
    %ne3A = arith.constant 0 : i32
    %ne3A_5 = arith.cmpi ne, %arg0, %ne3A : i32
    %convert_element_type3A_6 = arith.extui %ne3A_5 : i1 to i32
    %cond3A_7 = arith.constant 0 : i32
    %cond3A_8 = arith.cmpi ne, %convert_element_type3A_6, %cond3A_7 : i32
    scf.if %cond3A_8 {
      "tpu.region"() ({
        %run_scoped3A_156 = tpu.sem_alloc : memref<!tpu.dma_semaphore, #tpu.memory_space<semaphore_mem>>
        %dma_start3A_157 = arith.constant 0 : i32
        %dma_start3A_158 = tpu.memref_slice %arg10[%multiple_of3A, %dma_start3A_157] : memref<10240x128xf32, #tpu.memory_space<vmem_shared>> -> memref<640x128xf32, #tpu.memory_space<vmem_shared>>
        %dma_start3A_159 = arith.constant 0 : i32
        %dma_start3A_160 = tpu.memref_slice %arg5[%multiple_of3A, %dma_start3A_159] : memref<10240x128xf32, #tpu.memory_space<hbm>> -> memref<640x128xf32, #tpu.memory_space<hbm>>
        tpu.enqueue_dma source(%dma_start3A_160 : memref<640x128xf32, #tpu.memory_space<hbm>>) target(%dma_start3A_158 : memref<640x128xf32, #tpu.memory_space<vmem_shared>>) target_semaphore(%run_scoped3A_156 : memref<!tpu.dma_semaphore, #tpu.memory_space<semaphore_mem>>)
        %dma_wait3A_161 = arith.constant 0 : i32
        %dma_wait3A_162 = tpu.memref_slice %arg10[%multiple_of3A, %dma_wait3A_161] : memref<10240x128xf32, #tpu.memory_space<vmem_shared>> -> memref<640x128xf32, #tpu.memory_space<vmem_shared>>
        %dma_wait3A_163 = arith.constant 0 : i32
        %dma_wait3A_164 = tpu.memref_slice %arg5[%multiple_of3A, %dma_wait3A_163] : memref<10240x128xf32, #tpu.memory_space<hbm>> -> memref<640x128xf32, #tpu.memory_space<hbm>>
        tpu.wait_dma2 semaphore(%run_scoped3A_156 : memref<!tpu.dma_semaphore, #tpu.memory_space<semaphore_mem>>) src(%dma_wait3A_164 : memref<640x128xf32, #tpu.memory_space<hbm>>) dst(%dma_wait3A_162 : memref<640x128xf32, #tpu.memory_space<vmem_shared>>)
        tpu.yield
      }) : () -> ()
    } else {
    }
    %barrier3A = arith.constant 0 : index
    tpu.barrier barrier_id(%barrier3A)
    %mul3A_9 = arith.constant 10000 : i32
    %mul3A_10 = arith.muli %add3A, %mul3A_9 : i32
    %add3A_11 = arith.constant 0 : i32
    %add3A_12 = arith.addi %mul3A_10, %add3A_11 : i32
    %multiple_of3A_13 = tpu.assume_multiple %add3A_12, 8 : i32
    %dma_start3A = arith.constant 0 : i32
    %dma_start3A_14 = tpu.memref_slice %arg7[%dma_start3A] : memref<320xi32, #tpu.memory_space<vmem>> -> memref<160xi32, #tpu.memory_space<vmem>>
    %dma_start3A_15 = tpu.memref_slice %arg3[%multiple_of3A_13] : memref<320000xi32, #tpu.memory_space<hbm>> -> memref<160xi32, #tpu.memory_space<hbm>>
    %dma_start3A_16 = arith.constant 0 : i32
    %dma_start3A_17 = tpu.memref_slice %arg7[%dma_start3A_16] : memref<320xi32, #tpu.memory_space<vmem>> -> memref<160xi32, #tpu.memory_space<vmem>>
    %dma_start3A_18 = tpu.memref_slice %arg3[%multiple_of3A_13] : memref<320000xi32, #tpu.memory_space<hbm>> -> memref<160xi32, #tpu.memory_space<hbm>>
    tpu.enqueue_dma source(%dma_start3A_18 : memref<160xi32, #tpu.memory_space<hbm>>) target(%dma_start3A_17 : memref<160xi32, #tpu.memory_space<vmem>>) target_semaphore(%arg11 : memref<!tpu.dma_semaphore, #tpu.memory_space<semaphore_mem>>)
    %add3A_19 = arith.constant 0 : i32
    %add3A_20 = arith.addi %multiple_of3A_13, %add3A_19 : i32
    %multiple_of3A_21 = tpu.assume_multiple %add3A_20, 8 : i32
    %dma_start3A_22 = arith.constant 0 : i32
    %dma_start3A_23 = arith.constant 0 : i32
    %dma_start3A_24 = tpu.memref_slice %arg8[%dma_start3A_22, %dma_start3A_23] : memref<4x80xi32, #tpu.memory_space<vmem>> -> memref<1x80xi32, #tpu.memory_space<vmem>>
    %dma_start3A_25 = tpu.memref_squeeze %dma_start3A_24 : memref<1x80xi32, #tpu.memory_space<vmem>> -> memref<80xi32, #tpu.memory_space<vmem>>
    %dma_start3A_26 = tpu.memref_slice %arg4[%multiple_of3A_21] : memref<320000xi32, #tpu.memory_space<hbm>> -> memref<80xi32, #tpu.memory_space<hbm>>
    %dma_start3A_27 = arith.constant 0 : i32
    %dma_start3A_28 = tpu.memref_slice %arg8[%dma_start3A_22, %dma_start3A_27] : memref<4x80xi32, #tpu.memory_space<vmem>> -> memref<1x80xi32, #tpu.memory_space<vmem>>
    %dma_start3A_29 = tpu.memref_squeeze %dma_start3A_28 : memref<1x80xi32, #tpu.memory_space<vmem>> -> memref<80xi32, #tpu.memory_space<vmem>>
    %dma_start3A_30 = tpu.memref_slice %arg4[%multiple_of3A_21] : memref<320000xi32, #tpu.memory_space<hbm>> -> memref<80xi32, #tpu.memory_space<hbm>>
    tpu.enqueue_dma source(%dma_start3A_30 : memref<80xi32, #tpu.memory_space<hbm>>) target(%dma_start3A_29 : memref<80xi32, #tpu.memory_space<vmem>>) target_semaphore(%arg11 : memref<!tpu.dma_semaphore, #tpu.memory_space<semaphore_mem>>)
    %add3A_31 = arith.constant 80 : i32
    %add3A_32 = arith.addi %multiple_of3A_13, %add3A_31 : i32
    %multiple_of3A_33 = tpu.assume_multiple %add3A_32, 8 : i32
    %dma_start3A_34 = arith.constant 1 : i32
    %dma_start3A_35 = arith.constant 0 : i32
    %dma_start3A_36 = tpu.memref_slice %arg8[%dma_start3A_34, %dma_start3A_35] : memref<4x80xi32, #tpu.memory_space<vmem>> -> memref<1x80xi32, #tpu.memory_space<vmem>>
    %dma_start3A_37 = tpu.memref_squeeze %dma_start3A_36 : memref<1x80xi32, #tpu.memory_space<vmem>> -> memref<80xi32, #tpu.memory_space<vmem>>
    %dma_start3A_38 = tpu.memref_slice %arg4[%multiple_of3A_33] : memref<320000xi32, #tpu.memory_space<hbm>> -> memref<80xi32, #tpu.memory_space<hbm>>
    %dma_start3A_39 = arith.constant 0 : i32
    %dma_start3A_40 = tpu.memref_slice %arg8[%dma_start3A_34, %dma_start3A_39] : memref<4x80xi32, #tpu.memory_space<vmem>> -> memref<1x80xi32, #tpu.memory_space<vmem>>
    %dma_start3A_41 = tpu.memref_squeeze %dma_start3A_40 : memref<1x80xi32, #tpu.memory_space<vmem>> -> memref<80xi32, #tpu.memory_space<vmem>>
    %dma_start3A_42 = tpu.memref_slice %arg4[%multiple_of3A_33] : memref<320000xi32, #tpu.memory_space<hbm>> -> memref<80xi32, #tpu.memory_space<hbm>>
    tpu.enqueue_dma source(%dma_start3A_42 : memref<80xi32, #tpu.memory_space<hbm>>) target(%dma_start3A_41 : memref<80xi32, #tpu.memory_space<vmem>>) target_semaphore(%arg11 : memref<!tpu.dma_semaphore, #tpu.memory_space<semaphore_mem>>)
    %dma_wait3A = arith.constant 0 : i32
    %dma_wait3A_43 = tpu.memref_slice %arg7[%dma_wait3A] : memref<320xi32, #tpu.memory_space<vmem>> -> memref<160xi32, #tpu.memory_space<vmem>>
    %dma_wait3A_44 = tpu.memref_slice %arg3[%multiple_of3A_13] : memref<320000xi32, #tpu.memory_space<hbm>> -> memref<160xi32, #tpu.memory_space<hbm>>
    %dma_wait3A_45 = arith.constant 0 : i32
    %dma_wait3A_46 = tpu.memref_slice %arg7[%dma_wait3A_45] : memref<320xi32, #tpu.memory_space<vmem>> -> memref<160xi32, #tpu.memory_space<vmem>>
    %dma_wait3A_47 = tpu.memref_slice %arg3[%multiple_of3A_13] : memref<320000xi32, #tpu.memory_space<hbm>> -> memref<160xi32, #tpu.memory_space<hbm>>
    tpu.wait_dma2 semaphore(%arg11 : memref<!tpu.dma_semaphore, #tpu.memory_space<semaphore_mem>>) src(%dma_wait3A_47 : memref<160xi32, #tpu.memory_space<hbm>>) dst(%dma_wait3A_46 : memref<160xi32, #tpu.memory_space<vmem>>)
    %dma_wait3A_48 = arith.constant 0 : i32
    %dma_wait3A_49 = arith.constant 0 : i32
    %dma_wait3A_50 = tpu.memref_slice %arg8[%dma_wait3A_48, %dma_wait3A_49] : memref<4x80xi32, #tpu.memory_space<vmem>> -> memref<1x80xi32, #tpu.memory_space<vmem>>
    %dma_wait3A_51 = tpu.memref_squeeze %dma_wait3A_50 : memref<1x80xi32, #tpu.memory_space<vmem>> -> memref<80xi32, #tpu.memory_space<vmem>>
    %dma_wait3A_52 = tpu.memref_slice %arg4[%multiple_of3A_21] : memref<320000xi32, #tpu.memory_space<hbm>> -> memref<80xi32, #tpu.memory_space<hbm>>
    %dma_wait3A_53 = arith.constant 0 : i32
    %dma_wait3A_54 = tpu.memref_slice %arg8[%dma_wait3A_48, %dma_wait3A_53] : memref<4x80xi32, #tpu.memory_space<vmem>> -> memref<1x80xi32, #tpu.memory_space<vmem>>
    %dma_wait3A_55 = tpu.memref_squeeze %dma_wait3A_54 : memref<1x80xi32, #tpu.memory_space<vmem>> -> memref<80xi32, #tpu.memory_space<vmem>>
    %dma_wait3A_56 = tpu.memref_slice %arg4[%multiple_of3A_21] : memref<320000xi32, #tpu.memory_space<hbm>> -> memref<80xi32, #tpu.memory_space<hbm>>
    tpu.wait_dma2 semaphore(%arg11 : memref<!tpu.dma_semaphore, #tpu.memory_space<semaphore_mem>>) src(%dma_wait3A_56 : memref<80xi32, #tpu.memory_space<hbm>>) dst(%dma_wait3A_55 : memref<80xi32, #tpu.memory_space<vmem>>)
    %dma_wait3A_57 = arith.constant 1 : i32
    %dma_wait3A_58 = arith.constant 0 : i32
    %dma_wait3A_59 = tpu.memref_slice %arg8[%dma_wait3A_57, %dma_wait3A_58] : memref<4x80xi32, #tpu.memory_space<vmem>> -> memref<1x80xi32, #tpu.memory_space<vmem>>
    %dma_wait3A_60 = tpu.memref_squeeze %dma_wait3A_59 : memref<1x80xi32, #tpu.memory_space<vmem>> -> memref<80xi32, #tpu.memory_space<vmem>>
    %dma_wait3A_61 = tpu.memref_slice %arg4[%multiple_of3A_33] : memref<320000xi32, #tpu.memory_space<hbm>> -> memref<80xi32, #tpu.memory_space<hbm>>
    %dma_wait3A_62 = arith.constant 0 : i32
    %dma_wait3A_63 = tpu.memref_slice %arg8[%dma_wait3A_57, %dma_wait3A_62] : memref<4x80xi32, #tpu.memory_space<vmem>> -> memref<1x80xi32, #tpu.memory_space<vmem>>
    %dma_wait3A_64 = tpu.memref_squeeze %dma_wait3A_63 : memref<1x80xi32, #tpu.memory_space<vmem>> -> memref<80xi32, #tpu.memory_space<vmem>>
    %dma_wait3A_65 = tpu.memref_slice %arg4[%multiple_of3A_33] : memref<320000xi32, #tpu.memory_space<hbm>> -> memref<80xi32, #tpu.memory_space<hbm>>
    tpu.wait_dma2 semaphore(%arg11 : memref<!tpu.dma_semaphore, #tpu.memory_space<semaphore_mem>>) src(%dma_wait3A_65 : memref<80xi32, #tpu.memory_space<hbm>>) dst(%dma_wait3A_64 : memref<80xi32, #tpu.memory_space<vmem>>)
    %dma_start3A_66 = arith.constant 0 : i32
    %dma_start3A_67 = arith.constant 0 : i32
    %dma_start3A_68 = tpu.memref_slice %arg9[%dma_start3A_66, %dma_start3A_67] : memref<320x128xf32, #tpu.memory_space<vmem>> -> memref<80x128xf32, #tpu.memory_space<vmem>>
    %dma_start3A_69 = arith.constant 0 : i32
    %dma_start3A_70 = tpu.memref_slice %arg7[%dma_start3A_69] : memref<320xi32, #tpu.memory_space<vmem>> -> memref<80xi32, #tpu.memory_space<vmem>>
    %dma_start3A_71 = arith.constant 0 : i32
    %dma_start3A_72 = arith.constant 0 : i32
    %dma_start3A_73 = tpu.memref_slice %arg2[%dma_start3A_71, %dma_start3A_72] : memref<10240x128xf32, #tpu.memory_space<hbm>> -> memref<10240x128xf32, #tpu.memory_space<hbm>>
    tpu.enqueue_indirect_dma source(%dma_start3A_73 : memref<10240x128xf32, #tpu.memory_space<hbm>>) target(%dma_start3A_68 : memref<80x128xf32, #tpu.memory_space<vmem>>) offsets(%dma_start3A_70 : memref<80xi32, #tpu.memory_space<vmem>>) semaphore(%arg13 : memref<!tpu.dma_semaphore, #tpu.memory_space<semaphore_mem>>)
    %dma_start3A_74 = arith.constant 80 : i32
    %dma_start3A_75 = arith.constant 0 : i32
    %dma_start3A_76 = tpu.memref_slice %arg9[%dma_start3A_74, %dma_start3A_75] : memref<320x128xf32, #tpu.memory_space<vmem>> -> memref<80x128xf32, #tpu.memory_space<vmem>>
    %dma_start3A_77 = arith.constant 80 : i32
    %dma_start3A_78 = tpu.memref_slice %arg7[%dma_start3A_77] : memref<320xi32, #tpu.memory_space<vmem>> -> memref<80xi32, #tpu.memory_space<vmem>>
    %dma_start3A_79 = arith.constant 0 : i32
    %dma_start3A_80 = arith.constant 0 : i32
    %dma_start3A_81 = tpu.memref_slice %arg2[%dma_start3A_79, %dma_start3A_80] : memref<10240x128xf32, #tpu.memory_space<hbm>> -> memref<10240x128xf32, #tpu.memory_space<hbm>>
    tpu.enqueue_indirect_dma source(%dma_start3A_81 : memref<10240x128xf32, #tpu.memory_space<hbm>>) target(%dma_start3A_76 : memref<80x128xf32, #tpu.memory_space<vmem>>) offsets(%dma_start3A_78 : memref<80xi32, #tpu.memory_space<vmem>>) semaphore(%arg13 : memref<!tpu.dma_semaphore, #tpu.memory_space<semaphore_mem>>)
    %scan3A = arith.constant 0 : i32
    %scan3A_82 = arith.constant 0 : i32
    %scan3A_83 = arith.constant 62 : i32
    %scan3A_84 = arith.addi %scan3A_82, %scan3A_83 : i32
    %scan3A_85 = arith.constant 1 : i32
    scf.for %scan3A_156 = %scan3A_82 to %scan3A_84 step %scan3A_85  : i32 {
      %rem3A = arith.constant 2 : i32
      %rem3A_157 = arith.remsi %scan3A_156, %rem3A : i32
      %eq3A_158 = arith.constant 0 : i32
      %eq3A_159 = arith.cmpi eq, %rem3A_157, %eq3A_158 : i32
      %add3A_160 = arith.constant 1 : i32
      %add3A_161 = arith.addi %scan3A_156, %add3A_160 : i32
      %lt3A = arith.constant 62 : i32
      %lt3A_162 = arith.cmpi slt, %add3A_161, %lt3A : i32
      %and3A = arith.andi %eq3A_159, %lt3A_162 : i1
      %convert_element_type3A_163 = arith.extui %and3A : i1 to i32
      %cond3A_164 = arith.constant 0 : i32
      %cond3A_165 = arith.cmpi ne, %convert_element_type3A_163, %cond3A_164 : i32
      scf.if %cond3A_165 {
        %ge3A = arith.constant 1 : i32
        %ge3A_186 = arith.cmpi sge, %scan3A_156, %ge3A : i32
        %convert_element_type3A_187 = arith.extui %ge3A_186 : i1 to i32
        %cond3A_188 = arith.constant 0 : i32
        %cond3A_189 = arith.cmpi ne, %convert_element_type3A_187, %cond3A_188 : i32
        scf.if %cond3A_189 {
          %dma_wait3A_268 = arith.constant 2 : i32
          %dma_wait3A_269 = arith.constant 160 : i32
          %dma_wait3A_270 = arith.constant 0 : i32
          %dma_wait3A_271 = tpu.memref_slice %arg9[%dma_wait3A_269, %dma_wait3A_270] : memref<320x128xf32, #tpu.memory_space<vmem>> -> memref<80x128xf32, #tpu.memory_space<vmem>>
          %dma_wait3A_272 = arith.constant 0 : i32
          %dma_wait3A_273 = tpu.memref_slice %arg8[%dma_wait3A_268, %dma_wait3A_272] : memref<4x80xi32, #tpu.memory_space<vmem>> -> memref<1x80xi32, #tpu.memory_space<vmem>>
          %dma_wait3A_274 = tpu.memref_squeeze %dma_wait3A_273 : memref<1x80xi32, #tpu.memory_space<vmem>> -> memref<80xi32, #tpu.memory_space<vmem>>
          %dma_wait3A_275 = arith.constant 0 : i32
          %dma_wait3A_276 = arith.constant 0 : i32
          %dma_wait3A_277 = tpu.memref_slice %arg10[%dma_wait3A_275, %dma_wait3A_276] : memref<10240x128xf32, #tpu.memory_space<vmem_shared>> -> memref<10240x128xf32, #tpu.memory_space<vmem_shared>>
          tpu.wait_indirect_dma semaphore(%arg16 : memref<!tpu.dma_semaphore, #tpu.memory_space<semaphore_mem>>) src(%dma_wait3A_271 : memref<80x128xf32, #tpu.memory_space<vmem>>) dst(%dma_wait3A_277 : memref<10240x128xf32, #tpu.memory_space<vmem_shared>>)
          %dma_wait3A_278 = arith.constant 3 : i32
          %dma_wait3A_279 = arith.constant 240 : i32
          %dma_wait3A_280 = arith.constant 0 : i32
          %dma_wait3A_281 = tpu.memref_slice %arg9[%dma_wait3A_279, %dma_wait3A_280] : memref<320x128xf32, #tpu.memory_space<vmem>> -> memref<80x128xf32, #tpu.memory_space<vmem>>
          %dma_wait3A_282 = arith.constant 0 : i32
          %dma_wait3A_283 = tpu.memref_slice %arg8[%dma_wait3A_278, %dma_wait3A_282] : memref<4x80xi32, #tpu.memory_space<vmem>> -> memref<1x80xi32, #tpu.memory_space<vmem>>
          %dma_wait3A_284 = tpu.memref_squeeze %dma_wait3A_283 : memref<1x80xi32, #tpu.memory_space<vmem>> -> memref<80xi32, #tpu.memory_space<vmem>>
          %dma_wait3A_285 = arith.constant 0 : i32
          %dma_wait3A_286 = arith.constant 0 : i32
          %dma_wait3A_287 = tpu.memref_slice %arg10[%dma_wait3A_285, %dma_wait3A_286] : memref<10240x128xf32, #tpu.memory_space<vmem_shared>> -> memref<10240x128xf32, #tpu.memory_space<vmem_shared>>
          tpu.wait_indirect_dma semaphore(%arg16 : memref<!tpu.dma_semaphore, #tpu.memory_space<semaphore_mem>>) src(%dma_wait3A_281 : memref<80x128xf32, #tpu.memory_space<vmem>>) dst(%dma_wait3A_287 : memref<10240x128xf32, #tpu.memory_space<vmem_shared>>)
        } else {
        }
        %add3A_190 = arith.constant 1 : i32
        %add3A_191 = arith.addi %scan3A_156, %add3A_190 : i32
        %mul3A_192 = arith.constant 10000 : i32
        %mul3A_193 = arith.muli %add3A, %mul3A_192 : i32
        %mul3A_194 = arith.constant 160 : i32
        %mul3A_195 = arith.muli %add3A_191, %mul3A_194 : i32
        %add3A_196 = arith.addi %mul3A_193, %mul3A_195 : i32
        %multiple_of3A_197 = tpu.assume_multiple %add3A_196, 8 : i32
        %dma_start3A_198 = arith.constant 160 : i32
        %dma_start3A_199 = tpu.memref_slice %arg7[%dma_start3A_198] : memref<320xi32, #tpu.memory_space<vmem>> -> memref<160xi32, #tpu.memory_space<vmem>>
        %dma_start3A_200 = tpu.memref_slice %arg3[%multiple_of3A_197] : memref<320000xi32, #tpu.memory_space<hbm>> -> memref<160xi32, #tpu.memory_space<hbm>>
        %dma_start3A_201 = arith.constant 160 : i32
        %dma_start3A_202 = tpu.memref_slice %arg7[%dma_start3A_201] : memref<320xi32, #tpu.memory_space<vmem>> -> memref<160xi32, #tpu.memory_space<vmem>>
        %dma_start3A_203 = tpu.memref_slice %arg3[%multiple_of3A_197] : memref<320000xi32, #tpu.memory_space<hbm>> -> memref<160xi32, #tpu.memory_space<hbm>>
        tpu.enqueue_dma source(%dma_start3A_203 : memref<160xi32, #tpu.memory_space<hbm>>) target(%dma_start3A_202 : memref<160xi32, #tpu.memory_space<vmem>>) target_semaphore(%arg12 : memref<!tpu.dma_semaphore, #tpu.memory_space<semaphore_mem>>)
        %add3A_204 = arith.constant 0 : i32
        %add3A_205 = arith.addi %multiple_of3A_197, %add3A_204 : i32
        %multiple_of3A_206 = tpu.assume_multiple %add3A_205, 8 : i32
        %dma_start3A_207 = arith.constant 2 : i32
        %dma_start3A_208 = arith.constant 0 : i32
        %dma_start3A_209 = tpu.memref_slice %arg8[%dma_start3A_207, %dma_start3A_208] : memref<4x80xi32, #tpu.memory_space<vmem>> -> memref<1x80xi32, #tpu.memory_space<vmem>>
        %dma_start3A_210 = tpu.memref_squeeze %dma_start3A_209 : memref<1x80xi32, #tpu.memory_space<vmem>> -> memref<80xi32, #tpu.memory_space<vmem>>
        %dma_start3A_211 = tpu.memref_slice %arg4[%multiple_of3A_206] : memref<320000xi32, #tpu.memory_space<hbm>> -> memref<80xi32, #tpu.memory_space<hbm>>
        %dma_start3A_212 = arith.constant 0 : i32
        %dma_start3A_213 = tpu.memref_slice %arg8[%dma_start3A_207, %dma_start3A_212] : memref<4x80xi32, #tpu.memory_space<vmem>> -> memref<1x80xi32, #tpu.memory_space<vmem>>
        %dma_start3A_214 = tpu.memref_squeeze %dma_start3A_213 : memref<1x80xi32, #tpu.memory_space<vmem>> -> memref<80xi32, #tpu.memory_space<vmem>>
        %dma_start3A_215 = tpu.memref_slice %arg4[%multiple_of3A_206] : memref<320000xi32, #tpu.memory_space<hbm>> -> memref<80xi32, #tpu.memory_space<hbm>>
        tpu.enqueue_dma source(%dma_start3A_215 : memref<80xi32, #tpu.memory_space<hbm>>) target(%dma_start3A_214 : memref<80xi32, #tpu.memory_space<vmem>>) target_semaphore(%arg12 : memref<!tpu.dma_semaphore, #tpu.memory_space<semaphore_mem>>)
        %add3A_216 = arith.constant 80 : i32
        %add3A_217 = arith.addi %multiple_of3A_197, %add3A_216 : i32
        %multiple_of3A_218 = tpu.assume_multiple %add3A_217, 8 : i32
        %dma_start3A_219 = arith.constant 3 : i32
        %dma_start3A_220 = arith.constant 0 : i32
        %dma_start3A_221 = tpu.memref_slice %arg8[%dma_start3A_219, %dma_start3A_220] : memref<4x80xi32, #tpu.memory_space<vmem>> -> memref<1x80xi32, #tpu.memory_space<vmem>>
        %dma_start3A_222 = tpu.memref_squeeze %dma_start3A_221 : memref<1x80xi32, #tpu.memory_space<vmem>> -> memref<80xi32, #tpu.memory_space<vmem>>
        %dma_start3A_223 = tpu.memref_slice %arg4[%multiple_of3A_218] : memref<320000xi32, #tpu.memory_space<hbm>> -> memref<80xi32, #tpu.memory_space<hbm>>
        %dma_start3A_224 = arith.constant 0 : i32
        %dma_start3A_225 = tpu.memref_slice %arg8[%dma_start3A_219, %dma_start3A_224] : memref<4x80xi32, #tpu.memory_space<vmem>> -> memref<1x80xi32, #tpu.memory_space<vmem>>
        %dma_start3A_226 = tpu.memref_squeeze %dma_start3A_225 : memref<1x80xi32, #tpu.memory_space<vmem>> -> memref<80xi32, #tpu.memory_space<vmem>>
        %dma_start3A_227 = tpu.memref_slice %arg4[%multiple_of3A_218] : memref<320000xi32, #tpu.memory_space<hbm>> -> memref<80xi32, #tpu.memory_space<hbm>>
        tpu.enqueue_dma source(%dma_start3A_227 : memref<80xi32, #tpu.memory_space<hbm>>) target(%dma_start3A_226 : memref<80xi32, #tpu.memory_space<vmem>>) target_semaphore(%arg12 : memref<!tpu.dma_semaphore, #tpu.memory_space<semaphore_mem>>)
        %dma_wait3A_228 = arith.constant 160 : i32
        %dma_wait3A_229 = tpu.memref_slice %arg7[%dma_wait3A_228] : memref<320xi32, #tpu.memory_space<vmem>> -> memref<160xi32, #tpu.memory_space<vmem>>
        %dma_wait3A_230 = tpu.memref_slice %arg3[%multiple_of3A_197] : memref<320000xi32, #tpu.memory_space<hbm>> -> memref<160xi32, #tpu.memory_space<hbm>>
        %dma_wait3A_231 = arith.constant 160 : i32
        %dma_wait3A_232 = tpu.memref_slice %arg7[%dma_wait3A_231] : memref<320xi32, #tpu.memory_space<vmem>> -> memref<160xi32, #tpu.memory_space<vmem>>
        %dma_wait3A_233 = tpu.memref_slice %arg3[%multiple_of3A_197] : memref<320000xi32, #tpu.memory_space<hbm>> -> memref<160xi32, #tpu.memory_space<hbm>>
        tpu.wait_dma2 semaphore(%arg12 : memref<!tpu.dma_semaphore, #tpu.memory_space<semaphore_mem>>) src(%dma_wait3A_233 : memref<160xi32, #tpu.memory_space<hbm>>) dst(%dma_wait3A_232 : memref<160xi32, #tpu.memory_space<vmem>>)
        %dma_wait3A_234 = arith.constant 2 : i32
        %dma_wait3A_235 = arith.constant 0 : i32
        %dma_wait3A_236 = tpu.memref_slice %arg8[%dma_wait3A_234, %dma_wait3A_235] : memref<4x80xi32, #tpu.memory_space<vmem>> -> memref<1x80xi32, #tpu.memory_space<vmem>>
        %dma_wait3A_237 = tpu.memref_squeeze %dma_wait3A_236 : memref<1x80xi32, #tpu.memory_space<vmem>> -> memref<80xi32, #tpu.memory_space<vmem>>
        %dma_wait3A_238 = tpu.memref_slice %arg4[%multiple_of3A_206] : memref<320000xi32, #tpu.memory_space<hbm>> -> memref<80xi32, #tpu.memory_space<hbm>>
        %dma_wait3A_239 = arith.constant 0 : i32
        %dma_wait3A_240 = tpu.memref_slice %arg8[%dma_wait3A_234, %dma_wait3A_239] : memref<4x80xi32, #tpu.memory_space<vmem>> -> memref<1x80xi32, #tpu.memory_space<vmem>>
        %dma_wait3A_241 = tpu.memref_squeeze %dma_wait3A_240 : memref<1x80xi32, #tpu.memory_space<vmem>> -> memref<80xi32, #tpu.memory_space<vmem>>
        %dma_wait3A_242 = tpu.memref_slice %arg4[%multiple_of3A_206] : memref<320000xi32, #tpu.memory_space<hbm>> -> memref<80xi32, #tpu.memory_space<hbm>>
        tpu.wait_dma2 semaphore(%arg12 : memref<!tpu.dma_semaphore, #tpu.memory_space<semaphore_mem>>) src(%dma_wait3A_242 : memref<80xi32, #tpu.memory_space<hbm>>) dst(%dma_wait3A_241 : memref<80xi32, #tpu.memory_space<vmem>>)
        %dma_wait3A_243 = arith.constant 3 : i32
        %dma_wait3A_244 = arith.constant 0 : i32
        %dma_wait3A_245 = tpu.memref_slice %arg8[%dma_wait3A_243, %dma_wait3A_244] : memref<4x80xi32, #tpu.memory_space<vmem>> -> memref<1x80xi32, #tpu.memory_space<vmem>>
        %dma_wait3A_246 = tpu.memref_squeeze %dma_wait3A_245 : memref<1x80xi32, #tpu.memory_space<vmem>> -> memref<80xi32, #tpu.memory_space<vmem>>
        %dma_wait3A_247 = tpu.memref_slice %arg4[%multiple_of3A_218] : memref<320000xi32, #tpu.memory_space<hbm>> -> memref<80xi32, #tpu.memory_space<hbm>>
        %dma_wait3A_248 = arith.constant 0 : i32
        %dma_wait3A_249 = tpu.memref_slice %arg8[%dma_wait3A_243, %dma_wait3A_248] : memref<4x80xi32, #tpu.memory_space<vmem>> -> memref<1x80xi32, #tpu.memory_space<vmem>>
        %dma_wait3A_250 = tpu.memref_squeeze %dma_wait3A_249 : memref<1x80xi32, #tpu.memory_space<vmem>> -> memref<80xi32, #tpu.memory_space<vmem>>
        %dma_wait3A_251 = tpu.memref_slice %arg4[%multiple_of3A_218] : memref<320000xi32, #tpu.memory_space<hbm>> -> memref<80xi32, #tpu.memory_space<hbm>>
        tpu.wait_dma2 semaphore(%arg12 : memref<!tpu.dma_semaphore, #tpu.memory_space<semaphore_mem>>) src(%dma_wait3A_251 : memref<80xi32, #tpu.memory_space<hbm>>) dst(%dma_wait3A_250 : memref<80xi32, #tpu.memory_space<vmem>>)
        %dma_start3A_252 = arith.constant 160 : i32
        %dma_start3A_253 = arith.constant 0 : i32
        %dma_start3A_254 = tpu.memref_slice %arg9[%dma_start3A_252, %dma_start3A_253] : memref<320x128xf32, #tpu.memory_space<vmem>> -> memref<80x128xf32, #tpu.memory_space<vmem>>
        %dma_start3A_255 = arith.constant 160 : i32
        %dma_start3A_256 = tpu.memref_slice %arg7[%dma_start3A_255] : memref<320xi32, #tpu.memory_space<vmem>> -> memref<80xi32, #tpu.memory_space<vmem>>
        %dma_start3A_257 = arith.constant 0 : i32
        %dma_start3A_258 = arith.constant 0 : i32
        %dma_start3A_259 = tpu.memref_slice %arg2[%dma_start3A_257, %dma_start3A_258] : memref<10240x128xf32, #tpu.memory_space<hbm>> -> memref<10240x128xf32, #tpu.memory_space<hbm>>
        tpu.enqueue_indirect_dma source(%dma_start3A_259 : memref<10240x128xf32, #tpu.memory_space<hbm>>) target(%dma_start3A_254 : memref<80x128xf32, #tpu.memory_space<vmem>>) offsets(%dma_start3A_256 : memref<80xi32, #tpu.memory_space<vmem>>) semaphore(%arg14 : memref<!tpu.dma_semaphore, #tpu.memory_space<semaphore_mem>>)
        %dma_start3A_260 = arith.constant 240 : i32
        %dma_start3A_261 = arith.constant 0 : i32
        %dma_start3A_262 = tpu.memref_slice %arg9[%dma_start3A_260, %dma_start3A_261] : memref<320x128xf32, #tpu.memory_space<vmem>> -> memref<80x128xf32, #tpu.memory_space<vmem>>
        %dma_start3A_263 = arith.constant 240 : i32
        %dma_start3A_264 = tpu.memref_slice %arg7[%dma_start3A_263] : memref<320xi32, #tpu.memory_space<vmem>> -> memref<80xi32, #tpu.memory_space<vmem>>
        %dma_start3A_265 = arith.constant 0 : i32
        %dma_start3A_266 = arith.constant 0 : i32
        %dma_start3A_267 = tpu.memref_slice %arg2[%dma_start3A_265, %dma_start3A_266] : memref<10240x128xf32, #tpu.memory_space<hbm>> -> memref<10240x128xf32, #tpu.memory_space<hbm>>
        tpu.enqueue_indirect_dma source(%dma_start3A_267 : memref<10240x128xf32, #tpu.memory_space<hbm>>) target(%dma_start3A_262 : memref<80x128xf32, #tpu.memory_space<vmem>>) offsets(%dma_start3A_264 : memref<80xi32, #tpu.memory_space<vmem>>) semaphore(%arg14 : memref<!tpu.dma_semaphore, #tpu.memory_space<semaphore_mem>>)
      } else {
      }
      %ne3A_166 = arith.constant 0 : i32
      %ne3A_167 = arith.cmpi ne, %rem3A_157, %ne3A_166 : i32
      %add3A_168 = arith.constant 1 : i32
      %add3A_169 = arith.addi %scan3A_156, %add3A_168 : i32
      %lt3A_170 = arith.constant 62 : i32
      %lt3A_171 = arith.cmpi slt, %add3A_169, %lt3A_170 : i32
      %and3A_172 = arith.andi %ne3A_167, %lt3A_171 : i1
      %convert_element_type3A_173 = arith.extui %and3A_172 : i1 to i32
      %cond3A_174 = arith.constant 0 : i32
      %cond3A_175 = arith.cmpi ne, %convert_element_type3A_173, %cond3A_174 : i32
      scf.if %cond3A_175 {
        %dma_wait3A_186 = arith.constant 0 : i32
        %dma_wait3A_187 = arith.constant 0 : i32
        %dma_wait3A_188 = arith.constant 0 : i32
        %dma_wait3A_189 = tpu.memref_slice %arg9[%dma_wait3A_187, %dma_wait3A_188] : memref<320x128xf32, #tpu.memory_space<vmem>> -> memref<80x128xf32, #tpu.memory_space<vmem>>
        %dma_wait3A_190 = arith.constant 0 : i32
        %dma_wait3A_191 = tpu.memref_slice %arg8[%dma_wait3A_186, %dma_wait3A_190] : memref<4x80xi32, #tpu.memory_space<vmem>> -> memref<1x80xi32, #tpu.memory_space<vmem>>
        %dma_wait3A_192 = tpu.memref_squeeze %dma_wait3A_191 : memref<1x80xi32, #tpu.memory_space<vmem>> -> memref<80xi32, #tpu.memory_space<vmem>>
        %dma_wait3A_193 = arith.constant 0 : i32
        %dma_wait3A_194 = arith.constant 0 : i32
        %dma_wait3A_195 = tpu.memref_slice %arg10[%dma_wait3A_193, %dma_wait3A_194] : memref<10240x128xf32, #tpu.memory_space<vmem_shared>> -> memref<10240x128xf32, #tpu.memory_space<vmem_shared>>
        tpu.wait_indirect_dma semaphore(%arg15 : memref<!tpu.dma_semaphore, #tpu.memory_space<semaphore_mem>>) src(%dma_wait3A_189 : memref<80x128xf32, #tpu.memory_space<vmem>>) dst(%dma_wait3A_195 : memref<10240x128xf32, #tpu.memory_space<vmem_shared>>)
        %dma_wait3A_196 = arith.constant 1 : i32
        %dma_wait3A_197 = arith.constant 80 : i32
        %dma_wait3A_198 = arith.constant 0 : i32
        %dma_wait3A_199 = tpu.memref_slice %arg9[%dma_wait3A_197, %dma_wait3A_198] : memref<320x128xf32, #tpu.memory_space<vmem>> -> memref<80x128xf32, #tpu.memory_space<vmem>>
        %dma_wait3A_200 = arith.constant 0 : i32
        %dma_wait3A_201 = tpu.memref_slice %arg8[%dma_wait3A_196, %dma_wait3A_200] : memref<4x80xi32, #tpu.memory_space<vmem>> -> memref<1x80xi32, #tpu.memory_space<vmem>>
        %dma_wait3A_202 = tpu.memref_squeeze %dma_wait3A_201 : memref<1x80xi32, #tpu.memory_space<vmem>> -> memref<80xi32, #tpu.memory_space<vmem>>
        %dma_wait3A_203 = arith.constant 0 : i32
        %dma_wait3A_204 = arith.constant 0 : i32
        %dma_wait3A_205 = tpu.memref_slice %arg10[%dma_wait3A_203, %dma_wait3A_204] : memref<10240x128xf32, #tpu.memory_space<vmem_shared>> -> memref<10240x128xf32, #tpu.memory_space<vmem_shared>>
        tpu.wait_indirect_dma semaphore(%arg15 : memref<!tpu.dma_semaphore, #tpu.memory_space<semaphore_mem>>) src(%dma_wait3A_199 : memref<80x128xf32, #tpu.memory_space<vmem>>) dst(%dma_wait3A_205 : memref<10240x128xf32, #tpu.memory_space<vmem_shared>>)
        %add3A_206 = arith.constant 1 : i32
        %add3A_207 = arith.addi %scan3A_156, %add3A_206 : i32
        %mul3A_208 = arith.constant 10000 : i32
        %mul3A_209 = arith.muli %add3A, %mul3A_208 : i32
        %mul3A_210 = arith.constant 160 : i32
        %mul3A_211 = arith.muli %add3A_207, %mul3A_210 : i32
        %add3A_212 = arith.addi %mul3A_209, %mul3A_211 : i32
        %multiple_of3A_213 = tpu.assume_multiple %add3A_212, 8 : i32
        %dma_start3A_214 = arith.constant 0 : i32
        %dma_start3A_215 = tpu.memref_slice %arg7[%dma_start3A_214] : memref<320xi32, #tpu.memory_space<vmem>> -> memref<160xi32, #tpu.memory_space<vmem>>
        %dma_start3A_216 = tpu.memref_slice %arg3[%multiple_of3A_213] : memref<320000xi32, #tpu.memory_space<hbm>> -> memref<160xi32, #tpu.memory_space<hbm>>
        %dma_start3A_217 = arith.constant 0 : i32
        %dma_start3A_218 = tpu.memref_slice %arg7[%dma_start3A_217] : memref<320xi32, #tpu.memory_space<vmem>> -> memref<160xi32, #tpu.memory_space<vmem>>
        %dma_start3A_219 = tpu.memref_slice %arg3[%multiple_of3A_213] : memref<320000xi32, #tpu.memory_space<hbm>> -> memref<160xi32, #tpu.memory_space<hbm>>
        tpu.enqueue_dma source(%dma_start3A_219 : memref<160xi32, #tpu.memory_space<hbm>>) target(%dma_start3A_218 : memref<160xi32, #tpu.memory_space<vmem>>) target_semaphore(%arg11 : memref<!tpu.dma_semaphore, #tpu.memory_space<semaphore_mem>>)
        %add3A_220 = arith.constant 0 : i32
        %add3A_221 = arith.addi %multiple_of3A_213, %add3A_220 : i32
        %multiple_of3A_222 = tpu.assume_multiple %add3A_221, 8 : i32
        %dma_start3A_223 = arith.constant 0 : i32
        %dma_start3A_224 = arith.constant 0 : i32
        %dma_start3A_225 = tpu.memref_slice %arg8[%dma_start3A_223, %dma_start3A_224] : memref<4x80xi32, #tpu.memory_space<vmem>> -> memref<1x80xi32, #tpu.memory_space<vmem>>
        %dma_start3A_226 = tpu.memref_squeeze %dma_start3A_225 : memref<1x80xi32, #tpu.memory_space<vmem>> -> memref<80xi32, #tpu.memory_space<vmem>>
        %dma_start3A_227 = tpu.memref_slice %arg4[%multiple_of3A_222] : memref<320000xi32, #tpu.memory_space<hbm>> -> memref<80xi32, #tpu.memory_space<hbm>>
        %dma_start3A_228 = arith.constant 0 : i32
        %dma_start3A_229 = tpu.memref_slice %arg8[%dma_start3A_223, %dma_start3A_228] : memref<4x80xi32, #tpu.memory_space<vmem>> -> memref<1x80xi32, #tpu.memory_space<vmem>>
        %dma_start3A_230 = tpu.memref_squeeze %dma_start3A_229 : memref<1x80xi32, #tpu.memory_space<vmem>> -> memref<80xi32, #tpu.memory_space<vmem>>
        %dma_start3A_231 = tpu.memref_slice %arg4[%multiple_of3A_222] : memref<320000xi32, #tpu.memory_space<hbm>> -> memref<80xi32, #tpu.memory_space<hbm>>
        tpu.enqueue_dma source(%dma_start3A_231 : memref<80xi32, #tpu.memory_space<hbm>>) target(%dma_start3A_230 : memref<80xi32, #tpu.memory_space<vmem>>) target_semaphore(%arg11 : memref<!tpu.dma_semaphore, #tpu.memory_space<semaphore_mem>>)
        %add3A_232 = arith.constant 80 : i32
        %add3A_233 = arith.addi %multiple_of3A_213, %add3A_232 : i32
        %multiple_of3A_234 = tpu.assume_multiple %add3A_233, 8 : i32
        %dma_start3A_235 = arith.constant 1 : i32
        %dma_start3A_236 = arith.constant 0 : i32
        %dma_start3A_237 = tpu.memref_slice %arg8[%dma_start3A_235, %dma_start3A_236] : memref<4x80xi32, #tpu.memory_space<vmem>> -> memref<1x80xi32, #tpu.memory_space<vmem>>
        %dma_start3A_238 = tpu.memref_squeeze %dma_start3A_237 : memref<1x80xi32, #tpu.memory_space<vmem>> -> memref<80xi32, #tpu.memory_space<vmem>>
        %dma_start3A_239 = tpu.memref_slice %arg4[%multiple_of3A_234] : memref<320000xi32, #tpu.memory_space<hbm>> -> memref<80xi32, #tpu.memory_space<hbm>>
        %dma_start3A_240 = arith.constant 0 : i32
        %dma_start3A_241 = tpu.memref_slice %arg8[%dma_start3A_235, %dma_start3A_240] : memref<4x80xi32, #tpu.memory_space<vmem>> -> memref<1x80xi32, #tpu.memory_space<vmem>>
        %dma_start3A_242 = tpu.memref_squeeze %dma_start3A_241 : memref<1x80xi32, #tpu.memory_space<vmem>> -> memref<80xi32, #tpu.memory_space<vmem>>
        %dma_start3A_243 = tpu.memref_slice %arg4[%multiple_of3A_234] : memref<320000xi32, #tpu.memory_space<hbm>> -> memref<80xi32, #tpu.memory_space<hbm>>
        tpu.enqueue_dma source(%dma_start3A_243 : memref<80xi32, #tpu.memory_space<hbm>>) target(%dma_start3A_242 : memref<80xi32, #tpu.memory_space<vmem>>) target_semaphore(%arg11 : memref<!tpu.dma_semaphore, #tpu.memory_space<semaphore_mem>>)
        %dma_wait3A_244 = arith.constant 0 : i32
        %dma_wait3A_245 = tpu.memref_slice %arg7[%dma_wait3A_244] : memref<320xi32, #tpu.memory_space<vmem>> -> memref<160xi32, #tpu.memory_space<vmem>>
        %dma_wait3A_246 = tpu.memref_slice %arg3[%multiple_of3A_213] : memref<320000xi32, #tpu.memory_space<hbm>> -> memref<160xi32, #tpu.memory_space<hbm>>
        %dma_wait3A_247 = arith.constant 0 : i32
        %dma_wait3A_248 = tpu.memref_slice %arg7[%dma_wait3A_247] : memref<320xi32, #tpu.memory_space<vmem>> -> memref<160xi32, #tpu.memory_space<vmem>>
        %dma_wait3A_249 = tpu.memref_slice %arg3[%multiple_of3A_213] : memref<320000xi32, #tpu.memory_space<hbm>> -> memref<160xi32, #tpu.memory_space<hbm>>
        tpu.wait_dma2 semaphore(%arg11 : memref<!tpu.dma_semaphore, #tpu.memory_space<semaphore_mem>>) src(%dma_wait3A_249 : memref<160xi32, #tpu.memory_space<hbm>>) dst(%dma_wait3A_248 : memref<160xi32, #tpu.memory_space<vmem>>)
        %dma_wait3A_250 = arith.constant 0 : i32
        %dma_wait3A_251 = arith.constant 0 : i32
        %dma_wait3A_252 = tpu.memref_slice %arg8[%dma_wait3A_250, %dma_wait3A_251] : memref<4x80xi32, #tpu.memory_space<vmem>> -> memref<1x80xi32, #tpu.memory_space<vmem>>
        %dma_wait3A_253 = tpu.memref_squeeze %dma_wait3A_252 : memref<1x80xi32, #tpu.memory_space<vmem>> -> memref<80xi32, #tpu.memory_space<vmem>>
        %dma_wait3A_254 = tpu.memref_slice %arg4[%multiple_of3A_222] : memref<320000xi32, #tpu.memory_space<hbm>> -> memref<80xi32, #tpu.memory_space<hbm>>
        %dma_wait3A_255 = arith.constant 0 : i32
        %dma_wait3A_256 = tpu.memref_slice %arg8[%dma_wait3A_250, %dma_wait3A_255] : memref<4x80xi32, #tpu.memory_space<vmem>> -> memref<1x80xi32, #tpu.memory_space<vmem>>
        %dma_wait3A_257 = tpu.memref_squeeze %dma_wait3A_256 : memref<1x80xi32, #tpu.memory_space<vmem>> -> memref<80xi32, #tpu.memory_space<vmem>>
        %dma_wait3A_258 = tpu.memref_slice %arg4[%multiple_of3A_222] : memref<320000xi32, #tpu.memory_space<hbm>> -> memref<80xi32, #tpu.memory_space<hbm>>
        tpu.wait_dma2 semaphore(%arg11 : memref<!tpu.dma_semaphore, #tpu.memory_space<semaphore_mem>>) src(%dma_wait3A_258 : memref<80xi32, #tpu.memory_space<hbm>>) dst(%dma_wait3A_257 : memref<80xi32, #tpu.memory_space<vmem>>)
        %dma_wait3A_259 = arith.constant 1 : i32
        %dma_wait3A_260 = arith.constant 0 : i32
        %dma_wait3A_261 = tpu.memref_slice %arg8[%dma_wait3A_259, %dma_wait3A_260] : memref<4x80xi32, #tpu.memory_space<vmem>> -> memref<1x80xi32, #tpu.memory_space<vmem>>
        %dma_wait3A_262 = tpu.memref_squeeze %dma_wait3A_261 : memref<1x80xi32, #tpu.memory_space<vmem>> -> memref<80xi32, #tpu.memory_space<vmem>>
        %dma_wait3A_263 = tpu.memref_slice %arg4[%multiple_of3A_234] : memref<320000xi32, #tpu.memory_space<hbm>> -> memref<80xi32, #tpu.memory_space<hbm>>
        %dma_wait3A_264 = arith.constant 0 : i32
        %dma_wait3A_265 = tpu.memref_slice %arg8[%dma_wait3A_259, %dma_wait3A_264] : memref<4x80xi32, #tpu.memory_space<vmem>> -> memref<1x80xi32, #tpu.memory_space<vmem>>
        %dma_wait3A_266 = tpu.memref_squeeze %dma_wait3A_265 : memref<1x80xi32, #tpu.memory_space<vmem>> -> memref<80xi32, #tpu.memory_space<vmem>>
        %dma_wait3A_267 = tpu.memref_slice %arg4[%multiple_of3A_234] : memref<320000xi32, #tpu.memory_space<hbm>> -> memref<80xi32, #tpu.memory_space<hbm>>
        tpu.wait_dma2 semaphore(%arg11 : memref<!tpu.dma_semaphore, #tpu.memory_space<semaphore_mem>>) src(%dma_wait3A_267 : memref<80xi32, #tpu.memory_space<hbm>>) dst(%dma_wait3A_266 : memref<80xi32, #tpu.memory_space<vmem>>)
        %dma_start3A_268 = arith.constant 0 : i32
        %dma_start3A_269 = arith.constant 0 : i32
        %dma_start3A_270 = tpu.memref_slice %arg9[%dma_start3A_268, %dma_start3A_269] : memref<320x128xf32, #tpu.memory_space<vmem>> -> memref<80x128xf32, #tpu.memory_space<vmem>>
        %dma_start3A_271 = arith.constant 0 : i32
        %dma_start3A_272 = tpu.memref_slice %arg7[%dma_start3A_271] : memref<320xi32, #tpu.memory_space<vmem>> -> memref<80xi32, #tpu.memory_space<vmem>>
        %dma_start3A_273 = arith.constant 0 : i32
        %dma_start3A_274 = arith.constant 0 : i32
        %dma_start3A_275 = tpu.memref_slice %arg2[%dma_start3A_273, %dma_start3A_274] : memref<10240x128xf32, #tpu.memory_space<hbm>> -> memref<10240x128xf32, #tpu.memory_space<hbm>>
        tpu.enqueue_indirect_dma source(%dma_start3A_275 : memref<10240x128xf32, #tpu.memory_space<hbm>>) target(%dma_start3A_270 : memref<80x128xf32, #tpu.memory_space<vmem>>) offsets(%dma_start3A_272 : memref<80xi32, #tpu.memory_space<vmem>>) semaphore(%arg13 : memref<!tpu.dma_semaphore, #tpu.memory_space<semaphore_mem>>)
        %dma_start3A_276 = arith.constant 80 : i32
        %dma_start3A_277 = arith.constant 0 : i32
        %dma_start3A_278 = tpu.memref_slice %arg9[%dma_start3A_276, %dma_start3A_277] : memref<320x128xf32, #tpu.memory_space<vmem>> -> memref<80x128xf32, #tpu.memory_space<vmem>>
        %dma_start3A_279 = arith.constant 80 : i32
        %dma_start3A_280 = tpu.memref_slice %arg7[%dma_start3A_279] : memref<320xi32, #tpu.memory_space<vmem>> -> memref<80xi32, #tpu.memory_space<vmem>>
        %dma_start3A_281 = arith.constant 0 : i32
        %dma_start3A_282 = arith.constant 0 : i32
        %dma_start3A_283 = tpu.memref_slice %arg2[%dma_start3A_281, %dma_start3A_282] : memref<10240x128xf32, #tpu.memory_space<hbm>> -> memref<10240x128xf32, #tpu.memory_space<hbm>>
        tpu.enqueue_indirect_dma source(%dma_start3A_283 : memref<10240x128xf32, #tpu.memory_space<hbm>>) target(%dma_start3A_278 : memref<80x128xf32, #tpu.memory_space<vmem>>) offsets(%dma_start3A_280 : memref<80xi32, #tpu.memory_space<vmem>>) semaphore(%arg13 : memref<!tpu.dma_semaphore, #tpu.memory_space<semaphore_mem>>)
      } else {
      }
      %eq3A_176 = arith.constant 0 : i32
      %eq3A_177 = arith.cmpi eq, %rem3A_157, %eq3A_176 : i32
      %convert_element_type3A_178 = arith.extui %eq3A_177 : i1 to i32
      %cond3A_179 = arith.constant 0 : i32
      %cond3A_180 = arith.cmpi ne, %convert_element_type3A_178, %cond3A_179 : i32
      scf.if %cond3A_180 {
        %dma_wait3A_186 = arith.constant 0 : i32
        %dma_wait3A_187 = arith.constant 0 : i32
        %dma_wait3A_188 = tpu.memref_slice %arg9[%dma_wait3A_186, %dma_wait3A_187] : memref<320x128xf32, #tpu.memory_space<vmem>> -> memref<80x128xf32, #tpu.memory_space<vmem>>
        %dma_wait3A_189 = arith.constant 0 : i32
        %dma_wait3A_190 = tpu.memref_slice %arg7[%dma_wait3A_189] : memref<320xi32, #tpu.memory_space<vmem>> -> memref<80xi32, #tpu.memory_space<vmem>>
        %dma_wait3A_191 = arith.constant 0 : i32
        %dma_wait3A_192 = arith.constant 0 : i32
        %dma_wait3A_193 = tpu.memref_slice %arg2[%dma_wait3A_191, %dma_wait3A_192] : memref<10240x128xf32, #tpu.memory_space<hbm>> -> memref<10240x128xf32, #tpu.memory_space<hbm>>
        tpu.wait_indirect_dma semaphore(%arg13 : memref<!tpu.dma_semaphore, #tpu.memory_space<semaphore_mem>>) src(%dma_wait3A_193 : memref<10240x128xf32, #tpu.memory_space<hbm>>) dst(%dma_wait3A_188 : memref<80x128xf32, #tpu.memory_space<vmem>>)
        %dma_wait3A_194 = arith.constant 80 : i32
        %dma_wait3A_195 = arith.constant 0 : i32
        %dma_wait3A_196 = tpu.memref_slice %arg9[%dma_wait3A_194, %dma_wait3A_195] : memref<320x128xf32, #tpu.memory_space<vmem>> -> memref<80x128xf32, #tpu.memory_space<vmem>>
        %dma_wait3A_197 = arith.constant 80 : i32
        %dma_wait3A_198 = tpu.memref_slice %arg7[%dma_wait3A_197] : memref<320xi32, #tpu.memory_space<vmem>> -> memref<80xi32, #tpu.memory_space<vmem>>
        %dma_wait3A_199 = arith.constant 0 : i32
        %dma_wait3A_200 = arith.constant 0 : i32
        %dma_wait3A_201 = tpu.memref_slice %arg2[%dma_wait3A_199, %dma_wait3A_200] : memref<10240x128xf32, #tpu.memory_space<hbm>> -> memref<10240x128xf32, #tpu.memory_space<hbm>>
        tpu.wait_indirect_dma semaphore(%arg13 : memref<!tpu.dma_semaphore, #tpu.memory_space<semaphore_mem>>) src(%dma_wait3A_201 : memref<10240x128xf32, #tpu.memory_space<hbm>>) dst(%dma_wait3A_196 : memref<80x128xf32, #tpu.memory_space<vmem>>)
        %dma_start3A_202 = arith.constant 0 : i32
        %dma_start3A_203 = arith.constant 0 : i32
        %dma_start3A_204 = arith.constant 0 : i32
        %dma_start3A_205 = tpu.memref_slice %arg9[%dma_start3A_203, %dma_start3A_204] : memref<320x128xf32, #tpu.memory_space<vmem>> -> memref<80x128xf32, #tpu.memory_space<vmem>>
        %dma_start3A_206 = arith.constant 0 : i32
        %dma_start3A_207 = tpu.memref_slice %arg8[%dma_start3A_202, %dma_start3A_206] : memref<4x80xi32, #tpu.memory_space<vmem>> -> memref<1x80xi32, #tpu.memory_space<vmem>>
        %dma_start3A_208 = tpu.memref_squeeze %dma_start3A_207 : memref<1x80xi32, #tpu.memory_space<vmem>> -> memref<80xi32, #tpu.memory_space<vmem>>
        %dma_start3A_209 = arith.constant 0 : i32
        %dma_start3A_210 = arith.constant 0 : i32
        %dma_start3A_211 = tpu.memref_slice %arg10[%dma_start3A_209, %dma_start3A_210] : memref<10240x128xf32, #tpu.memory_space<vmem_shared>> -> memref<10240x128xf32, #tpu.memory_space<vmem_shared>>
        tpu.enqueue_indirect_dma source(%dma_start3A_205 : memref<80x128xf32, #tpu.memory_space<vmem>>) target(%dma_start3A_211 : memref<10240x128xf32, #tpu.memory_space<vmem_shared>>) offsets(%dma_start3A_208 : memref<80xi32, #tpu.memory_space<vmem>>) semaphore(%arg15 : memref<!tpu.dma_semaphore, #tpu.memory_space<semaphore_mem>>) {add = true}
        %dma_start3A_212 = arith.constant 1 : i32
        %dma_start3A_213 = arith.constant 80 : i32
        %dma_start3A_214 = arith.constant 0 : i32
        %dma_start3A_215 = tpu.memref_slice %arg9[%dma_start3A_213, %dma_start3A_214] : memref<320x128xf32, #tpu.memory_space<vmem>> -> memref<80x128xf32, #tpu.memory_space<vmem>>
        %dma_start3A_216 = arith.constant 0 : i32
        %dma_start3A_217 = tpu.memref_slice %arg8[%dma_start3A_212, %dma_start3A_216] : memref<4x80xi32, #tpu.memory_space<vmem>> -> memref<1x80xi32, #tpu.memory_space<vmem>>
        %dma_start3A_218 = tpu.memref_squeeze %dma_start3A_217 : memref<1x80xi32, #tpu.memory_space<vmem>> -> memref<80xi32, #tpu.memory_space<vmem>>
        %dma_start3A_219 = arith.constant 0 : i32
        %dma_start3A_220 = arith.constant 0 : i32
        %dma_start3A_221 = tpu.memref_slice %arg10[%dma_start3A_219, %dma_start3A_220] : memref<10240x128xf32, #tpu.memory_space<vmem_shared>> -> memref<10240x128xf32, #tpu.memory_space<vmem_shared>>
        tpu.enqueue_indirect_dma source(%dma_start3A_215 : memref<80x128xf32, #tpu.memory_space<vmem>>) target(%dma_start3A_221 : memref<10240x128xf32, #tpu.memory_space<vmem_shared>>) offsets(%dma_start3A_218 : memref<80xi32, #tpu.memory_space<vmem>>) semaphore(%arg15 : memref<!tpu.dma_semaphore, #tpu.memory_space<semaphore_mem>>) {add = true}
      } else {
      }
      %ne3A_181 = arith.constant 0 : i32
      %ne3A_182 = arith.cmpi ne, %rem3A_157, %ne3A_181 : i32
      %convert_element_type3A_183 = arith.extui %ne3A_182 : i1 to i32
      %cond3A_184 = arith.constant 0 : i32
      %cond3A_185 = arith.cmpi ne, %convert_element_type3A_183, %cond3A_184 : i32
      scf.if %cond3A_185 {
        %dma_wait3A_186 = arith.constant 160 : i32
        %dma_wait3A_187 = arith.constant 0 : i32
        %dma_wait3A_188 = tpu.memref_slice %arg9[%dma_wait3A_186, %dma_wait3A_187] : memref<320x128xf32, #tpu.memory_space<vmem>> -> memref<80x128xf32, #tpu.memory_space<vmem>>
        %dma_wait3A_189 = arith.constant 160 : i32
        %dma_wait3A_190 = tpu.memref_slice %arg7[%dma_wait3A_189] : memref<320xi32, #tpu.memory_space<vmem>> -> memref<80xi32, #tpu.memory_space<vmem>>
        %dma_wait3A_191 = arith.constant 0 : i32
        %dma_wait3A_192 = arith.constant 0 : i32
        %dma_wait3A_193 = tpu.memref_slice %arg2[%dma_wait3A_191, %dma_wait3A_192] : memref<10240x128xf32, #tpu.memory_space<hbm>> -> memref<10240x128xf32, #tpu.memory_space<hbm>>
        tpu.wait_indirect_dma semaphore(%arg14 : memref<!tpu.dma_semaphore, #tpu.memory_space<semaphore_mem>>) src(%dma_wait3A_193 : memref<10240x128xf32, #tpu.memory_space<hbm>>) dst(%dma_wait3A_188 : memref<80x128xf32, #tpu.memory_space<vmem>>)
        %dma_wait3A_194 = arith.constant 240 : i32
        %dma_wait3A_195 = arith.constant 0 : i32
        %dma_wait3A_196 = tpu.memref_slice %arg9[%dma_wait3A_194, %dma_wait3A_195] : memref<320x128xf32, #tpu.memory_space<vmem>> -> memref<80x128xf32, #tpu.memory_space<vmem>>
        %dma_wait3A_197 = arith.constant 240 : i32
        %dma_wait3A_198 = tpu.memref_slice %arg7[%dma_wait3A_197] : memref<320xi32, #tpu.memory_space<vmem>> -> memref<80xi32, #tpu.memory_space<vmem>>
        %dma_wait3A_199 = arith.constant 0 : i32
        %dma_wait3A_200 = arith.constant 0 : i32
        %dma_wait3A_201 = tpu.memref_slice %arg2[%dma_wait3A_199, %dma_wait3A_200] : memref<10240x128xf32, #tpu.memory_space<hbm>> -> memref<10240x128xf32, #tpu.memory_space<hbm>>
        tpu.wait_indirect_dma semaphore(%arg14 : memref<!tpu.dma_semaphore, #tpu.memory_space<semaphore_mem>>) src(%dma_wait3A_201 : memref<10240x128xf32, #tpu.memory_space<hbm>>) dst(%dma_wait3A_196 : memref<80x128xf32, #tpu.memory_space<vmem>>)
        %dma_start3A_202 = arith.constant 2 : i32
        %dma_start3A_203 = arith.constant 160 : i32
        %dma_start3A_204 = arith.constant 0 : i32
        %dma_start3A_205 = tpu.memref_slice %arg9[%dma_start3A_203, %dma_start3A_204] : memref<320x128xf32, #tpu.memory_space<vmem>> -> memref<80x128xf32, #tpu.memory_space<vmem>>
        %dma_start3A_206 = arith.constant 0 : i32
        %dma_start3A_207 = tpu.memref_slice %arg8[%dma_start3A_202, %dma_start3A_206] : memref<4x80xi32, #tpu.memory_space<vmem>> -> memref<1x80xi32, #tpu.memory_space<vmem>>
        %dma_start3A_208 = tpu.memref_squeeze %dma_start3A_207 : memref<1x80xi32, #tpu.memory_space<vmem>> -> memref<80xi32, #tpu.memory_space<vmem>>
        %dma_start3A_209 = arith.constant 0 : i32
        %dma_start3A_210 = arith.constant 0 : i32
        %dma_start3A_211 = tpu.memref_slice %arg10[%dma_start3A_209, %dma_start3A_210] : memref<10240x128xf32, #tpu.memory_space<vmem_shared>> -> memref<10240x128xf32, #tpu.memory_space<vmem_shared>>
        tpu.enqueue_indirect_dma source(%dma_start3A_205 : memref<80x128xf32, #tpu.memory_space<vmem>>) target(%dma_start3A_211 : memref<10240x128xf32, #tpu.memory_space<vmem_shared>>) offsets(%dma_start3A_208 : memref<80xi32, #tpu.memory_space<vmem>>) semaphore(%arg16 : memref<!tpu.dma_semaphore, #tpu.memory_space<semaphore_mem>>) {add = true}
        %dma_start3A_212 = arith.constant 3 : i32
        %dma_start3A_213 = arith.constant 240 : i32
        %dma_start3A_214 = arith.constant 0 : i32
        %dma_start3A_215 = tpu.memref_slice %arg9[%dma_start3A_213, %dma_start3A_214] : memref<320x128xf32, #tpu.memory_space<vmem>> -> memref<80x128xf32, #tpu.memory_space<vmem>>
        %dma_start3A_216 = arith.constant 0 : i32
        %dma_start3A_217 = tpu.memref_slice %arg8[%dma_start3A_212, %dma_start3A_216] : memref<4x80xi32, #tpu.memory_space<vmem>> -> memref<1x80xi32, #tpu.memory_space<vmem>>
        %dma_start3A_218 = tpu.memref_squeeze %dma_start3A_217 : memref<1x80xi32, #tpu.memory_space<vmem>> -> memref<80xi32, #tpu.memory_space<vmem>>
        %dma_start3A_219 = arith.constant 0 : i32
        %dma_start3A_220 = arith.constant 0 : i32
        %dma_start3A_221 = tpu.memref_slice %arg10[%dma_start3A_219, %dma_start3A_220] : memref<10240x128xf32, #tpu.memory_space<vmem_shared>> -> memref<10240x128xf32, #tpu.memory_space<vmem_shared>>
        tpu.enqueue_indirect_dma source(%dma_start3A_215 : memref<80x128xf32, #tpu.memory_space<vmem>>) target(%dma_start3A_221 : memref<10240x128xf32, #tpu.memory_space<vmem_shared>>) offsets(%dma_start3A_218 : memref<80xi32, #tpu.memory_space<vmem>>) semaphore(%arg16 : memref<!tpu.dma_semaphore, #tpu.memory_space<semaphore_mem>>) {add = true}
      } else {
      }
    }
    %scan3A_86 = arith.constant 62 : i32
    %dma_wait3A_87 = arith.constant 0 : i32
    %dma_wait3A_88 = arith.constant 0 : i32
    %dma_wait3A_89 = arith.constant 0 : i32
    %dma_wait3A_90 = tpu.memref_slice %arg9[%dma_wait3A_88, %dma_wait3A_89] : memref<320x128xf32, #tpu.memory_space<vmem>> -> memref<80x128xf32, #tpu.memory_space<vmem>>
    %dma_wait3A_91 = arith.constant 0 : i32
    %dma_wait3A_92 = tpu.memref_slice %arg8[%dma_wait3A_87, %dma_wait3A_91] : memref<4x80xi32, #tpu.memory_space<vmem>> -> memref<1x80xi32, #tpu.memory_space<vmem>>
    %dma_wait3A_93 = tpu.memref_squeeze %dma_wait3A_92 : memref<1x80xi32, #tpu.memory_space<vmem>> -> memref<80xi32, #tpu.memory_space<vmem>>
    %dma_wait3A_94 = arith.constant 0 : i32
    %dma_wait3A_95 = arith.constant 0 : i32
    %dma_wait3A_96 = tpu.memref_slice %arg10[%dma_wait3A_94, %dma_wait3A_95] : memref<10240x128xf32, #tpu.memory_space<vmem_shared>> -> memref<10240x128xf32, #tpu.memory_space<vmem_shared>>
    tpu.wait_indirect_dma semaphore(%arg15 : memref<!tpu.dma_semaphore, #tpu.memory_space<semaphore_mem>>) src(%dma_wait3A_90 : memref<80x128xf32, #tpu.memory_space<vmem>>) dst(%dma_wait3A_96 : memref<10240x128xf32, #tpu.memory_space<vmem_shared>>)
    %dma_wait3A_97 = arith.constant 1 : i32
    %dma_wait3A_98 = arith.constant 80 : i32
    %dma_wait3A_99 = arith.constant 0 : i32
    %dma_wait3A_100 = tpu.memref_slice %arg9[%dma_wait3A_98, %dma_wait3A_99] : memref<320x128xf32, #tpu.memory_space<vmem>> -> memref<80x128xf32, #tpu.memory_space<vmem>>
    %dma_wait3A_101 = arith.constant 0 : i32
    %dma_wait3A_102 = tpu.memref_slice %arg8[%dma_wait3A_97, %dma_wait3A_101] : memref<4x80xi32, #tpu.memory_space<vmem>> -> memref<1x80xi32, #tpu.memory_space<vmem>>
    %dma_wait3A_103 = tpu.memref_squeeze %dma_wait3A_102 : memref<1x80xi32, #tpu.memory_space<vmem>> -> memref<80xi32, #tpu.memory_space<vmem>>
    %dma_wait3A_104 = arith.constant 0 : i32
    %dma_wait3A_105 = arith.constant 0 : i32
    %dma_wait3A_106 = tpu.memref_slice %arg10[%dma_wait3A_104, %dma_wait3A_105] : memref<10240x128xf32, #tpu.memory_space<vmem_shared>> -> memref<10240x128xf32, #tpu.memory_space<vmem_shared>>
    tpu.wait_indirect_dma semaphore(%arg15 : memref<!tpu.dma_semaphore, #tpu.memory_space<semaphore_mem>>) src(%dma_wait3A_100 : memref<80x128xf32, #tpu.memory_space<vmem>>) dst(%dma_wait3A_106 : memref<10240x128xf32, #tpu.memory_space<vmem_shared>>)
    %dma_wait3A_107 = arith.constant 2 : i32
    %dma_wait3A_108 = arith.constant 160 : i32
    %dma_wait3A_109 = arith.constant 0 : i32
    %dma_wait3A_110 = tpu.memref_slice %arg9[%dma_wait3A_108, %dma_wait3A_109] : memref<320x128xf32, #tpu.memory_space<vmem>> -> memref<80x128xf32, #tpu.memory_space<vmem>>
    %dma_wait3A_111 = arith.constant 0 : i32
    %dma_wait3A_112 = tpu.memref_slice %arg8[%dma_wait3A_107, %dma_wait3A_111] : memref<4x80xi32, #tpu.memory_space<vmem>> -> memref<1x80xi32, #tpu.memory_space<vmem>>
    %dma_wait3A_113 = tpu.memref_squeeze %dma_wait3A_112 : memref<1x80xi32, #tpu.memory_space<vmem>> -> memref<80xi32, #tpu.memory_space<vmem>>
    %dma_wait3A_114 = arith.constant 0 : i32
    %dma_wait3A_115 = arith.constant 0 : i32
    %dma_wait3A_116 = tpu.memref_slice %arg10[%dma_wait3A_114, %dma_wait3A_115] : memref<10240x128xf32, #tpu.memory_space<vmem_shared>> -> memref<10240x128xf32, #tpu.memory_space<vmem_shared>>
    tpu.wait_indirect_dma semaphore(%arg16 : memref<!tpu.dma_semaphore, #tpu.memory_space<semaphore_mem>>) src(%dma_wait3A_110 : memref<80x128xf32, #tpu.memory_space<vmem>>) dst(%dma_wait3A_116 : memref<10240x128xf32, #tpu.memory_space<vmem_shared>>)
    %dma_wait3A_117 = arith.constant 3 : i32
    %dma_wait3A_118 = arith.constant 240 : i32
    %dma_wait3A_119 = arith.constant 0 : i32
    %dma_wait3A_120 = tpu.memref_slice %arg9[%dma_wait3A_118, %dma_wait3A_119] : memref<320x128xf32, #tpu.memory_space<vmem>> -> memref<80x128xf32, #tpu.memory_space<vmem>>
    %dma_wait3A_121 = arith.constant 0 : i32
    %dma_wait3A_122 = tpu.memref_slice %arg8[%dma_wait3A_117, %dma_wait3A_121] : memref<4x80xi32, #tpu.memory_space<vmem>> -> memref<1x80xi32, #tpu.memory_space<vmem>>
    %dma_wait3A_123 = tpu.memref_squeeze %dma_wait3A_122 : memref<1x80xi32, #tpu.memory_space<vmem>> -> memref<80xi32, #tpu.memory_space<vmem>>
    %dma_wait3A_124 = arith.constant 0 : i32
    %dma_wait3A_125 = arith.constant 0 : i32
    %dma_wait3A_126 = tpu.memref_slice %arg10[%dma_wait3A_124, %dma_wait3A_125] : memref<10240x128xf32, #tpu.memory_space<vmem_shared>> -> memref<10240x128xf32, #tpu.memory_space<vmem_shared>>
    tpu.wait_indirect_dma semaphore(%arg16 : memref<!tpu.dma_semaphore, #tpu.memory_space<semaphore_mem>>) src(%dma_wait3A_120 : memref<80x128xf32, #tpu.memory_space<vmem>>) dst(%dma_wait3A_126 : memref<10240x128xf32, #tpu.memory_space<vmem_shared>>)
    %mul3A_127 = arith.constant 10000 : i32
    %mul3A_128 = arith.muli %add3A, %mul3A_127 : i32
    %add3A_129 = arith.constant 9920 : i32
    %add3A_130 = arith.addi %mul3A_128, %add3A_129 : i32
    %multiple_of3A_131 = tpu.assume_multiple %add3A_130, 8 : i32
    "tpu.region"() ({
      %run_scoped3A_156 = tpu.sem_alloc : memref<!tpu.dma_semaphore, #tpu.memory_space<semaphore_mem>>
      %dma_start3A_157 = arith.constant 0 : i32
      %dma_start3A_158 = tpu.memref_slice %arg7[%dma_start3A_157] : memref<320xi32, #tpu.memory_space<vmem>> -> memref<80xi32, #tpu.memory_space<vmem>>
      %dma_start3A_159 = tpu.memref_slice %arg3[%multiple_of3A_131] : memref<320000xi32, #tpu.memory_space<hbm>> -> memref<80xi32, #tpu.memory_space<hbm>>
      %dma_start3A_160 = arith.constant 0 : i32
      %dma_start3A_161 = tpu.memref_slice %arg7[%dma_start3A_160] : memref<320xi32, #tpu.memory_space<vmem>> -> memref<80xi32, #tpu.memory_space<vmem>>
      %dma_start3A_162 = tpu.memref_slice %arg3[%multiple_of3A_131] : memref<320000xi32, #tpu.memory_space<hbm>> -> memref<80xi32, #tpu.memory_space<hbm>>
      tpu.enqueue_dma source(%dma_start3A_162 : memref<80xi32, #tpu.memory_space<hbm>>) target(%dma_start3A_161 : memref<80xi32, #tpu.memory_space<vmem>>) target_semaphore(%run_scoped3A_156 : memref<!tpu.dma_semaphore, #tpu.memory_space<semaphore_mem>>)
      %dma_wait3A_163 = arith.constant 0 : i32
      %dma_wait3A_164 = tpu.memref_slice %arg7[%dma_wait3A_163] : memref<320xi32, #tpu.memory_space<vmem>> -> memref<80xi32, #tpu.memory_space<vmem>>
      %dma_wait3A_165 = tpu.memref_slice %arg3[%multiple_of3A_131] : memref<320000xi32, #tpu.memory_space<hbm>> -> memref<80xi32, #tpu.memory_space<hbm>>
      %dma_wait3A_166 = arith.constant 0 : i32
      %dma_wait3A_167 = tpu.memref_slice %arg7[%dma_wait3A_166] : memref<320xi32, #tpu.memory_space<vmem>> -> memref<80xi32, #tpu.memory_space<vmem>>
      %dma_wait3A_168 = tpu.memref_slice %arg3[%multiple_of3A_131] : memref<320000xi32, #tpu.memory_space<hbm>> -> memref<80xi32, #tpu.memory_space<hbm>>
      tpu.wait_dma2 semaphore(%run_scoped3A_156 : memref<!tpu.dma_semaphore, #tpu.memory_space<semaphore_mem>>) src(%dma_wait3A_168 : memref<80xi32, #tpu.memory_space<hbm>>) dst(%dma_wait3A_167 : memref<80xi32, #tpu.memory_space<vmem>>)
      tpu.yield
    }) : () -> ()
    %run_scoped3A = arith.constant 0 : i32
    "tpu.region"() ({
      %run_scoped3A_156 = tpu.sem_alloc : memref<!tpu.dma_semaphore, #tpu.memory_space<semaphore_mem>>
      %dma_start3A_157 = arith.constant 0 : i32
      %dma_start3A_158 = tpu.memref_slice %arg8[%run_scoped3A, %dma_start3A_157] : memref<4x80xi32, #tpu.memory_space<vmem>> -> memref<1x80xi32, #tpu.memory_space<vmem>>
      %dma_start3A_159 = tpu.memref_squeeze %dma_start3A_158 : memref<1x80xi32, #tpu.memory_space<vmem>> -> memref<80xi32, #tpu.memory_space<vmem>>
      %dma_start3A_160 = tpu.memref_slice %arg4[%multiple_of3A_131] : memref<320000xi32, #tpu.memory_space<hbm>> -> memref<80xi32, #tpu.memory_space<hbm>>
      %dma_start3A_161 = arith.constant 0 : i32
      %dma_start3A_162 = tpu.memref_slice %arg8[%run_scoped3A, %dma_start3A_161] : memref<4x80xi32, #tpu.memory_space<vmem>> -> memref<1x80xi32, #tpu.memory_space<vmem>>
      %dma_start3A_163 = tpu.memref_squeeze %dma_start3A_162 : memref<1x80xi32, #tpu.memory_space<vmem>> -> memref<80xi32, #tpu.memory_space<vmem>>
      %dma_start3A_164 = tpu.memref_slice %arg4[%multiple_of3A_131] : memref<320000xi32, #tpu.memory_space<hbm>> -> memref<80xi32, #tpu.memory_space<hbm>>
      tpu.enqueue_dma source(%dma_start3A_164 : memref<80xi32, #tpu.memory_space<hbm>>) target(%dma_start3A_163 : memref<80xi32, #tpu.memory_space<vmem>>) target_semaphore(%run_scoped3A_156 : memref<!tpu.dma_semaphore, #tpu.memory_space<semaphore_mem>>)
      %dma_wait3A_165 = arith.constant 0 : i32
      %dma_wait3A_166 = tpu.memref_slice %arg8[%run_scoped3A, %dma_wait3A_165] : memref<4x80xi32, #tpu.memory_space<vmem>> -> memref<1x80xi32, #tpu.memory_space<vmem>>
      %dma_wait3A_167 = tpu.memref_squeeze %dma_wait3A_166 : memref<1x80xi32, #tpu.memory_space<vmem>> -> memref<80xi32, #tpu.memory_space<vmem>>
      %dma_wait3A_168 = tpu.memref_slice %arg4[%multiple_of3A_131] : memref<320000xi32, #tpu.memory_space<hbm>> -> memref<80xi32, #tpu.memory_space<hbm>>
      %dma_wait3A_169 = arith.constant 0 : i32
      %dma_wait3A_170 = tpu.memref_slice %arg8[%run_scoped3A, %dma_wait3A_169] : memref<4x80xi32, #tpu.memory_space<vmem>> -> memref<1x80xi32, #tpu.memory_space<vmem>>
      %dma_wait3A_171 = tpu.memref_squeeze %dma_wait3A_170 : memref<1x80xi32, #tpu.memory_space<vmem>> -> memref<80xi32, #tpu.memory_space<vmem>>
      %dma_wait3A_172 = tpu.memref_slice %arg4[%multiple_of3A_131] : memref<320000xi32, #tpu.memory_space<hbm>> -> memref<80xi32, #tpu.memory_space<hbm>>
      tpu.wait_dma2 semaphore(%run_scoped3A_156 : memref<!tpu.dma_semaphore, #tpu.memory_space<semaphore_mem>>) src(%dma_wait3A_172 : memref<80xi32, #tpu.memory_space<hbm>>) dst(%dma_wait3A_171 : memref<80xi32, #tpu.memory_space<vmem>>)
      tpu.yield
    }) : () -> ()
    %dma_start3A_132 = arith.constant 0 : i32
    %dma_start3A_133 = arith.constant 0 : i32
    %dma_start3A_134 = tpu.memref_slice %arg9[%dma_start3A_132, %dma_start3A_133] : memref<320x128xf32, #tpu.memory_space<vmem>> -> memref<80x128xf32, #tpu.memory_space<vmem>>
    %dma_start3A_135 = arith.constant 0 : i32
    %dma_start3A_136 = tpu.memref_slice %arg7[%dma_start3A_135] : memref<320xi32, #tpu.memory_space<vmem>> -> memref<80xi32, #tpu.memory_space<vmem>>
    %dma_start3A_137 = arith.constant 0 : i32
    %dma_start3A_138 = arith.constant 0 : i32
    %dma_start3A_139 = tpu.memref_slice %arg2[%dma_start3A_137, %dma_start3A_138] : memref<10240x128xf32, #tpu.memory_space<hbm>> -> memref<10240x128xf32, #tpu.memory_space<hbm>>
    tpu.enqueue_indirect_dma source(%dma_start3A_139 : memref<10240x128xf32, #tpu.memory_space<hbm>>) target(%dma_start3A_134 : memref<80x128xf32, #tpu.memory_space<vmem>>) offsets(%dma_start3A_136 : memref<80xi32, #tpu.memory_space<vmem>>) semaphore(%arg13 : memref<!tpu.dma_semaphore, #tpu.memory_space<semaphore_mem>>)
    %dma_wait3A_140 = arith.constant 0 : i32
    %dma_wait3A_141 = arith.constant 0 : i32
    %dma_wait3A_142 = tpu.memref_slice %arg9[%dma_wait3A_140, %dma_wait3A_141] : memref<320x128xf32, #tpu.memory_space<vmem>> -> memref<80x128xf32, #tpu.memory_space<vmem>>
    %dma_wait3A_143 = arith.constant 0 : i32
    %dma_wait3A_144 = tpu.memref_slice %arg7[%dma_wait3A_143] : memref<320xi32, #tpu.memory_space<vmem>> -> memref<80xi32, #tpu.memory_space<vmem>>
    %dma_wait3A_145 = arith.constant 0 : i32
    %dma_wait3A_146 = arith.constant 0 : i32
    %dma_wait3A_147 = tpu.memref_slice %arg2[%dma_wait3A_145, %dma_wait3A_146] : memref<10240x128xf32, #tpu.memory_space<hbm>> -> memref<10240x128xf32, #tpu.memory_space<hbm>>
    tpu.wait_indirect_dma semaphore(%arg13 : memref<!tpu.dma_semaphore, #tpu.memory_space<semaphore_mem>>) src(%dma_wait3A_147 : memref<10240x128xf32, #tpu.memory_space<hbm>>) dst(%dma_wait3A_142 : memref<80x128xf32, #tpu.memory_space<vmem>>)
    %run_scoped3A_148 = arith.constant 0 : i32
    "tpu.region"() ({
      %run_scoped3A_156 = tpu.sem_alloc : memref<!tpu.dma_semaphore, #tpu.memory_space<semaphore_mem>>
      %dma_start3A_157 = arith.constant 0 : i32
      %dma_start3A_158 = arith.constant 0 : i32
      %dma_start3A_159 = tpu.memref_slice %arg9[%dma_start3A_157, %dma_start3A_158] : memref<320x128xf32, #tpu.memory_space<vmem>> -> memref<80x128xf32, #tpu.memory_space<vmem>>
      %dma_start3A_160 = arith.constant 0 : i32
      %dma_start3A_161 = tpu.memref_slice %arg8[%run_scoped3A_148, %dma_start3A_160] : memref<4x80xi32, #tpu.memory_space<vmem>> -> memref<1x80xi32, #tpu.memory_space<vmem>>
      %dma_start3A_162 = tpu.memref_squeeze %dma_start3A_161 : memref<1x80xi32, #tpu.memory_space<vmem>> -> memref<80xi32, #tpu.memory_space<vmem>>
      %dma_start3A_163 = arith.constant 0 : i32
      %dma_start3A_164 = arith.constant 0 : i32
      %dma_start3A_165 = tpu.memref_slice %arg10[%dma_start3A_163, %dma_start3A_164] : memref<10240x128xf32, #tpu.memory_space<vmem_shared>> -> memref<10240x128xf32, #tpu.memory_space<vmem_shared>>
      tpu.enqueue_indirect_dma source(%dma_start3A_159 : memref<80x128xf32, #tpu.memory_space<vmem>>) target(%dma_start3A_165 : memref<10240x128xf32, #tpu.memory_space<vmem_shared>>) offsets(%dma_start3A_162 : memref<80xi32, #tpu.memory_space<vmem>>) semaphore(%run_scoped3A_156 : memref<!tpu.dma_semaphore, #tpu.memory_space<semaphore_mem>>) {add = true}
      %dma_wait3A_166 = arith.constant 0 : i32
      %dma_wait3A_167 = arith.constant 0 : i32
      %dma_wait3A_168 = tpu.memref_slice %arg9[%dma_wait3A_166, %dma_wait3A_167] : memref<320x128xf32, #tpu.memory_space<vmem>> -> memref<80x128xf32, #tpu.memory_space<vmem>>
      %dma_wait3A_169 = arith.constant 0 : i32
      %dma_wait3A_170 = tpu.memref_slice %arg8[%run_scoped3A_148, %dma_wait3A_169] : memref<4x80xi32, #tpu.memory_space<vmem>> -> memref<1x80xi32, #tpu.memory_space<vmem>>
      %dma_wait3A_171 = tpu.memref_squeeze %dma_wait3A_170 : memref<1x80xi32, #tpu.memory_space<vmem>> -> memref<80xi32, #tpu.memory_space<vmem>>
      %dma_wait3A_172 = arith.constant 0 : i32
      %dma_wait3A_173 = arith.constant 0 : i32
      %dma_wait3A_174 = tpu.memref_slice %arg10[%dma_wait3A_172, %dma_wait3A_173] : memref<10240x128xf32, #tpu.memory_space<vmem_shared>> -> memref<10240x128xf32, #tpu.memory_space<vmem_shared>>
      tpu.wait_indirect_dma semaphore(%run_scoped3A_156 : memref<!tpu.dma_semaphore, #tpu.memory_space<semaphore_mem>>) src(%dma_wait3A_168 : memref<80x128xf32, #tpu.memory_space<vmem>>) dst(%dma_wait3A_174 : memref<10240x128xf32, #tpu.memory_space<vmem_shared>>)
      tpu.yield
    }) : () -> ()
    %barrier3A_149 = arith.constant 0 : index
    tpu.barrier barrier_id(%barrier3A_149)
    %mul3A_150 = arith.constant 10240 : i32
    %mul3A_151 = arith.muli %arg0, %mul3A_150 : i32
    %mul3A_152 = arith.constant 640 : i32
    %mul3A_153 = arith.muli %arg1, %mul3A_152 : i32
    %add3A_154 = arith.addi %mul3A_151, %mul3A_153 : i32
    %multiple_of3A_155 = tpu.assume_multiple %add3A_154, 8 : i32
    "tpu.region"() ({
      %run_scoped3A_156 = tpu.sem_alloc : memref<!tpu.dma_semaphore, #tpu.memory_space<semaphore_mem>>
      %dma_start3A_157 = arith.constant 0 : i32
      %dma_start3A_158 = tpu.memref_slice %arg6[%multiple_of3A_155, %dma_start3A_157] : memref<20480x128xf32, #tpu.memory_space<hbm>> -> memref<640x128xf32, #tpu.memory_space<hbm>>
      %dma_start3A_159 = arith.constant 0 : i32
      %dma_start3A_160 = tpu.memref_slice %arg10[%multiple_of3A, %dma_start3A_159] : memref<10240x128xf32, #tpu.memory_space<vmem_shared>> -> memref<640x128xf32, #tpu.memory_space<vmem_shared>>
      tpu.enqueue_dma source(%dma_start3A_160 : memref<640x128xf32, #tpu.memory_space<vmem_shared>>) target(%dma_start3A_158 : memref<640x128xf32, #tpu.memory_space<hbm>>) target_semaphore(%run_scoped3A_156 : memref<!tpu.dma_semaphore, #tpu.memory_space<semaphore_mem>>)
      %dma_wait3A_161 = arith.constant 0 : i32
      %dma_wait3A_162 = tpu.memref_slice %arg6[%multiple_of3A_155, %dma_wait3A_161] : memref<20480x128xf32, #tpu.memory_space<hbm>> -> memref<640x128xf32, #tpu.memory_space<hbm>>
      %dma_wait3A_163 = arith.constant 0 : i32
      %dma_wait3A_164 = tpu.memref_slice %arg10[%multiple_of3A, %dma_wait3A_163] : memref<10240x128xf32, #tpu.memory_space<vmem_shared>> -> memref<640x128xf32, #tpu.memory_space<vmem_shared>>
      tpu.wait_dma2 semaphore(%run_scoped3A_156 : memref<!tpu.dma_semaphore, #tpu.memory_space<semaphore_mem>>) src(%dma_wait3A_164 : memref<640x128xf32, #tpu.memory_space<vmem_shared>>) dst(%dma_wait3A_162 : memref<640x128xf32, #tpu.memory_space<hbm>>)
      tpu.yield
    }) : () -> ()
    return
  }
}

#map = affine_map<(d0, d1) -> (0)>
#map1 = affine_map<(d0, d1) -> (0, 0)>
module attributes {stable_mosaic.version = 14 : i64} {
  func.func @_deg_call(%arg0: i32, %arg1: i32, %arg2: memref<320000xi32, #tpu.memory_space<hbm>>, %arg3: memref<80x128xf32, #tpu.memory_space<hbm>>, %arg4: memref<10240x128xf32, #tpu.memory_space<hbm>>, %arg5: memref<20480x128xf32, #tpu.memory_space<hbm>>, %arg6: memref<8x80xi32, #tpu.memory_space<vmem>>, %arg7: memref<80x128xf32, #tpu.memory_space<vmem>>, %arg8: memref<10240x128xf32, #tpu.memory_space<vmem_shared>>, %arg9: memref<!tpu.dma_semaphore, #tpu.memory_space<semaphore_mem>>, %arg10: memref<!tpu.dma_semaphore, #tpu.memory_space<semaphore_mem>>, %arg11: memref<!tpu.dma_semaphore, #tpu.memory_space<semaphore_mem>>, %arg12: memref<!tpu.dma_semaphore, #tpu.memory_space<semaphore_mem>>, %arg13: memref<!tpu.dma_semaphore, #tpu.memory_space<semaphore_mem>>, %arg14: memref<!tpu.dma_semaphore, #tpu.memory_space<semaphore_mem>>, %arg15: memref<!tpu.dma_semaphore, #tpu.memory_space<semaphore_mem>>, %arg16: memref<!tpu.dma_semaphore, #tpu.memory_space<semaphore_mem>>, %arg17: memref<!tpu.dma_semaphore, #tpu.memory_space<semaphore_mem>>) attributes {dimension_semantics = [#tpu.dimension_semantics<core_parallel>, #tpu.dimension_semantics<subcore_parallel>], iteration_bounds = array<i64: 2, 16>, scalar_prefetch = 0 : i64, scratch_operands = 12 : i64, tpu.core_type = #tpu.core_type<sc_vector_subcore>, window_params = [{transform_indices = #map}, {transform_indices = #map1}, {transform_indices = #map1}, {transform_indices = #map1}]} {
    %mul3A = arith.constant 2 : i32
    %mul3A_0 = arith.muli %arg1, %mul3A : i32
    %add3A = arith.addi %mul3A_0, %arg0 : i32
    %mul3A_1 = arith.constant 640 : i32
    %mul3A_2 = arith.muli %arg1, %mul3A_1 : i32
    %multiple_of3A = tpu.assume_multiple %mul3A_2, 8 : i32
    "tpu.region"() ({
      %run_scoped3A_104 = tpu.sem_alloc : memref<!tpu.dma_semaphore, #tpu.memory_space<semaphore_mem>>
      tpu.enqueue_dma source(%arg3 : memref<80x128xf32, #tpu.memory_space<hbm>>) target(%arg7 : memref<80x128xf32, #tpu.memory_space<vmem>>) target_semaphore(%run_scoped3A_104 : memref<!tpu.dma_semaphore, #tpu.memory_space<semaphore_mem>>)
      tpu.wait_dma2 semaphore(%run_scoped3A_104 : memref<!tpu.dma_semaphore, #tpu.memory_space<semaphore_mem>>) src(%arg3 : memref<80x128xf32, #tpu.memory_space<hbm>>) dst(%arg7 : memref<80x128xf32, #tpu.memory_space<vmem>>)
      tpu.yield
    }) : () -> ()
    "tpu.region"() ({
      %run_scoped3A_104 = tpu.sem_alloc : memref<!tpu.dma_semaphore, #tpu.memory_space<semaphore_mem>>
      %dma_start3A = arith.constant 0 : i32
      %dma_start3A_105 = tpu.memref_slice %arg8[%multiple_of3A, %dma_start3A] : memref<10240x128xf32, #tpu.memory_space<vmem_shared>> -> memref<640x128xf32, #tpu.memory_space<vmem_shared>>
      %dma_start3A_106 = arith.constant 0 : i32
      %dma_start3A_107 = tpu.memref_slice %arg4[%multiple_of3A, %dma_start3A_106] : memref<10240x128xf32, #tpu.memory_space<hbm>> -> memref<640x128xf32, #tpu.memory_space<hbm>>
      tpu.enqueue_dma source(%dma_start3A_107 : memref<640x128xf32, #tpu.memory_space<hbm>>) target(%dma_start3A_105 : memref<640x128xf32, #tpu.memory_space<vmem_shared>>) target_semaphore(%run_scoped3A_104 : memref<!tpu.dma_semaphore, #tpu.memory_space<semaphore_mem>>)
      %dma_wait3A_108 = arith.constant 0 : i32
      %dma_wait3A_109 = tpu.memref_slice %arg8[%multiple_of3A, %dma_wait3A_108] : memref<10240x128xf32, #tpu.memory_space<vmem_shared>> -> memref<640x128xf32, #tpu.memory_space<vmem_shared>>
      %dma_wait3A_110 = arith.constant 0 : i32
      %dma_wait3A_111 = tpu.memref_slice %arg4[%multiple_of3A, %dma_wait3A_110] : memref<10240x128xf32, #tpu.memory_space<hbm>> -> memref<640x128xf32, #tpu.memory_space<hbm>>
      tpu.wait_dma2 semaphore(%run_scoped3A_104 : memref<!tpu.dma_semaphore, #tpu.memory_space<semaphore_mem>>) src(%dma_wait3A_111 : memref<640x128xf32, #tpu.memory_space<hbm>>) dst(%dma_wait3A_109 : memref<640x128xf32, #tpu.memory_space<vmem_shared>>)
      tpu.yield
    }) : () -> ()
    %barrier3A = arith.constant 0 : index
    tpu.barrier barrier_id(%barrier3A)
    %scan3A = arith.constant 0 : i32
    %scan3A_3 = arith.constant 0 : i32
    %scan3A_4 = arith.constant 15 : i32
    %scan3A_5 = arith.addi %scan3A_3, %scan3A_4 : i32
    %scan3A_6 = arith.constant 1 : i32
    scf.for %scan3A_104 = %scan3A_3 to %scan3A_5 step %scan3A_6  : i32 {
      %gt3A = arith.constant 0 : i32
      %gt3A_105 = arith.cmpi sgt, %scan3A_104, %gt3A : i32
      %convert_element_type3A = arith.extui %gt3A_105 : i1 to i32
      %cond3A = arith.constant 0 : i32
      %cond3A_106 = arith.cmpi ne, %convert_element_type3A, %cond3A : i32
      scf.if %cond3A_106 {
        %dma_wait3A_335 = arith.constant 0 : i32
        %dma_wait3A_336 = arith.constant 0 : i32
        %dma_wait3A_337 = tpu.memref_slice %arg6[%dma_wait3A_335, %dma_wait3A_336] : memref<8x80xi32, #tpu.memory_space<vmem>> -> memref<1x80xi32, #tpu.memory_space<vmem>>
        %dma_wait3A_338 = tpu.memref_squeeze %dma_wait3A_337 : memref<1x80xi32, #tpu.memory_space<vmem>> -> memref<80xi32, #tpu.memory_space<vmem>>
        %dma_wait3A_339 = arith.constant 0 : i32
        %dma_wait3A_340 = arith.constant 0 : i32
        %dma_wait3A_341 = tpu.memref_slice %arg8[%dma_wait3A_339, %dma_wait3A_340] : memref<10240x128xf32, #tpu.memory_space<vmem_shared>> -> memref<10240x128xf32, #tpu.memory_space<vmem_shared>>
        tpu.wait_indirect_dma semaphore(%arg17 : memref<!tpu.dma_semaphore, #tpu.memory_space<semaphore_mem>>) src(%arg7 : memref<80x128xf32, #tpu.memory_space<vmem>>) dst(%dma_wait3A_341 : memref<10240x128xf32, #tpu.memory_space<vmem_shared>>)
        %dma_wait3A_342 = arith.constant 1 : i32
        %dma_wait3A_343 = arith.constant 0 : i32
        %dma_wait3A_344 = tpu.memref_slice %arg6[%dma_wait3A_342, %dma_wait3A_343] : memref<8x80xi32, #tpu.memory_space<vmem>> -> memref<1x80xi32, #tpu.memory_space<vmem>>
        %dma_wait3A_345 = tpu.memref_squeeze %dma_wait3A_344 : memref<1x80xi32, #tpu.memory_space<vmem>> -> memref<80xi32, #tpu.memory_space<vmem>>
        %dma_wait3A_346 = arith.constant 0 : i32
        %dma_wait3A_347 = arith.constant 0 : i32
        %dma_wait3A_348 = tpu.memref_slice %arg8[%dma_wait3A_346, %dma_wait3A_347] : memref<10240x128xf32, #tpu.memory_space<vmem_shared>> -> memref<10240x128xf32, #tpu.memory_space<vmem_shared>>
        tpu.wait_indirect_dma semaphore(%arg17 : memref<!tpu.dma_semaphore, #tpu.memory_space<semaphore_mem>>) src(%arg7 : memref<80x128xf32, #tpu.memory_space<vmem>>) dst(%dma_wait3A_348 : memref<10240x128xf32, #tpu.memory_space<vmem_shared>>)
        %dma_wait3A_349 = arith.constant 2 : i32
        %dma_wait3A_350 = arith.constant 0 : i32
        %dma_wait3A_351 = tpu.memref_slice %arg6[%dma_wait3A_349, %dma_wait3A_350] : memref<8x80xi32, #tpu.memory_space<vmem>> -> memref<1x80xi32, #tpu.memory_space<vmem>>
        %dma_wait3A_352 = tpu.memref_squeeze %dma_wait3A_351 : memref<1x80xi32, #tpu.memory_space<vmem>> -> memref<80xi32, #tpu.memory_space<vmem>>
        %dma_wait3A_353 = arith.constant 0 : i32
        %dma_wait3A_354 = arith.constant 0 : i32
        %dma_wait3A_355 = tpu.memref_slice %arg8[%dma_wait3A_353, %dma_wait3A_354] : memref<10240x128xf32, #tpu.memory_space<vmem_shared>> -> memref<10240x128xf32, #tpu.memory_space<vmem_shared>>
        tpu.wait_indirect_dma semaphore(%arg17 : memref<!tpu.dma_semaphore, #tpu.memory_space<semaphore_mem>>) src(%arg7 : memref<80x128xf32, #tpu.memory_space<vmem>>) dst(%dma_wait3A_355 : memref<10240x128xf32, #tpu.memory_space<vmem_shared>>)
        %dma_wait3A_356 = arith.constant 3 : i32
        %dma_wait3A_357 = arith.constant 0 : i32
        %dma_wait3A_358 = tpu.memref_slice %arg6[%dma_wait3A_356, %dma_wait3A_357] : memref<8x80xi32, #tpu.memory_space<vmem>> -> memref<1x80xi32, #tpu.memory_space<vmem>>
        %dma_wait3A_359 = tpu.memref_squeeze %dma_wait3A_358 : memref<1x80xi32, #tpu.memory_space<vmem>> -> memref<80xi32, #tpu.memory_space<vmem>>
        %dma_wait3A_360 = arith.constant 0 : i32
        %dma_wait3A_361 = arith.constant 0 : i32
        %dma_wait3A_362 = tpu.memref_slice %arg8[%dma_wait3A_360, %dma_wait3A_361] : memref<10240x128xf32, #tpu.memory_space<vmem_shared>> -> memref<10240x128xf32, #tpu.memory_space<vmem_shared>>
        tpu.wait_indirect_dma semaphore(%arg17 : memref<!tpu.dma_semaphore, #tpu.memory_space<semaphore_mem>>) src(%arg7 : memref<80x128xf32, #tpu.memory_space<vmem>>) dst(%dma_wait3A_362 : memref<10240x128xf32, #tpu.memory_space<vmem_shared>>)
        %dma_wait3A_363 = arith.constant 4 : i32
        %dma_wait3A_364 = arith.constant 0 : i32
        %dma_wait3A_365 = tpu.memref_slice %arg6[%dma_wait3A_363, %dma_wait3A_364] : memref<8x80xi32, #tpu.memory_space<vmem>> -> memref<1x80xi32, #tpu.memory_space<vmem>>
        %dma_wait3A_366 = tpu.memref_squeeze %dma_wait3A_365 : memref<1x80xi32, #tpu.memory_space<vmem>> -> memref<80xi32, #tpu.memory_space<vmem>>
        %dma_wait3A_367 = arith.constant 0 : i32
        %dma_wait3A_368 = arith.constant 0 : i32
        %dma_wait3A_369 = tpu.memref_slice %arg8[%dma_wait3A_367, %dma_wait3A_368] : memref<10240x128xf32, #tpu.memory_space<vmem_shared>> -> memref<10240x128xf32, #tpu.memory_space<vmem_shared>>
        tpu.wait_indirect_dma semaphore(%arg17 : memref<!tpu.dma_semaphore, #tpu.memory_space<semaphore_mem>>) src(%arg7 : memref<80x128xf32, #tpu.memory_space<vmem>>) dst(%dma_wait3A_369 : memref<10240x128xf32, #tpu.memory_space<vmem_shared>>)
        %dma_wait3A_370 = arith.constant 5 : i32
        %dma_wait3A_371 = arith.constant 0 : i32
        %dma_wait3A_372 = tpu.memref_slice %arg6[%dma_wait3A_370, %dma_wait3A_371] : memref<8x80xi32, #tpu.memory_space<vmem>> -> memref<1x80xi32, #tpu.memory_space<vmem>>
        %dma_wait3A_373 = tpu.memref_squeeze %dma_wait3A_372 : memref<1x80xi32, #tpu.memory_space<vmem>> -> memref<80xi32, #tpu.memory_space<vmem>>
        %dma_wait3A_374 = arith.constant 0 : i32
        %dma_wait3A_375 = arith.constant 0 : i32
        %dma_wait3A_376 = tpu.memref_slice %arg8[%dma_wait3A_374, %dma_wait3A_375] : memref<10240x128xf32, #tpu.memory_space<vmem_shared>> -> memref<10240x128xf32, #tpu.memory_space<vmem_shared>>
        tpu.wait_indirect_dma semaphore(%arg17 : memref<!tpu.dma_semaphore, #tpu.memory_space<semaphore_mem>>) src(%arg7 : memref<80x128xf32, #tpu.memory_space<vmem>>) dst(%dma_wait3A_376 : memref<10240x128xf32, #tpu.memory_space<vmem_shared>>)
        %dma_wait3A_377 = arith.constant 6 : i32
        %dma_wait3A_378 = arith.constant 0 : i32
        %dma_wait3A_379 = tpu.memref_slice %arg6[%dma_wait3A_377, %dma_wait3A_378] : memref<8x80xi32, #tpu.memory_space<vmem>> -> memref<1x80xi32, #tpu.memory_space<vmem>>
        %dma_wait3A_380 = tpu.memref_squeeze %dma_wait3A_379 : memref<1x80xi32, #tpu.memory_space<vmem>> -> memref<80xi32, #tpu.memory_space<vmem>>
        %dma_wait3A_381 = arith.constant 0 : i32
        %dma_wait3A_382 = arith.constant 0 : i32
        %dma_wait3A_383 = tpu.memref_slice %arg8[%dma_wait3A_381, %dma_wait3A_382] : memref<10240x128xf32, #tpu.memory_space<vmem_shared>> -> memref<10240x128xf32, #tpu.memory_space<vmem_shared>>
        tpu.wait_indirect_dma semaphore(%arg17 : memref<!tpu.dma_semaphore, #tpu.memory_space<semaphore_mem>>) src(%arg7 : memref<80x128xf32, #tpu.memory_space<vmem>>) dst(%dma_wait3A_383 : memref<10240x128xf32, #tpu.memory_space<vmem_shared>>)
        %dma_wait3A_384 = arith.constant 7 : i32
        %dma_wait3A_385 = arith.constant 0 : i32
        %dma_wait3A_386 = tpu.memref_slice %arg6[%dma_wait3A_384, %dma_wait3A_385] : memref<8x80xi32, #tpu.memory_space<vmem>> -> memref<1x80xi32, #tpu.memory_space<vmem>>
        %dma_wait3A_387 = tpu.memref_squeeze %dma_wait3A_386 : memref<1x80xi32, #tpu.memory_space<vmem>> -> memref<80xi32, #tpu.memory_space<vmem>>
        %dma_wait3A_388 = arith.constant 0 : i32
        %dma_wait3A_389 = arith.constant 0 : i32
        %dma_wait3A_390 = tpu.memref_slice %arg8[%dma_wait3A_388, %dma_wait3A_389] : memref<10240x128xf32, #tpu.memory_space<vmem_shared>> -> memref<10240x128xf32, #tpu.memory_space<vmem_shared>>
        tpu.wait_indirect_dma semaphore(%arg17 : memref<!tpu.dma_semaphore, #tpu.memory_space<semaphore_mem>>) src(%arg7 : memref<80x128xf32, #tpu.memory_space<vmem>>) dst(%dma_wait3A_390 : memref<10240x128xf32, #tpu.memory_space<vmem_shared>>)
      } else {
      }
      %mul3A_107 = arith.constant 10000 : i32
      %mul3A_108 = arith.muli %add3A, %mul3A_107 : i32
      %mul3A_109 = arith.constant 640 : i32
      %mul3A_110 = arith.muli %scan3A_104, %mul3A_109 : i32
      %add3A_111 = arith.addi %mul3A_108, %mul3A_110 : i32
      %add3A_112 = arith.constant 0 : i32
      %add3A_113 = arith.addi %add3A_111, %add3A_112 : i32
      %multiple_of3A_114 = tpu.assume_multiple %add3A_113, 8 : i32
      %dma_start3A = arith.constant 0 : i32
      %dma_start3A_115 = arith.constant 0 : i32
      %dma_start3A_116 = tpu.memref_slice %arg6[%dma_start3A, %dma_start3A_115] : memref<8x80xi32, #tpu.memory_space<vmem>> -> memref<1x80xi32, #tpu.memory_space<vmem>>
      %dma_start3A_117 = tpu.memref_squeeze %dma_start3A_116 : memref<1x80xi32, #tpu.memory_space<vmem>> -> memref<80xi32, #tpu.memory_space<vmem>>
      %dma_start3A_118 = tpu.memref_slice %arg2[%multiple_of3A_114] : memref<320000xi32, #tpu.memory_space<hbm>> -> memref<80xi32, #tpu.memory_space<hbm>>
      %dma_start3A_119 = arith.constant 0 : i32
      %dma_start3A_120 = tpu.memref_slice %arg6[%dma_start3A, %dma_start3A_119] : memref<8x80xi32, #tpu.memory_space<vmem>> -> memref<1x80xi32, #tpu.memory_space<vmem>>
      %dma_start3A_121 = tpu.memref_squeeze %dma_start3A_120 : memref<1x80xi32, #tpu.memory_space<vmem>> -> memref<80xi32, #tpu.memory_space<vmem>>
      %dma_start3A_122 = tpu.memref_slice %arg2[%multiple_of3A_114] : memref<320000xi32, #tpu.memory_space<hbm>> -> memref<80xi32, #tpu.memory_space<hbm>>
      tpu.enqueue_dma source(%dma_start3A_122 : memref<80xi32, #tpu.memory_space<hbm>>) target(%dma_start3A_121 : memref<80xi32, #tpu.memory_space<vmem>>) target_semaphore(%arg9 : memref<!tpu.dma_semaphore, #tpu.memory_space<semaphore_mem>>)
      %add3A_123 = arith.constant 80 : i32
      %add3A_124 = arith.addi %add3A_111, %add3A_123 : i32
      %multiple_of3A_125 = tpu.assume_multiple %add3A_124, 8 : i32
      %dma_start3A_126 = arith.constant 1 : i32
      %dma_start3A_127 = arith.constant 0 : i32
      %dma_start3A_128 = tpu.memref_slice %arg6[%dma_start3A_126, %dma_start3A_127] : memref<8x80xi32, #tpu.memory_space<vmem>> -> memref<1x80xi32, #tpu.memory_space<vmem>>
      %dma_start3A_129 = tpu.memref_squeeze %dma_start3A_128 : memref<1x80xi32, #tpu.memory_space<vmem>> -> memref<80xi32, #tpu.memory_space<vmem>>
      %dma_start3A_130 = tpu.memref_slice %arg2[%multiple_of3A_125] : memref<320000xi32, #tpu.memory_space<hbm>> -> memref<80xi32, #tpu.memory_space<hbm>>
      %dma_start3A_131 = arith.constant 0 : i32
      %dma_start3A_132 = tpu.memref_slice %arg6[%dma_start3A_126, %dma_start3A_131] : memref<8x80xi32, #tpu.memory_space<vmem>> -> memref<1x80xi32, #tpu.memory_space<vmem>>
      %dma_start3A_133 = tpu.memref_squeeze %dma_start3A_132 : memref<1x80xi32, #tpu.memory_space<vmem>> -> memref<80xi32, #tpu.memory_space<vmem>>
      %dma_start3A_134 = tpu.memref_slice %arg2[%multiple_of3A_125] : memref<320000xi32, #tpu.memory_space<hbm>> -> memref<80xi32, #tpu.memory_space<hbm>>
      tpu.enqueue_dma source(%dma_start3A_134 : memref<80xi32, #tpu.memory_space<hbm>>) target(%dma_start3A_133 : memref<80xi32, #tpu.memory_space<vmem>>) target_semaphore(%arg10 : memref<!tpu.dma_semaphore, #tpu.memory_space<semaphore_mem>>)
      %add3A_135 = arith.constant 160 : i32
      %add3A_136 = arith.addi %add3A_111, %add3A_135 : i32
      %multiple_of3A_137 = tpu.assume_multiple %add3A_136, 8 : i32
      %dma_start3A_138 = arith.constant 2 : i32
      %dma_start3A_139 = arith.constant 0 : i32
      %dma_start3A_140 = tpu.memref_slice %arg6[%dma_start3A_138, %dma_start3A_139] : memref<8x80xi32, #tpu.memory_space<vmem>> -> memref<1x80xi32, #tpu.memory_space<vmem>>
      %dma_start3A_141 = tpu.memref_squeeze %dma_start3A_140 : memref<1x80xi32, #tpu.memory_space<vmem>> -> memref<80xi32, #tpu.memory_space<vmem>>
      %dma_start3A_142 = tpu.memref_slice %arg2[%multiple_of3A_137] : memref<320000xi32, #tpu.memory_space<hbm>> -> memref<80xi32, #tpu.memory_space<hbm>>
      %dma_start3A_143 = arith.constant 0 : i32
      %dma_start3A_144 = tpu.memref_slice %arg6[%dma_start3A_138, %dma_start3A_143] : memref<8x80xi32, #tpu.memory_space<vmem>> -> memref<1x80xi32, #tpu.memory_space<vmem>>
      %dma_start3A_145 = tpu.memref_squeeze %dma_start3A_144 : memref<1x80xi32, #tpu.memory_space<vmem>> -> memref<80xi32, #tpu.memory_space<vmem>>
      %dma_start3A_146 = tpu.memref_slice %arg2[%multiple_of3A_137] : memref<320000xi32, #tpu.memory_space<hbm>> -> memref<80xi32, #tpu.memory_space<hbm>>
      tpu.enqueue_dma source(%dma_start3A_146 : memref<80xi32, #tpu.memory_space<hbm>>) target(%dma_start3A_145 : memref<80xi32, #tpu.memory_space<vmem>>) target_semaphore(%arg11 : memref<!tpu.dma_semaphore, #tpu.memory_space<semaphore_mem>>)
      %add3A_147 = arith.constant 240 : i32
      %add3A_148 = arith.addi %add3A_111, %add3A_147 : i32
      %multiple_of3A_149 = tpu.assume_multiple %add3A_148, 8 : i32
      %dma_start3A_150 = arith.constant 3 : i32
      %dma_start3A_151 = arith.constant 0 : i32
      %dma_start3A_152 = tpu.memref_slice %arg6[%dma_start3A_150, %dma_start3A_151] : memref<8x80xi32, #tpu.memory_space<vmem>> -> memref<1x80xi32, #tpu.memory_space<vmem>>
      %dma_start3A_153 = tpu.memref_squeeze %dma_start3A_152 : memref<1x80xi32, #tpu.memory_space<vmem>> -> memref<80xi32, #tpu.memory_space<vmem>>
      %dma_start3A_154 = tpu.memref_slice %arg2[%multiple_of3A_149] : memref<320000xi32, #tpu.memory_space<hbm>> -> memref<80xi32, #tpu.memory_space<hbm>>
      %dma_start3A_155 = arith.constant 0 : i32
      %dma_start3A_156 = tpu.memref_slice %arg6[%dma_start3A_150, %dma_start3A_155] : memref<8x80xi32, #tpu.memory_space<vmem>> -> memref<1x80xi32, #tpu.memory_space<vmem>>
      %dma_start3A_157 = tpu.memref_squeeze %dma_start3A_156 : memref<1x80xi32, #tpu.memory_space<vmem>> -> memref<80xi32, #tpu.memory_space<vmem>>
      %dma_start3A_158 = tpu.memref_slice %arg2[%multiple_of3A_149] : memref<320000xi32, #tpu.memory_space<hbm>> -> memref<80xi32, #tpu.memory_space<hbm>>
      tpu.enqueue_dma source(%dma_start3A_158 : memref<80xi32, #tpu.memory_space<hbm>>) target(%dma_start3A_157 : memref<80xi32, #tpu.memory_space<vmem>>) target_semaphore(%arg12 : memref<!tpu.dma_semaphore, #tpu.memory_space<semaphore_mem>>)
      %add3A_159 = arith.constant 320 : i32
      %add3A_160 = arith.addi %add3A_111, %add3A_159 : i32
      %multiple_of3A_161 = tpu.assume_multiple %add3A_160, 8 : i32
      %dma_start3A_162 = arith.constant 4 : i32
      %dma_start3A_163 = arith.constant 0 : i32
      %dma_start3A_164 = tpu.memref_slice %arg6[%dma_start3A_162, %dma_start3A_163] : memref<8x80xi32, #tpu.memory_space<vmem>> -> memref<1x80xi32, #tpu.memory_space<vmem>>
      %dma_start3A_165 = tpu.memref_squeeze %dma_start3A_164 : memref<1x80xi32, #tpu.memory_space<vmem>> -> memref<80xi32, #tpu.memory_space<vmem>>
      %dma_start3A_166 = tpu.memref_slice %arg2[%multiple_of3A_161] : memref<320000xi32, #tpu.memory_space<hbm>> -> memref<80xi32, #tpu.memory_space<hbm>>
      %dma_start3A_167 = arith.constant 0 : i32
      %dma_start3A_168 = tpu.memref_slice %arg6[%dma_start3A_162, %dma_start3A_167] : memref<8x80xi32, #tpu.memory_space<vmem>> -> memref<1x80xi32, #tpu.memory_space<vmem>>
      %dma_start3A_169 = tpu.memref_squeeze %dma_start3A_168 : memref<1x80xi32, #tpu.memory_space<vmem>> -> memref<80xi32, #tpu.memory_space<vmem>>
      %dma_start3A_170 = tpu.memref_slice %arg2[%multiple_of3A_161] : memref<320000xi32, #tpu.memory_space<hbm>> -> memref<80xi32, #tpu.memory_space<hbm>>
      tpu.enqueue_dma source(%dma_start3A_170 : memref<80xi32, #tpu.memory_space<hbm>>) target(%dma_start3A_169 : memref<80xi32, #tpu.memory_space<vmem>>) target_semaphore(%arg13 : memref<!tpu.dma_semaphore, #tpu.memory_space<semaphore_mem>>)
      %add3A_171 = arith.constant 400 : i32
      %add3A_172 = arith.addi %add3A_111, %add3A_171 : i32
      %multiple_of3A_173 = tpu.assume_multiple %add3A_172, 8 : i32
      %dma_start3A_174 = arith.constant 5 : i32
      %dma_start3A_175 = arith.constant 0 : i32
      %dma_start3A_176 = tpu.memref_slice %arg6[%dma_start3A_174, %dma_start3A_175] : memref<8x80xi32, #tpu.memory_space<vmem>> -> memref<1x80xi32, #tpu.memory_space<vmem>>
      %dma_start3A_177 = tpu.memref_squeeze %dma_start3A_176 : memref<1x80xi32, #tpu.memory_space<vmem>> -> memref<80xi32, #tpu.memory_space<vmem>>
      %dma_start3A_178 = tpu.memref_slice %arg2[%multiple_of3A_173] : memref<320000xi32, #tpu.memory_space<hbm>> -> memref<80xi32, #tpu.memory_space<hbm>>
      %dma_start3A_179 = arith.constant 0 : i32
      %dma_start3A_180 = tpu.memref_slice %arg6[%dma_start3A_174, %dma_start3A_179] : memref<8x80xi32, #tpu.memory_space<vmem>> -> memref<1x80xi32, #tpu.memory_space<vmem>>
      %dma_start3A_181 = tpu.memref_squeeze %dma_start3A_180 : memref<1x80xi32, #tpu.memory_space<vmem>> -> memref<80xi32, #tpu.memory_space<vmem>>
      %dma_start3A_182 = tpu.memref_slice %arg2[%multiple_of3A_173] : memref<320000xi32, #tpu.memory_space<hbm>> -> memref<80xi32, #tpu.memory_space<hbm>>
      tpu.enqueue_dma source(%dma_start3A_182 : memref<80xi32, #tpu.memory_space<hbm>>) target(%dma_start3A_181 : memref<80xi32, #tpu.memory_space<vmem>>) target_semaphore(%arg14 : memref<!tpu.dma_semaphore, #tpu.memory_space<semaphore_mem>>)
      %add3A_183 = arith.constant 480 : i32
      %add3A_184 = arith.addi %add3A_111, %add3A_183 : i32
      %multiple_of3A_185 = tpu.assume_multiple %add3A_184, 8 : i32
      %dma_start3A_186 = arith.constant 6 : i32
      %dma_start3A_187 = arith.constant 0 : i32
      %dma_start3A_188 = tpu.memref_slice %arg6[%dma_start3A_186, %dma_start3A_187] : memref<8x80xi32, #tpu.memory_space<vmem>> -> memref<1x80xi32, #tpu.memory_space<vmem>>
      %dma_start3A_189 = tpu.memref_squeeze %dma_start3A_188 : memref<1x80xi32, #tpu.memory_space<vmem>> -> memref<80xi32, #tpu.memory_space<vmem>>
      %dma_start3A_190 = tpu.memref_slice %arg2[%multiple_of3A_185] : memref<320000xi32, #tpu.memory_space<hbm>> -> memref<80xi32, #tpu.memory_space<hbm>>
      %dma_start3A_191 = arith.constant 0 : i32
      %dma_start3A_192 = tpu.memref_slice %arg6[%dma_start3A_186, %dma_start3A_191] : memref<8x80xi32, #tpu.memory_space<vmem>> -> memref<1x80xi32, #tpu.memory_space<vmem>>
      %dma_start3A_193 = tpu.memref_squeeze %dma_start3A_192 : memref<1x80xi32, #tpu.memory_space<vmem>> -> memref<80xi32, #tpu.memory_space<vmem>>
      %dma_start3A_194 = tpu.memref_slice %arg2[%multiple_of3A_185] : memref<320000xi32, #tpu.memory_space<hbm>> -> memref<80xi32, #tpu.memory_space<hbm>>
      tpu.enqueue_dma source(%dma_start3A_194 : memref<80xi32, #tpu.memory_space<hbm>>) target(%dma_start3A_193 : memref<80xi32, #tpu.memory_space<vmem>>) target_semaphore(%arg15 : memref<!tpu.dma_semaphore, #tpu.memory_space<semaphore_mem>>)
      %add3A_195 = arith.constant 560 : i32
      %add3A_196 = arith.addi %add3A_111, %add3A_195 : i32
      %multiple_of3A_197 = tpu.assume_multiple %add3A_196, 8 : i32
      %dma_start3A_198 = arith.constant 7 : i32
      %dma_start3A_199 = arith.constant 0 : i32
      %dma_start3A_200 = tpu.memref_slice %arg6[%dma_start3A_198, %dma_start3A_199] : memref<8x80xi32, #tpu.memory_space<vmem>> -> memref<1x80xi32, #tpu.memory_space<vmem>>
      %dma_start3A_201 = tpu.memref_squeeze %dma_start3A_200 : memref<1x80xi32, #tpu.memory_space<vmem>> -> memref<80xi32, #tpu.memory_space<vmem>>
      %dma_start3A_202 = tpu.memref_slice %arg2[%multiple_of3A_197] : memref<320000xi32, #tpu.memory_space<hbm>> -> memref<80xi32, #tpu.memory_space<hbm>>
      %dma_start3A_203 = arith.constant 0 : i32
      %dma_start3A_204 = tpu.memref_slice %arg6[%dma_start3A_198, %dma_start3A_203] : memref<8x80xi32, #tpu.memory_space<vmem>> -> memref<1x80xi32, #tpu.memory_space<vmem>>
      %dma_start3A_205 = tpu.memref_squeeze %dma_start3A_204 : memref<1x80xi32, #tpu.memory_space<vmem>> -> memref<80xi32, #tpu.memory_space<vmem>>
      %dma_start3A_206 = tpu.memref_slice %arg2[%multiple_of3A_197] : memref<320000xi32, #tpu.memory_space<hbm>> -> memref<80xi32, #tpu.memory_space<hbm>>
      tpu.enqueue_dma source(%dma_start3A_206 : memref<80xi32, #tpu.memory_space<hbm>>) target(%dma_start3A_205 : memref<80xi32, #tpu.memory_space<vmem>>) target_semaphore(%arg16 : memref<!tpu.dma_semaphore, #tpu.memory_space<semaphore_mem>>)
      %dma_wait3A_207 = arith.constant 0 : i32
      %dma_wait3A_208 = arith.constant 0 : i32
      %dma_wait3A_209 = tpu.memref_slice %arg6[%dma_wait3A_207, %dma_wait3A_208] : memref<8x80xi32, #tpu.memory_space<vmem>> -> memref<1x80xi32, #tpu.memory_space<vmem>>
      %dma_wait3A_210 = tpu.memref_squeeze %dma_wait3A_209 : memref<1x80xi32, #tpu.memory_space<vmem>> -> memref<80xi32, #tpu.memory_space<vmem>>
      %dma_wait3A_211 = tpu.memref_slice %arg2[%multiple_of3A_114] : memref<320000xi32, #tpu.memory_space<hbm>> -> memref<80xi32, #tpu.memory_space<hbm>>
      %dma_wait3A_212 = arith.constant 0 : i32
      %dma_wait3A_213 = tpu.memref_slice %arg6[%dma_wait3A_207, %dma_wait3A_212] : memref<8x80xi32, #tpu.memory_space<vmem>> -> memref<1x80xi32, #tpu.memory_space<vmem>>
      %dma_wait3A_214 = tpu.memref_squeeze %dma_wait3A_213 : memref<1x80xi32, #tpu.memory_space<vmem>> -> memref<80xi32, #tpu.memory_space<vmem>>
      %dma_wait3A_215 = tpu.memref_slice %arg2[%multiple_of3A_114] : memref<320000xi32, #tpu.memory_space<hbm>> -> memref<80xi32, #tpu.memory_space<hbm>>
      tpu.wait_dma2 semaphore(%arg9 : memref<!tpu.dma_semaphore, #tpu.memory_space<semaphore_mem>>) src(%dma_wait3A_215 : memref<80xi32, #tpu.memory_space<hbm>>) dst(%dma_wait3A_214 : memref<80xi32, #tpu.memory_space<vmem>>)
      %dma_wait3A_216 = arith.constant 1 : i32
      %dma_wait3A_217 = arith.constant 0 : i32
      %dma_wait3A_218 = tpu.memref_slice %arg6[%dma_wait3A_216, %dma_wait3A_217] : memref<8x80xi32, #tpu.memory_space<vmem>> -> memref<1x80xi32, #tpu.memory_space<vmem>>
      %dma_wait3A_219 = tpu.memref_squeeze %dma_wait3A_218 : memref<1x80xi32, #tpu.memory_space<vmem>> -> memref<80xi32, #tpu.memory_space<vmem>>
      %dma_wait3A_220 = tpu.memref_slice %arg2[%multiple_of3A_125] : memref<320000xi32, #tpu.memory_space<hbm>> -> memref<80xi32, #tpu.memory_space<hbm>>
      %dma_wait3A_221 = arith.constant 0 : i32
      %dma_wait3A_222 = tpu.memref_slice %arg6[%dma_wait3A_216, %dma_wait3A_221] : memref<8x80xi32, #tpu.memory_space<vmem>> -> memref<1x80xi32, #tpu.memory_space<vmem>>
      %dma_wait3A_223 = tpu.memref_squeeze %dma_wait3A_222 : memref<1x80xi32, #tpu.memory_space<vmem>> -> memref<80xi32, #tpu.memory_space<vmem>>
      %dma_wait3A_224 = tpu.memref_slice %arg2[%multiple_of3A_125] : memref<320000xi32, #tpu.memory_space<hbm>> -> memref<80xi32, #tpu.memory_space<hbm>>
      tpu.wait_dma2 semaphore(%arg10 : memref<!tpu.dma_semaphore, #tpu.memory_space<semaphore_mem>>) src(%dma_wait3A_224 : memref<80xi32, #tpu.memory_space<hbm>>) dst(%dma_wait3A_223 : memref<80xi32, #tpu.memory_space<vmem>>)
      %dma_wait3A_225 = arith.constant 2 : i32
      %dma_wait3A_226 = arith.constant 0 : i32
      %dma_wait3A_227 = tpu.memref_slice %arg6[%dma_wait3A_225, %dma_wait3A_226] : memref<8x80xi32, #tpu.memory_space<vmem>> -> memref<1x80xi32, #tpu.memory_space<vmem>>
      %dma_wait3A_228 = tpu.memref_squeeze %dma_wait3A_227 : memref<1x80xi32, #tpu.memory_space<vmem>> -> memref<80xi32, #tpu.memory_space<vmem>>
      %dma_wait3A_229 = tpu.memref_slice %arg2[%multiple_of3A_137] : memref<320000xi32, #tpu.memory_space<hbm>> -> memref<80xi32, #tpu.memory_space<hbm>>
      %dma_wait3A_230 = arith.constant 0 : i32
      %dma_wait3A_231 = tpu.memref_slice %arg6[%dma_wait3A_225, %dma_wait3A_230] : memref<8x80xi32, #tpu.memory_space<vmem>> -> memref<1x80xi32, #tpu.memory_space<vmem>>
      %dma_wait3A_232 = tpu.memref_squeeze %dma_wait3A_231 : memref<1x80xi32, #tpu.memory_space<vmem>> -> memref<80xi32, #tpu.memory_space<vmem>>
      %dma_wait3A_233 = tpu.memref_slice %arg2[%multiple_of3A_137] : memref<320000xi32, #tpu.memory_space<hbm>> -> memref<80xi32, #tpu.memory_space<hbm>>
      tpu.wait_dma2 semaphore(%arg11 : memref<!tpu.dma_semaphore, #tpu.memory_space<semaphore_mem>>) src(%dma_wait3A_233 : memref<80xi32, #tpu.memory_space<hbm>>) dst(%dma_wait3A_232 : memref<80xi32, #tpu.memory_space<vmem>>)
      %dma_wait3A_234 = arith.constant 3 : i32
      %dma_wait3A_235 = arith.constant 0 : i32
      %dma_wait3A_236 = tpu.memref_slice %arg6[%dma_wait3A_234, %dma_wait3A_235] : memref<8x80xi32, #tpu.memory_space<vmem>> -> memref<1x80xi32, #tpu.memory_space<vmem>>
      %dma_wait3A_237 = tpu.memref_squeeze %dma_wait3A_236 : memref<1x80xi32, #tpu.memory_space<vmem>> -> memref<80xi32, #tpu.memory_space<vmem>>
      %dma_wait3A_238 = tpu.memref_slice %arg2[%multiple_of3A_149] : memref<320000xi32, #tpu.memory_space<hbm>> -> memref<80xi32, #tpu.memory_space<hbm>>
      %dma_wait3A_239 = arith.constant 0 : i32
      %dma_wait3A_240 = tpu.memref_slice %arg6[%dma_wait3A_234, %dma_wait3A_239] : memref<8x80xi32, #tpu.memory_space<vmem>> -> memref<1x80xi32, #tpu.memory_space<vmem>>
      %dma_wait3A_241 = tpu.memref_squeeze %dma_wait3A_240 : memref<1x80xi32, #tpu.memory_space<vmem>> -> memref<80xi32, #tpu.memory_space<vmem>>
      %dma_wait3A_242 = tpu.memref_slice %arg2[%multiple_of3A_149] : memref<320000xi32, #tpu.memory_space<hbm>> -> memref<80xi32, #tpu.memory_space<hbm>>
      tpu.wait_dma2 semaphore(%arg12 : memref<!tpu.dma_semaphore, #tpu.memory_space<semaphore_mem>>) src(%dma_wait3A_242 : memref<80xi32, #tpu.memory_space<hbm>>) dst(%dma_wait3A_241 : memref<80xi32, #tpu.memory_space<vmem>>)
      %dma_wait3A_243 = arith.constant 4 : i32
      %dma_wait3A_244 = arith.constant 0 : i32
      %dma_wait3A_245 = tpu.memref_slice %arg6[%dma_wait3A_243, %dma_wait3A_244] : memref<8x80xi32, #tpu.memory_space<vmem>> -> memref<1x80xi32, #tpu.memory_space<vmem>>
      %dma_wait3A_246 = tpu.memref_squeeze %dma_wait3A_245 : memref<1x80xi32, #tpu.memory_space<vmem>> -> memref<80xi32, #tpu.memory_space<vmem>>
      %dma_wait3A_247 = tpu.memref_slice %arg2[%multiple_of3A_161] : memref<320000xi32, #tpu.memory_space<hbm>> -> memref<80xi32, #tpu.memory_space<hbm>>
      %dma_wait3A_248 = arith.constant 0 : i32
      %dma_wait3A_249 = tpu.memref_slice %arg6[%dma_wait3A_243, %dma_wait3A_248] : memref<8x80xi32, #tpu.memory_space<vmem>> -> memref<1x80xi32, #tpu.memory_space<vmem>>
      %dma_wait3A_250 = tpu.memref_squeeze %dma_wait3A_249 : memref<1x80xi32, #tpu.memory_space<vmem>> -> memref<80xi32, #tpu.memory_space<vmem>>
      %dma_wait3A_251 = tpu.memref_slice %arg2[%multiple_of3A_161] : memref<320000xi32, #tpu.memory_space<hbm>> -> memref<80xi32, #tpu.memory_space<hbm>>
      tpu.wait_dma2 semaphore(%arg13 : memref<!tpu.dma_semaphore, #tpu.memory_space<semaphore_mem>>) src(%dma_wait3A_251 : memref<80xi32, #tpu.memory_space<hbm>>) dst(%dma_wait3A_250 : memref<80xi32, #tpu.memory_space<vmem>>)
      %dma_wait3A_252 = arith.constant 5 : i32
      %dma_wait3A_253 = arith.constant 0 : i32
      %dma_wait3A_254 = tpu.memref_slice %arg6[%dma_wait3A_252, %dma_wait3A_253] : memref<8x80xi32, #tpu.memory_space<vmem>> -> memref<1x80xi32, #tpu.memory_space<vmem>>
      %dma_wait3A_255 = tpu.memref_squeeze %dma_wait3A_254 : memref<1x80xi32, #tpu.memory_space<vmem>> -> memref<80xi32, #tpu.memory_space<vmem>>
      %dma_wait3A_256 = tpu.memref_slice %arg2[%multiple_of3A_173] : memref<320000xi32, #tpu.memory_space<hbm>> -> memref<80xi32, #tpu.memory_space<hbm>>
      %dma_wait3A_257 = arith.constant 0 : i32
      %dma_wait3A_258 = tpu.memref_slice %arg6[%dma_wait3A_252, %dma_wait3A_257] : memref<8x80xi32, #tpu.memory_space<vmem>> -> memref<1x80xi32, #tpu.memory_space<vmem>>
      %dma_wait3A_259 = tpu.memref_squeeze %dma_wait3A_258 : memref<1x80xi32, #tpu.memory_space<vmem>> -> memref<80xi32, #tpu.memory_space<vmem>>
      %dma_wait3A_260 = tpu.memref_slice %arg2[%multiple_of3A_173] : memref<320000xi32, #tpu.memory_space<hbm>> -> memref<80xi32, #tpu.memory_space<hbm>>
      tpu.wait_dma2 semaphore(%arg14 : memref<!tpu.dma_semaphore, #tpu.memory_space<semaphore_mem>>) src(%dma_wait3A_260 : memref<80xi32, #tpu.memory_space<hbm>>) dst(%dma_wait3A_259 : memref<80xi32, #tpu.memory_space<vmem>>)
      %dma_wait3A_261 = arith.constant 6 : i32
      %dma_wait3A_262 = arith.constant 0 : i32
      %dma_wait3A_263 = tpu.memref_slice %arg6[%dma_wait3A_261, %dma_wait3A_262] : memref<8x80xi32, #tpu.memory_space<vmem>> -> memref<1x80xi32, #tpu.memory_space<vmem>>
      %dma_wait3A_264 = tpu.memref_squeeze %dma_wait3A_263 : memref<1x80xi32, #tpu.memory_space<vmem>> -> memref<80xi32, #tpu.memory_space<vmem>>
      %dma_wait3A_265 = tpu.memref_slice %arg2[%multiple_of3A_185] : memref<320000xi32, #tpu.memory_space<hbm>> -> memref<80xi32, #tpu.memory_space<hbm>>
      %dma_wait3A_266 = arith.constant 0 : i32
      %dma_wait3A_267 = tpu.memref_slice %arg6[%dma_wait3A_261, %dma_wait3A_266] : memref<8x80xi32, #tpu.memory_space<vmem>> -> memref<1x80xi32, #tpu.memory_space<vmem>>
      %dma_wait3A_268 = tpu.memref_squeeze %dma_wait3A_267 : memref<1x80xi32, #tpu.memory_space<vmem>> -> memref<80xi32, #tpu.memory_space<vmem>>
      %dma_wait3A_269 = tpu.memref_slice %arg2[%multiple_of3A_185] : memref<320000xi32, #tpu.memory_space<hbm>> -> memref<80xi32, #tpu.memory_space<hbm>>
      tpu.wait_dma2 semaphore(%arg15 : memref<!tpu.dma_semaphore, #tpu.memory_space<semaphore_mem>>) src(%dma_wait3A_269 : memref<80xi32, #tpu.memory_space<hbm>>) dst(%dma_wait3A_268 : memref<80xi32, #tpu.memory_space<vmem>>)
      %dma_wait3A_270 = arith.constant 7 : i32
      %dma_wait3A_271 = arith.constant 0 : i32
      %dma_wait3A_272 = tpu.memref_slice %arg6[%dma_wait3A_270, %dma_wait3A_271] : memref<8x80xi32, #tpu.memory_space<vmem>> -> memref<1x80xi32, #tpu.memory_space<vmem>>
      %dma_wait3A_273 = tpu.memref_squeeze %dma_wait3A_272 : memref<1x80xi32, #tpu.memory_space<vmem>> -> memref<80xi32, #tpu.memory_space<vmem>>
      %dma_wait3A_274 = tpu.memref_slice %arg2[%multiple_of3A_197] : memref<320000xi32, #tpu.memory_space<hbm>> -> memref<80xi32, #tpu.memory_space<hbm>>
      %dma_wait3A_275 = arith.constant 0 : i32
      %dma_wait3A_276 = tpu.memref_slice %arg6[%dma_wait3A_270, %dma_wait3A_275] : memref<8x80xi32, #tpu.memory_space<vmem>> -> memref<1x80xi32, #tpu.memory_space<vmem>>
      %dma_wait3A_277 = tpu.memref_squeeze %dma_wait3A_276 : memref<1x80xi32, #tpu.memory_space<vmem>> -> memref<80xi32, #tpu.memory_space<vmem>>
      %dma_wait3A_278 = tpu.memref_slice %arg2[%multiple_of3A_197] : memref<320000xi32, #tpu.memory_space<hbm>> -> memref<80xi32, #tpu.memory_space<hbm>>
      tpu.wait_dma2 semaphore(%arg16 : memref<!tpu.dma_semaphore, #tpu.memory_space<semaphore_mem>>) src(%dma_wait3A_278 : memref<80xi32, #tpu.memory_space<hbm>>) dst(%dma_wait3A_277 : memref<80xi32, #tpu.memory_space<vmem>>)
      %dma_start3A_279 = arith.constant 0 : i32
      %dma_start3A_280 = arith.constant 0 : i32
      %dma_start3A_281 = tpu.memref_slice %arg6[%dma_start3A_279, %dma_start3A_280] : memref<8x80xi32, #tpu.memory_space<vmem>> -> memref<1x80xi32, #tpu.memory_space<vmem>>
      %dma_start3A_282 = tpu.memref_squeeze %dma_start3A_281 : memref<1x80xi32, #tpu.memory_space<vmem>> -> memref<80xi32, #tpu.memory_space<vmem>>
      %dma_start3A_283 = arith.constant 0 : i32
      %dma_start3A_284 = arith.constant 0 : i32
      %dma_start3A_285 = tpu.memref_slice %arg8[%dma_start3A_283, %dma_start3A_284] : memref<10240x128xf32, #tpu.memory_space<vmem_shared>> -> memref<10240x128xf32, #tpu.memory_space<vmem_shared>>
      tpu.enqueue_indirect_dma source(%arg7 : memref<80x128xf32, #tpu.memory_space<vmem>>) target(%dma_start3A_285 : memref<10240x128xf32, #tpu.memory_space<vmem_shared>>) offsets(%dma_start3A_282 : memref<80xi32, #tpu.memory_space<vmem>>) semaphore(%arg17 : memref<!tpu.dma_semaphore, #tpu.memory_space<semaphore_mem>>) {add = true}
      %dma_start3A_286 = arith.constant 1 : i32
      %dma_start3A_287 = arith.constant 0 : i32
      %dma_start3A_288 = tpu.memref_slice %arg6[%dma_start3A_286, %dma_start3A_287] : memref<8x80xi32, #tpu.memory_space<vmem>> -> memref<1x80xi32, #tpu.memory_space<vmem>>
      %dma_start3A_289 = tpu.memref_squeeze %dma_start3A_288 : memref<1x80xi32, #tpu.memory_space<vmem>> -> memref<80xi32, #tpu.memory_space<vmem>>
      %dma_start3A_290 = arith.constant 0 : i32
      %dma_start3A_291 = arith.constant 0 : i32
      %dma_start3A_292 = tpu.memref_slice %arg8[%dma_start3A_290, %dma_start3A_291] : memref<10240x128xf32, #tpu.memory_space<vmem_shared>> -> memref<10240x128xf32, #tpu.memory_space<vmem_shared>>
      tpu.enqueue_indirect_dma source(%arg7 : memref<80x128xf32, #tpu.memory_space<vmem>>) target(%dma_start3A_292 : memref<10240x128xf32, #tpu.memory_space<vmem_shared>>) offsets(%dma_start3A_289 : memref<80xi32, #tpu.memory_space<vmem>>) semaphore(%arg17 : memref<!tpu.dma_semaphore, #tpu.memory_space<semaphore_mem>>) {add = true}
      %dma_start3A_293 = arith.constant 2 : i32
      %dma_start3A_294 = arith.constant 0 : i32
      %dma_start3A_295 = tpu.memref_slice %arg6[%dma_start3A_293, %dma_start3A_294] : memref<8x80xi32, #tpu.memory_space<vmem>> -> memref<1x80xi32, #tpu.memory_space<vmem>>
      %dma_start3A_296 = tpu.memref_squeeze %dma_start3A_295 : memref<1x80xi32, #tpu.memory_space<vmem>> -> memref<80xi32, #tpu.memory_space<vmem>>
      %dma_start3A_297 = arith.constant 0 : i32
      %dma_start3A_298 = arith.constant 0 : i32
      %dma_start3A_299 = tpu.memref_slice %arg8[%dma_start3A_297, %dma_start3A_298] : memref<10240x128xf32, #tpu.memory_space<vmem_shared>> -> memref<10240x128xf32, #tpu.memory_space<vmem_shared>>
      tpu.enqueue_indirect_dma source(%arg7 : memref<80x128xf32, #tpu.memory_space<vmem>>) target(%dma_start3A_299 : memref<10240x128xf32, #tpu.memory_space<vmem_shared>>) offsets(%dma_start3A_296 : memref<80xi32, #tpu.memory_space<vmem>>) semaphore(%arg17 : memref<!tpu.dma_semaphore, #tpu.memory_space<semaphore_mem>>) {add = true}
      %dma_start3A_300 = arith.constant 3 : i32
      %dma_start3A_301 = arith.constant 0 : i32
      %dma_start3A_302 = tpu.memref_slice %arg6[%dma_start3A_300, %dma_start3A_301] : memref<8x80xi32, #tpu.memory_space<vmem>> -> memref<1x80xi32, #tpu.memory_space<vmem>>
      %dma_start3A_303 = tpu.memref_squeeze %dma_start3A_302 : memref<1x80xi32, #tpu.memory_space<vmem>> -> memref<80xi32, #tpu.memory_space<vmem>>
      %dma_start3A_304 = arith.constant 0 : i32
      %dma_start3A_305 = arith.constant 0 : i32
      %dma_start3A_306 = tpu.memref_slice %arg8[%dma_start3A_304, %dma_start3A_305] : memref<10240x128xf32, #tpu.memory_space<vmem_shared>> -> memref<10240x128xf32, #tpu.memory_space<vmem_shared>>
      tpu.enqueue_indirect_dma source(%arg7 : memref<80x128xf32, #tpu.memory_space<vmem>>) target(%dma_start3A_306 : memref<10240x128xf32, #tpu.memory_space<vmem_shared>>) offsets(%dma_start3A_303 : memref<80xi32, #tpu.memory_space<vmem>>) semaphore(%arg17 : memref<!tpu.dma_semaphore, #tpu.memory_space<semaphore_mem>>) {add = true}
      %dma_start3A_307 = arith.constant 4 : i32
      %dma_start3A_308 = arith.constant 0 : i32
      %dma_start3A_309 = tpu.memref_slice %arg6[%dma_start3A_307, %dma_start3A_308] : memref<8x80xi32, #tpu.memory_space<vmem>> -> memref<1x80xi32, #tpu.memory_space<vmem>>
      %dma_start3A_310 = tpu.memref_squeeze %dma_start3A_309 : memref<1x80xi32, #tpu.memory_space<vmem>> -> memref<80xi32, #tpu.memory_space<vmem>>
      %dma_start3A_311 = arith.constant 0 : i32
      %dma_start3A_312 = arith.constant 0 : i32
      %dma_start3A_313 = tpu.memref_slice %arg8[%dma_start3A_311, %dma_start3A_312] : memref<10240x128xf32, #tpu.memory_space<vmem_shared>> -> memref<10240x128xf32, #tpu.memory_space<vmem_shared>>
      tpu.enqueue_indirect_dma source(%arg7 : memref<80x128xf32, #tpu.memory_space<vmem>>) target(%dma_start3A_313 : memref<10240x128xf32, #tpu.memory_space<vmem_shared>>) offsets(%dma_start3A_310 : memref<80xi32, #tpu.memory_space<vmem>>) semaphore(%arg17 : memref<!tpu.dma_semaphore, #tpu.memory_space<semaphore_mem>>) {add = true}
      %dma_start3A_314 = arith.constant 5 : i32
      %dma_start3A_315 = arith.constant 0 : i32
      %dma_start3A_316 = tpu.memref_slice %arg6[%dma_start3A_314, %dma_start3A_315] : memref<8x80xi32, #tpu.memory_space<vmem>> -> memref<1x80xi32, #tpu.memory_space<vmem>>
      %dma_start3A_317 = tpu.memref_squeeze %dma_start3A_316 : memref<1x80xi32, #tpu.memory_space<vmem>> -> memref<80xi32, #tpu.memory_space<vmem>>
      %dma_start3A_318 = arith.constant 0 : i32
      %dma_start3A_319 = arith.constant 0 : i32
      %dma_start3A_320 = tpu.memref_slice %arg8[%dma_start3A_318, %dma_start3A_319] : memref<10240x128xf32, #tpu.memory_space<vmem_shared>> -> memref<10240x128xf32, #tpu.memory_space<vmem_shared>>
      tpu.enqueue_indirect_dma source(%arg7 : memref<80x128xf32, #tpu.memory_space<vmem>>) target(%dma_start3A_320 : memref<10240x128xf32, #tpu.memory_space<vmem_shared>>) offsets(%dma_start3A_317 : memref<80xi32, #tpu.memory_space<vmem>>) semaphore(%arg17 : memref<!tpu.dma_semaphore, #tpu.memory_space<semaphore_mem>>) {add = true}
      %dma_start3A_321 = arith.constant 6 : i32
      %dma_start3A_322 = arith.constant 0 : i32
      %dma_start3A_323 = tpu.memref_slice %arg6[%dma_start3A_321, %dma_start3A_322] : memref<8x80xi32, #tpu.memory_space<vmem>> -> memref<1x80xi32, #tpu.memory_space<vmem>>
      %dma_start3A_324 = tpu.memref_squeeze %dma_start3A_323 : memref<1x80xi32, #tpu.memory_space<vmem>> -> memref<80xi32, #tpu.memory_space<vmem>>
      %dma_start3A_325 = arith.constant 0 : i32
      %dma_start3A_326 = arith.constant 0 : i32
      %dma_start3A_327 = tpu.memref_slice %arg8[%dma_start3A_325, %dma_start3A_326] : memref<10240x128xf32, #tpu.memory_space<vmem_shared>> -> memref<10240x128xf32, #tpu.memory_space<vmem_shared>>
      tpu.enqueue_indirect_dma source(%arg7 : memref<80x128xf32, #tpu.memory_space<vmem>>) target(%dma_start3A_327 : memref<10240x128xf32, #tpu.memory_space<vmem_shared>>) offsets(%dma_start3A_324 : memref<80xi32, #tpu.memory_space<vmem>>) semaphore(%arg17 : memref<!tpu.dma_semaphore, #tpu.memory_space<semaphore_mem>>) {add = true}
      %dma_start3A_328 = arith.constant 7 : i32
      %dma_start3A_329 = arith.constant 0 : i32
      %dma_start3A_330 = tpu.memref_slice %arg6[%dma_start3A_328, %dma_start3A_329] : memref<8x80xi32, #tpu.memory_space<vmem>> -> memref<1x80xi32, #tpu.memory_space<vmem>>
      %dma_start3A_331 = tpu.memref_squeeze %dma_start3A_330 : memref<1x80xi32, #tpu.memory_space<vmem>> -> memref<80xi32, #tpu.memory_space<vmem>>
      %dma_start3A_332 = arith.constant 0 : i32
      %dma_start3A_333 = arith.constant 0 : i32
      %dma_start3A_334 = tpu.memref_slice %arg8[%dma_start3A_332, %dma_start3A_333] : memref<10240x128xf32, #tpu.memory_space<vmem_shared>> -> memref<10240x128xf32, #tpu.memory_space<vmem_shared>>
      tpu.enqueue_indirect_dma source(%arg7 : memref<80x128xf32, #tpu.memory_space<vmem>>) target(%dma_start3A_334 : memref<10240x128xf32, #tpu.memory_space<vmem_shared>>) offsets(%dma_start3A_331 : memref<80xi32, #tpu.memory_space<vmem>>) semaphore(%arg17 : memref<!tpu.dma_semaphore, #tpu.memory_space<semaphore_mem>>) {add = true}
    }
    %scan3A_7 = arith.constant 15 : i32
    %dma_wait3A = arith.constant 0 : i32
    %dma_wait3A_8 = arith.constant 0 : i32
    %dma_wait3A_9 = tpu.memref_slice %arg6[%dma_wait3A, %dma_wait3A_8] : memref<8x80xi32, #tpu.memory_space<vmem>> -> memref<1x80xi32, #tpu.memory_space<vmem>>
    %dma_wait3A_10 = tpu.memref_squeeze %dma_wait3A_9 : memref<1x80xi32, #tpu.memory_space<vmem>> -> memref<80xi32, #tpu.memory_space<vmem>>
    %dma_wait3A_11 = arith.constant 0 : i32
    %dma_wait3A_12 = arith.constant 0 : i32
    %dma_wait3A_13 = tpu.memref_slice %arg8[%dma_wait3A_11, %dma_wait3A_12] : memref<10240x128xf32, #tpu.memory_space<vmem_shared>> -> memref<10240x128xf32, #tpu.memory_space<vmem_shared>>
    tpu.wait_indirect_dma semaphore(%arg17 : memref<!tpu.dma_semaphore, #tpu.memory_space<semaphore_mem>>) src(%arg7 : memref<80x128xf32, #tpu.memory_space<vmem>>) dst(%dma_wait3A_13 : memref<10240x128xf32, #tpu.memory_space<vmem_shared>>)
    %dma_wait3A_14 = arith.constant 1 : i32
    %dma_wait3A_15 = arith.constant 0 : i32
    %dma_wait3A_16 = tpu.memref_slice %arg6[%dma_wait3A_14, %dma_wait3A_15] : memref<8x80xi32, #tpu.memory_space<vmem>> -> memref<1x80xi32, #tpu.memory_space<vmem>>
    %dma_wait3A_17 = tpu.memref_squeeze %dma_wait3A_16 : memref<1x80xi32, #tpu.memory_space<vmem>> -> memref<80xi32, #tpu.memory_space<vmem>>
    %dma_wait3A_18 = arith.constant 0 : i32
    %dma_wait3A_19 = arith.constant 0 : i32
    %dma_wait3A_20 = tpu.memref_slice %arg8[%dma_wait3A_18, %dma_wait3A_19] : memref<10240x128xf32, #tpu.memory_space<vmem_shared>> -> memref<10240x128xf32, #tpu.memory_space<vmem_shared>>
    tpu.wait_indirect_dma semaphore(%arg17 : memref<!tpu.dma_semaphore, #tpu.memory_space<semaphore_mem>>) src(%arg7 : memref<80x128xf32, #tpu.memory_space<vmem>>) dst(%dma_wait3A_20 : memref<10240x128xf32, #tpu.memory_space<vmem_shared>>)
    %dma_wait3A_21 = arith.constant 2 : i32
    %dma_wait3A_22 = arith.constant 0 : i32
    %dma_wait3A_23 = tpu.memref_slice %arg6[%dma_wait3A_21, %dma_wait3A_22] : memref<8x80xi32, #tpu.memory_space<vmem>> -> memref<1x80xi32, #tpu.memory_space<vmem>>
    %dma_wait3A_24 = tpu.memref_squeeze %dma_wait3A_23 : memref<1x80xi32, #tpu.memory_space<vmem>> -> memref<80xi32, #tpu.memory_space<vmem>>
    %dma_wait3A_25 = arith.constant 0 : i32
    %dma_wait3A_26 = arith.constant 0 : i32
    %dma_wait3A_27 = tpu.memref_slice %arg8[%dma_wait3A_25, %dma_wait3A_26] : memref<10240x128xf32, #tpu.memory_space<vmem_shared>> -> memref<10240x128xf32, #tpu.memory_space<vmem_shared>>
    tpu.wait_indirect_dma semaphore(%arg17 : memref<!tpu.dma_semaphore, #tpu.memory_space<semaphore_mem>>) src(%arg7 : memref<80x128xf32, #tpu.memory_space<vmem>>) dst(%dma_wait3A_27 : memref<10240x128xf32, #tpu.memory_space<vmem_shared>>)
    %dma_wait3A_28 = arith.constant 3 : i32
    %dma_wait3A_29 = arith.constant 0 : i32
    %dma_wait3A_30 = tpu.memref_slice %arg6[%dma_wait3A_28, %dma_wait3A_29] : memref<8x80xi32, #tpu.memory_space<vmem>> -> memref<1x80xi32, #tpu.memory_space<vmem>>
    %dma_wait3A_31 = tpu.memref_squeeze %dma_wait3A_30 : memref<1x80xi32, #tpu.memory_space<vmem>> -> memref<80xi32, #tpu.memory_space<vmem>>
    %dma_wait3A_32 = arith.constant 0 : i32
    %dma_wait3A_33 = arith.constant 0 : i32
    %dma_wait3A_34 = tpu.memref_slice %arg8[%dma_wait3A_32, %dma_wait3A_33] : memref<10240x128xf32, #tpu.memory_space<vmem_shared>> -> memref<10240x128xf32, #tpu.memory_space<vmem_shared>>
    tpu.wait_indirect_dma semaphore(%arg17 : memref<!tpu.dma_semaphore, #tpu.memory_space<semaphore_mem>>) src(%arg7 : memref<80x128xf32, #tpu.memory_space<vmem>>) dst(%dma_wait3A_34 : memref<10240x128xf32, #tpu.memory_space<vmem_shared>>)
    %dma_wait3A_35 = arith.constant 4 : i32
    %dma_wait3A_36 = arith.constant 0 : i32
    %dma_wait3A_37 = tpu.memref_slice %arg6[%dma_wait3A_35, %dma_wait3A_36] : memref<8x80xi32, #tpu.memory_space<vmem>> -> memref<1x80xi32, #tpu.memory_space<vmem>>
    %dma_wait3A_38 = tpu.memref_squeeze %dma_wait3A_37 : memref<1x80xi32, #tpu.memory_space<vmem>> -> memref<80xi32, #tpu.memory_space<vmem>>
    %dma_wait3A_39 = arith.constant 0 : i32
    %dma_wait3A_40 = arith.constant 0 : i32
    %dma_wait3A_41 = tpu.memref_slice %arg8[%dma_wait3A_39, %dma_wait3A_40] : memref<10240x128xf32, #tpu.memory_space<vmem_shared>> -> memref<10240x128xf32, #tpu.memory_space<vmem_shared>>
    tpu.wait_indirect_dma semaphore(%arg17 : memref<!tpu.dma_semaphore, #tpu.memory_space<semaphore_mem>>) src(%arg7 : memref<80x128xf32, #tpu.memory_space<vmem>>) dst(%dma_wait3A_41 : memref<10240x128xf32, #tpu.memory_space<vmem_shared>>)
    %dma_wait3A_42 = arith.constant 5 : i32
    %dma_wait3A_43 = arith.constant 0 : i32
    %dma_wait3A_44 = tpu.memref_slice %arg6[%dma_wait3A_42, %dma_wait3A_43] : memref<8x80xi32, #tpu.memory_space<vmem>> -> memref<1x80xi32, #tpu.memory_space<vmem>>
    %dma_wait3A_45 = tpu.memref_squeeze %dma_wait3A_44 : memref<1x80xi32, #tpu.memory_space<vmem>> -> memref<80xi32, #tpu.memory_space<vmem>>
    %dma_wait3A_46 = arith.constant 0 : i32
    %dma_wait3A_47 = arith.constant 0 : i32
    %dma_wait3A_48 = tpu.memref_slice %arg8[%dma_wait3A_46, %dma_wait3A_47] : memref<10240x128xf32, #tpu.memory_space<vmem_shared>> -> memref<10240x128xf32, #tpu.memory_space<vmem_shared>>
    tpu.wait_indirect_dma semaphore(%arg17 : memref<!tpu.dma_semaphore, #tpu.memory_space<semaphore_mem>>) src(%arg7 : memref<80x128xf32, #tpu.memory_space<vmem>>) dst(%dma_wait3A_48 : memref<10240x128xf32, #tpu.memory_space<vmem_shared>>)
    %dma_wait3A_49 = arith.constant 6 : i32
    %dma_wait3A_50 = arith.constant 0 : i32
    %dma_wait3A_51 = tpu.memref_slice %arg6[%dma_wait3A_49, %dma_wait3A_50] : memref<8x80xi32, #tpu.memory_space<vmem>> -> memref<1x80xi32, #tpu.memory_space<vmem>>
    %dma_wait3A_52 = tpu.memref_squeeze %dma_wait3A_51 : memref<1x80xi32, #tpu.memory_space<vmem>> -> memref<80xi32, #tpu.memory_space<vmem>>
    %dma_wait3A_53 = arith.constant 0 : i32
    %dma_wait3A_54 = arith.constant 0 : i32
    %dma_wait3A_55 = tpu.memref_slice %arg8[%dma_wait3A_53, %dma_wait3A_54] : memref<10240x128xf32, #tpu.memory_space<vmem_shared>> -> memref<10240x128xf32, #tpu.memory_space<vmem_shared>>
    tpu.wait_indirect_dma semaphore(%arg17 : memref<!tpu.dma_semaphore, #tpu.memory_space<semaphore_mem>>) src(%arg7 : memref<80x128xf32, #tpu.memory_space<vmem>>) dst(%dma_wait3A_55 : memref<10240x128xf32, #tpu.memory_space<vmem_shared>>)
    %dma_wait3A_56 = arith.constant 7 : i32
    %dma_wait3A_57 = arith.constant 0 : i32
    %dma_wait3A_58 = tpu.memref_slice %arg6[%dma_wait3A_56, %dma_wait3A_57] : memref<8x80xi32, #tpu.memory_space<vmem>> -> memref<1x80xi32, #tpu.memory_space<vmem>>
    %dma_wait3A_59 = tpu.memref_squeeze %dma_wait3A_58 : memref<1x80xi32, #tpu.memory_space<vmem>> -> memref<80xi32, #tpu.memory_space<vmem>>
    %dma_wait3A_60 = arith.constant 0 : i32
    %dma_wait3A_61 = arith.constant 0 : i32
    %dma_wait3A_62 = tpu.memref_slice %arg8[%dma_wait3A_60, %dma_wait3A_61] : memref<10240x128xf32, #tpu.memory_space<vmem_shared>> -> memref<10240x128xf32, #tpu.memory_space<vmem_shared>>
    tpu.wait_indirect_dma semaphore(%arg17 : memref<!tpu.dma_semaphore, #tpu.memory_space<semaphore_mem>>) src(%arg7 : memref<80x128xf32, #tpu.memory_space<vmem>>) dst(%dma_wait3A_62 : memref<10240x128xf32, #tpu.memory_space<vmem_shared>>)
    %mul3A_63 = arith.constant 10000 : i32
    %mul3A_64 = arith.muli %add3A, %mul3A_63 : i32
    %add3A_65 = arith.constant 9600 : i32
    %add3A_66 = arith.addi %mul3A_64, %add3A_65 : i32
    %multiple_of3A_67 = tpu.assume_multiple %add3A_66, 8 : i32
    %run_scoped3A = arith.constant 0 : i32
    "tpu.region"() ({
      %run_scoped3A_104 = tpu.sem_alloc : memref<!tpu.dma_semaphore, #tpu.memory_space<semaphore_mem>>
      %dma_start3A = arith.constant 0 : i32
      %dma_start3A_105 = tpu.memref_slice %arg6[%run_scoped3A, %dma_start3A] : memref<8x80xi32, #tpu.memory_space<vmem>> -> memref<1x80xi32, #tpu.memory_space<vmem>>
      %dma_start3A_106 = tpu.memref_squeeze %dma_start3A_105 : memref<1x80xi32, #tpu.memory_space<vmem>> -> memref<80xi32, #tpu.memory_space<vmem>>
      %dma_start3A_107 = tpu.memref_slice %arg2[%multiple_of3A_67] : memref<320000xi32, #tpu.memory_space<hbm>> -> memref<80xi32, #tpu.memory_space<hbm>>
      %dma_start3A_108 = arith.constant 0 : i32
      %dma_start3A_109 = tpu.memref_slice %arg6[%run_scoped3A, %dma_start3A_108] : memref<8x80xi32, #tpu.memory_space<vmem>> -> memref<1x80xi32, #tpu.memory_space<vmem>>
      %dma_start3A_110 = tpu.memref_squeeze %dma_start3A_109 : memref<1x80xi32, #tpu.memory_space<vmem>> -> memref<80xi32, #tpu.memory_space<vmem>>
      %dma_start3A_111 = tpu.memref_slice %arg2[%multiple_of3A_67] : memref<320000xi32, #tpu.memory_space<hbm>> -> memref<80xi32, #tpu.memory_space<hbm>>
      tpu.enqueue_dma source(%dma_start3A_111 : memref<80xi32, #tpu.memory_space<hbm>>) target(%dma_start3A_110 : memref<80xi32, #tpu.memory_space<vmem>>) target_semaphore(%run_scoped3A_104 : memref<!tpu.dma_semaphore, #tpu.memory_space<semaphore_mem>>)
      %dma_wait3A_112 = arith.constant 0 : i32
      %dma_wait3A_113 = tpu.memref_slice %arg6[%run_scoped3A, %dma_wait3A_112] : memref<8x80xi32, #tpu.memory_space<vmem>> -> memref<1x80xi32, #tpu.memory_space<vmem>>
      %dma_wait3A_114 = tpu.memref_squeeze %dma_wait3A_113 : memref<1x80xi32, #tpu.memory_space<vmem>> -> memref<80xi32, #tpu.memory_space<vmem>>
      %dma_wait3A_115 = tpu.memref_slice %arg2[%multiple_of3A_67] : memref<320000xi32, #tpu.memory_space<hbm>> -> memref<80xi32, #tpu.memory_space<hbm>>
      %dma_wait3A_116 = arith.constant 0 : i32
      %dma_wait3A_117 = tpu.memref_slice %arg6[%run_scoped3A, %dma_wait3A_116] : memref<8x80xi32, #tpu.memory_space<vmem>> -> memref<1x80xi32, #tpu.memory_space<vmem>>
      %dma_wait3A_118 = tpu.memref_squeeze %dma_wait3A_117 : memref<1x80xi32, #tpu.memory_space<vmem>> -> memref<80xi32, #tpu.memory_space<vmem>>
      %dma_wait3A_119 = tpu.memref_slice %arg2[%multiple_of3A_67] : memref<320000xi32, #tpu.memory_space<hbm>> -> memref<80xi32, #tpu.memory_space<hbm>>
      tpu.wait_dma2 semaphore(%run_scoped3A_104 : memref<!tpu.dma_semaphore, #tpu.memory_space<semaphore_mem>>) src(%dma_wait3A_119 : memref<80xi32, #tpu.memory_space<hbm>>) dst(%dma_wait3A_118 : memref<80xi32, #tpu.memory_space<vmem>>)
      tpu.yield
    }) : () -> ()
    %run_scoped3A_68 = arith.constant 0 : i32
    "tpu.region"() ({
      %run_scoped3A_104 = tpu.sem_alloc : memref<!tpu.dma_semaphore, #tpu.memory_space<semaphore_mem>>
      %dma_start3A = arith.constant 0 : i32
      %dma_start3A_105 = tpu.memref_slice %arg6[%run_scoped3A_68, %dma_start3A] : memref<8x80xi32, #tpu.memory_space<vmem>> -> memref<1x80xi32, #tpu.memory_space<vmem>>
      %dma_start3A_106 = tpu.memref_squeeze %dma_start3A_105 : memref<1x80xi32, #tpu.memory_space<vmem>> -> memref<80xi32, #tpu.memory_space<vmem>>
      %dma_start3A_107 = arith.constant 0 : i32
      %dma_start3A_108 = arith.constant 0 : i32
      %dma_start3A_109 = tpu.memref_slice %arg8[%dma_start3A_107, %dma_start3A_108] : memref<10240x128xf32, #tpu.memory_space<vmem_shared>> -> memref<10240x128xf32, #tpu.memory_space<vmem_shared>>
      tpu.enqueue_indirect_dma source(%arg7 : memref<80x128xf32, #tpu.memory_space<vmem>>) target(%dma_start3A_109 : memref<10240x128xf32, #tpu.memory_space<vmem_shared>>) offsets(%dma_start3A_106 : memref<80xi32, #tpu.memory_space<vmem>>) semaphore(%run_scoped3A_104 : memref<!tpu.dma_semaphore, #tpu.memory_space<semaphore_mem>>) {add = true}
      %dma_wait3A_110 = arith.constant 0 : i32
      %dma_wait3A_111 = tpu.memref_slice %arg6[%run_scoped3A_68, %dma_wait3A_110] : memref<8x80xi32, #tpu.memory_space<vmem>> -> memref<1x80xi32, #tpu.memory_space<vmem>>
      %dma_wait3A_112 = tpu.memref_squeeze %dma_wait3A_111 : memref<1x80xi32, #tpu.memory_space<vmem>> -> memref<80xi32, #tpu.memory_space<vmem>>
      %dma_wait3A_113 = arith.constant 0 : i32
      %dma_wait3A_114 = arith.constant 0 : i32
      %dma_wait3A_115 = tpu.memref_slice %arg8[%dma_wait3A_113, %dma_wait3A_114] : memref<10240x128xf32, #tpu.memory_space<vmem_shared>> -> memref<10240x128xf32, #tpu.memory_space<vmem_shared>>
      tpu.wait_indirect_dma semaphore(%run_scoped3A_104 : memref<!tpu.dma_semaphore, #tpu.memory_space<semaphore_mem>>) src(%arg7 : memref<80x128xf32, #tpu.memory_space<vmem>>) dst(%dma_wait3A_115 : memref<10240x128xf32, #tpu.memory_space<vmem_shared>>)
      tpu.yield
    }) : () -> ()
    %mul3A_69 = arith.constant 10000 : i32
    %mul3A_70 = arith.muli %add3A, %mul3A_69 : i32
    %add3A_71 = arith.constant 9680 : i32
    %add3A_72 = arith.addi %mul3A_70, %add3A_71 : i32
    %multiple_of3A_73 = tpu.assume_multiple %add3A_72, 8 : i32
    %run_scoped3A_74 = arith.constant 0 : i32
    "tpu.region"() ({
      %run_scoped3A_104 = tpu.sem_alloc : memref<!tpu.dma_semaphore, #tpu.memory_space<semaphore_mem>>
      %dma_start3A = arith.constant 0 : i32
      %dma_start3A_105 = tpu.memref_slice %arg6[%run_scoped3A_74, %dma_start3A] : memref<8x80xi32, #tpu.memory_space<vmem>> -> memref<1x80xi32, #tpu.memory_space<vmem>>
      %dma_start3A_106 = tpu.memref_squeeze %dma_start3A_105 : memref<1x80xi32, #tpu.memory_space<vmem>> -> memref<80xi32, #tpu.memory_space<vmem>>
      %dma_start3A_107 = tpu.memref_slice %arg2[%multiple_of3A_73] : memref<320000xi32, #tpu.memory_space<hbm>> -> memref<80xi32, #tpu.memory_space<hbm>>
      %dma_start3A_108 = arith.constant 0 : i32
      %dma_start3A_109 = tpu.memref_slice %arg6[%run_scoped3A_74, %dma_start3A_108] : memref<8x80xi32, #tpu.memory_space<vmem>> -> memref<1x80xi32, #tpu.memory_space<vmem>>
      %dma_start3A_110 = tpu.memref_squeeze %dma_start3A_109 : memref<1x80xi32, #tpu.memory_space<vmem>> -> memref<80xi32, #tpu.memory_space<vmem>>
      %dma_start3A_111 = tpu.memref_slice %arg2[%multiple_of3A_73] : memref<320000xi32, #tpu.memory_space<hbm>> -> memref<80xi32, #tpu.memory_space<hbm>>
      tpu.enqueue_dma source(%dma_start3A_111 : memref<80xi32, #tpu.memory_space<hbm>>) target(%dma_start3A_110 : memref<80xi32, #tpu.memory_space<vmem>>) target_semaphore(%run_scoped3A_104 : memref<!tpu.dma_semaphore, #tpu.memory_space<semaphore_mem>>)
      %dma_wait3A_112 = arith.constant 0 : i32
      %dma_wait3A_113 = tpu.memref_slice %arg6[%run_scoped3A_74, %dma_wait3A_112] : memref<8x80xi32, #tpu.memory_space<vmem>> -> memref<1x80xi32, #tpu.memory_space<vmem>>
      %dma_wait3A_114 = tpu.memref_squeeze %dma_wait3A_113 : memref<1x80xi32, #tpu.memory_space<vmem>> -> memref<80xi32, #tpu.memory_space<vmem>>
      %dma_wait3A_115 = tpu.memref_slice %arg2[%multiple_of3A_73] : memref<320000xi32, #tpu.memory_space<hbm>> -> memref<80xi32, #tpu.memory_space<hbm>>
      %dma_wait3A_116 = arith.constant 0 : i32
      %dma_wait3A_117 = tpu.memref_slice %arg6[%run_scoped3A_74, %dma_wait3A_116] : memref<8x80xi32, #tpu.memory_space<vmem>> -> memref<1x80xi32, #tpu.memory_space<vmem>>
      %dma_wait3A_118 = tpu.memref_squeeze %dma_wait3A_117 : memref<1x80xi32, #tpu.memory_space<vmem>> -> memref<80xi32, #tpu.memory_space<vmem>>
      %dma_wait3A_119 = tpu.memref_slice %arg2[%multiple_of3A_73] : memref<320000xi32, #tpu.memory_space<hbm>> -> memref<80xi32, #tpu.memory_space<hbm>>
      tpu.wait_dma2 semaphore(%run_scoped3A_104 : memref<!tpu.dma_semaphore, #tpu.memory_space<semaphore_mem>>) src(%dma_wait3A_119 : memref<80xi32, #tpu.memory_space<hbm>>) dst(%dma_wait3A_118 : memref<80xi32, #tpu.memory_space<vmem>>)
      tpu.yield
    }) : () -> ()
    %run_scoped3A_75 = arith.constant 0 : i32
    "tpu.region"() ({
      %run_scoped3A_104 = tpu.sem_alloc : memref<!tpu.dma_semaphore, #tpu.memory_space<semaphore_mem>>
      %dma_start3A = arith.constant 0 : i32
      %dma_start3A_105 = tpu.memref_slice %arg6[%run_scoped3A_75, %dma_start3A] : memref<8x80xi32, #tpu.memory_space<vmem>> -> memref<1x80xi32, #tpu.memory_space<vmem>>
      %dma_start3A_106 = tpu.memref_squeeze %dma_start3A_105 : memref<1x80xi32, #tpu.memory_space<vmem>> -> memref<80xi32, #tpu.memory_space<vmem>>
      %dma_start3A_107 = arith.constant 0 : i32
      %dma_start3A_108 = arith.constant 0 : i32
      %dma_start3A_109 = tpu.memref_slice %arg8[%dma_start3A_107, %dma_start3A_108] : memref<10240x128xf32, #tpu.memory_space<vmem_shared>> -> memref<10240x128xf32, #tpu.memory_space<vmem_shared>>
      tpu.enqueue_indirect_dma source(%arg7 : memref<80x128xf32, #tpu.memory_space<vmem>>) target(%dma_start3A_109 : memref<10240x128xf32, #tpu.memory_space<vmem_shared>>) offsets(%dma_start3A_106 : memref<80xi32, #tpu.memory_space<vmem>>) semaphore(%run_scoped3A_104 : memref<!tpu.dma_semaphore, #tpu.memory_space<semaphore_mem>>) {add = true}
      %dma_wait3A_110 = arith.constant 0 : i32
      %dma_wait3A_111 = tpu.memref_slice %arg6[%run_scoped3A_75, %dma_wait3A_110] : memref<8x80xi32, #tpu.memory_space<vmem>> -> memref<1x80xi32, #tpu.memory_space<vmem>>
      %dma_wait3A_112 = tpu.memref_squeeze %dma_wait3A_111 : memref<1x80xi32, #tpu.memory_space<vmem>> -> memref<80xi32, #tpu.memory_space<vmem>>
      %dma_wait3A_113 = arith.constant 0 : i32
      %dma_wait3A_114 = arith.constant 0 : i32
      %dma_wait3A_115 = tpu.memref_slice %arg8[%dma_wait3A_113, %dma_wait3A_114] : memref<10240x128xf32, #tpu.memory_space<vmem_shared>> -> memref<10240x128xf32, #tpu.memory_space<vmem_shared>>
      tpu.wait_indirect_dma semaphore(%run_scoped3A_104 : memref<!tpu.dma_semaphore, #tpu.memory_space<semaphore_mem>>) src(%arg7 : memref<80x128xf32, #tpu.memory_space<vmem>>) dst(%dma_wait3A_115 : memref<10240x128xf32, #tpu.memory_space<vmem_shared>>)
      tpu.yield
    }) : () -> ()
    %mul3A_76 = arith.constant 10000 : i32
    %mul3A_77 = arith.muli %add3A, %mul3A_76 : i32
    %add3A_78 = arith.constant 9760 : i32
    %add3A_79 = arith.addi %mul3A_77, %add3A_78 : i32
    %multiple_of3A_80 = tpu.assume_multiple %add3A_79, 8 : i32
    %run_scoped3A_81 = arith.constant 0 : i32
    "tpu.region"() ({
      %run_scoped3A_104 = tpu.sem_alloc : memref<!tpu.dma_semaphore, #tpu.memory_space<semaphore_mem>>
      %dma_start3A = arith.constant 0 : i32
      %dma_start3A_105 = tpu.memref_slice %arg6[%run_scoped3A_81, %dma_start3A] : memref<8x80xi32, #tpu.memory_space<vmem>> -> memref<1x80xi32, #tpu.memory_space<vmem>>
      %dma_start3A_106 = tpu.memref_squeeze %dma_start3A_105 : memref<1x80xi32, #tpu.memory_space<vmem>> -> memref<80xi32, #tpu.memory_space<vmem>>
      %dma_start3A_107 = tpu.memref_slice %arg2[%multiple_of3A_80] : memref<320000xi32, #tpu.memory_space<hbm>> -> memref<80xi32, #tpu.memory_space<hbm>>
      %dma_start3A_108 = arith.constant 0 : i32
      %dma_start3A_109 = tpu.memref_slice %arg6[%run_scoped3A_81, %dma_start3A_108] : memref<8x80xi32, #tpu.memory_space<vmem>> -> memref<1x80xi32, #tpu.memory_space<vmem>>
      %dma_start3A_110 = tpu.memref_squeeze %dma_start3A_109 : memref<1x80xi32, #tpu.memory_space<vmem>> -> memref<80xi32, #tpu.memory_space<vmem>>
      %dma_start3A_111 = tpu.memref_slice %arg2[%multiple_of3A_80] : memref<320000xi32, #tpu.memory_space<hbm>> -> memref<80xi32, #tpu.memory_space<hbm>>
      tpu.enqueue_dma source(%dma_start3A_111 : memref<80xi32, #tpu.memory_space<hbm>>) target(%dma_start3A_110 : memref<80xi32, #tpu.memory_space<vmem>>) target_semaphore(%run_scoped3A_104 : memref<!tpu.dma_semaphore, #tpu.memory_space<semaphore_mem>>)
      %dma_wait3A_112 = arith.constant 0 : i32
      %dma_wait3A_113 = tpu.memref_slice %arg6[%run_scoped3A_81, %dma_wait3A_112] : memref<8x80xi32, #tpu.memory_space<vmem>> -> memref<1x80xi32, #tpu.memory_space<vmem>>
      %dma_wait3A_114 = tpu.memref_squeeze %dma_wait3A_113 : memref<1x80xi32, #tpu.memory_space<vmem>> -> memref<80xi32, #tpu.memory_space<vmem>>
      %dma_wait3A_115 = tpu.memref_slice %arg2[%multiple_of3A_80] : memref<320000xi32, #tpu.memory_space<hbm>> -> memref<80xi32, #tpu.memory_space<hbm>>
      %dma_wait3A_116 = arith.constant 0 : i32
      %dma_wait3A_117 = tpu.memref_slice %arg6[%run_scoped3A_81, %dma_wait3A_116] : memref<8x80xi32, #tpu.memory_space<vmem>> -> memref<1x80xi32, #tpu.memory_space<vmem>>
      %dma_wait3A_118 = tpu.memref_squeeze %dma_wait3A_117 : memref<1x80xi32, #tpu.memory_space<vmem>> -> memref<80xi32, #tpu.memory_space<vmem>>
      %dma_wait3A_119 = tpu.memref_slice %arg2[%multiple_of3A_80] : memref<320000xi32, #tpu.memory_space<hbm>> -> memref<80xi32, #tpu.memory_space<hbm>>
      tpu.wait_dma2 semaphore(%run_scoped3A_104 : memref<!tpu.dma_semaphore, #tpu.memory_space<semaphore_mem>>) src(%dma_wait3A_119 : memref<80xi32, #tpu.memory_space<hbm>>) dst(%dma_wait3A_118 : memref<80xi32, #tpu.memory_space<vmem>>)
      tpu.yield
    }) : () -> ()
    %run_scoped3A_82 = arith.constant 0 : i32
    "tpu.region"() ({
      %run_scoped3A_104 = tpu.sem_alloc : memref<!tpu.dma_semaphore, #tpu.memory_space<semaphore_mem>>
      %dma_start3A = arith.constant 0 : i32
      %dma_start3A_105 = tpu.memref_slice %arg6[%run_scoped3A_82, %dma_start3A] : memref<8x80xi32, #tpu.memory_space<vmem>> -> memref<1x80xi32, #tpu.memory_space<vmem>>
      %dma_start3A_106 = tpu.memref_squeeze %dma_start3A_105 : memref<1x80xi32, #tpu.memory_space<vmem>> -> memref<80xi32, #tpu.memory_space<vmem>>
      %dma_start3A_107 = arith.constant 0 : i32
      %dma_start3A_108 = arith.constant 0 : i32
      %dma_start3A_109 = tpu.memref_slice %arg8[%dma_start3A_107, %dma_start3A_108] : memref<10240x128xf32, #tpu.memory_space<vmem_shared>> -> memref<10240x128xf32, #tpu.memory_space<vmem_shared>>
      tpu.enqueue_indirect_dma source(%arg7 : memref<80x128xf32, #tpu.memory_space<vmem>>) target(%dma_start3A_109 : memref<10240x128xf32, #tpu.memory_space<vmem_shared>>) offsets(%dma_start3A_106 : memref<80xi32, #tpu.memory_space<vmem>>) semaphore(%run_scoped3A_104 : memref<!tpu.dma_semaphore, #tpu.memory_space<semaphore_mem>>) {add = true}
      %dma_wait3A_110 = arith.constant 0 : i32
      %dma_wait3A_111 = tpu.memref_slice %arg6[%run_scoped3A_82, %dma_wait3A_110] : memref<8x80xi32, #tpu.memory_space<vmem>> -> memref<1x80xi32, #tpu.memory_space<vmem>>
      %dma_wait3A_112 = tpu.memref_squeeze %dma_wait3A_111 : memref<1x80xi32, #tpu.memory_space<vmem>> -> memref<80xi32, #tpu.memory_space<vmem>>
      %dma_wait3A_113 = arith.constant 0 : i32
      %dma_wait3A_114 = arith.constant 0 : i32
      %dma_wait3A_115 = tpu.memref_slice %arg8[%dma_wait3A_113, %dma_wait3A_114] : memref<10240x128xf32, #tpu.memory_space<vmem_shared>> -> memref<10240x128xf32, #tpu.memory_space<vmem_shared>>
      tpu.wait_indirect_dma semaphore(%run_scoped3A_104 : memref<!tpu.dma_semaphore, #tpu.memory_space<semaphore_mem>>) src(%arg7 : memref<80x128xf32, #tpu.memory_space<vmem>>) dst(%dma_wait3A_115 : memref<10240x128xf32, #tpu.memory_space<vmem_shared>>)
      tpu.yield
    }) : () -> ()
    %mul3A_83 = arith.constant 10000 : i32
    %mul3A_84 = arith.muli %add3A, %mul3A_83 : i32
    %add3A_85 = arith.constant 9840 : i32
    %add3A_86 = arith.addi %mul3A_84, %add3A_85 : i32
    %multiple_of3A_87 = tpu.assume_multiple %add3A_86, 8 : i32
    %run_scoped3A_88 = arith.constant 0 : i32
    "tpu.region"() ({
      %run_scoped3A_104 = tpu.sem_alloc : memref<!tpu.dma_semaphore, #tpu.memory_space<semaphore_mem>>
      %dma_start3A = arith.constant 0 : i32
      %dma_start3A_105 = tpu.memref_slice %arg6[%run_scoped3A_88, %dma_start3A] : memref<8x80xi32, #tpu.memory_space<vmem>> -> memref<1x80xi32, #tpu.memory_space<vmem>>
      %dma_start3A_106 = tpu.memref_squeeze %dma_start3A_105 : memref<1x80xi32, #tpu.memory_space<vmem>> -> memref<80xi32, #tpu.memory_space<vmem>>
      %dma_start3A_107 = tpu.memref_slice %arg2[%multiple_of3A_87] : memref<320000xi32, #tpu.memory_space<hbm>> -> memref<80xi32, #tpu.memory_space<hbm>>
      %dma_start3A_108 = arith.constant 0 : i32
      %dma_start3A_109 = tpu.memref_slice %arg6[%run_scoped3A_88, %dma_start3A_108] : memref<8x80xi32, #tpu.memory_space<vmem>> -> memref<1x80xi32, #tpu.memory_space<vmem>>
      %dma_start3A_110 = tpu.memref_squeeze %dma_start3A_109 : memref<1x80xi32, #tpu.memory_space<vmem>> -> memref<80xi32, #tpu.memory_space<vmem>>
      %dma_start3A_111 = tpu.memref_slice %arg2[%multiple_of3A_87] : memref<320000xi32, #tpu.memory_space<hbm>> -> memref<80xi32, #tpu.memory_space<hbm>>
      tpu.enqueue_dma source(%dma_start3A_111 : memref<80xi32, #tpu.memory_space<hbm>>) target(%dma_start3A_110 : memref<80xi32, #tpu.memory_space<vmem>>) target_semaphore(%run_scoped3A_104 : memref<!tpu.dma_semaphore, #tpu.memory_space<semaphore_mem>>)
      %dma_wait3A_112 = arith.constant 0 : i32
      %dma_wait3A_113 = tpu.memref_slice %arg6[%run_scoped3A_88, %dma_wait3A_112] : memref<8x80xi32, #tpu.memory_space<vmem>> -> memref<1x80xi32, #tpu.memory_space<vmem>>
      %dma_wait3A_114 = tpu.memref_squeeze %dma_wait3A_113 : memref<1x80xi32, #tpu.memory_space<vmem>> -> memref<80xi32, #tpu.memory_space<vmem>>
      %dma_wait3A_115 = tpu.memref_slice %arg2[%multiple_of3A_87] : memref<320000xi32, #tpu.memory_space<hbm>> -> memref<80xi32, #tpu.memory_space<hbm>>
      %dma_wait3A_116 = arith.constant 0 : i32
      %dma_wait3A_117 = tpu.memref_slice %arg6[%run_scoped3A_88, %dma_wait3A_116] : memref<8x80xi32, #tpu.memory_space<vmem>> -> memref<1x80xi32, #tpu.memory_space<vmem>>
      %dma_wait3A_118 = tpu.memref_squeeze %dma_wait3A_117 : memref<1x80xi32, #tpu.memory_space<vmem>> -> memref<80xi32, #tpu.memory_space<vmem>>
      %dma_wait3A_119 = tpu.memref_slice %arg2[%multiple_of3A_87] : memref<320000xi32, #tpu.memory_space<hbm>> -> memref<80xi32, #tpu.memory_space<hbm>>
      tpu.wait_dma2 semaphore(%run_scoped3A_104 : memref<!tpu.dma_semaphore, #tpu.memory_space<semaphore_mem>>) src(%dma_wait3A_119 : memref<80xi32, #tpu.memory_space<hbm>>) dst(%dma_wait3A_118 : memref<80xi32, #tpu.memory_space<vmem>>)
      tpu.yield
    }) : () -> ()
    %run_scoped3A_89 = arith.constant 0 : i32
    "tpu.region"() ({
      %run_scoped3A_104 = tpu.sem_alloc : memref<!tpu.dma_semaphore, #tpu.memory_space<semaphore_mem>>
      %dma_start3A = arith.constant 0 : i32
      %dma_start3A_105 = tpu.memref_slice %arg6[%run_scoped3A_89, %dma_start3A] : memref<8x80xi32, #tpu.memory_space<vmem>> -> memref<1x80xi32, #tpu.memory_space<vmem>>
      %dma_start3A_106 = tpu.memref_squeeze %dma_start3A_105 : memref<1x80xi32, #tpu.memory_space<vmem>> -> memref<80xi32, #tpu.memory_space<vmem>>
      %dma_start3A_107 = arith.constant 0 : i32
      %dma_start3A_108 = arith.constant 0 : i32
      %dma_start3A_109 = tpu.memref_slice %arg8[%dma_start3A_107, %dma_start3A_108] : memref<10240x128xf32, #tpu.memory_space<vmem_shared>> -> memref<10240x128xf32, #tpu.memory_space<vmem_shared>>
      tpu.enqueue_indirect_dma source(%arg7 : memref<80x128xf32, #tpu.memory_space<vmem>>) target(%dma_start3A_109 : memref<10240x128xf32, #tpu.memory_space<vmem_shared>>) offsets(%dma_start3A_106 : memref<80xi32, #tpu.memory_space<vmem>>) semaphore(%run_scoped3A_104 : memref<!tpu.dma_semaphore, #tpu.memory_space<semaphore_mem>>) {add = true}
      %dma_wait3A_110 = arith.constant 0 : i32
      %dma_wait3A_111 = tpu.memref_slice %arg6[%run_scoped3A_89, %dma_wait3A_110] : memref<8x80xi32, #tpu.memory_space<vmem>> -> memref<1x80xi32, #tpu.memory_space<vmem>>
      %dma_wait3A_112 = tpu.memref_squeeze %dma_wait3A_111 : memref<1x80xi32, #tpu.memory_space<vmem>> -> memref<80xi32, #tpu.memory_space<vmem>>
      %dma_wait3A_113 = arith.constant 0 : i32
      %dma_wait3A_114 = arith.constant 0 : i32
      %dma_wait3A_115 = tpu.memref_slice %arg8[%dma_wait3A_113, %dma_wait3A_114] : memref<10240x128xf32, #tpu.memory_space<vmem_shared>> -> memref<10240x128xf32, #tpu.memory_space<vmem_shared>>
      tpu.wait_indirect_dma semaphore(%run_scoped3A_104 : memref<!tpu.dma_semaphore, #tpu.memory_space<semaphore_mem>>) src(%arg7 : memref<80x128xf32, #tpu.memory_space<vmem>>) dst(%dma_wait3A_115 : memref<10240x128xf32, #tpu.memory_space<vmem_shared>>)
      tpu.yield
    }) : () -> ()
    %mul3A_90 = arith.constant 10000 : i32
    %mul3A_91 = arith.muli %add3A, %mul3A_90 : i32
    %add3A_92 = arith.constant 9920 : i32
    %add3A_93 = arith.addi %mul3A_91, %add3A_92 : i32
    %multiple_of3A_94 = tpu.assume_multiple %add3A_93, 8 : i32
    %run_scoped3A_95 = arith.constant 0 : i32
    "tpu.region"() ({
      %run_scoped3A_104 = tpu.sem_alloc : memref<!tpu.dma_semaphore, #tpu.memory_space<semaphore_mem>>
      %dma_start3A = arith.constant 0 : i32
      %dma_start3A_105 = tpu.memref_slice %arg6[%run_scoped3A_95, %dma_start3A] : memref<8x80xi32, #tpu.memory_space<vmem>> -> memref<1x80xi32, #tpu.memory_space<vmem>>
      %dma_start3A_106 = tpu.memref_squeeze %dma_start3A_105 : memref<1x80xi32, #tpu.memory_space<vmem>> -> memref<80xi32, #tpu.memory_space<vmem>>
      %dma_start3A_107 = tpu.memref_slice %arg2[%multiple_of3A_94] : memref<320000xi32, #tpu.memory_space<hbm>> -> memref<80xi32, #tpu.memory_space<hbm>>
      %dma_start3A_108 = arith.constant 0 : i32
      %dma_start3A_109 = tpu.memref_slice %arg6[%run_scoped3A_95, %dma_start3A_108] : memref<8x80xi32, #tpu.memory_space<vmem>> -> memref<1x80xi32, #tpu.memory_space<vmem>>
      %dma_start3A_110 = tpu.memref_squeeze %dma_start3A_109 : memref<1x80xi32, #tpu.memory_space<vmem>> -> memref<80xi32, #tpu.memory_space<vmem>>
      %dma_start3A_111 = tpu.memref_slice %arg2[%multiple_of3A_94] : memref<320000xi32, #tpu.memory_space<hbm>> -> memref<80xi32, #tpu.memory_space<hbm>>
      tpu.enqueue_dma source(%dma_start3A_111 : memref<80xi32, #tpu.memory_space<hbm>>) target(%dma_start3A_110 : memref<80xi32, #tpu.memory_space<vmem>>) target_semaphore(%run_scoped3A_104 : memref<!tpu.dma_semaphore, #tpu.memory_space<semaphore_mem>>)
      %dma_wait3A_112 = arith.constant 0 : i32
      %dma_wait3A_113 = tpu.memref_slice %arg6[%run_scoped3A_95, %dma_wait3A_112] : memref<8x80xi32, #tpu.memory_space<vmem>> -> memref<1x80xi32, #tpu.memory_space<vmem>>
      %dma_wait3A_114 = tpu.memref_squeeze %dma_wait3A_113 : memref<1x80xi32, #tpu.memory_space<vmem>> -> memref<80xi32, #tpu.memory_space<vmem>>
      %dma_wait3A_115 = tpu.memref_slice %arg2[%multiple_of3A_94] : memref<320000xi32, #tpu.memory_space<hbm>> -> memref<80xi32, #tpu.memory_space<hbm>>
      %dma_wait3A_116 = arith.constant 0 : i32
      %dma_wait3A_117 = tpu.memref_slice %arg6[%run_scoped3A_95, %dma_wait3A_116] : memref<8x80xi32, #tpu.memory_space<vmem>> -> memref<1x80xi32, #tpu.memory_space<vmem>>
      %dma_wait3A_118 = tpu.memref_squeeze %dma_wait3A_117 : memref<1x80xi32, #tpu.memory_space<vmem>> -> memref<80xi32, #tpu.memory_space<vmem>>
      %dma_wait3A_119 = tpu.memref_slice %arg2[%multiple_of3A_94] : memref<320000xi32, #tpu.memory_space<hbm>> -> memref<80xi32, #tpu.memory_space<hbm>>
      tpu.wait_dma2 semaphore(%run_scoped3A_104 : memref<!tpu.dma_semaphore, #tpu.memory_space<semaphore_mem>>) src(%dma_wait3A_119 : memref<80xi32, #tpu.memory_space<hbm>>) dst(%dma_wait3A_118 : memref<80xi32, #tpu.memory_space<vmem>>)
      tpu.yield
    }) : () -> ()
    %run_scoped3A_96 = arith.constant 0 : i32
    "tpu.region"() ({
      %run_scoped3A_104 = tpu.sem_alloc : memref<!tpu.dma_semaphore, #tpu.memory_space<semaphore_mem>>
      %dma_start3A = arith.constant 0 : i32
      %dma_start3A_105 = tpu.memref_slice %arg6[%run_scoped3A_96, %dma_start3A] : memref<8x80xi32, #tpu.memory_space<vmem>> -> memref<1x80xi32, #tpu.memory_space<vmem>>
      %dma_start3A_106 = tpu.memref_squeeze %dma_start3A_105 : memref<1x80xi32, #tpu.memory_space<vmem>> -> memref<80xi32, #tpu.memory_space<vmem>>
      %dma_start3A_107 = arith.constant 0 : i32
      %dma_start3A_108 = arith.constant 0 : i32
      %dma_start3A_109 = tpu.memref_slice %arg8[%dma_start3A_107, %dma_start3A_108] : memref<10240x128xf32, #tpu.memory_space<vmem_shared>> -> memref<10240x128xf32, #tpu.memory_space<vmem_shared>>
      tpu.enqueue_indirect_dma source(%arg7 : memref<80x128xf32, #tpu.memory_space<vmem>>) target(%dma_start3A_109 : memref<10240x128xf32, #tpu.memory_space<vmem_shared>>) offsets(%dma_start3A_106 : memref<80xi32, #tpu.memory_space<vmem>>) semaphore(%run_scoped3A_104 : memref<!tpu.dma_semaphore, #tpu.memory_space<semaphore_mem>>) {add = true}
      %dma_wait3A_110 = arith.constant 0 : i32
      %dma_wait3A_111 = tpu.memref_slice %arg6[%run_scoped3A_96, %dma_wait3A_110] : memref<8x80xi32, #tpu.memory_space<vmem>> -> memref<1x80xi32, #tpu.memory_space<vmem>>
      %dma_wait3A_112 = tpu.memref_squeeze %dma_wait3A_111 : memref<1x80xi32, #tpu.memory_space<vmem>> -> memref<80xi32, #tpu.memory_space<vmem>>
      %dma_wait3A_113 = arith.constant 0 : i32
      %dma_wait3A_114 = arith.constant 0 : i32
      %dma_wait3A_115 = tpu.memref_slice %arg8[%dma_wait3A_113, %dma_wait3A_114] : memref<10240x128xf32, #tpu.memory_space<vmem_shared>> -> memref<10240x128xf32, #tpu.memory_space<vmem_shared>>
      tpu.wait_indirect_dma semaphore(%run_scoped3A_104 : memref<!tpu.dma_semaphore, #tpu.memory_space<semaphore_mem>>) src(%arg7 : memref<80x128xf32, #tpu.memory_space<vmem>>) dst(%dma_wait3A_115 : memref<10240x128xf32, #tpu.memory_space<vmem_shared>>)
      tpu.yield
    }) : () -> ()
    %barrier3A_97 = arith.constant 0 : index
    tpu.barrier barrier_id(%barrier3A_97)
    %mul3A_98 = arith.constant 10240 : i32
    %mul3A_99 = arith.muli %arg0, %mul3A_98 : i32
    %mul3A_100 = arith.constant 640 : i32
    %mul3A_101 = arith.muli %arg1, %mul3A_100 : i32
    %add3A_102 = arith.addi %mul3A_99, %mul3A_101 : i32
    %multiple_of3A_103 = tpu.assume_multiple %add3A_102, 8 : i32
    "tpu.region"() ({
      %run_scoped3A_104 = tpu.sem_alloc : memref<!tpu.dma_semaphore, #tpu.memory_space<semaphore_mem>>
      %dma_start3A = arith.constant 0 : i32
      %dma_start3A_105 = tpu.memref_slice %arg5[%multiple_of3A_103, %dma_start3A] : memref<20480x128xf32, #tpu.memory_space<hbm>> -> memref<640x128xf32, #tpu.memory_space<hbm>>
      %dma_start3A_106 = arith.constant 0 : i32
      %dma_start3A_107 = tpu.memref_slice %arg8[%multiple_of3A, %dma_start3A_106] : memref<10240x128xf32, #tpu.memory_space<vmem_shared>> -> memref<640x128xf32, #tpu.memory_space<vmem_shared>>
      tpu.enqueue_dma source(%dma_start3A_107 : memref<640x128xf32, #tpu.memory_space<vmem_shared>>) target(%dma_start3A_105 : memref<640x128xf32, #tpu.memory_space<hbm>>) target_semaphore(%run_scoped3A_104 : memref<!tpu.dma_semaphore, #tpu.memory_space<semaphore_mem>>)
      %dma_wait3A_108 = arith.constant 0 : i32
      %dma_wait3A_109 = tpu.memref_slice %arg5[%multiple_of3A_103, %dma_wait3A_108] : memref<20480x128xf32, #tpu.memory_space<hbm>> -> memref<640x128xf32, #tpu.memory_space<hbm>>
      %dma_wait3A_110 = arith.constant 0 : i32
      %dma_wait3A_111 = tpu.memref_slice %arg8[%multiple_of3A, %dma_wait3A_110] : memref<10240x128xf32, #tpu.memory_space<vmem_shared>> -> memref<640x128xf32, #tpu.memory_space<vmem_shared>>
      tpu.wait_dma2 semaphore(%run_scoped3A_104 : memref<!tpu.dma_semaphore, #tpu.memory_space<semaphore_mem>>) src(%dma_wait3A_111 : memref<640x128xf32, #tpu.memory_space<vmem_shared>>) dst(%dma_wait3A_109 : memref<640x128xf32, #tpu.memory_space<hbm>>)
      tpu.yield
    }) : () -> ()
    return
  }
}

#map = affine_map<(d0, d1) -> (0, 0)>
#map1 = affine_map<(d0, d1) -> (0)>
module attributes {stable_mosaic.version = 14 : i64} {
  func.func @_msg_call(%arg0: i32, %arg1: i32, %arg2: memref<10240x128xf32, #tpu.memory_space<hbm>>, %arg3: memref<320000xi32, #tpu.memory_space<hbm>>, %arg4: memref<320000xi32, #tpu.memory_space<hbm>>, %arg5: memref<10240x128xf32, #tpu.memory_space<hbm>>, %arg6: memref<20480x128xf32, #tpu.memory_space<hbm>>, %arg7: memref<320xi32, #tpu.memory_space<vmem>>, %arg8: memref<4x80xi32, #tpu.memory_space<vmem>>, %arg9: memref<320x128xf32, #tpu.memory_space<vmem>>, %arg10: memref<10240x128xf32, #tpu.memory_space<vmem_shared>>, %arg11: memref<!tpu.dma_semaphore, #tpu.memory_space<semaphore_mem>>, %arg12: memref<!tpu.dma_semaphore, #tpu.memory_space<semaphore_mem>>, %arg13: memref<!tpu.dma_semaphore, #tpu.memory_space<semaphore_mem>>, %arg14: memref<!tpu.dma_semaphore, #tpu.memory_space<semaphore_mem>>, %arg15: memref<!tpu.dma_semaphore, #tpu.memory_space<semaphore_mem>>, %arg16: memref<!tpu.dma_semaphore, #tpu.memory_space<semaphore_mem>>) attributes {dimension_semantics = [#tpu.dimension_semantics<core_parallel>, #tpu.dimension_semantics<subcore_parallel>], iteration_bounds = array<i64: 2, 16>, scalar_prefetch = 0 : i64, scratch_operands = 10 : i64, tpu.core_type = #tpu.core_type<sc_vector_subcore>, window_params = [{transform_indices = #map}, {transform_indices = #map1}, {transform_indices = #map1}, {transform_indices = #map}, {transform_indices = #map}]} {
    %mul3A = arith.constant 2 : i32
    %mul3A_0 = arith.muli %arg1, %mul3A : i32
    %add3A = arith.addi %mul3A_0, %arg0 : i32
    %mul3A_1 = arith.constant 640 : i32
    %mul3A_2 = arith.muli %arg1, %mul3A_1 : i32
    %multiple_of3A = tpu.assume_multiple %mul3A_2, 8 : i32
    %eq3A = arith.constant 0 : i32
    %eq3A_3 = arith.cmpi eq, %arg0, %eq3A : i32
    %convert_element_type3A = arith.extui %eq3A_3 : i1 to i32
    %cond3A = arith.constant 0 : i32
    %cond3A_4 = arith.cmpi ne, %convert_element_type3A, %cond3A : i32
    scf.if %cond3A_4 {
      "tpu.region"() ({
        %run_scoped3A_156 = tpu.sem_alloc : memref<!tpu.dma_semaphore, #tpu.memory_space<semaphore_mem>>
        %dma_start3A_157 = arith.constant 0 : i32
        %dma_start3A_158 = tpu.memref_slice %arg10[%multiple_of3A, %dma_start3A_157] : memref<10240x128xf32, #tpu.memory_space<vmem_shared>> -> memref<640x128xf32, #tpu.memory_space<vmem_shared>>
        %dma_start3A_159 = arith.constant 0 : i32
        %dma_start3A_160 = tpu.memref_slice %arg2[%multiple_of3A, %dma_start3A_159] : memref<10240x128xf32, #tpu.memory_space<hbm>> -> memref<640x128xf32, #tpu.memory_space<hbm>>
        tpu.enqueue_dma source(%dma_start3A_160 : memref<640x128xf32, #tpu.memory_space<hbm>>) target(%dma_start3A_158 : memref<640x128xf32, #tpu.memory_space<vmem_shared>>) target_semaphore(%run_scoped3A_156 : memref<!tpu.dma_semaphore, #tpu.memory_space<semaphore_mem>>)
        %dma_wait3A_161 = arith.constant 0 : i32
        %dma_wait3A_162 = tpu.memref_slice %arg10[%multiple_of3A, %dma_wait3A_161] : memref<10240x128xf32, #tpu.memory_space<vmem_shared>> -> memref<640x128xf32, #tpu.memory_space<vmem_shared>>
        %dma_wait3A_163 = arith.constant 0 : i32
        %dma_wait3A_164 = tpu.memref_slice %arg2[%multiple_of3A, %dma_wait3A_163] : memref<10240x128xf32, #tpu.memory_space<hbm>> -> memref<640x128xf32, #tpu.memory_space<hbm>>
        tpu.wait_dma2 semaphore(%run_scoped3A_156 : memref<!tpu.dma_semaphore, #tpu.memory_space<semaphore_mem>>) src(%dma_wait3A_164 : memref<640x128xf32, #tpu.memory_space<hbm>>) dst(%dma_wait3A_162 : memref<640x128xf32, #tpu.memory_space<vmem_shared>>)
        tpu.yield
      }) : () -> ()
    } else {
    }
    %ne3A = arith.constant 0 : i32
    %ne3A_5 = arith.cmpi ne, %arg0, %ne3A : i32
    %convert_element_type3A_6 = arith.extui %ne3A_5 : i1 to i32
    %cond3A_7 = arith.constant 0 : i32
    %cond3A_8 = arith.cmpi ne, %convert_element_type3A_6, %cond3A_7 : i32
    scf.if %cond3A_8 {
      "tpu.region"() ({
        %run_scoped3A_156 = tpu.sem_alloc : memref<!tpu.dma_semaphore, #tpu.memory_space<semaphore_mem>>
        %dma_start3A_157 = arith.constant 0 : i32
        %dma_start3A_158 = tpu.memref_slice %arg10[%multiple_of3A, %dma_start3A_157] : memref<10240x128xf32, #tpu.memory_space<vmem_shared>> -> memref<640x128xf32, #tpu.memory_space<vmem_shared>>
        %dma_start3A_159 = arith.constant 0 : i32
        %dma_start3A_160 = tpu.memref_slice %arg5[%multiple_of3A, %dma_start3A_159] : memref<10240x128xf32, #tpu.memory_space<hbm>> -> memref<640x128xf32, #tpu.memory_space<hbm>>
        tpu.enqueue_dma source(%dma_start3A_160 : memref<640x128xf32, #tpu.memory_space<hbm>>) target(%dma_start3A_158 : memref<640x128xf32, #tpu.memory_space<vmem_shared>>) target_semaphore(%run_scoped3A_156 : memref<!tpu.dma_semaphore, #tpu.memory_space<semaphore_mem>>)
        %dma_wait3A_161 = arith.constant 0 : i32
        %dma_wait3A_162 = tpu.memref_slice %arg10[%multiple_of3A, %dma_wait3A_161] : memref<10240x128xf32, #tpu.memory_space<vmem_shared>> -> memref<640x128xf32, #tpu.memory_space<vmem_shared>>
        %dma_wait3A_163 = arith.constant 0 : i32
        %dma_wait3A_164 = tpu.memref_slice %arg5[%multiple_of3A, %dma_wait3A_163] : memref<10240x128xf32, #tpu.memory_space<hbm>> -> memref<640x128xf32, #tpu.memory_space<hbm>>
        tpu.wait_dma2 semaphore(%run_scoped3A_156 : memref<!tpu.dma_semaphore, #tpu.memory_space<semaphore_mem>>) src(%dma_wait3A_164 : memref<640x128xf32, #tpu.memory_space<hbm>>) dst(%dma_wait3A_162 : memref<640x128xf32, #tpu.memory_space<vmem_shared>>)
        tpu.yield
      }) : () -> ()
    } else {
    }
    %barrier3A = arith.constant 0 : index
    tpu.barrier barrier_id(%barrier3A)
    %mul3A_9 = arith.constant 10000 : i32
    %mul3A_10 = arith.muli %add3A, %mul3A_9 : i32
    %add3A_11 = arith.constant 0 : i32
    %add3A_12 = arith.addi %mul3A_10, %add3A_11 : i32
    %multiple_of3A_13 = tpu.assume_multiple %add3A_12, 8 : i32
    %dma_start3A = arith.constant 0 : i32
    %dma_start3A_14 = tpu.memref_slice %arg7[%dma_start3A] : memref<320xi32, #tpu.memory_space<vmem>> -> memref<160xi32, #tpu.memory_space<vmem>>
    %dma_start3A_15 = tpu.memref_slice %arg3[%multiple_of3A_13] : memref<320000xi32, #tpu.memory_space<hbm>> -> memref<160xi32, #tpu.memory_space<hbm>>
    %dma_start3A_16 = arith.constant 0 : i32
    %dma_start3A_17 = tpu.memref_slice %arg7[%dma_start3A_16] : memref<320xi32, #tpu.memory_space<vmem>> -> memref<160xi32, #tpu.memory_space<vmem>>
    %dma_start3A_18 = tpu.memref_slice %arg3[%multiple_of3A_13] : memref<320000xi32, #tpu.memory_space<hbm>> -> memref<160xi32, #tpu.memory_space<hbm>>
    tpu.enqueue_dma source(%dma_start3A_18 : memref<160xi32, #tpu.memory_space<hbm>>) target(%dma_start3A_17 : memref<160xi32, #tpu.memory_space<vmem>>) target_semaphore(%arg11 : memref<!tpu.dma_semaphore, #tpu.memory_space<semaphore_mem>>)
    %add3A_19 = arith.constant 0 : i32
    %add3A_20 = arith.addi %multiple_of3A_13, %add3A_19 : i32
    %multiple_of3A_21 = tpu.assume_multiple %add3A_20, 8 : i32
    %dma_start3A_22 = arith.constant 0 : i32
    %dma_start3A_23 = arith.constant 0 : i32
    %dma_start3A_24 = tpu.memref_slice %arg8[%dma_start3A_22, %dma_start3A_23] : memref<4x80xi32, #tpu.memory_space<vmem>> -> memref<1x80xi32, #tpu.memory_space<vmem>>
    %dma_start3A_25 = tpu.memref_squeeze %dma_start3A_24 : memref<1x80xi32, #tpu.memory_space<vmem>> -> memref<80xi32, #tpu.memory_space<vmem>>
    %dma_start3A_26 = tpu.memref_slice %arg4[%multiple_of3A_21] : memref<320000xi32, #tpu.memory_space<hbm>> -> memref<80xi32, #tpu.memory_space<hbm>>
    %dma_start3A_27 = arith.constant 0 : i32
    %dma_start3A_28 = tpu.memref_slice %arg8[%dma_start3A_22, %dma_start3A_27] : memref<4x80xi32, #tpu.memory_space<vmem>> -> memref<1x80xi32, #tpu.memory_space<vmem>>
    %dma_start3A_29 = tpu.memref_squeeze %dma_start3A_28 : memref<1x80xi32, #tpu.memory_space<vmem>> -> memref<80xi32, #tpu.memory_space<vmem>>
    %dma_start3A_30 = tpu.memref_slice %arg4[%multiple_of3A_21] : memref<320000xi32, #tpu.memory_space<hbm>> -> memref<80xi32, #tpu.memory_space<hbm>>
    tpu.enqueue_dma source(%dma_start3A_30 : memref<80xi32, #tpu.memory_space<hbm>>) target(%dma_start3A_29 : memref<80xi32, #tpu.memory_space<vmem>>) target_semaphore(%arg11 : memref<!tpu.dma_semaphore, #tpu.memory_space<semaphore_mem>>)
    %add3A_31 = arith.constant 80 : i32
    %add3A_32 = arith.addi %multiple_of3A_13, %add3A_31 : i32
    %multiple_of3A_33 = tpu.assume_multiple %add3A_32, 8 : i32
    %dma_start3A_34 = arith.constant 1 : i32
    %dma_start3A_35 = arith.constant 0 : i32
    %dma_start3A_36 = tpu.memref_slice %arg8[%dma_start3A_34, %dma_start3A_35] : memref<4x80xi32, #tpu.memory_space<vmem>> -> memref<1x80xi32, #tpu.memory_space<vmem>>
    %dma_start3A_37 = tpu.memref_squeeze %dma_start3A_36 : memref<1x80xi32, #tpu.memory_space<vmem>> -> memref<80xi32, #tpu.memory_space<vmem>>
    %dma_start3A_38 = tpu.memref_slice %arg4[%multiple_of3A_33] : memref<320000xi32, #tpu.memory_space<hbm>> -> memref<80xi32, #tpu.memory_space<hbm>>
    %dma_start3A_39 = arith.constant 0 : i32
    %dma_start3A_40 = tpu.memref_slice %arg8[%dma_start3A_34, %dma_start3A_39] : memref<4x80xi32, #tpu.memory_space<vmem>> -> memref<1x80xi32, #tpu.memory_space<vmem>>
    %dma_start3A_41 = tpu.memref_squeeze %dma_start3A_40 : memref<1x80xi32, #tpu.memory_space<vmem>> -> memref<80xi32, #tpu.memory_space<vmem>>
    %dma_start3A_42 = tpu.memref_slice %arg4[%multiple_of3A_33] : memref<320000xi32, #tpu.memory_space<hbm>> -> memref<80xi32, #tpu.memory_space<hbm>>
    tpu.enqueue_dma source(%dma_start3A_42 : memref<80xi32, #tpu.memory_space<hbm>>) target(%dma_start3A_41 : memref<80xi32, #tpu.memory_space<vmem>>) target_semaphore(%arg11 : memref<!tpu.dma_semaphore, #tpu.memory_space<semaphore_mem>>)
    %dma_wait3A = arith.constant 0 : i32
    %dma_wait3A_43 = tpu.memref_slice %arg7[%dma_wait3A] : memref<320xi32, #tpu.memory_space<vmem>> -> memref<160xi32, #tpu.memory_space<vmem>>
    %dma_wait3A_44 = tpu.memref_slice %arg3[%multiple_of3A_13] : memref<320000xi32, #tpu.memory_space<hbm>> -> memref<160xi32, #tpu.memory_space<hbm>>
    %dma_wait3A_45 = arith.constant 0 : i32
    %dma_wait3A_46 = tpu.memref_slice %arg7[%dma_wait3A_45] : memref<320xi32, #tpu.memory_space<vmem>> -> memref<160xi32, #tpu.memory_space<vmem>>
    %dma_wait3A_47 = tpu.memref_slice %arg3[%multiple_of3A_13] : memref<320000xi32, #tpu.memory_space<hbm>> -> memref<160xi32, #tpu.memory_space<hbm>>
    tpu.wait_dma2 semaphore(%arg11 : memref<!tpu.dma_semaphore, #tpu.memory_space<semaphore_mem>>) src(%dma_wait3A_47 : memref<160xi32, #tpu.memory_space<hbm>>) dst(%dma_wait3A_46 : memref<160xi32, #tpu.memory_space<vmem>>)
    %dma_wait3A_48 = arith.constant 0 : i32
    %dma_wait3A_49 = arith.constant 0 : i32
    %dma_wait3A_50 = tpu.memref_slice %arg8[%dma_wait3A_48, %dma_wait3A_49] : memref<4x80xi32, #tpu.memory_space<vmem>> -> memref<1x80xi32, #tpu.memory_space<vmem>>
    %dma_wait3A_51 = tpu.memref_squeeze %dma_wait3A_50 : memref<1x80xi32, #tpu.memory_space<vmem>> -> memref<80xi32, #tpu.memory_space<vmem>>
    %dma_wait3A_52 = tpu.memref_slice %arg4[%multiple_of3A_21] : memref<320000xi32, #tpu.memory_space<hbm>> -> memref<80xi32, #tpu.memory_space<hbm>>
    %dma_wait3A_53 = arith.constant 0 : i32
    %dma_wait3A_54 = tpu.memref_slice %arg8[%dma_wait3A_48, %dma_wait3A_53] : memref<4x80xi32, #tpu.memory_space<vmem>> -> memref<1x80xi32, #tpu.memory_space<vmem>>
    %dma_wait3A_55 = tpu.memref_squeeze %dma_wait3A_54 : memref<1x80xi32, #tpu.memory_space<vmem>> -> memref<80xi32, #tpu.memory_space<vmem>>
    %dma_wait3A_56 = tpu.memref_slice %arg4[%multiple_of3A_21] : memref<320000xi32, #tpu.memory_space<hbm>> -> memref<80xi32, #tpu.memory_space<hbm>>
    tpu.wait_dma2 semaphore(%arg11 : memref<!tpu.dma_semaphore, #tpu.memory_space<semaphore_mem>>) src(%dma_wait3A_56 : memref<80xi32, #tpu.memory_space<hbm>>) dst(%dma_wait3A_55 : memref<80xi32, #tpu.memory_space<vmem>>)
    %dma_wait3A_57 = arith.constant 1 : i32
    %dma_wait3A_58 = arith.constant 0 : i32
    %dma_wait3A_59 = tpu.memref_slice %arg8[%dma_wait3A_57, %dma_wait3A_58] : memref<4x80xi32, #tpu.memory_space<vmem>> -> memref<1x80xi32, #tpu.memory_space<vmem>>
    %dma_wait3A_60 = tpu.memref_squeeze %dma_wait3A_59 : memref<1x80xi32, #tpu.memory_space<vmem>> -> memref<80xi32, #tpu.memory_space<vmem>>
    %dma_wait3A_61 = tpu.memref_slice %arg4[%multiple_of3A_33] : memref<320000xi32, #tpu.memory_space<hbm>> -> memref<80xi32, #tpu.memory_space<hbm>>
    %dma_wait3A_62 = arith.constant 0 : i32
    %dma_wait3A_63 = tpu.memref_slice %arg8[%dma_wait3A_57, %dma_wait3A_62] : memref<4x80xi32, #tpu.memory_space<vmem>> -> memref<1x80xi32, #tpu.memory_space<vmem>>
    %dma_wait3A_64 = tpu.memref_squeeze %dma_wait3A_63 : memref<1x80xi32, #tpu.memory_space<vmem>> -> memref<80xi32, #tpu.memory_space<vmem>>
    %dma_wait3A_65 = tpu.memref_slice %arg4[%multiple_of3A_33] : memref<320000xi32, #tpu.memory_space<hbm>> -> memref<80xi32, #tpu.memory_space<hbm>>
    tpu.wait_dma2 semaphore(%arg11 : memref<!tpu.dma_semaphore, #tpu.memory_space<semaphore_mem>>) src(%dma_wait3A_65 : memref<80xi32, #tpu.memory_space<hbm>>) dst(%dma_wait3A_64 : memref<80xi32, #tpu.memory_space<vmem>>)
    %dma_start3A_66 = arith.constant 0 : i32
    %dma_start3A_67 = arith.constant 0 : i32
    %dma_start3A_68 = tpu.memref_slice %arg9[%dma_start3A_66, %dma_start3A_67] : memref<320x128xf32, #tpu.memory_space<vmem>> -> memref<80x128xf32, #tpu.memory_space<vmem>>
    %dma_start3A_69 = arith.constant 0 : i32
    %dma_start3A_70 = tpu.memref_slice %arg7[%dma_start3A_69] : memref<320xi32, #tpu.memory_space<vmem>> -> memref<80xi32, #tpu.memory_space<vmem>>
    %dma_start3A_71 = arith.constant 0 : i32
    %dma_start3A_72 = arith.constant 0 : i32
    %dma_start3A_73 = tpu.memref_slice %arg2[%dma_start3A_71, %dma_start3A_72] : memref<10240x128xf32, #tpu.memory_space<hbm>> -> memref<10240x128xf32, #tpu.memory_space<hbm>>
    tpu.enqueue_indirect_dma source(%dma_start3A_73 : memref<10240x128xf32, #tpu.memory_space<hbm>>) target(%dma_start3A_68 : memref<80x128xf32, #tpu.memory_space<vmem>>) offsets(%dma_start3A_70 : memref<80xi32, #tpu.memory_space<vmem>>) semaphore(%arg13 : memref<!tpu.dma_semaphore, #tpu.memory_space<semaphore_mem>>)
    %dma_start3A_74 = arith.constant 80 : i32
    %dma_start3A_75 = arith.constant 0 : i32
    %dma_start3A_76 = tpu.memref_slice %arg9[%dma_start3A_74, %dma_start3A_75] : memref<320x128xf32, #tpu.memory_space<vmem>> -> memref<80x128xf32, #tpu.memory_space<vmem>>
    %dma_start3A_77 = arith.constant 80 : i32
    %dma_start3A_78 = tpu.memref_slice %arg7[%dma_start3A_77] : memref<320xi32, #tpu.memory_space<vmem>> -> memref<80xi32, #tpu.memory_space<vmem>>
    %dma_start3A_79 = arith.constant 0 : i32
    %dma_start3A_80 = arith.constant 0 : i32
    %dma_start3A_81 = tpu.memref_slice %arg2[%dma_start3A_79, %dma_start3A_80] : memref<10240x128xf32, #tpu.memory_space<hbm>> -> memref<10240x128xf32, #tpu.memory_space<hbm>>
    tpu.enqueue_indirect_dma source(%dma_start3A_81 : memref<10240x128xf32, #tpu.memory_space<hbm>>) target(%dma_start3A_76 : memref<80x128xf32, #tpu.memory_space<vmem>>) offsets(%dma_start3A_78 : memref<80xi32, #tpu.memory_space<vmem>>) semaphore(%arg13 : memref<!tpu.dma_semaphore, #tpu.memory_space<semaphore_mem>>)
    %scan3A = arith.constant 0 : i32
    %scan3A_82 = arith.constant 0 : i32
    %scan3A_83 = arith.constant 62 : i32
    %scan3A_84 = arith.addi %scan3A_82, %scan3A_83 : i32
    %scan3A_85 = arith.constant 1 : i32
    scf.for %scan3A_156 = %scan3A_82 to %scan3A_84 step %scan3A_85  : i32 {
      %rem3A = arith.constant 2 : i32
      %rem3A_157 = arith.remsi %scan3A_156, %rem3A : i32
      %eq3A_158 = arith.constant 0 : i32
      %eq3A_159 = arith.cmpi eq, %rem3A_157, %eq3A_158 : i32
      %add3A_160 = arith.constant 1 : i32
      %add3A_161 = arith.addi %scan3A_156, %add3A_160 : i32
      %lt3A = arith.constant 62 : i32
      %lt3A_162 = arith.cmpi slt, %add3A_161, %lt3A : i32
      %and3A = arith.andi %eq3A_159, %lt3A_162 : i1
      %convert_element_type3A_163 = arith.extui %and3A : i1 to i32
      %cond3A_164 = arith.constant 0 : i32
      %cond3A_165 = arith.cmpi ne, %convert_element_type3A_163, %cond3A_164 : i32
      scf.if %cond3A_165 {
        %ge3A = arith.constant 1 : i32
        %ge3A_186 = arith.cmpi sge, %scan3A_156, %ge3A : i32
        %convert_element_type3A_187 = arith.extui %ge3A_186 : i1 to i32
        %cond3A_188 = arith.constant 0 : i32
        %cond3A_189 = arith.cmpi ne, %convert_element_type3A_187, %cond3A_188 : i32
        scf.if %cond3A_189 {
          %dma_wait3A_268 = arith.constant 2 : i32
          %dma_wait3A_269 = arith.constant 160 : i32
          %dma_wait3A_270 = arith.constant 0 : i32
          %dma_wait3A_271 = tpu.memref_slice %arg9[%dma_wait3A_269, %dma_wait3A_270] : memref<320x128xf32, #tpu.memory_space<vmem>> -> memref<80x128xf32, #tpu.memory_space<vmem>>
          %dma_wait3A_272 = arith.constant 0 : i32
          %dma_wait3A_273 = tpu.memref_slice %arg8[%dma_wait3A_268, %dma_wait3A_272] : memref<4x80xi32, #tpu.memory_space<vmem>> -> memref<1x80xi32, #tpu.memory_space<vmem>>
          %dma_wait3A_274 = tpu.memref_squeeze %dma_wait3A_273 : memref<1x80xi32, #tpu.memory_space<vmem>> -> memref<80xi32, #tpu.memory_space<vmem>>
          %dma_wait3A_275 = arith.constant 0 : i32
          %dma_wait3A_276 = arith.constant 0 : i32
          %dma_wait3A_277 = tpu.memref_slice %arg10[%dma_wait3A_275, %dma_wait3A_276] : memref<10240x128xf32, #tpu.memory_space<vmem_shared>> -> memref<10240x128xf32, #tpu.memory_space<vmem_shared>>
          tpu.wait_indirect_dma semaphore(%arg16 : memref<!tpu.dma_semaphore, #tpu.memory_space<semaphore_mem>>) src(%dma_wait3A_271 : memref<80x128xf32, #tpu.memory_space<vmem>>) dst(%dma_wait3A_277 : memref<10240x128xf32, #tpu.memory_space<vmem_shared>>)
          %dma_wait3A_278 = arith.constant 3 : i32
          %dma_wait3A_279 = arith.constant 240 : i32
          %dma_wait3A_280 = arith.constant 0 : i32
          %dma_wait3A_281 = tpu.memref_slice %arg9[%dma_wait3A_279, %dma_wait3A_280] : memref<320x128xf32, #tpu.memory_space<vmem>> -> memref<80x128xf32, #tpu.memory_space<vmem>>
          %dma_wait3A_282 = arith.constant 0 : i32
          %dma_wait3A_283 = tpu.memref_slice %arg8[%dma_wait3A_278, %dma_wait3A_282] : memref<4x80xi32, #tpu.memory_space<vmem>> -> memref<1x80xi32, #tpu.memory_space<vmem>>
          %dma_wait3A_284 = tpu.memref_squeeze %dma_wait3A_283 : memref<1x80xi32, #tpu.memory_space<vmem>> -> memref<80xi32, #tpu.memory_space<vmem>>
          %dma_wait3A_285 = arith.constant 0 : i32
          %dma_wait3A_286 = arith.constant 0 : i32
          %dma_wait3A_287 = tpu.memref_slice %arg10[%dma_wait3A_285, %dma_wait3A_286] : memref<10240x128xf32, #tpu.memory_space<vmem_shared>> -> memref<10240x128xf32, #tpu.memory_space<vmem_shared>>
          tpu.wait_indirect_dma semaphore(%arg16 : memref<!tpu.dma_semaphore, #tpu.memory_space<semaphore_mem>>) src(%dma_wait3A_281 : memref<80x128xf32, #tpu.memory_space<vmem>>) dst(%dma_wait3A_287 : memref<10240x128xf32, #tpu.memory_space<vmem_shared>>)
        } else {
        }
        %add3A_190 = arith.constant 1 : i32
        %add3A_191 = arith.addi %scan3A_156, %add3A_190 : i32
        %mul3A_192 = arith.constant 10000 : i32
        %mul3A_193 = arith.muli %add3A, %mul3A_192 : i32
        %mul3A_194 = arith.constant 160 : i32
        %mul3A_195 = arith.muli %add3A_191, %mul3A_194 : i32
        %add3A_196 = arith.addi %mul3A_193, %mul3A_195 : i32
        %multiple_of3A_197 = tpu.assume_multiple %add3A_196, 8 : i32
        %dma_start3A_198 = arith.constant 160 : i32
        %dma_start3A_199 = tpu.memref_slice %arg7[%dma_start3A_198] : memref<320xi32, #tpu.memory_space<vmem>> -> memref<160xi32, #tpu.memory_space<vmem>>
        %dma_start3A_200 = tpu.memref_slice %arg3[%multiple_of3A_197] : memref<320000xi32, #tpu.memory_space<hbm>> -> memref<160xi32, #tpu.memory_space<hbm>>
        %dma_start3A_201 = arith.constant 160 : i32
        %dma_start3A_202 = tpu.memref_slice %arg7[%dma_start3A_201] : memref<320xi32, #tpu.memory_space<vmem>> -> memref<160xi32, #tpu.memory_space<vmem>>
        %dma_start3A_203 = tpu.memref_slice %arg3[%multiple_of3A_197] : memref<320000xi32, #tpu.memory_space<hbm>> -> memref<160xi32, #tpu.memory_space<hbm>>
        tpu.enqueue_dma source(%dma_start3A_203 : memref<160xi32, #tpu.memory_space<hbm>>) target(%dma_start3A_202 : memref<160xi32, #tpu.memory_space<vmem>>) target_semaphore(%arg12 : memref<!tpu.dma_semaphore, #tpu.memory_space<semaphore_mem>>)
        %add3A_204 = arith.constant 0 : i32
        %add3A_205 = arith.addi %multiple_of3A_197, %add3A_204 : i32
        %multiple_of3A_206 = tpu.assume_multiple %add3A_205, 8 : i32
        %dma_start3A_207 = arith.constant 2 : i32
        %dma_start3A_208 = arith.constant 0 : i32
        %dma_start3A_209 = tpu.memref_slice %arg8[%dma_start3A_207, %dma_start3A_208] : memref<4x80xi32, #tpu.memory_space<vmem>> -> memref<1x80xi32, #tpu.memory_space<vmem>>
        %dma_start3A_210 = tpu.memref_squeeze %dma_start3A_209 : memref<1x80xi32, #tpu.memory_space<vmem>> -> memref<80xi32, #tpu.memory_space<vmem>>
        %dma_start3A_211 = tpu.memref_slice %arg4[%multiple_of3A_206] : memref<320000xi32, #tpu.memory_space<hbm>> -> memref<80xi32, #tpu.memory_space<hbm>>
        %dma_start3A_212 = arith.constant 0 : i32
        %dma_start3A_213 = tpu.memref_slice %arg8[%dma_start3A_207, %dma_start3A_212] : memref<4x80xi32, #tpu.memory_space<vmem>> -> memref<1x80xi32, #tpu.memory_space<vmem>>
        %dma_start3A_214 = tpu.memref_squeeze %dma_start3A_213 : memref<1x80xi32, #tpu.memory_space<vmem>> -> memref<80xi32, #tpu.memory_space<vmem>>
        %dma_start3A_215 = tpu.memref_slice %arg4[%multiple_of3A_206] : memref<320000xi32, #tpu.memory_space<hbm>> -> memref<80xi32, #tpu.memory_space<hbm>>
        tpu.enqueue_dma source(%dma_start3A_215 : memref<80xi32, #tpu.memory_space<hbm>>) target(%dma_start3A_214 : memref<80xi32, #tpu.memory_space<vmem>>) target_semaphore(%arg12 : memref<!tpu.dma_semaphore, #tpu.memory_space<semaphore_mem>>)
        %add3A_216 = arith.constant 80 : i32
        %add3A_217 = arith.addi %multiple_of3A_197, %add3A_216 : i32
        %multiple_of3A_218 = tpu.assume_multiple %add3A_217, 8 : i32
        %dma_start3A_219 = arith.constant 3 : i32
        %dma_start3A_220 = arith.constant 0 : i32
        %dma_start3A_221 = tpu.memref_slice %arg8[%dma_start3A_219, %dma_start3A_220] : memref<4x80xi32, #tpu.memory_space<vmem>> -> memref<1x80xi32, #tpu.memory_space<vmem>>
        %dma_start3A_222 = tpu.memref_squeeze %dma_start3A_221 : memref<1x80xi32, #tpu.memory_space<vmem>> -> memref<80xi32, #tpu.memory_space<vmem>>
        %dma_start3A_223 = tpu.memref_slice %arg4[%multiple_of3A_218] : memref<320000xi32, #tpu.memory_space<hbm>> -> memref<80xi32, #tpu.memory_space<hbm>>
        %dma_start3A_224 = arith.constant 0 : i32
        %dma_start3A_225 = tpu.memref_slice %arg8[%dma_start3A_219, %dma_start3A_224] : memref<4x80xi32, #tpu.memory_space<vmem>> -> memref<1x80xi32, #tpu.memory_space<vmem>>
        %dma_start3A_226 = tpu.memref_squeeze %dma_start3A_225 : memref<1x80xi32, #tpu.memory_space<vmem>> -> memref<80xi32, #tpu.memory_space<vmem>>
        %dma_start3A_227 = tpu.memref_slice %arg4[%multiple_of3A_218] : memref<320000xi32, #tpu.memory_space<hbm>> -> memref<80xi32, #tpu.memory_space<hbm>>
        tpu.enqueue_dma source(%dma_start3A_227 : memref<80xi32, #tpu.memory_space<hbm>>) target(%dma_start3A_226 : memref<80xi32, #tpu.memory_space<vmem>>) target_semaphore(%arg12 : memref<!tpu.dma_semaphore, #tpu.memory_space<semaphore_mem>>)
        %dma_wait3A_228 = arith.constant 160 : i32
        %dma_wait3A_229 = tpu.memref_slice %arg7[%dma_wait3A_228] : memref<320xi32, #tpu.memory_space<vmem>> -> memref<160xi32, #tpu.memory_space<vmem>>
        %dma_wait3A_230 = tpu.memref_slice %arg3[%multiple_of3A_197] : memref<320000xi32, #tpu.memory_space<hbm>> -> memref<160xi32, #tpu.memory_space<hbm>>
        %dma_wait3A_231 = arith.constant 160 : i32
        %dma_wait3A_232 = tpu.memref_slice %arg7[%dma_wait3A_231] : memref<320xi32, #tpu.memory_space<vmem>> -> memref<160xi32, #tpu.memory_space<vmem>>
        %dma_wait3A_233 = tpu.memref_slice %arg3[%multiple_of3A_197] : memref<320000xi32, #tpu.memory_space<hbm>> -> memref<160xi32, #tpu.memory_space<hbm>>
        tpu.wait_dma2 semaphore(%arg12 : memref<!tpu.dma_semaphore, #tpu.memory_space<semaphore_mem>>) src(%dma_wait3A_233 : memref<160xi32, #tpu.memory_space<hbm>>) dst(%dma_wait3A_232 : memref<160xi32, #tpu.memory_space<vmem>>)
        %dma_wait3A_234 = arith.constant 2 : i32
        %dma_wait3A_235 = arith.constant 0 : i32
        %dma_wait3A_236 = tpu.memref_slice %arg8[%dma_wait3A_234, %dma_wait3A_235] : memref<4x80xi32, #tpu.memory_space<vmem>> -> memref<1x80xi32, #tpu.memory_space<vmem>>
        %dma_wait3A_237 = tpu.memref_squeeze %dma_wait3A_236 : memref<1x80xi32, #tpu.memory_space<vmem>> -> memref<80xi32, #tpu.memory_space<vmem>>
        %dma_wait3A_238 = tpu.memref_slice %arg4[%multiple_of3A_206] : memref<320000xi32, #tpu.memory_space<hbm>> -> memref<80xi32, #tpu.memory_space<hbm>>
        %dma_wait3A_239 = arith.constant 0 : i32
        %dma_wait3A_240 = tpu.memref_slice %arg8[%dma_wait3A_234, %dma_wait3A_239] : memref<4x80xi32, #tpu.memory_space<vmem>> -> memref<1x80xi32, #tpu.memory_space<vmem>>
        %dma_wait3A_241 = tpu.memref_squeeze %dma_wait3A_240 : memref<1x80xi32, #tpu.memory_space<vmem>> -> memref<80xi32, #tpu.memory_space<vmem>>
        %dma_wait3A_242 = tpu.memref_slice %arg4[%multiple_of3A_206] : memref<320000xi32, #tpu.memory_space<hbm>> -> memref<80xi32, #tpu.memory_space<hbm>>
        tpu.wait_dma2 semaphore(%arg12 : memref<!tpu.dma_semaphore, #tpu.memory_space<semaphore_mem>>) src(%dma_wait3A_242 : memref<80xi32, #tpu.memory_space<hbm>>) dst(%dma_wait3A_241 : memref<80xi32, #tpu.memory_space<vmem>>)
        %dma_wait3A_243 = arith.constant 3 : i32
        %dma_wait3A_244 = arith.constant 0 : i32
        %dma_wait3A_245 = tpu.memref_slice %arg8[%dma_wait3A_243, %dma_wait3A_244] : memref<4x80xi32, #tpu.memory_space<vmem>> -> memref<1x80xi32, #tpu.memory_space<vmem>>
        %dma_wait3A_246 = tpu.memref_squeeze %dma_wait3A_245 : memref<1x80xi32, #tpu.memory_space<vmem>> -> memref<80xi32, #tpu.memory_space<vmem>>
        %dma_wait3A_247 = tpu.memref_slice %arg4[%multiple_of3A_218] : memref<320000xi32, #tpu.memory_space<hbm>> -> memref<80xi32, #tpu.memory_space<hbm>>
        %dma_wait3A_248 = arith.constant 0 : i32
        %dma_wait3A_249 = tpu.memref_slice %arg8[%dma_wait3A_243, %dma_wait3A_248] : memref<4x80xi32, #tpu.memory_space<vmem>> -> memref<1x80xi32, #tpu.memory_space<vmem>>
        %dma_wait3A_250 = tpu.memref_squeeze %dma_wait3A_249 : memref<1x80xi32, #tpu.memory_space<vmem>> -> memref<80xi32, #tpu.memory_space<vmem>>
        %dma_wait3A_251 = tpu.memref_slice %arg4[%multiple_of3A_218] : memref<320000xi32, #tpu.memory_space<hbm>> -> memref<80xi32, #tpu.memory_space<hbm>>
        tpu.wait_dma2 semaphore(%arg12 : memref<!tpu.dma_semaphore, #tpu.memory_space<semaphore_mem>>) src(%dma_wait3A_251 : memref<80xi32, #tpu.memory_space<hbm>>) dst(%dma_wait3A_250 : memref<80xi32, #tpu.memory_space<vmem>>)
        %dma_start3A_252 = arith.constant 160 : i32
        %dma_start3A_253 = arith.constant 0 : i32
        %dma_start3A_254 = tpu.memref_slice %arg9[%dma_start3A_252, %dma_start3A_253] : memref<320x128xf32, #tpu.memory_space<vmem>> -> memref<80x128xf32, #tpu.memory_space<vmem>>
        %dma_start3A_255 = arith.constant 160 : i32
        %dma_start3A_256 = tpu.memref_slice %arg7[%dma_start3A_255] : memref<320xi32, #tpu.memory_space<vmem>> -> memref<80xi32, #tpu.memory_space<vmem>>
        %dma_start3A_257 = arith.constant 0 : i32
        %dma_start3A_258 = arith.constant 0 : i32
        %dma_start3A_259 = tpu.memref_slice %arg2[%dma_start3A_257, %dma_start3A_258] : memref<10240x128xf32, #tpu.memory_space<hbm>> -> memref<10240x128xf32, #tpu.memory_space<hbm>>
        tpu.enqueue_indirect_dma source(%dma_start3A_259 : memref<10240x128xf32, #tpu.memory_space<hbm>>) target(%dma_start3A_254 : memref<80x128xf32, #tpu.memory_space<vmem>>) offsets(%dma_start3A_256 : memref<80xi32, #tpu.memory_space<vmem>>) semaphore(%arg14 : memref<!tpu.dma_semaphore, #tpu.memory_space<semaphore_mem>>)
        %dma_start3A_260 = arith.constant 240 : i32
        %dma_start3A_261 = arith.constant 0 : i32
        %dma_start3A_262 = tpu.memref_slice %arg9[%dma_start3A_260, %dma_start3A_261] : memref<320x128xf32, #tpu.memory_space<vmem>> -> memref<80x128xf32, #tpu.memory_space<vmem>>
        %dma_start3A_263 = arith.constant 240 : i32
        %dma_start3A_264 = tpu.memref_slice %arg7[%dma_start3A_263] : memref<320xi32, #tpu.memory_space<vmem>> -> memref<80xi32, #tpu.memory_space<vmem>>
        %dma_start3A_265 = arith.constant 0 : i32
        %dma_start3A_266 = arith.constant 0 : i32
        %dma_start3A_267 = tpu.memref_slice %arg2[%dma_start3A_265, %dma_start3A_266] : memref<10240x128xf32, #tpu.memory_space<hbm>> -> memref<10240x128xf32, #tpu.memory_space<hbm>>
        tpu.enqueue_indirect_dma source(%dma_start3A_267 : memref<10240x128xf32, #tpu.memory_space<hbm>>) target(%dma_start3A_262 : memref<80x128xf32, #tpu.memory_space<vmem>>) offsets(%dma_start3A_264 : memref<80xi32, #tpu.memory_space<vmem>>) semaphore(%arg14 : memref<!tpu.dma_semaphore, #tpu.memory_space<semaphore_mem>>)
      } else {
      }
      %ne3A_166 = arith.constant 0 : i32
      %ne3A_167 = arith.cmpi ne, %rem3A_157, %ne3A_166 : i32
      %add3A_168 = arith.constant 1 : i32
      %add3A_169 = arith.addi %scan3A_156, %add3A_168 : i32
      %lt3A_170 = arith.constant 62 : i32
      %lt3A_171 = arith.cmpi slt, %add3A_169, %lt3A_170 : i32
      %and3A_172 = arith.andi %ne3A_167, %lt3A_171 : i1
      %convert_element_type3A_173 = arith.extui %and3A_172 : i1 to i32
      %cond3A_174 = arith.constant 0 : i32
      %cond3A_175 = arith.cmpi ne, %convert_element_type3A_173, %cond3A_174 : i32
      scf.if %cond3A_175 {
        %dma_wait3A_186 = arith.constant 0 : i32
        %dma_wait3A_187 = arith.constant 0 : i32
        %dma_wait3A_188 = arith.constant 0 : i32
        %dma_wait3A_189 = tpu.memref_slice %arg9[%dma_wait3A_187, %dma_wait3A_188] : memref<320x128xf32, #tpu.memory_space<vmem>> -> memref<80x128xf32, #tpu.memory_space<vmem>>
        %dma_wait3A_190 = arith.constant 0 : i32
        %dma_wait3A_191 = tpu.memref_slice %arg8[%dma_wait3A_186, %dma_wait3A_190] : memref<4x80xi32, #tpu.memory_space<vmem>> -> memref<1x80xi32, #tpu.memory_space<vmem>>
        %dma_wait3A_192 = tpu.memref_squeeze %dma_wait3A_191 : memref<1x80xi32, #tpu.memory_space<vmem>> -> memref<80xi32, #tpu.memory_space<vmem>>
        %dma_wait3A_193 = arith.constant 0 : i32
        %dma_wait3A_194 = arith.constant 0 : i32
        %dma_wait3A_195 = tpu.memref_slice %arg10[%dma_wait3A_193, %dma_wait3A_194] : memref<10240x128xf32, #tpu.memory_space<vmem_shared>> -> memref<10240x128xf32, #tpu.memory_space<vmem_shared>>
        tpu.wait_indirect_dma semaphore(%arg15 : memref<!tpu.dma_semaphore, #tpu.memory_space<semaphore_mem>>) src(%dma_wait3A_189 : memref<80x128xf32, #tpu.memory_space<vmem>>) dst(%dma_wait3A_195 : memref<10240x128xf32, #tpu.memory_space<vmem_shared>>)
        %dma_wait3A_196 = arith.constant 1 : i32
        %dma_wait3A_197 = arith.constant 80 : i32
        %dma_wait3A_198 = arith.constant 0 : i32
        %dma_wait3A_199 = tpu.memref_slice %arg9[%dma_wait3A_197, %dma_wait3A_198] : memref<320x128xf32, #tpu.memory_space<vmem>> -> memref<80x128xf32, #tpu.memory_space<vmem>>
        %dma_wait3A_200 = arith.constant 0 : i32
        %dma_wait3A_201 = tpu.memref_slice %arg8[%dma_wait3A_196, %dma_wait3A_200] : memref<4x80xi32, #tpu.memory_space<vmem>> -> memref<1x80xi32, #tpu.memory_space<vmem>>
        %dma_wait3A_202 = tpu.memref_squeeze %dma_wait3A_201 : memref<1x80xi32, #tpu.memory_space<vmem>> -> memref<80xi32, #tpu.memory_space<vmem>>
        %dma_wait3A_203 = arith.constant 0 : i32
        %dma_wait3A_204 = arith.constant 0 : i32
        %dma_wait3A_205 = tpu.memref_slice %arg10[%dma_wait3A_203, %dma_wait3A_204] : memref<10240x128xf32, #tpu.memory_space<vmem_shared>> -> memref<10240x128xf32, #tpu.memory_space<vmem_shared>>
        tpu.wait_indirect_dma semaphore(%arg15 : memref<!tpu.dma_semaphore, #tpu.memory_space<semaphore_mem>>) src(%dma_wait3A_199 : memref<80x128xf32, #tpu.memory_space<vmem>>) dst(%dma_wait3A_205 : memref<10240x128xf32, #tpu.memory_space<vmem_shared>>)
        %add3A_206 = arith.constant 1 : i32
        %add3A_207 = arith.addi %scan3A_156, %add3A_206 : i32
        %mul3A_208 = arith.constant 10000 : i32
        %mul3A_209 = arith.muli %add3A, %mul3A_208 : i32
        %mul3A_210 = arith.constant 160 : i32
        %mul3A_211 = arith.muli %add3A_207, %mul3A_210 : i32
        %add3A_212 = arith.addi %mul3A_209, %mul3A_211 : i32
        %multiple_of3A_213 = tpu.assume_multiple %add3A_212, 8 : i32
        %dma_start3A_214 = arith.constant 0 : i32
        %dma_start3A_215 = tpu.memref_slice %arg7[%dma_start3A_214] : memref<320xi32, #tpu.memory_space<vmem>> -> memref<160xi32, #tpu.memory_space<vmem>>
        %dma_start3A_216 = tpu.memref_slice %arg3[%multiple_of3A_213] : memref<320000xi32, #tpu.memory_space<hbm>> -> memref<160xi32, #tpu.memory_space<hbm>>
        %dma_start3A_217 = arith.constant 0 : i32
        %dma_start3A_218 = tpu.memref_slice %arg7[%dma_start3A_217] : memref<320xi32, #tpu.memory_space<vmem>> -> memref<160xi32, #tpu.memory_space<vmem>>
        %dma_start3A_219 = tpu.memref_slice %arg3[%multiple_of3A_213] : memref<320000xi32, #tpu.memory_space<hbm>> -> memref<160xi32, #tpu.memory_space<hbm>>
        tpu.enqueue_dma source(%dma_start3A_219 : memref<160xi32, #tpu.memory_space<hbm>>) target(%dma_start3A_218 : memref<160xi32, #tpu.memory_space<vmem>>) target_semaphore(%arg11 : memref<!tpu.dma_semaphore, #tpu.memory_space<semaphore_mem>>)
        %add3A_220 = arith.constant 0 : i32
        %add3A_221 = arith.addi %multiple_of3A_213, %add3A_220 : i32
        %multiple_of3A_222 = tpu.assume_multiple %add3A_221, 8 : i32
        %dma_start3A_223 = arith.constant 0 : i32
        %dma_start3A_224 = arith.constant 0 : i32
        %dma_start3A_225 = tpu.memref_slice %arg8[%dma_start3A_223, %dma_start3A_224] : memref<4x80xi32, #tpu.memory_space<vmem>> -> memref<1x80xi32, #tpu.memory_space<vmem>>
        %dma_start3A_226 = tpu.memref_squeeze %dma_start3A_225 : memref<1x80xi32, #tpu.memory_space<vmem>> -> memref<80xi32, #tpu.memory_space<vmem>>
        %dma_start3A_227 = tpu.memref_slice %arg4[%multiple_of3A_222] : memref<320000xi32, #tpu.memory_space<hbm>> -> memref<80xi32, #tpu.memory_space<hbm>>
        %dma_start3A_228 = arith.constant 0 : i32
        %dma_start3A_229 = tpu.memref_slice %arg8[%dma_start3A_223, %dma_start3A_228] : memref<4x80xi32, #tpu.memory_space<vmem>> -> memref<1x80xi32, #tpu.memory_space<vmem>>
        %dma_start3A_230 = tpu.memref_squeeze %dma_start3A_229 : memref<1x80xi32, #tpu.memory_space<vmem>> -> memref<80xi32, #tpu.memory_space<vmem>>
        %dma_start3A_231 = tpu.memref_slice %arg4[%multiple_of3A_222] : memref<320000xi32, #tpu.memory_space<hbm>> -> memref<80xi32, #tpu.memory_space<hbm>>
        tpu.enqueue_dma source(%dma_start3A_231 : memref<80xi32, #tpu.memory_space<hbm>>) target(%dma_start3A_230 : memref<80xi32, #tpu.memory_space<vmem>>) target_semaphore(%arg11 : memref<!tpu.dma_semaphore, #tpu.memory_space<semaphore_mem>>)
        %add3A_232 = arith.constant 80 : i32
        %add3A_233 = arith.addi %multiple_of3A_213, %add3A_232 : i32
        %multiple_of3A_234 = tpu.assume_multiple %add3A_233, 8 : i32
        %dma_start3A_235 = arith.constant 1 : i32
        %dma_start3A_236 = arith.constant 0 : i32
        %dma_start3A_237 = tpu.memref_slice %arg8[%dma_start3A_235, %dma_start3A_236] : memref<4x80xi32, #tpu.memory_space<vmem>> -> memref<1x80xi32, #tpu.memory_space<vmem>>
        %dma_start3A_238 = tpu.memref_squeeze %dma_start3A_237 : memref<1x80xi32, #tpu.memory_space<vmem>> -> memref<80xi32, #tpu.memory_space<vmem>>
        %dma_start3A_239 = tpu.memref_slice %arg4[%multiple_of3A_234] : memref<320000xi32, #tpu.memory_space<hbm>> -> memref<80xi32, #tpu.memory_space<hbm>>
        %dma_start3A_240 = arith.constant 0 : i32
        %dma_start3A_241 = tpu.memref_slice %arg8[%dma_start3A_235, %dma_start3A_240] : memref<4x80xi32, #tpu.memory_space<vmem>> -> memref<1x80xi32, #tpu.memory_space<vmem>>
        %dma_start3A_242 = tpu.memref_squeeze %dma_start3A_241 : memref<1x80xi32, #tpu.memory_space<vmem>> -> memref<80xi32, #tpu.memory_space<vmem>>
        %dma_start3A_243 = tpu.memref_slice %arg4[%multiple_of3A_234] : memref<320000xi32, #tpu.memory_space<hbm>> -> memref<80xi32, #tpu.memory_space<hbm>>
        tpu.enqueue_dma source(%dma_start3A_243 : memref<80xi32, #tpu.memory_space<hbm>>) target(%dma_start3A_242 : memref<80xi32, #tpu.memory_space<vmem>>) target_semaphore(%arg11 : memref<!tpu.dma_semaphore, #tpu.memory_space<semaphore_mem>>)
        %dma_wait3A_244 = arith.constant 0 : i32
        %dma_wait3A_245 = tpu.memref_slice %arg7[%dma_wait3A_244] : memref<320xi32, #tpu.memory_space<vmem>> -> memref<160xi32, #tpu.memory_space<vmem>>
        %dma_wait3A_246 = tpu.memref_slice %arg3[%multiple_of3A_213] : memref<320000xi32, #tpu.memory_space<hbm>> -> memref<160xi32, #tpu.memory_space<hbm>>
        %dma_wait3A_247 = arith.constant 0 : i32
        %dma_wait3A_248 = tpu.memref_slice %arg7[%dma_wait3A_247] : memref<320xi32, #tpu.memory_space<vmem>> -> memref<160xi32, #tpu.memory_space<vmem>>
        %dma_wait3A_249 = tpu.memref_slice %arg3[%multiple_of3A_213] : memref<320000xi32, #tpu.memory_space<hbm>> -> memref<160xi32, #tpu.memory_space<hbm>>
        tpu.wait_dma2 semaphore(%arg11 : memref<!tpu.dma_semaphore, #tpu.memory_space<semaphore_mem>>) src(%dma_wait3A_249 : memref<160xi32, #tpu.memory_space<hbm>>) dst(%dma_wait3A_248 : memref<160xi32, #tpu.memory_space<vmem>>)
        %dma_wait3A_250 = arith.constant 0 : i32
        %dma_wait3A_251 = arith.constant 0 : i32
        %dma_wait3A_252 = tpu.memref_slice %arg8[%dma_wait3A_250, %dma_wait3A_251] : memref<4x80xi32, #tpu.memory_space<vmem>> -> memref<1x80xi32, #tpu.memory_space<vmem>>
        %dma_wait3A_253 = tpu.memref_squeeze %dma_wait3A_252 : memref<1x80xi32, #tpu.memory_space<vmem>> -> memref<80xi32, #tpu.memory_space<vmem>>
        %dma_wait3A_254 = tpu.memref_slice %arg4[%multiple_of3A_222] : memref<320000xi32, #tpu.memory_space<hbm>> -> memref<80xi32, #tpu.memory_space<hbm>>
        %dma_wait3A_255 = arith.constant 0 : i32
        %dma_wait3A_256 = tpu.memref_slice %arg8[%dma_wait3A_250, %dma_wait3A_255] : memref<4x80xi32, #tpu.memory_space<vmem>> -> memref<1x80xi32, #tpu.memory_space<vmem>>
        %dma_wait3A_257 = tpu.memref_squeeze %dma_wait3A_256 : memref<1x80xi32, #tpu.memory_space<vmem>> -> memref<80xi32, #tpu.memory_space<vmem>>
        %dma_wait3A_258 = tpu.memref_slice %arg4[%multiple_of3A_222] : memref<320000xi32, #tpu.memory_space<hbm>> -> memref<80xi32, #tpu.memory_space<hbm>>
        tpu.wait_dma2 semaphore(%arg11 : memref<!tpu.dma_semaphore, #tpu.memory_space<semaphore_mem>>) src(%dma_wait3A_258 : memref<80xi32, #tpu.memory_space<hbm>>) dst(%dma_wait3A_257 : memref<80xi32, #tpu.memory_space<vmem>>)
        %dma_wait3A_259 = arith.constant 1 : i32
        %dma_wait3A_260 = arith.constant 0 : i32
        %dma_wait3A_261 = tpu.memref_slice %arg8[%dma_wait3A_259, %dma_wait3A_260] : memref<4x80xi32, #tpu.memory_space<vmem>> -> memref<1x80xi32, #tpu.memory_space<vmem>>
        %dma_wait3A_262 = tpu.memref_squeeze %dma_wait3A_261 : memref<1x80xi32, #tpu.memory_space<vmem>> -> memref<80xi32, #tpu.memory_space<vmem>>
        %dma_wait3A_263 = tpu.memref_slice %arg4[%multiple_of3A_234] : memref<320000xi32, #tpu.memory_space<hbm>> -> memref<80xi32, #tpu.memory_space<hbm>>
        %dma_wait3A_264 = arith.constant 0 : i32
        %dma_wait3A_265 = tpu.memref_slice %arg8[%dma_wait3A_259, %dma_wait3A_264] : memref<4x80xi32, #tpu.memory_space<vmem>> -> memref<1x80xi32, #tpu.memory_space<vmem>>
        %dma_wait3A_266 = tpu.memref_squeeze %dma_wait3A_265 : memref<1x80xi32, #tpu.memory_space<vmem>> -> memref<80xi32, #tpu.memory_space<vmem>>
        %dma_wait3A_267 = tpu.memref_slice %arg4[%multiple_of3A_234] : memref<320000xi32, #tpu.memory_space<hbm>> -> memref<80xi32, #tpu.memory_space<hbm>>
        tpu.wait_dma2 semaphore(%arg11 : memref<!tpu.dma_semaphore, #tpu.memory_space<semaphore_mem>>) src(%dma_wait3A_267 : memref<80xi32, #tpu.memory_space<hbm>>) dst(%dma_wait3A_266 : memref<80xi32, #tpu.memory_space<vmem>>)
        %dma_start3A_268 = arith.constant 0 : i32
        %dma_start3A_269 = arith.constant 0 : i32
        %dma_start3A_270 = tpu.memref_slice %arg9[%dma_start3A_268, %dma_start3A_269] : memref<320x128xf32, #tpu.memory_space<vmem>> -> memref<80x128xf32, #tpu.memory_space<vmem>>
        %dma_start3A_271 = arith.constant 0 : i32
        %dma_start3A_272 = tpu.memref_slice %arg7[%dma_start3A_271] : memref<320xi32, #tpu.memory_space<vmem>> -> memref<80xi32, #tpu.memory_space<vmem>>
        %dma_start3A_273 = arith.constant 0 : i32
        %dma_start3A_274 = arith.constant 0 : i32
        %dma_start3A_275 = tpu.memref_slice %arg2[%dma_start3A_273, %dma_start3A_274] : memref<10240x128xf32, #tpu.memory_space<hbm>> -> memref<10240x128xf32, #tpu.memory_space<hbm>>
        tpu.enqueue_indirect_dma source(%dma_start3A_275 : memref<10240x128xf32, #tpu.memory_space<hbm>>) target(%dma_start3A_270 : memref<80x128xf32, #tpu.memory_space<vmem>>) offsets(%dma_start3A_272 : memref<80xi32, #tpu.memory_space<vmem>>) semaphore(%arg13 : memref<!tpu.dma_semaphore, #tpu.memory_space<semaphore_mem>>)
        %dma_start3A_276 = arith.constant 80 : i32
        %dma_start3A_277 = arith.constant 0 : i32
        %dma_start3A_278 = tpu.memref_slice %arg9[%dma_start3A_276, %dma_start3A_277] : memref<320x128xf32, #tpu.memory_space<vmem>> -> memref<80x128xf32, #tpu.memory_space<vmem>>
        %dma_start3A_279 = arith.constant 80 : i32
        %dma_start3A_280 = tpu.memref_slice %arg7[%dma_start3A_279] : memref<320xi32, #tpu.memory_space<vmem>> -> memref<80xi32, #tpu.memory_space<vmem>>
        %dma_start3A_281 = arith.constant 0 : i32
        %dma_start3A_282 = arith.constant 0 : i32
        %dma_start3A_283 = tpu.memref_slice %arg2[%dma_start3A_281, %dma_start3A_282] : memref<10240x128xf32, #tpu.memory_space<hbm>> -> memref<10240x128xf32, #tpu.memory_space<hbm>>
        tpu.enqueue_indirect_dma source(%dma_start3A_283 : memref<10240x128xf32, #tpu.memory_space<hbm>>) target(%dma_start3A_278 : memref<80x128xf32, #tpu.memory_space<vmem>>) offsets(%dma_start3A_280 : memref<80xi32, #tpu.memory_space<vmem>>) semaphore(%arg13 : memref<!tpu.dma_semaphore, #tpu.memory_space<semaphore_mem>>)
      } else {
      }
      %eq3A_176 = arith.constant 0 : i32
      %eq3A_177 = arith.cmpi eq, %rem3A_157, %eq3A_176 : i32
      %convert_element_type3A_178 = arith.extui %eq3A_177 : i1 to i32
      %cond3A_179 = arith.constant 0 : i32
      %cond3A_180 = arith.cmpi ne, %convert_element_type3A_178, %cond3A_179 : i32
      scf.if %cond3A_180 {
        %dma_wait3A_186 = arith.constant 0 : i32
        %dma_wait3A_187 = arith.constant 0 : i32
        %dma_wait3A_188 = tpu.memref_slice %arg9[%dma_wait3A_186, %dma_wait3A_187] : memref<320x128xf32, #tpu.memory_space<vmem>> -> memref<80x128xf32, #tpu.memory_space<vmem>>
        %dma_wait3A_189 = arith.constant 0 : i32
        %dma_wait3A_190 = tpu.memref_slice %arg7[%dma_wait3A_189] : memref<320xi32, #tpu.memory_space<vmem>> -> memref<80xi32, #tpu.memory_space<vmem>>
        %dma_wait3A_191 = arith.constant 0 : i32
        %dma_wait3A_192 = arith.constant 0 : i32
        %dma_wait3A_193 = tpu.memref_slice %arg2[%dma_wait3A_191, %dma_wait3A_192] : memref<10240x128xf32, #tpu.memory_space<hbm>> -> memref<10240x128xf32, #tpu.memory_space<hbm>>
        tpu.wait_indirect_dma semaphore(%arg13 : memref<!tpu.dma_semaphore, #tpu.memory_space<semaphore_mem>>) src(%dma_wait3A_193 : memref<10240x128xf32, #tpu.memory_space<hbm>>) dst(%dma_wait3A_188 : memref<80x128xf32, #tpu.memory_space<vmem>>)
        %dma_wait3A_194 = arith.constant 80 : i32
        %dma_wait3A_195 = arith.constant 0 : i32
        %dma_wait3A_196 = tpu.memref_slice %arg9[%dma_wait3A_194, %dma_wait3A_195] : memref<320x128xf32, #tpu.memory_space<vmem>> -> memref<80x128xf32, #tpu.memory_space<vmem>>
        %dma_wait3A_197 = arith.constant 80 : i32
        %dma_wait3A_198 = tpu.memref_slice %arg7[%dma_wait3A_197] : memref<320xi32, #tpu.memory_space<vmem>> -> memref<80xi32, #tpu.memory_space<vmem>>
        %dma_wait3A_199 = arith.constant 0 : i32
        %dma_wait3A_200 = arith.constant 0 : i32
        %dma_wait3A_201 = tpu.memref_slice %arg2[%dma_wait3A_199, %dma_wait3A_200] : memref<10240x128xf32, #tpu.memory_space<hbm>> -> memref<10240x128xf32, #tpu.memory_space<hbm>>
        tpu.wait_indirect_dma semaphore(%arg13 : memref<!tpu.dma_semaphore, #tpu.memory_space<semaphore_mem>>) src(%dma_wait3A_201 : memref<10240x128xf32, #tpu.memory_space<hbm>>) dst(%dma_wait3A_196 : memref<80x128xf32, #tpu.memory_space<vmem>>)
        %dma_start3A_202 = arith.constant 0 : i32
        %dma_start3A_203 = arith.constant 0 : i32
        %dma_start3A_204 = arith.constant 0 : i32
        %dma_start3A_205 = tpu.memref_slice %arg9[%dma_start3A_203, %dma_start3A_204] : memref<320x128xf32, #tpu.memory_space<vmem>> -> memref<80x128xf32, #tpu.memory_space<vmem>>
        %dma_start3A_206 = arith.constant 0 : i32
        %dma_start3A_207 = tpu.memref_slice %arg8[%dma_start3A_202, %dma_start3A_206] : memref<4x80xi32, #tpu.memory_space<vmem>> -> memref<1x80xi32, #tpu.memory_space<vmem>>
        %dma_start3A_208 = tpu.memref_squeeze %dma_start3A_207 : memref<1x80xi32, #tpu.memory_space<vmem>> -> memref<80xi32, #tpu.memory_space<vmem>>
        %dma_start3A_209 = arith.constant 0 : i32
        %dma_start3A_210 = arith.constant 0 : i32
        %dma_start3A_211 = tpu.memref_slice %arg10[%dma_start3A_209, %dma_start3A_210] : memref<10240x128xf32, #tpu.memory_space<vmem_shared>> -> memref<10240x128xf32, #tpu.memory_space<vmem_shared>>
        tpu.enqueue_indirect_dma source(%dma_start3A_205 : memref<80x128xf32, #tpu.memory_space<vmem>>) target(%dma_start3A_211 : memref<10240x128xf32, #tpu.memory_space<vmem_shared>>) offsets(%dma_start3A_208 : memref<80xi32, #tpu.memory_space<vmem>>) semaphore(%arg15 : memref<!tpu.dma_semaphore, #tpu.memory_space<semaphore_mem>>) {add = true}
        %dma_start3A_212 = arith.constant 1 : i32
        %dma_start3A_213 = arith.constant 80 : i32
        %dma_start3A_214 = arith.constant 0 : i32
        %dma_start3A_215 = tpu.memref_slice %arg9[%dma_start3A_213, %dma_start3A_214] : memref<320x128xf32, #tpu.memory_space<vmem>> -> memref<80x128xf32, #tpu.memory_space<vmem>>
        %dma_start3A_216 = arith.constant 0 : i32
        %dma_start3A_217 = tpu.memref_slice %arg8[%dma_start3A_212, %dma_start3A_216] : memref<4x80xi32, #tpu.memory_space<vmem>> -> memref<1x80xi32, #tpu.memory_space<vmem>>
        %dma_start3A_218 = tpu.memref_squeeze %dma_start3A_217 : memref<1x80xi32, #tpu.memory_space<vmem>> -> memref<80xi32, #tpu.memory_space<vmem>>
        %dma_start3A_219 = arith.constant 0 : i32
        %dma_start3A_220 = arith.constant 0 : i32
        %dma_start3A_221 = tpu.memref_slice %arg10[%dma_start3A_219, %dma_start3A_220] : memref<10240x128xf32, #tpu.memory_space<vmem_shared>> -> memref<10240x128xf32, #tpu.memory_space<vmem_shared>>
        tpu.enqueue_indirect_dma source(%dma_start3A_215 : memref<80x128xf32, #tpu.memory_space<vmem>>) target(%dma_start3A_221 : memref<10240x128xf32, #tpu.memory_space<vmem_shared>>) offsets(%dma_start3A_218 : memref<80xi32, #tpu.memory_space<vmem>>) semaphore(%arg15 : memref<!tpu.dma_semaphore, #tpu.memory_space<semaphore_mem>>) {add = true}
      } else {
      }
      %ne3A_181 = arith.constant 0 : i32
      %ne3A_182 = arith.cmpi ne, %rem3A_157, %ne3A_181 : i32
      %convert_element_type3A_183 = arith.extui %ne3A_182 : i1 to i32
      %cond3A_184 = arith.constant 0 : i32
      %cond3A_185 = arith.cmpi ne, %convert_element_type3A_183, %cond3A_184 : i32
      scf.if %cond3A_185 {
        %dma_wait3A_186 = arith.constant 160 : i32
        %dma_wait3A_187 = arith.constant 0 : i32
        %dma_wait3A_188 = tpu.memref_slice %arg9[%dma_wait3A_186, %dma_wait3A_187] : memref<320x128xf32, #tpu.memory_space<vmem>> -> memref<80x128xf32, #tpu.memory_space<vmem>>
        %dma_wait3A_189 = arith.constant 160 : i32
        %dma_wait3A_190 = tpu.memref_slice %arg7[%dma_wait3A_189] : memref<320xi32, #tpu.memory_space<vmem>> -> memref<80xi32, #tpu.memory_space<vmem>>
        %dma_wait3A_191 = arith.constant 0 : i32
        %dma_wait3A_192 = arith.constant 0 : i32
        %dma_wait3A_193 = tpu.memref_slice %arg2[%dma_wait3A_191, %dma_wait3A_192] : memref<10240x128xf32, #tpu.memory_space<hbm>> -> memref<10240x128xf32, #tpu.memory_space<hbm>>
        tpu.wait_indirect_dma semaphore(%arg14 : memref<!tpu.dma_semaphore, #tpu.memory_space<semaphore_mem>>) src(%dma_wait3A_193 : memref<10240x128xf32, #tpu.memory_space<hbm>>) dst(%dma_wait3A_188 : memref<80x128xf32, #tpu.memory_space<vmem>>)
        %dma_wait3A_194 = arith.constant 240 : i32
        %dma_wait3A_195 = arith.constant 0 : i32
        %dma_wait3A_196 = tpu.memref_slice %arg9[%dma_wait3A_194, %dma_wait3A_195] : memref<320x128xf32, #tpu.memory_space<vmem>> -> memref<80x128xf32, #tpu.memory_space<vmem>>
        %dma_wait3A_197 = arith.constant 240 : i32
        %dma_wait3A_198 = tpu.memref_slice %arg7[%dma_wait3A_197] : memref<320xi32, #tpu.memory_space<vmem>> -> memref<80xi32, #tpu.memory_space<vmem>>
        %dma_wait3A_199 = arith.constant 0 : i32
        %dma_wait3A_200 = arith.constant 0 : i32
        %dma_wait3A_201 = tpu.memref_slice %arg2[%dma_wait3A_199, %dma_wait3A_200] : memref<10240x128xf32, #tpu.memory_space<hbm>> -> memref<10240x128xf32, #tpu.memory_space<hbm>>
        tpu.wait_indirect_dma semaphore(%arg14 : memref<!tpu.dma_semaphore, #tpu.memory_space<semaphore_mem>>) src(%dma_wait3A_201 : memref<10240x128xf32, #tpu.memory_space<hbm>>) dst(%dma_wait3A_196 : memref<80x128xf32, #tpu.memory_space<vmem>>)
        %dma_start3A_202 = arith.constant 2 : i32
        %dma_start3A_203 = arith.constant 160 : i32
        %dma_start3A_204 = arith.constant 0 : i32
        %dma_start3A_205 = tpu.memref_slice %arg9[%dma_start3A_203, %dma_start3A_204] : memref<320x128xf32, #tpu.memory_space<vmem>> -> memref<80x128xf32, #tpu.memory_space<vmem>>
        %dma_start3A_206 = arith.constant 0 : i32
        %dma_start3A_207 = tpu.memref_slice %arg8[%dma_start3A_202, %dma_start3A_206] : memref<4x80xi32, #tpu.memory_space<vmem>> -> memref<1x80xi32, #tpu.memory_space<vmem>>
        %dma_start3A_208 = tpu.memref_squeeze %dma_start3A_207 : memref<1x80xi32, #tpu.memory_space<vmem>> -> memref<80xi32, #tpu.memory_space<vmem>>
        %dma_start3A_209 = arith.constant 0 : i32
        %dma_start3A_210 = arith.constant 0 : i32
        %dma_start3A_211 = tpu.memref_slice %arg10[%dma_start3A_209, %dma_start3A_210] : memref<10240x128xf32, #tpu.memory_space<vmem_shared>> -> memref<10240x128xf32, #tpu.memory_space<vmem_shared>>
        tpu.enqueue_indirect_dma source(%dma_start3A_205 : memref<80x128xf32, #tpu.memory_space<vmem>>) target(%dma_start3A_211 : memref<10240x128xf32, #tpu.memory_space<vmem_shared>>) offsets(%dma_start3A_208 : memref<80xi32, #tpu.memory_space<vmem>>) semaphore(%arg16 : memref<!tpu.dma_semaphore, #tpu.memory_space<semaphore_mem>>) {add = true}
        %dma_start3A_212 = arith.constant 3 : i32
        %dma_start3A_213 = arith.constant 240 : i32
        %dma_start3A_214 = arith.constant 0 : i32
        %dma_start3A_215 = tpu.memref_slice %arg9[%dma_start3A_213, %dma_start3A_214] : memref<320x128xf32, #tpu.memory_space<vmem>> -> memref<80x128xf32, #tpu.memory_space<vmem>>
        %dma_start3A_216 = arith.constant 0 : i32
        %dma_start3A_217 = tpu.memref_slice %arg8[%dma_start3A_212, %dma_start3A_216] : memref<4x80xi32, #tpu.memory_space<vmem>> -> memref<1x80xi32, #tpu.memory_space<vmem>>
        %dma_start3A_218 = tpu.memref_squeeze %dma_start3A_217 : memref<1x80xi32, #tpu.memory_space<vmem>> -> memref<80xi32, #tpu.memory_space<vmem>>
        %dma_start3A_219 = arith.constant 0 : i32
        %dma_start3A_220 = arith.constant 0 : i32
        %dma_start3A_221 = tpu.memref_slice %arg10[%dma_start3A_219, %dma_start3A_220] : memref<10240x128xf32, #tpu.memory_space<vmem_shared>> -> memref<10240x128xf32, #tpu.memory_space<vmem_shared>>
        tpu.enqueue_indirect_dma source(%dma_start3A_215 : memref<80x128xf32, #tpu.memory_space<vmem>>) target(%dma_start3A_221 : memref<10240x128xf32, #tpu.memory_space<vmem_shared>>) offsets(%dma_start3A_218 : memref<80xi32, #tpu.memory_space<vmem>>) semaphore(%arg16 : memref<!tpu.dma_semaphore, #tpu.memory_space<semaphore_mem>>) {add = true}
      } else {
      }
    }
    %scan3A_86 = arith.constant 62 : i32
    %dma_wait3A_87 = arith.constant 0 : i32
    %dma_wait3A_88 = arith.constant 0 : i32
    %dma_wait3A_89 = arith.constant 0 : i32
    %dma_wait3A_90 = tpu.memref_slice %arg9[%dma_wait3A_88, %dma_wait3A_89] : memref<320x128xf32, #tpu.memory_space<vmem>> -> memref<80x128xf32, #tpu.memory_space<vmem>>
    %dma_wait3A_91 = arith.constant 0 : i32
    %dma_wait3A_92 = tpu.memref_slice %arg8[%dma_wait3A_87, %dma_wait3A_91] : memref<4x80xi32, #tpu.memory_space<vmem>> -> memref<1x80xi32, #tpu.memory_space<vmem>>
    %dma_wait3A_93 = tpu.memref_squeeze %dma_wait3A_92 : memref<1x80xi32, #tpu.memory_space<vmem>> -> memref<80xi32, #tpu.memory_space<vmem>>
    %dma_wait3A_94 = arith.constant 0 : i32
    %dma_wait3A_95 = arith.constant 0 : i32
    %dma_wait3A_96 = tpu.memref_slice %arg10[%dma_wait3A_94, %dma_wait3A_95] : memref<10240x128xf32, #tpu.memory_space<vmem_shared>> -> memref<10240x128xf32, #tpu.memory_space<vmem_shared>>
    tpu.wait_indirect_dma semaphore(%arg15 : memref<!tpu.dma_semaphore, #tpu.memory_space<semaphore_mem>>) src(%dma_wait3A_90 : memref<80x128xf32, #tpu.memory_space<vmem>>) dst(%dma_wait3A_96 : memref<10240x128xf32, #tpu.memory_space<vmem_shared>>)
    %dma_wait3A_97 = arith.constant 1 : i32
    %dma_wait3A_98 = arith.constant 80 : i32
    %dma_wait3A_99 = arith.constant 0 : i32
    %dma_wait3A_100 = tpu.memref_slice %arg9[%dma_wait3A_98, %dma_wait3A_99] : memref<320x128xf32, #tpu.memory_space<vmem>> -> memref<80x128xf32, #tpu.memory_space<vmem>>
    %dma_wait3A_101 = arith.constant 0 : i32
    %dma_wait3A_102 = tpu.memref_slice %arg8[%dma_wait3A_97, %dma_wait3A_101] : memref<4x80xi32, #tpu.memory_space<vmem>> -> memref<1x80xi32, #tpu.memory_space<vmem>>
    %dma_wait3A_103 = tpu.memref_squeeze %dma_wait3A_102 : memref<1x80xi32, #tpu.memory_space<vmem>> -> memref<80xi32, #tpu.memory_space<vmem>>
    %dma_wait3A_104 = arith.constant 0 : i32
    %dma_wait3A_105 = arith.constant 0 : i32
    %dma_wait3A_106 = tpu.memref_slice %arg10[%dma_wait3A_104, %dma_wait3A_105] : memref<10240x128xf32, #tpu.memory_space<vmem_shared>> -> memref<10240x128xf32, #tpu.memory_space<vmem_shared>>
    tpu.wait_indirect_dma semaphore(%arg15 : memref<!tpu.dma_semaphore, #tpu.memory_space<semaphore_mem>>) src(%dma_wait3A_100 : memref<80x128xf32, #tpu.memory_space<vmem>>) dst(%dma_wait3A_106 : memref<10240x128xf32, #tpu.memory_space<vmem_shared>>)
    %dma_wait3A_107 = arith.constant 2 : i32
    %dma_wait3A_108 = arith.constant 160 : i32
    %dma_wait3A_109 = arith.constant 0 : i32
    %dma_wait3A_110 = tpu.memref_slice %arg9[%dma_wait3A_108, %dma_wait3A_109] : memref<320x128xf32, #tpu.memory_space<vmem>> -> memref<80x128xf32, #tpu.memory_space<vmem>>
    %dma_wait3A_111 = arith.constant 0 : i32
    %dma_wait3A_112 = tpu.memref_slice %arg8[%dma_wait3A_107, %dma_wait3A_111] : memref<4x80xi32, #tpu.memory_space<vmem>> -> memref<1x80xi32, #tpu.memory_space<vmem>>
    %dma_wait3A_113 = tpu.memref_squeeze %dma_wait3A_112 : memref<1x80xi32, #tpu.memory_space<vmem>> -> memref<80xi32, #tpu.memory_space<vmem>>
    %dma_wait3A_114 = arith.constant 0 : i32
    %dma_wait3A_115 = arith.constant 0 : i32
    %dma_wait3A_116 = tpu.memref_slice %arg10[%dma_wait3A_114, %dma_wait3A_115] : memref<10240x128xf32, #tpu.memory_space<vmem_shared>> -> memref<10240x128xf32, #tpu.memory_space<vmem_shared>>
    tpu.wait_indirect_dma semaphore(%arg16 : memref<!tpu.dma_semaphore, #tpu.memory_space<semaphore_mem>>) src(%dma_wait3A_110 : memref<80x128xf32, #tpu.memory_space<vmem>>) dst(%dma_wait3A_116 : memref<10240x128xf32, #tpu.memory_space<vmem_shared>>)
    %dma_wait3A_117 = arith.constant 3 : i32
    %dma_wait3A_118 = arith.constant 240 : i32
    %dma_wait3A_119 = arith.constant 0 : i32
    %dma_wait3A_120 = tpu.memref_slice %arg9[%dma_wait3A_118, %dma_wait3A_119] : memref<320x128xf32, #tpu.memory_space<vmem>> -> memref<80x128xf32, #tpu.memory_space<vmem>>
    %dma_wait3A_121 = arith.constant 0 : i32
    %dma_wait3A_122 = tpu.memref_slice %arg8[%dma_wait3A_117, %dma_wait3A_121] : memref<4x80xi32, #tpu.memory_space<vmem>> -> memref<1x80xi32, #tpu.memory_space<vmem>>
    %dma_wait3A_123 = tpu.memref_squeeze %dma_wait3A_122 : memref<1x80xi32, #tpu.memory_space<vmem>> -> memref<80xi32, #tpu.memory_space<vmem>>
    %dma_wait3A_124 = arith.constant 0 : i32
    %dma_wait3A_125 = arith.constant 0 : i32
    %dma_wait3A_126 = tpu.memref_slice %arg10[%dma_wait3A_124, %dma_wait3A_125] : memref<10240x128xf32, #tpu.memory_space<vmem_shared>> -> memref<10240x128xf32, #tpu.memory_space<vmem_shared>>
    tpu.wait_indirect_dma semaphore(%arg16 : memref<!tpu.dma_semaphore, #tpu.memory_space<semaphore_mem>>) src(%dma_wait3A_120 : memref<80x128xf32, #tpu.memory_space<vmem>>) dst(%dma_wait3A_126 : memref<10240x128xf32, #tpu.memory_space<vmem_shared>>)
    %mul3A_127 = arith.constant 10000 : i32
    %mul3A_128 = arith.muli %add3A, %mul3A_127 : i32
    %add3A_129 = arith.constant 9920 : i32
    %add3A_130 = arith.addi %mul3A_128, %add3A_129 : i32
    %multiple_of3A_131 = tpu.assume_multiple %add3A_130, 8 : i32
    "tpu.region"() ({
      %run_scoped3A_156 = tpu.sem_alloc : memref<!tpu.dma_semaphore, #tpu.memory_space<semaphore_mem>>
      %dma_start3A_157 = arith.constant 0 : i32
      %dma_start3A_158 = tpu.memref_slice %arg7[%dma_start3A_157] : memref<320xi32, #tpu.memory_space<vmem>> -> memref<80xi32, #tpu.memory_space<vmem>>
      %dma_start3A_159 = tpu.memref_slice %arg3[%multiple_of3A_131] : memref<320000xi32, #tpu.memory_space<hbm>> -> memref<80xi32, #tpu.memory_space<hbm>>
      %dma_start3A_160 = arith.constant 0 : i32
      %dma_start3A_161 = tpu.memref_slice %arg7[%dma_start3A_160] : memref<320xi32, #tpu.memory_space<vmem>> -> memref<80xi32, #tpu.memory_space<vmem>>
      %dma_start3A_162 = tpu.memref_slice %arg3[%multiple_of3A_131] : memref<320000xi32, #tpu.memory_space<hbm>> -> memref<80xi32, #tpu.memory_space<hbm>>
      tpu.enqueue_dma source(%dma_start3A_162 : memref<80xi32, #tpu.memory_space<hbm>>) target(%dma_start3A_161 : memref<80xi32, #tpu.memory_space<vmem>>) target_semaphore(%run_scoped3A_156 : memref<!tpu.dma_semaphore, #tpu.memory_space<semaphore_mem>>)
      %dma_wait3A_163 = arith.constant 0 : i32
      %dma_wait3A_164 = tpu.memref_slice %arg7[%dma_wait3A_163] : memref<320xi32, #tpu.memory_space<vmem>> -> memref<80xi32, #tpu.memory_space<vmem>>
      %dma_wait3A_165 = tpu.memref_slice %arg3[%multiple_of3A_131] : memref<320000xi32, #tpu.memory_space<hbm>> -> memref<80xi32, #tpu.memory_space<hbm>>
      %dma_wait3A_166 = arith.constant 0 : i32
      %dma_wait3A_167 = tpu.memref_slice %arg7[%dma_wait3A_166] : memref<320xi32, #tpu.memory_space<vmem>> -> memref<80xi32, #tpu.memory_space<vmem>>
      %dma_wait3A_168 = tpu.memref_slice %arg3[%multiple_of3A_131] : memref<320000xi32, #tpu.memory_space<hbm>> -> memref<80xi32, #tpu.memory_space<hbm>>
      tpu.wait_dma2 semaphore(%run_scoped3A_156 : memref<!tpu.dma_semaphore, #tpu.memory_space<semaphore_mem>>) src(%dma_wait3A_168 : memref<80xi32, #tpu.memory_space<hbm>>) dst(%dma_wait3A_167 : memref<80xi32, #tpu.memory_space<vmem>>)
      tpu.yield
    }) : () -> ()
    %run_scoped3A = arith.constant 0 : i32
    "tpu.region"() ({
      %run_scoped3A_156 = tpu.sem_alloc : memref<!tpu.dma_semaphore, #tpu.memory_space<semaphore_mem>>
      %dma_start3A_157 = arith.constant 0 : i32
      %dma_start3A_158 = tpu.memref_slice %arg8[%run_scoped3A, %dma_start3A_157] : memref<4x80xi32, #tpu.memory_space<vmem>> -> memref<1x80xi32, #tpu.memory_space<vmem>>
      %dma_start3A_159 = tpu.memref_squeeze %dma_start3A_158 : memref<1x80xi32, #tpu.memory_space<vmem>> -> memref<80xi32, #tpu.memory_space<vmem>>
      %dma_start3A_160 = tpu.memref_slice %arg4[%multiple_of3A_131] : memref<320000xi32, #tpu.memory_space<hbm>> -> memref<80xi32, #tpu.memory_space<hbm>>
      %dma_start3A_161 = arith.constant 0 : i32
      %dma_start3A_162 = tpu.memref_slice %arg8[%run_scoped3A, %dma_start3A_161] : memref<4x80xi32, #tpu.memory_space<vmem>> -> memref<1x80xi32, #tpu.memory_space<vmem>>
      %dma_start3A_163 = tpu.memref_squeeze %dma_start3A_162 : memref<1x80xi32, #tpu.memory_space<vmem>> -> memref<80xi32, #tpu.memory_space<vmem>>
      %dma_start3A_164 = tpu.memref_slice %arg4[%multiple_of3A_131] : memref<320000xi32, #tpu.memory_space<hbm>> -> memref<80xi32, #tpu.memory_space<hbm>>
      tpu.enqueue_dma source(%dma_start3A_164 : memref<80xi32, #tpu.memory_space<hbm>>) target(%dma_start3A_163 : memref<80xi32, #tpu.memory_space<vmem>>) target_semaphore(%run_scoped3A_156 : memref<!tpu.dma_semaphore, #tpu.memory_space<semaphore_mem>>)
      %dma_wait3A_165 = arith.constant 0 : i32
      %dma_wait3A_166 = tpu.memref_slice %arg8[%run_scoped3A, %dma_wait3A_165] : memref<4x80xi32, #tpu.memory_space<vmem>> -> memref<1x80xi32, #tpu.memory_space<vmem>>
      %dma_wait3A_167 = tpu.memref_squeeze %dma_wait3A_166 : memref<1x80xi32, #tpu.memory_space<vmem>> -> memref<80xi32, #tpu.memory_space<vmem>>
      %dma_wait3A_168 = tpu.memref_slice %arg4[%multiple_of3A_131] : memref<320000xi32, #tpu.memory_space<hbm>> -> memref<80xi32, #tpu.memory_space<hbm>>
      %dma_wait3A_169 = arith.constant 0 : i32
      %dma_wait3A_170 = tpu.memref_slice %arg8[%run_scoped3A, %dma_wait3A_169] : memref<4x80xi32, #tpu.memory_space<vmem>> -> memref<1x80xi32, #tpu.memory_space<vmem>>
      %dma_wait3A_171 = tpu.memref_squeeze %dma_wait3A_170 : memref<1x80xi32, #tpu.memory_space<vmem>> -> memref<80xi32, #tpu.memory_space<vmem>>
      %dma_wait3A_172 = tpu.memref_slice %arg4[%multiple_of3A_131] : memref<320000xi32, #tpu.memory_space<hbm>> -> memref<80xi32, #tpu.memory_space<hbm>>
      tpu.wait_dma2 semaphore(%run_scoped3A_156 : memref<!tpu.dma_semaphore, #tpu.memory_space<semaphore_mem>>) src(%dma_wait3A_172 : memref<80xi32, #tpu.memory_space<hbm>>) dst(%dma_wait3A_171 : memref<80xi32, #tpu.memory_space<vmem>>)
      tpu.yield
    }) : () -> ()
    %dma_start3A_132 = arith.constant 0 : i32
    %dma_start3A_133 = arith.constant 0 : i32
    %dma_start3A_134 = tpu.memref_slice %arg9[%dma_start3A_132, %dma_start3A_133] : memref<320x128xf32, #tpu.memory_space<vmem>> -> memref<80x128xf32, #tpu.memory_space<vmem>>
    %dma_start3A_135 = arith.constant 0 : i32
    %dma_start3A_136 = tpu.memref_slice %arg7[%dma_start3A_135] : memref<320xi32, #tpu.memory_space<vmem>> -> memref<80xi32, #tpu.memory_space<vmem>>
    %dma_start3A_137 = arith.constant 0 : i32
    %dma_start3A_138 = arith.constant 0 : i32
    %dma_start3A_139 = tpu.memref_slice %arg2[%dma_start3A_137, %dma_start3A_138] : memref<10240x128xf32, #tpu.memory_space<hbm>> -> memref<10240x128xf32, #tpu.memory_space<hbm>>
    tpu.enqueue_indirect_dma source(%dma_start3A_139 : memref<10240x128xf32, #tpu.memory_space<hbm>>) target(%dma_start3A_134 : memref<80x128xf32, #tpu.memory_space<vmem>>) offsets(%dma_start3A_136 : memref<80xi32, #tpu.memory_space<vmem>>) semaphore(%arg13 : memref<!tpu.dma_semaphore, #tpu.memory_space<semaphore_mem>>)
    %dma_wait3A_140 = arith.constant 0 : i32
    %dma_wait3A_141 = arith.constant 0 : i32
    %dma_wait3A_142 = tpu.memref_slice %arg9[%dma_wait3A_140, %dma_wait3A_141] : memref<320x128xf32, #tpu.memory_space<vmem>> -> memref<80x128xf32, #tpu.memory_space<vmem>>
    %dma_wait3A_143 = arith.constant 0 : i32
    %dma_wait3A_144 = tpu.memref_slice %arg7[%dma_wait3A_143] : memref<320xi32, #tpu.memory_space<vmem>> -> memref<80xi32, #tpu.memory_space<vmem>>
    %dma_wait3A_145 = arith.constant 0 : i32
    %dma_wait3A_146 = arith.constant 0 : i32
    %dma_wait3A_147 = tpu.memref_slice %arg2[%dma_wait3A_145, %dma_wait3A_146] : memref<10240x128xf32, #tpu.memory_space<hbm>> -> memref<10240x128xf32, #tpu.memory_space<hbm>>
    tpu.wait_indirect_dma semaphore(%arg13 : memref<!tpu.dma_semaphore, #tpu.memory_space<semaphore_mem>>) src(%dma_wait3A_147 : memref<10240x128xf32, #tpu.memory_space<hbm>>) dst(%dma_wait3A_142 : memref<80x128xf32, #tpu.memory_space<vmem>>)
    %run_scoped3A_148 = arith.constant 0 : i32
    "tpu.region"() ({
      %run_scoped3A_156 = tpu.sem_alloc : memref<!tpu.dma_semaphore, #tpu.memory_space<semaphore_mem>>
      %dma_start3A_157 = arith.constant 0 : i32
      %dma_start3A_158 = arith.constant 0 : i32
      %dma_start3A_159 = tpu.memref_slice %arg9[%dma_start3A_157, %dma_start3A_158] : memref<320x128xf32, #tpu.memory_space<vmem>> -> memref<80x128xf32, #tpu.memory_space<vmem>>
      %dma_start3A_160 = arith.constant 0 : i32
      %dma_start3A_161 = tpu.memref_slice %arg8[%run_scoped3A_148, %dma_start3A_160] : memref<4x80xi32, #tpu.memory_space<vmem>> -> memref<1x80xi32, #tpu.memory_space<vmem>>
      %dma_start3A_162 = tpu.memref_squeeze %dma_start3A_161 : memref<1x80xi32, #tpu.memory_space<vmem>> -> memref<80xi32, #tpu.memory_space<vmem>>
      %dma_start3A_163 = arith.constant 0 : i32
      %dma_start3A_164 = arith.constant 0 : i32
      %dma_start3A_165 = tpu.memref_slice %arg10[%dma_start3A_163, %dma_start3A_164] : memref<10240x128xf32, #tpu.memory_space<vmem_shared>> -> memref<10240x128xf32, #tpu.memory_space<vmem_shared>>
      tpu.enqueue_indirect_dma source(%dma_start3A_159 : memref<80x128xf32, #tpu.memory_space<vmem>>) target(%dma_start3A_165 : memref<10240x128xf32, #tpu.memory_space<vmem_shared>>) offsets(%dma_start3A_162 : memref<80xi32, #tpu.memory_space<vmem>>) semaphore(%run_scoped3A_156 : memref<!tpu.dma_semaphore, #tpu.memory_space<semaphore_mem>>) {add = true}
      %dma_wait3A_166 = arith.constant 0 : i32
      %dma_wait3A_167 = arith.constant 0 : i32
      %dma_wait3A_168 = tpu.memref_slice %arg9[%dma_wait3A_166, %dma_wait3A_167] : memref<320x128xf32, #tpu.memory_space<vmem>> -> memref<80x128xf32, #tpu.memory_space<vmem>>
      %dma_wait3A_169 = arith.constant 0 : i32
      %dma_wait3A_170 = tpu.memref_slice %arg8[%run_scoped3A_148, %dma_wait3A_169] : memref<4x80xi32, #tpu.memory_space<vmem>> -> memref<1x80xi32, #tpu.memory_space<vmem>>
      %dma_wait3A_171 = tpu.memref_squeeze %dma_wait3A_170 : memref<1x80xi32, #tpu.memory_space<vmem>> -> memref<80xi32, #tpu.memory_space<vmem>>
      %dma_wait3A_172 = arith.constant 0 : i32
      %dma_wait3A_173 = arith.constant 0 : i32
      %dma_wait3A_174 = tpu.memref_slice %arg10[%dma_wait3A_172, %dma_wait3A_173] : memref<10240x128xf32, #tpu.memory_space<vmem_shared>> -> memref<10240x128xf32, #tpu.memory_space<vmem_shared>>
      tpu.wait_indirect_dma semaphore(%run_scoped3A_156 : memref<!tpu.dma_semaphore, #tpu.memory_space<semaphore_mem>>) src(%dma_wait3A_168 : memref<80x128xf32, #tpu.memory_space<vmem>>) dst(%dma_wait3A_174 : memref<10240x128xf32, #tpu.memory_space<vmem_shared>>)
      tpu.yield
    }) : () -> ()
    %barrier3A_149 = arith.constant 0 : index
    tpu.barrier barrier_id(%barrier3A_149)
    %mul3A_150 = arith.constant 10240 : i32
    %mul3A_151 = arith.muli %arg0, %mul3A_150 : i32
    %mul3A_152 = arith.constant 640 : i32
    %mul3A_153 = arith.muli %arg1, %mul3A_152 : i32
    %add3A_154 = arith.addi %mul3A_151, %mul3A_153 : i32
    %multiple_of3A_155 = tpu.assume_multiple %add3A_154, 8 : i32
    "tpu.region"() ({
      %run_scoped3A_156 = tpu.sem_alloc : memref<!tpu.dma_semaphore, #tpu.memory_space<semaphore_mem>>
      %dma_start3A_157 = arith.constant 0 : i32
      %dma_start3A_158 = tpu.memref_slice %arg6[%multiple_of3A_155, %dma_start3A_157] : memref<20480x128xf32, #tpu.memory_space<hbm>> -> memref<640x128xf32, #tpu.memory_space<hbm>>
      %dma_start3A_159 = arith.constant 0 : i32
      %dma_start3A_160 = tpu.memref_slice %arg10[%multiple_of3A, %dma_start3A_159] : memref<10240x128xf32, #tpu.memory_space<vmem_shared>> -> memref<640x128xf32, #tpu.memory_space<vmem_shared>>
      tpu.enqueue_dma source(%dma_start3A_160 : memref<640x128xf32, #tpu.memory_space<vmem_shared>>) target(%dma_start3A_158 : memref<640x128xf32, #tpu.memory_space<hbm>>) target_semaphore(%run_scoped3A_156 : memref<!tpu.dma_semaphore, #tpu.memory_space<semaphore_mem>>)
      %dma_wait3A_161 = arith.constant 0 : i32
      %dma_wait3A_162 = tpu.memref_slice %arg6[%multiple_of3A_155, %dma_wait3A_161] : memref<20480x128xf32, #tpu.memory_space<hbm>> -> memref<640x128xf32, #tpu.memory_space<hbm>>
      %dma_wait3A_163 = arith.constant 0 : i32
      %dma_wait3A_164 = tpu.memref_slice %arg10[%multiple_of3A, %dma_wait3A_163] : memref<10240x128xf32, #tpu.memory_space<vmem_shared>> -> memref<640x128xf32, #tpu.memory_space<vmem_shared>>
      tpu.wait_dma2 semaphore(%run_scoped3A_156 : memref<!tpu.dma_semaphore, #tpu.memory_space<semaphore_mem>>) src(%dma_wait3A_164 : memref<640x128xf32, #tpu.memory_space<vmem_shared>>) dst(%dma_wait3A_162 : memref<640x128xf32, #tpu.memory_space<hbm>>)
      tpu.yield
    }) : () -> ()
    return
  }
}

module attributes {stable_mosaic.version = 14 : i64} {
  func.func @_pre_body(%arg0: i32, %arg1: memref<1280x128xf32, #tpu.memory_space<vmem>>, %arg2: memref<128x128xf32, #tpu.memory_space<vmem>>, %arg3: memref<1280x128xf32, #tpu.memory_space<vmem>>, %arg4: memref<1280x128xf32, #tpu.memory_space<vmem>>, %arg5: memref<1280x128xf32, #tpu.memory_space<vmem>>, %arg6: memref<1280x8xf32, #tpu.memory_space<vmem>>) attributes {dimension_semantics = [#tpu.dimension_semantics<arbitrary>], iteration_bounds = array<i64: 8>, scalar_prefetch = 0 : i64, scratch_operands = 0 : i64, tpu.core_type = #tpu.core_type<tc>, window_params = [{transform_indices = @transform_0, window_bounds = array<i64: 1280, 128>}, {pipeline_mode = #tpu.pipeline_mode<synchronous>, transform_indices = @transform_1, window_bounds = array<i64: 128, 128>}, {transform_indices = @transform_2, window_bounds = array<i64: 1280, 128>}, {transform_indices = @transform_3, window_bounds = array<i64: 1280, 128>}, {transform_indices = @transform_4, window_bounds = array<i64: 1280, 128>}, {transform_indices = @transform_5, window_bounds = array<i64: 1280, 8>}]} {
    %get3A = arith.constant 0 : index
    %get3A_0 = arith.constant 0 : index
    %get3A_1 = vector.load %arg3[%get3A, %get3A_0] : memref<1280x128xf32, #tpu.memory_space<vmem>>, vector<1280x1xf32>
    %get3A_2 = arith.constant 0 : index
    %get3A_3 = arith.constant 0 : index
    %get3A_4 = vector.load %arg4[%get3A_2, %get3A_3] : memref<1280x128xf32, #tpu.memory_space<vmem>>, vector<1280x1xf32>
    %add3A = arith.addf %get3A_1, %get3A_4 : vector<1280x1xf32>
    %add3A_5 = arith.constant 1.000000e+00 : f32
    %add3A_6 = vector.broadcast %add3A_5 : f32 to vector<1280x1xf32>
    %add3A_7 = arith.addf %add3A, %add3A_6 : vector<1280x1xf32>
    %rsqrt3A = math.rsqrt %add3A_7 : vector<1280x1xf32>
    %get3A_8 = arith.constant 0 : index
    %get3A_9 = arith.constant 0 : index
    %get3A_10 = vector.load %arg1[%get3A_8, %get3A_9] : memref<1280x128xf32, #tpu.memory_space<vmem>>, vector<1280x128xf32>
    %get3A_11 = arith.constant 0 : index
    %get3A_12 = arith.constant 0 : index
    %get3A_13 = vector.load %arg2[%get3A_11, %get3A_12] : memref<128x128xf32, #tpu.memory_space<vmem>>, vector<128x128xf32>
    %dot_general3A = arith.constant dense<0.000000e+00> : vector<1280x128xf32>
    %dot_general3A_14 = tpu.matmul %get3A_10, %get3A_13, %dot_general3A {dimension_numbers = #tpu.dot_dimension_numbers<[1], [0], [0], [1], [0, 0, 1, 1], [], []>, transpose_lhs_hint = false} : vector<1280x128xf32>, vector<128x128xf32>, vector<1280x128xf32> -> vector<1280x128xf32>
    %mul3A = vector.broadcast %rsqrt3A : vector<1280x1xf32> to vector<1280x128xf32>
    %mul3A_15 = arith.mulf %mul3A, %dot_general3A_14 : vector<1280x128xf32>
    %swap3A = arith.constant 0 : index
    %swap3A_16 = arith.constant 0 : index
    %swap3A_17 = vector.load %arg5[%swap3A, %swap3A_16] : memref<1280x128xf32, #tpu.memory_space<vmem>>, vector<1280x128xf32>
    tpu.vector_store %arg5[%swap3A, %swap3A_16], %mul3A_15 {strides = array<i32>} : memref<1280x128xf32, #tpu.memory_space<vmem>>, vector<1280x128xf32>,
    %broadcast_in_dim3A = vector.shape_cast %rsqrt3A : vector<1280x1xf32> to vector<1280x1xf32>
    %broadcast_in_dim3A_18 = vector.broadcast %broadcast_in_dim3A : vector<1280x1xf32> to vector<1280x8xf32>
    %swap3A_19 = arith.constant 0 : index
    %swap3A_20 = arith.constant 0 : index
    %swap3A_21 = vector.load %arg6[%swap3A_19, %swap3A_20] : memref<1280x8xf32, #tpu.memory_space<vmem>>, vector<1280x8xf32>
    tpu.vector_store %arg6[%swap3A_19, %swap3A_20], %broadcast_in_dim3A_18 {strides = array<i32>} : memref<1280x8xf32, #tpu.memory_space<vmem>>, vector<1280x8xf32>,
    return
  }
  func.func @transform_0(%arg0: i32) -> (i32, i32) {
    %c0_i32 = arith.constant 0 : i32
    %c0_i32_0 = arith.constant 0 : i32
    return %arg0, %c0_i32 : i32, i32
  }
  func.func @transform_1(%arg0: i32) -> (i32, i32) {
    %c0_i32 = arith.constant 0 : i32
    %c0_i32_0 = arith.constant 0 : i32
    %c0_i32_1 = arith.constant 0 : i32
    return %c0_i32, %c0_i32_0 : i32, i32
  }
  func.func @transform_2(%arg0: i32) -> (i32, i32) {
    %c0_i32 = arith.constant 0 : i32
    %c0_i32_0 = arith.constant 0 : i32
    return %arg0, %c0_i32 : i32, i32
  }
  func.func @transform_3(%arg0: i32) -> (i32, i32) {
    %add3A = arith.constant 8 : i32
    %add3A_0 = arith.addi %arg0, %add3A : i32
    %c0_i32 = arith.constant 0 : i32
    %c0_i32_1 = arith.constant 0 : i32
    return %add3A_0, %c0_i32 : i32, i32
  }
  func.func @transform_4(%arg0: i32) -> (i32, i32) {
    %c0_i32 = arith.constant 0 : i32
    %c0_i32_0 = arith.constant 0 : i32
    return %arg0, %c0_i32 : i32, i32
  }
  func.func @transform_5(%arg0: i32) -> (i32, i32) {
    %c0_i32 = arith.constant 0 : i32
    %c0_i32_0 = arith.constant 0 : i32
    return %arg0, %c0_i32 : i32, i32
  }
}

module attributes {stable_mosaic.version = 14 : i64} {
  func.func @_mid_body(%arg0: i32, %arg1: memref<1280x128xf32, #tpu.memory_space<vmem>>, %arg2: memref<1280x128xf32, #tpu.memory_space<vmem>>, %arg3: memref<1280x8xf32, #tpu.memory_space<vmem>>, %arg4: memref<1x128xf32, #tpu.memory_space<vmem>>, %arg5: memref<1x128xf32, #tpu.memory_space<vmem>>, %arg6: memref<1x128xf32, #tpu.memory_space<vmem>>, %arg7: memref<1x1xf32, #tpu.memory_space<vmem>>, %arg8: memref<128x128xf32, #tpu.memory_space<vmem>>, %arg9: memref<1280x128xf32, #tpu.memory_space<vmem>>) attributes {dimension_semantics = [#tpu.dimension_semantics<arbitrary>], iteration_bounds = array<i64: 8>, scalar_prefetch = 0 : i64, scratch_operands = 0 : i64, tpu.core_type = #tpu.core_type<tc>, window_params = [{transform_indices = @transform_0, window_bounds = array<i64: 1280, 128>}, {transform_indices = @transform_1, window_bounds = array<i64: 1280, 128>}, {transform_indices = @transform_2, window_bounds = array<i64: 1280, 8>}, {pipeline_mode = #tpu.pipeline_mode<synchronous>, transform_indices = @transform_3, window_bounds = array<i64: 1, 128>}, {pipeline_mode = #tpu.pipeline_mode<synchronous>, transform_indices = @transform_4, window_bounds = array<i64: 1, 128>}, {pipeline_mode = #tpu.pipeline_mode<synchronous>, transform_indices = @transform_5, window_bounds = array<i64: 1, 128>}, {pipeline_mode = #tpu.pipeline_mode<synchronous>, transform_indices = @transform_6, window_bounds = array<i64: 1, 1>}, {pipeline_mode = #tpu.pipeline_mode<synchronous>, transform_indices = @transform_7, window_bounds = array<i64: 128, 128>}, {transform_indices = @transform_8, window_bounds = array<i64: 1280, 128>}]} {
    %get3A = arith.constant 0 : index
    %get3A_0 = arith.constant 0 : index
    %get3A_1 = vector.load %arg3[%get3A, %get3A_0] : memref<1280x8xf32, #tpu.memory_space<vmem>>, vector<1280x1xf32>
    %get3A_2 = arith.constant 0 : index
    %get3A_3 = arith.constant 0 : index
    %get3A_4 = vector.load %arg1[%get3A_2, %get3A_3] : memref<1280x128xf32, #tpu.memory_space<vmem>>, vector<1280x128xf32>
    %get3A_5 = arith.constant 0 : index
    %get3A_6 = arith.constant 0 : index
    %get3A_7 = vector.load %arg2[%get3A_5, %get3A_6] : memref<1280x128xf32, #tpu.memory_space<vmem>>, vector<1280x128xf32>
    %add3A = arith.addf %get3A_4, %get3A_7 : vector<1280x128xf32>
    %mul3A = vector.broadcast %get3A_1 : vector<1280x1xf32> to vector<1280x128xf32>
    %mul3A_8 = arith.mulf %mul3A, %add3A : vector<1280x128xf32>
    %get3A_9 = arith.constant 0 : index
    %get3A_10 = arith.constant 0 : index
    %get3A_11 = vector.load %arg4[%get3A_9, %get3A_10] : memref<1x128xf32, #tpu.memory_space<vmem>>, vector<1x128xf32>
    %add3A_12 = vector.broadcast %get3A_11 : vector<1x128xf32> to vector<1280x128xf32>
    %add3A_13 = arith.addf %mul3A_8, %add3A_12 : vector<1280x128xf32>
    %reduce_sum3A = arith.constant dense<0.000000e+00> : vector<1280xf32>
    %reduce_sum3A_14 = vector.multi_reduction <add>, %add3A_13, %reduce_sum3A [1] : vector<1280x128xf32> to vector<1280xf32>
    %broadcast_in_dim3A = vector.shape_cast %reduce_sum3A_14 : vector<1280xf32> to vector<1280x1xf32>
    %div3A = arith.constant 1.280000e+02 : f32
    %div3A_15 = vector.broadcast %div3A : f32 to vector<1280x1xf32>
    %div3A_16 = arith.divf %broadcast_in_dim3A, %div3A_15 : vector<1280x1xf32>
    %sub3A = vector.broadcast %div3A_16 : vector<1280x1xf32> to vector<1280x128xf32>
    %sub3A_17 = arith.subf %add3A_13, %sub3A : vector<1280x128xf32>
    %integer_pow3A = arith.mulf %sub3A_17, %sub3A_17 : vector<1280x128xf32>
    %reduce_sum3A_18 = arith.constant dense<0.000000e+00> : vector<1280xf32>
    %reduce_sum3A_19 = vector.multi_reduction <add>, %integer_pow3A, %reduce_sum3A_18 [1] : vector<1280x128xf32> to vector<1280xf32>
    %broadcast_in_dim3A_20 = vector.shape_cast %reduce_sum3A_19 : vector<1280xf32> to vector<1280x1xf32>
    %div3A_21 = arith.constant 1.280000e+02 : f32
    %div3A_22 = vector.broadcast %div3A_21 : f32 to vector<1280x1xf32>
    %div3A_23 = arith.divf %broadcast_in_dim3A_20, %div3A_22 : vector<1280x1xf32>
    %sub3A_24 = vector.broadcast %div3A_16 : vector<1280x1xf32> to vector<1280x128xf32>
    %sub3A_25 = arith.subf %add3A_13, %sub3A_24 : vector<1280x128xf32>
    %add3A_26 = arith.constant 9.99999974E-6 : f32
    %add3A_27 = vector.broadcast %add3A_26 : f32 to vector<1280x1xf32>
    %add3A_28 = arith.addf %div3A_23, %add3A_27 : vector<1280x1xf32>
    %rsqrt3A = math.rsqrt %add3A_28 : vector<1280x1xf32>
    %mul3A_29 = vector.broadcast %rsqrt3A : vector<1280x1xf32> to vector<1280x128xf32>
    %mul3A_30 = arith.mulf %sub3A_25, %mul3A_29 : vector<1280x128xf32>
    %get3A_31 = arith.constant 0 : index
    %get3A_32 = arith.constant 0 : index
    %get3A_33 = vector.load %arg5[%get3A_31, %get3A_32] : memref<1x128xf32, #tpu.memory_space<vmem>>, vector<1x128xf32>
    %mul3A_34 = vector.broadcast %get3A_33 : vector<1x128xf32> to vector<1280x128xf32>
    %mul3A_35 = arith.mulf %mul3A_30, %mul3A_34 : vector<1280x128xf32>
    %get3A_36 = arith.constant 0 : index
    %get3A_37 = arith.constant 0 : index
    %get3A_38 = vector.load %arg6[%get3A_36, %get3A_37] : memref<1x128xf32, #tpu.memory_space<vmem>>, vector<1x128xf32>
    %add3A_39 = vector.broadcast %get3A_38 : vector<1x128xf32> to vector<1280x128xf32>
    %add3A_40 = arith.addf %mul3A_35, %add3A_39 : vector<1280x128xf32>
    %ge3A = arith.constant 0.000000e+00 : f32
    %ge3A_41 = vector.broadcast %ge3A : f32 to vector<1280x128xf32>
    %ge3A_42 = arith.cmpf oge, %add3A_40, %ge3A_41 : vector<1280x128xf32>
    %get3A_43 = arith.constant 0 : index
    %get3A_44 = arith.constant 0 : index
    %get3A_45 = vector.load %arg7[%get3A_43, %get3A_44] : memref<1x1xf32, #tpu.memory_space<vmem>>, vector<1x1xf32>
    %get3A_46 = vector.extract %get3A_45[0, 0] : f32 from vector<1x1xf32>
    %mul3A_47 = vector.broadcast %get3A_46 : f32 to vector<1280x128xf32>
    %mul3A_48 = arith.mulf %mul3A_47, %add3A_40 : vector<1280x128xf32>
    %select_n3A = arith.select %ge3A_42, %add3A_40, %mul3A_48 : vector<1280x128xi1>, vector<1280x128xf32>
    %get3A_49 = arith.constant 0 : index
    %get3A_50 = arith.constant 0 : index
    %get3A_51 = vector.load %arg8[%get3A_49, %get3A_50] : memref<128x128xf32, #tpu.memory_space<vmem>>, vector<128x128xf32>
    %dot_general3A = arith.constant dense<0.000000e+00> : vector<1280x128xf32>
    %dot_general3A_52 = tpu.matmul %select_n3A, %get3A_51, %dot_general3A {dimension_numbers = #tpu.dot_dimension_numbers<[1], [0], [0], [1], [0, 0, 1, 1], [], []>, transpose_lhs_hint = false} : vector<1280x128xf32>, vector<128x128xf32>, vector<1280x128xf32> -> vector<1280x128xf32>
    %mul3A_53 = vector.broadcast %get3A_1 : vector<1280x1xf32> to vector<1280x128xf32>
    %mul3A_54 = arith.mulf %mul3A_53, %dot_general3A_52 : vector<1280x128xf32>
    %swap3A = arith.constant 0 : index
    %swap3A_55 = arith.constant 0 : index
    %swap3A_56 = vector.load %arg9[%swap3A, %swap3A_55] : memref<1280x128xf32, #tpu.memory_space<vmem>>, vector<1280x128xf32>
    tpu.vector_store %arg9[%swap3A, %swap3A_55], %mul3A_54 {strides = array<i32>} : memref<1280x128xf32, #tpu.memory_space<vmem>>, vector<1280x128xf32>,
    return
  }
  func.func @transform_0(%arg0: i32) -> (i32, i32) {
    %c0_i32 = arith.constant 0 : i32
    %c0_i32_0 = arith.constant 0 : i32
    return %arg0, %c0_i32 : i32, i32
  }
  func.func @transform_1(%arg0: i32) -> (i32, i32) {
    %add3A = arith.constant 8 : i32
    %add3A_0 = arith.addi %arg0, %add3A : i32
    %c0_i32 = arith.constant 0 : i32
    %c0_i32_1 = arith.constant 0 : i32
    return %add3A_0, %c0_i32 : i32, i32
  }
  func.func @transform_2(%arg0: i32) -> (i32, i32) {
    %c0_i32 = arith.constant 0 : i32
    %c0_i32_0 = arith.constant 0 : i32
    return %arg0, %c0_i32 : i32, i32
  }
  func.func @transform_3(%arg0: i32) -> (i32, i32) {
    %c0_i32 = arith.constant 0 : i32
    %c0_i32_0 = arith.constant 0 : i32
    %c0_i32_1 = arith.constant 0 : i32
    return %c0_i32, %c0_i32_0 : i32, i32
  }
  func.func @transform_4(%arg0: i32) -> (i32, i32) {
    %c0_i32 = arith.constant 0 : i32
    %c0_i32_0 = arith.constant 0 : i32
    %c0_i32_1 = arith.constant 0 : i32
    return %c0_i32, %c0_i32_0 : i32, i32
  }
  func.func @transform_5(%arg0: i32) -> (i32, i32) {
    %c0_i32 = arith.constant 0 : i32
    %c0_i32_0 = arith.constant 0 : i32
    %c0_i32_1 = arith.constant 0 : i32
    return %c0_i32, %c0_i32_0 : i32, i32
  }
  func.func @transform_6(%arg0: i32) -> (i32, i32) {
    %c0_i32 = arith.constant 0 : i32
    %c0_i32_0 = arith.constant 0 : i32
    %c0_i32_1 = arith.constant 0 : i32
    return %c0_i32, %c0_i32_0 : i32, i32
  }
  func.func @transform_7(%arg0: i32) -> (i32, i32) {
    %c0_i32 = arith.constant 0 : i32
    %c0_i32_0 = arith.constant 0 : i32
    %c0_i32_1 = arith.constant 0 : i32
    return %c0_i32, %c0_i32_0 : i32, i32
  }
  func.func @transform_8(%arg0: i32) -> (i32, i32) {
    %c0_i32 = arith.constant 0 : i32
    %c0_i32_0 = arith.constant 0 : i32
    return %arg0, %c0_i32 : i32, i32
  }
}

module attributes {stable_mosaic.version = 14 : i64} {
  func.func @_fin_body(%arg0: i32, %arg1: memref<1280x128xf32, #tpu.memory_space<vmem>>, %arg2: memref<1280x128xf32, #tpu.memory_space<vmem>>, %arg3: memref<1280x8xf32, #tpu.memory_space<vmem>>, %arg4: memref<1x128xf32, #tpu.memory_space<vmem>>, %arg5: memref<1x128xf32, #tpu.memory_space<vmem>>, %arg6: memref<1x128xf32, #tpu.memory_space<vmem>>, %arg7: memref<1x1xf32, #tpu.memory_space<vmem>>, %arg8: memref<1280x128xf32, #tpu.memory_space<vmem>>) attributes {dimension_semantics = [#tpu.dimension_semantics<arbitrary>], iteration_bounds = array<i64: 8>, scalar_prefetch = 0 : i64, scratch_operands = 0 : i64, tpu.core_type = #tpu.core_type<tc>, window_params = [{transform_indices = @transform_0, window_bounds = array<i64: 1280, 128>}, {transform_indices = @transform_1, window_bounds = array<i64: 1280, 128>}, {transform_indices = @transform_2, window_bounds = array<i64: 1280, 8>}, {pipeline_mode = #tpu.pipeline_mode<synchronous>, transform_indices = @transform_3, window_bounds = array<i64: 1, 128>}, {pipeline_mode = #tpu.pipeline_mode<synchronous>, transform_indices = @transform_4, window_bounds = array<i64: 1, 128>}, {pipeline_mode = #tpu.pipeline_mode<synchronous>, transform_indices = @transform_5, window_bounds = array<i64: 1, 128>}, {pipeline_mode = #tpu.pipeline_mode<synchronous>, transform_indices = @transform_6, window_bounds = array<i64: 1, 1>}, {transform_indices = @transform_7, window_bounds = array<i64: 1280, 128>}]} {
    %get3A = arith.constant 0 : index
    %get3A_0 = arith.constant 0 : index
    %get3A_1 = vector.load %arg3[%get3A, %get3A_0] : memref<1280x8xf32, #tpu.memory_space<vmem>>, vector<1280x1xf32>
    %get3A_2 = arith.constant 0 : index
    %get3A_3 = arith.constant 0 : index
    %get3A_4 = vector.load %arg1[%get3A_2, %get3A_3] : memref<1280x128xf32, #tpu.memory_space<vmem>>, vector<1280x128xf32>
    %get3A_5 = arith.constant 0 : index
    %get3A_6 = arith.constant 0 : index
    %get3A_7 = vector.load %arg2[%get3A_5, %get3A_6] : memref<1280x128xf32, #tpu.memory_space<vmem>>, vector<1280x128xf32>
    %add3A = arith.addf %get3A_4, %get3A_7 : vector<1280x128xf32>
    %mul3A = vector.broadcast %get3A_1 : vector<1280x1xf32> to vector<1280x128xf32>
    %mul3A_8 = arith.mulf %mul3A, %add3A : vector<1280x128xf32>
    %get3A_9 = arith.constant 0 : index
    %get3A_10 = arith.constant 0 : index
    %get3A_11 = vector.load %arg4[%get3A_9, %get3A_10] : memref<1x128xf32, #tpu.memory_space<vmem>>, vector<1x128xf32>
    %add3A_12 = vector.broadcast %get3A_11 : vector<1x128xf32> to vector<1280x128xf32>
    %add3A_13 = arith.addf %mul3A_8, %add3A_12 : vector<1280x128xf32>
    %reduce_sum3A = arith.constant dense<0.000000e+00> : vector<1280xf32>
    %reduce_sum3A_14 = vector.multi_reduction <add>, %add3A_13, %reduce_sum3A [1] : vector<1280x128xf32> to vector<1280xf32>
    %broadcast_in_dim3A = vector.shape_cast %reduce_sum3A_14 : vector<1280xf32> to vector<1280x1xf32>
    %div3A = arith.constant 1.280000e+02 : f32
    %div3A_15 = vector.broadcast %div3A : f32 to vector<1280x1xf32>
    %div3A_16 = arith.divf %broadcast_in_dim3A, %div3A_15 : vector<1280x1xf32>
    %sub3A = vector.broadcast %div3A_16 : vector<1280x1xf32> to vector<1280x128xf32>
    %sub3A_17 = arith.subf %add3A_13, %sub3A : vector<1280x128xf32>
    %integer_pow3A = arith.mulf %sub3A_17, %sub3A_17 : vector<1280x128xf32>
    %reduce_sum3A_18 = arith.constant dense<0.000000e+00> : vector<1280xf32>
    %reduce_sum3A_19 = vector.multi_reduction <add>, %integer_pow3A, %reduce_sum3A_18 [1] : vector<1280x128xf32> to vector<1280xf32>
    %broadcast_in_dim3A_20 = vector.shape_cast %reduce_sum3A_19 : vector<1280xf32> to vector<1280x1xf32>
    %div3A_21 = arith.constant 1.280000e+02 : f32
    %div3A_22 = vector.broadcast %div3A_21 : f32 to vector<1280x1xf32>
    %div3A_23 = arith.divf %broadcast_in_dim3A_20, %div3A_22 : vector<1280x1xf32>
    %sub3A_24 = vector.broadcast %div3A_16 : vector<1280x1xf32> to vector<1280x128xf32>
    %sub3A_25 = arith.subf %add3A_13, %sub3A_24 : vector<1280x128xf32>
    %add3A_26 = arith.constant 9.99999974E-6 : f32
    %add3A_27 = vector.broadcast %add3A_26 : f32 to vector<1280x1xf32>
    %add3A_28 = arith.addf %div3A_23, %add3A_27 : vector<1280x1xf32>
    %rsqrt3A = math.rsqrt %add3A_28 : vector<1280x1xf32>
    %mul3A_29 = vector.broadcast %rsqrt3A : vector<1280x1xf32> to vector<1280x128xf32>
    %mul3A_30 = arith.mulf %sub3A_25, %mul3A_29 : vector<1280x128xf32>
    %get3A_31 = arith.constant 0 : index
    %get3A_32 = arith.constant 0 : index
    %get3A_33 = vector.load %arg5[%get3A_31, %get3A_32] : memref<1x128xf32, #tpu.memory_space<vmem>>, vector<1x128xf32>
    %mul3A_34 = vector.broadcast %get3A_33 : vector<1x128xf32> to vector<1280x128xf32>
    %mul3A_35 = arith.mulf %mul3A_30, %mul3A_34 : vector<1280x128xf32>
    %get3A_36 = arith.constant 0 : index
    %get3A_37 = arith.constant 0 : index
    %get3A_38 = vector.load %arg6[%get3A_36, %get3A_37] : memref<1x128xf32, #tpu.memory_space<vmem>>, vector<1x128xf32>
    %add3A_39 = vector.broadcast %get3A_38 : vector<1x128xf32> to vector<1280x128xf32>
    %add3A_40 = arith.addf %mul3A_35, %add3A_39 : vector<1280x128xf32>
    %ge3A = arith.constant 0.000000e+00 : f32
    %ge3A_41 = vector.broadcast %ge3A : f32 to vector<1280x128xf32>
    %ge3A_42 = arith.cmpf oge, %add3A_40, %ge3A_41 : vector<1280x128xf32>
    %get3A_43 = arith.constant 0 : index
    %get3A_44 = arith.constant 0 : index
    %get3A_45 = vector.load %arg7[%get3A_43, %get3A_44] : memref<1x1xf32, #tpu.memory_space<vmem>>, vector<1x1xf32>
    %get3A_46 = vector.extract %get3A_45[0, 0] : f32 from vector<1x1xf32>
    %mul3A_47 = vector.broadcast %get3A_46 : f32 to vector<1280x128xf32>
    %mul3A_48 = arith.mulf %mul3A_47, %add3A_40 : vector<1280x128xf32>
    %select_n3A = arith.select %ge3A_42, %add3A_40, %mul3A_48 : vector<1280x128xi1>, vector<1280x128xf32>
    %swap3A = arith.constant 0 : index
    %swap3A_49 = arith.constant 0 : index
    %swap3A_50 = vector.load %arg8[%swap3A, %swap3A_49] : memref<1280x128xf32, #tpu.memory_space<vmem>>, vector<1280x128xf32>
    tpu.vector_store %arg8[%swap3A, %swap3A_49], %select_n3A {strides = array<i32>} : memref<1280x128xf32, #tpu.memory_space<vmem>>, vector<1280x128xf32>,
    return
  }
  func.func @transform_0(%arg0: i32) -> (i32, i32) {
    %c0_i32 = arith.constant 0 : i32
    %c0_i32_0 = arith.constant 0 : i32
    return %arg0, %c0_i32 : i32, i32
  }
  func.func @transform_1(%arg0: i32) -> (i32, i32) {
    %add3A = arith.constant 8 : i32
    %add3A_0 = arith.addi %arg0, %add3A : i32
    %c0_i32 = arith.constant 0 : i32
    %c0_i32_1 = arith.constant 0 : i32
    return %add3A_0, %c0_i32 : i32, i32
  }
  func.func @transform_2(%arg0: i32) -> (i32, i32) {
    %c0_i32 = arith.constant 0 : i32
    %c0_i32_0 = arith.constant 0 : i32
    return %arg0, %c0_i32 : i32, i32
  }
  func.func @transform_3(%arg0: i32) -> (i32, i32) {
    %c0_i32 = arith.constant 0 : i32
    %c0_i32_0 = arith.constant 0 : i32
    %c0_i32_1 = arith.constant 0 : i32
    return %c0_i32, %c0_i32_0 : i32, i32
  }
  func.func @transform_4(%arg0: i32) -> (i32, i32) {
    %c0_i32 = arith.constant 0 : i32
    %c0_i32_0 = arith.constant 0 : i32
    %c0_i32_1 = arith.constant 0 : i32
    return %c0_i32, %c0_i32_0 : i32, i32
  }
  func.func @transform_5(%arg0: i32) -> (i32, i32) {
    %c0_i32 = arith.constant 0 : i32
    %c0_i32_0 = arith.constant 0 : i32
    %c0_i32_1 = arith.constant 0 : i32
    return %c0_i32, %c0_i32_0 : i32, i32
  }
  func.func @transform_6(%arg0: i32) -> (i32, i32) {
    %c0_i32 = arith.constant 0 : i32
    %c0_i32_0 = arith.constant 0 : i32
    %c0_i32_1 = arith.constant 0 : i32
    return %c0_i32, %c0_i32_0 : i32, i32
  }
  func.func @transform_7(%arg0: i32) -> (i32, i32) {
    %c0_i32 = arith.constant 0 : i32
    %c0_i32_0 = arith.constant 0 : i32
    return %arg0, %c0_i32 : i32, i32
  }
}

</mosaic_0001>

<sc_bundles>
// kernel: kernel.11.cloned.1.call-start
scs
__scs_entry_jumppad:
0x0: {  	(pc) =	sbr.rel $0x88, $3  }
0x1: {  	(tag) =	ssettag $0x0;
	lr =	simm.s32 $0x1  }
0x2: {  	[smem:$0x3F95] =	sst lr;
	_ =	strace $0xD0000000  }
0x3: {  	_ = 	snop  }
0x4: {  	_ = 	snop  }
0x5: {  	_ = 	snop  }
0x6: {  	_ = 	snop  }
0x7: {  	_ = 	snop  }
__scs_overlays_trampoline_lowered:
0x8: {  	[smem:$0x3FA4] =	sst s0  }
0x9: {  	[smem:$0x3FA5] =	sst s1  }
0xa: {  	[smem:$0x3FA6] =	sst s2  }
0xb: {  	[smem:$0x3FA7] =	sst s3  }
0xc: {  	[smem:$0x3FA8] =	sst s4  }
0xd: {  	[smem:$0x3FA9] =	sst s5  }
0xe: {  	[smem:$0x3FAA] =	sst s6  }
0xf: {  	[smem:$0x3FAB] =	sst s7  }
0x10: {  	[smem:$0x3FAC] =	sst s8  }
0x11: {  	[smem:$0x3FAD] =	sst s9;
	s0 =	simm.s32 @!p0 $0x0  }
0x12: {  	s1 =	sld [smem:$0x3F93];
	s0 =	simm.s32 @p0 $0x1  }
0x13: {  	[smem:$0x3FAE] =	sst s0;
	s0 =	simm.s32 @!p1 $0x0  }
0x14: {  	s2 =	sld [smem:$0x3F92];
	s0 =	simm.s32 @p1 $0x1  }
0x15: {  	[smem:$0x3FAF] =	sst s0;
	s0 =	simm.s32 @!p2 $0x0  }
0x16: {  	s3 =	sld [smem:$0x3FDB];
	s0 =	simm.s32 @p2 $0x1  }
0x17: {  	s4 =	simm.s32 $0x1BF5;
	[smem:$0x3FB1] =	sst s0  }
0x18: {  	s0 =	sld [smem:$0x3F94];
	_ =	swait.ge [sflag:s4], $0x0  }
0x19: {  	s7 =	sld [smem:$0x3F95]  }
0x1a: {  	s8 =	sadd.s32 $0xFFFFE003, lr  }
0x1b: {  	s9 =	sadd.s32 $0xFFFFFEF7, lr;
	s5 =	simm.s32 $0xFFFFFFFF;
	p2 =	slt.u32 s8, $0xFFFFF086  }
0x1c: {  	p1 =	slt.u32 s9, $0xF7A;
	s5 =	simm.s32 @!p2 $0x0  }
0x1d: {  	s5 =	simm.s32 @p1 $0x1;
	p0 =	seq.s32 s7, s2  }
0x1e: {  	s7 =	smul.u32 @!p0 $0xF7A, s2;
	p2 =	seq.s32 @!p0 s5, $0x0  }
0x1f: {  	s9 =	smul.u32 $0xF7A, s1;
	s8 =	simm.s32 @!p0 $0x1BF5;
	p2 =	por !p2, p0  }
0x20: {  	[sflag:s8] =	ssyncset.s32 @!p0 $0xFFFFF086;
	s6 =	sadd.s32 @!p0 s3, s7;
	s7 =	simm.s32 @!p0 $0x108  }
0x21: {  	s3 =	sadd.s32 s3, s9;
	s6 =	sadd.s32 @!p0 $0x88, s6;
	s7 =	simm.s32 @p2 $0x1082  }
0x22: {  	[simem:s7], [sflag:s8] =	dma.local @!p0 [hbm:s6], $0xF7A  }
0x23: {  	s9 =	sor.u32 $0xD0000000, s2;
	s6 =	simm.s32 $0x108;
	_ =	swait.ge @!p0 [sflag:s8], $0x0  }
0x24: {  	s3 =	sadd.s32 $0x88, s3;
	s6 =	simm.s32 @!p1 $0x1082;
	[sflag:s4] =	ssyncset.s32 $0xFFFFF086  }
0x25: {  	[simem:s6], [sflag:s4] =	dma.local [hbm:s3], $0xF7A  }
0x26: {  	[smem:$0x3F95] =	sst s1;
	(tag) =	ssettag s2;
	_ =	strace s9  }
0x27: {  	s1 =	sld [smem:$0x3FA5]  }
0x28: {  	s2 =	sld [smem:$0x3FA6]  }
0x29: {  	s4 =	sld [smem:$0x3FA8]  }
0x2a: {  	p0 =	seq.s32 s5, $0x0;
	s5 =	sld [smem:$0x3FA9]  }
0x2b: {  	s6 =	sld [smem:$0x3FAA]  }
0x2c: {  	s7 =	sld [smem:$0x3FAB]  }
0x2d: {  	s3 =	simm.s32 $0x108;
	s8 =	sld [smem:$0x3FAC]  }
0x2e: {  	s3 =	simm.s32 @!p0 $0x1082;
	s9 =	sld [smem:$0x3FAD]  }
0x2f: {  	lr =	sadd.s32 s0, s3;
	s0 =	sld [smem:$0x3FA4]  }
0x30: {  	s3 =	sld [smem:$0x3FA7]  }
0x31: {  	[smem:$0x3FB0] =	sst s10  }
0x32: {  	s10 =	sld [smem:$0x3FAE];
	_ =	sdelay $0x3  }
0x33: {  	p0 =	seq.s32 s10, $0x1;
	s10 =	sld [smem:$0x3FB0];
	_ =	sdelay $0x3  }
0x34: {  	[smem:$0x3FB0] =	sst s10  }
0x35: {  	s10 =	sld [smem:$0x3FAF];
	_ =	sdelay $0x3  }
0x36: {  	p1 =	seq.s32 s10, $0x1;
	s10 =	sld [smem:$0x3FB0];
	_ =	sdelay $0x3  }
0x37: {  	[smem:$0x3FB0] =	sst s10  }
0x38: {  	s10 =	sld [smem:$0x3FB1]  }
0x39: {  	_ = 	snop;
	(pc) =	sbr.ind lr, $3  }
0x3a: {  	_ = 	snop  }
0x3b: {  	_ = 	snop  }
0x3c: {  	p2 =	seq.s32 s10, $0x1;
	s10 =	sld [smem:$0x3FB0]  }
0x3d: {  	_ =	shalt  }
0x3e: {  	_ =	shalt  }
0x3f: {  	_ =	shalt  }
0x40: {  	_ =	shalt  }
0x41: {  	_ =	shalt  }
0x42: {  	_ =	shalt  }
0x43: {  	_ =	shalt  }
0x44: {  	_ =	shalt  }
0x45: {  	_ =	shalt  }
0x46: {  	_ =	shalt  }
0x47: {  	_ =	shalt  }
0x48: {  	_ =	shalt  }
0x49: {  	_ =	shalt  }
0x4a: {  	_ =	shalt  }
0x4b: {  	_ =	shalt  }
0x4c: {  	_ =	shalt  }
0x4d: {  	_ =	shalt  }
0x4e: {  	_ =	shalt  }
0x4f: {  	_ =	shalt  }
0x50: {  	_ =	shalt  }
0x51: {  	_ =	shalt  }
0x52: {  	_ =	shalt  }
0x53: {  	_ =	shalt  }
0x54: {  	_ =	shalt  }
0x55: {  	_ =	shalt  }
0x56: {  	_ =	shalt  }
0x57: {  	_ =	shalt  }
0x58: {  	_ =	shalt  }
0x59: {  	_ =	shalt  }
0x5a: {  	_ =	shalt  }
0x5b: {  	_ =	shalt  }
0x5c: {  	_ =	shalt  }
0x5d: {  	_ =	shalt  }
0x5e: {  	_ =	shalt  }
0x5f: {  	_ =	shalt  }
0x60: {  	_ =	shalt  }
0x61: {  	_ =	shalt  }
0x62: {  	_ =	shalt  }
0x63: {  	_ =	shalt  }
0x64: {  	_ =	shalt  }
0x65: {  	_ =	shalt  }
0x66: {  	_ =	shalt  }
0x67: {  	_ =	shalt  }
0x68: {  	_ =	shalt  }
0x69: {  	_ =	shalt  }
0x6a: {  	_ =	shalt  }
0x6b: {  	_ =	shalt  }
0x6c: {  	_ =	shalt  }
0x6d: {  	_ =	shalt  }
0x6e: {  	_ =	shalt  }
0x6f: {  	_ =	shalt  }
0x70: {  	_ =	shalt  }
0x71: {  	_ =	shalt  }
0x72: {  	_ =	shalt  }
0x73: {  	_ =	shalt  }
0x74: {  	_ =	shalt  }
0x75: {  	_ =	shalt  }
0x76: {  	_ =	shalt  }
0x77: {  	_ =	shalt  }
0x78: {  	_ =	shalt  }
0x79: {  	_ =	shalt  }
0x7a: {  	_ =	shalt  }
0x7b: {  	_ =	shalt  }
0x7c: {  	_ =	shalt  }
0x7d: {  	_ =	shalt  }
0x7e: {  	_ =	shalt  }
0x7f: {  	_ =	shalt  }
0x80: {  	_ =	shalt  }
0x81: {  	_ =	shalt  }
0x82: {  	_ =	shalt  }
0x83: {  	_ =	shalt  }
0x84: {  	_ =	shalt  }
0x85: {  	_ =	shalt  }
0x86: {  	_ =	shalt  }
0x87: {  	_ =	shalt  }
.Lfunc_end0:
.L_simem_size_0:
called_computation.1_lowered:
.L_overlay_start_0:
0x88: {  	s2 =	sld [smem:$0x3FD9]  }
0x89: {  	s3 =	sld [smem:$0x3FFE];
	_ =	sdelay $0x1  }
0x8a: {  	s1 =	srdreg.scid  }
0x8b: {  	s0 =	sand.u32 $0x1, s1  }
0x8c: {  	s17 =	sshll.u32 s0, $0xA;
	s2 =	sadd.s32 s3, s2  }
0x8d: {  	s2 =	sadd.s32 s2, s17  }
0x8e: {  	[smem:$0x3FBC] =	sst s2  }
0x8f: {  	_ = 	snop  }
0x90: {  	s2 =	sld [smem:$0x3FD0];
	(tm) =	ssettm $0x1  }
0x91: {  	s18 =	sld [smem:$0x3FFB];
	_ =	sdelay $0x3  }
0x92: {  	_ =	strace s18  }
0x93: {  	s3 =	sld [smem:$0x3FFC];
	_ =	sdelay $0x3  }
0x94: {  	_ =	strace s3  }
0x95: {  	s3 =	sld [smem:$0x3FFD];
	_ =	sdelay $0x3  }
0x96: {  	_ =	strace s3  }
0x97: {  	_ =	strace $0x8FFFFFFF  }
0x98: {  	s19 =	sld [smem:$0x3FDB];
	_ =	sdelay $0x1  }
0x99: {  	s4 =	simm.s32 $_scs_section_size  }
0x9a: {  	s5 =	simm.s32 $_size__tile_overlayer_lowered;
	s6 =	simm.s32 $_tile_overlayer_lowered  }
0x9b: {  	s22 =	simm.s32 $0x1BFF;
	s21 =	sshll.u32 s6, $0x1;
	s3 =	sadd.s32 s4, s19  }
0x9c: {  	s7 =	simm.s32 $0x0;
	s20 =	sshll.u32 s5, $0x1;
	s5 =	sadd.s32 s21, s3  }
0x9d: {  	[timem:s7], [sflag:s22] =	dma.local [hbm:s5], s20  }
0x9e: {  	_ =	swait.ge [sflag:s22], s20  }
0x9f: {  	s4 =	ssub.s32 $0x0, s20;
	[sflag:s22] =	ssyncset.done $0x0  }
0xa0: {  	[sflag:s22] =	ssyncadd.s32 s4;
	_ =	sdelay $0x1  }
0xa1: {  	s23 =	simm.s32 $0x1B8B  }
0xa2: {  	_ =	swait.ge [sflag:s23], $0x1  }
0xa3: {  	[sflag:s23] =	ssyncset.done $0x0  }
0xa4: {  	s25 =	simm.s32 $0x1B8E;
	s24 =	sld [smem:$0x3FFE];
	[sflag:s23] =	ssyncadd.s32 $0xFFFFFFFF  }
0xa5: {  	s26 =	simm.s32 $execute0_lowered;
	[smem:$0x3FD2] =	sst s25  }
0xa6: {  	s5 =	sshll.u32 s26, $0x1;
	_ =	strace $0x80000049;
	[dreg:$0x1] =	wrdreg $0xFFFFFFFF  }
0xa7: {  	s28 =	simm.s32 $_size_execute0_lowered;
	s3 =	sadd.s32 s3, s5;
	[dreg:$0x0] =	wrdreg $0x0  }
0xa8: {  	s5 =	sshll.u32 s28, $0x1;
	[dreg:$0x2] =	wrdreg s3  }
0xa9: {  	[dreg:$0x3] =	wrdreg s5  }
0xaa: {  	[dreg:$0x4] =	wrdreg $0xC0  }
0xab: {  	_ =	task [dreg:s7], $0x5FFFF  }
0xac: {  	[dreg:$0x1] =	wrdreg $0xFFFFFFFF  }
0xad: {  	[dreg:$0x0] =	wrdreg $0x60  }
0xae: {  	[dreg:$0x2] =	wrdreg s24  }
0xaf: {  	[dreg:$0x3] =	wrdreg s2  }
0xb0: {  	[dreg:$0x4] =	wrdreg $0xA3800  }
0xb1: {  	[dreg:$0x5] =	wrdreg $0x9  }
0xb2: {  	_ =	task.clear_ibuf [dreg:s7], $0x6FFFF;
	_ =	strace $0x90000049  }
0xb3: {  	s29 =	simm.s32 $0x9;
	_ =	strace $0x8000004B  }
0xb4: {  	_ =	swait.ge [sflag:s29], $0x1  }
0xb5: {  	[sflag:s29] =	ssyncadd.s32 $0xFFFFFFFF  }
0xb6: {  	_ =	strace $0x9000004B  }
0xb7: {  	_ =	sfence  }
0xb8: {  	s30 =	sld [smem:$0x0];
	_ =	sdelay $0x2  }
0xb9: {  	s31 =	sshll.u32 s1, $0xD;
	s1 =	sshrl.u32 s1, $0x2  }
0xba: {  	s3 =	sand.u32 $0x4000, s31;
	s1 =	sadd.s32 s1, s30  }
0xbb: {  	s0 =	sor.u32 s3, s0;
	s1 =	sshll.u32 s1, $0x11  }
0xbc: {  	s0 =	sor.u32 s1, s0  }
0xbd: {  	s0 =	sadd.s32 $0x8F2B, s0  }
0xbe: {  	[sflag:s0] =	ssyncadd.remote.s32 $0x1  }
0xbf: {  	_ =	sfence.sel $0xFFFF  }
0xc0: {  	[dreg:$0x0] =	wrdreg $0xFFFFFFFF;
	(pc) =	sbr.abs _section_cstart, $3  }
0xc1: {  	[dreg:$0x1] =	wrdreg $0xFFFFFFFF  }
0xc2: {  	_ =	task.clear_ibuf [dreg:s7], $0x2FFFF;
	_ =	strace $0x9FFFFFFF  }
0xc3: {  	(tm) =	ssettm $0x7FFFFFFF  }
tec
execute0_lowered:
.L_overlay_start_1:
0x0: {  	(tag) =	ssettag $0x1  }
0x1: {  	s0 =	rddreg [dreg:$0x0]  }
0x2: {  	s2 =	rddreg [dreg:$0x1]  }
0x3: {  	s3 =	rddreg [dreg:$0x2]  }
0x4: {  	s1 =	srdreg.scid;
	s15 =	stileid.u32  }
0x5: {  	s4 =	simm.s32 $0x0;
	s28 =	simm.s32 $0x6;
	s29 =	simm.s32 $0x3  }
0x6: {  	s30 =	simm.s32 $0x0;
	s1 =	sand.u32 $0x1, s1;
	s8 =	smul.u32 $0x2800, s15  }
0x7: {  	[smem:$0x7FF] =	sst s4;
	s5 =	sadd.s32 $0x34400, s0;
	s12 =	smul.u32 $0x50000, s15  }
0x8: {  	s6 =	sadd.s32 $0x2600, s0;
	s9 =	sadd.s32 $0xC400, s0;
	s14 =	smul.u32 $0x4E20, s15  }
0x9: {  	s10 =	sshll.u32 s15, $0x1;
	s31 =	sshll.u32 s15, $0x6;
	s7 =	smul.u32 $0x28000, s1  }
0xa: {  	_ =	strace $0x8000004A;
	s11 =	ssub.s32 $0x2, s1;
	s10 =	sor.u32 s1, s10  }
0xb: {  	p0 =	seq.s32 s1, $0x0;
	s1 =	smul.u32 $0x2710, s1;
	s15 =	sor.u32 $0x1C07, s31  }
0xc: {  	s18 =	sshrl.u32 s11, $0x1;
	s10 =	smul.u32 $0x2710, s10;
	s19 =	sshrl.u32 s12, $0x2  }
0xd: {  	s9 =	smov.u32 @p0 s5;
	s7 =	sadd.s32 s8, s7;
	s13 =	ssub.s32 s11, s18  }
0xe: {  	s18 =	sadd.s32 s19, s3;
	s24 =	sadd.s32 s1, s14;
	s14 =	sadd.s32 s9, s8  }
0xf: {  	s19 =	simm.s32 $0x7;
	s0 =	sadd.s32 s7, s0;
	s10 =	sshrl.u32 s10, $0x3  }
0x10: {  	s25 =	smax.u32 s13, $0x1;
	s26 =	sadd.s32 $0xF0, s24;
	s16 =	sadd.s32 $0xA0, s24  }
0x11: {  	s18 =	sshrl.u32 s18, $0x3;
	s24 =	simm.s32 $0x380;
	s7 =	sadd.s32 s6, s10  }
0x12: {  	s20 =	sadd.s32 $0x4D8, s10;
	s10 =	sadd.s32 s2, s10;
	[dreg:$0x9] =	wrdreg s25  }
0x13: {  	s0 =	sadd.s32 $0x5C400, s0;
	s1 =	sshrl.u32 s26, $0x3;
	[dreg:$0x4] =	wrdreg s10  }
0x14: {  	s26 =	simm.s32 $0x5;
	s21 =	sadd.s32 $0xA, s7;
	[dreg:$0x8] =	wrdreg s0  }
0x15: {  	s22 =	sadd.s32 s2, s20;
	s23 =	sadd.s32 s6, s20;
	[dreg:$0x5] =	wrdreg s21  }
0x16: {  	s17 =	sadd.s32 s1, s6;
	s20 =	simm.s32 $0x180;
	[dreg:$0x6] =	wrdreg s22  }
0x17: {  	[dreg:$0x7] =	wrdreg s23;
	s22 =	simm.s32 $0x1;
	s23 =	simm.s32 $0x50  }
.LBB2_1:
0x18: {  	[spmem:s18], [sflag:s15] =	dma.local [hbm:s14], $0x2800  }
0x19: {  	_ =	swait.ge [sflag:s19], $0x2800  }
0x1a: {  	[sflag:s19] =	ssyncset.done $0x0  }
0x1b: {  	[sflag:s19] =	ssyncadd.s32 $0xFFFFD800  }
0x1c: {  	[bflag:$0x0] =	sbarrier.arrive $0xFFFF  }
0x1d: {  	s0 =	rddreg [dreg:$0x4]  }
0x1e: {  	[tilespmem:s4], [sflag:$0x1] =	stream.linear.gather [hbm4b:s0+s4], $0xA0, $0x38;
	[tilespmem:$0x1E380] =	vst v63  }
0x1f: {  	_ = 	snop  }
0x20: {  	[tilespmem:s20], [sflag:$0x1] =	stream.linear.gather [hbm4b:s7+s4], $0x50, $0x38;
	[tilespmem:$0x1E380] =	vst v63  }
0x21: {  	s1 =	simm.s32 $0x200;
	s11 =	rddreg [dreg:$0x5]  }
0x22: {  	[tilespmem:s1], [sflag:$0x1] =	stream.linear.gather [hbm4b:s11+s4], $0x50, $0x38;
	[tilespmem:$0x1E380] =	vst v63  }
0x23: {  	_ =	swait.ge [sflag:s22], $0xA0  }
0x24: {  	[sflag:s22] =	ssyncset.done $0x0  }
0x25: {  	[sflag:s22] =	ssyncadd.s32 $0xFFFFFF60  }
0x26: {  	_ =	swait.ge [sflag:s22], $0x50  }
0x27: {  	[sflag:s22] =	ssyncset.done $0x0  }
0x28: {  	s13 =	sand.u32 $0x1, s4;
	[sflag:s22] =	ssyncadd.s32 $0xFFFFFFB0  }
0x29: {  	p1 =	seq.s32 s13, $0x1;
	_ =	swait.ge [sflag:s22], $0x50  }
0x2a: {  	p0 =	por @!p1 $0x1, $0x1;
	[sflag:s22] =	ssyncset.done $0x0  }
0x2b: {  	p2 =	por p0, p1;
	[sflag:s22] =	ssyncadd.s32 $0xFFFFFFB0  }
0x2c: {  	[tilespmem:s24], [sflag:$0x3] =	stream.indirect.gather [hbm4b:s5+s23], $0x80, s4, s23, $0xb8;
	[tilespmem:$0x1E380] =	vst v63  }
0x2d: {  	s12 =	simm.s32 $0x2B80;
	s1 =	simm.s32 @!p2 $0x6  }
0x2e: {  	[tilespmem:s12], [sflag:$0x3] =	stream.indirect.gather [hbm4b:s5+s23], $0x80, s23, s23, $0xb8;
	[tilespmem:$0x1E380] =	vst v63  }
0x2f: {  	_ =	swait.ge @!p2 [sflag:s1], $0x2800  }
0x30: {  	[sflag:s1] =	ssyncset.done @!p2 $0x0  }
0x31: {  	[sflag:s1] =	ssyncadd.s32 @!p2 $0xFFFFD800  }
0x32: {  	p0 =	por p1, p1;
	_ =	swait.ge @!p2 [sflag:s1], $0x2800  }
0x33: {  	s8 =	sshrl.u32 @!p1 s16, $0x3;
	s9 =	simm.s32 @!p0 $0xA0;
	[sflag:s1] =	ssyncset.done @!p2 $0x0  }
0x34: {  	s21 =	sadd.s32 @!p0 s2, s8;
	s25 =	simm.s32 @!p0 $0x0;
	[sflag:s1] =	ssyncadd.s32 @!p2 $0xFFFFD800  }
0x35: {  	[tilespmem:s9], [sflag:$0x2] =	stream.linear.gather @!p0 [hbm4b:s21+s25], $0xA0, $0x38;
	[tilespmem:$0x1E380] =	vst v63  }
0x36: {  	s1 =	sadd.s32 @!p0 s6, s8;
	s8 =	simm.s32 @!p0 $0x280  }
0x37: {  	[tilespmem:s8], [sflag:$0x2] =	stream.linear.gather @!p0 [hbm4b:s1+s25], $0x50, $0x38;
	[tilespmem:$0x1E380] =	vst v63  }
0x38: {  	s1 =	simm.s32 @!p0 $0x300;
	s8 =	simm.s32 @!p0 $0x2  }
0x39: {  	[tilespmem:s1], [sflag:$0x2] =	stream.linear.gather @!p0 [hbm4b:s17+s25], $0x50, $0x38;
	[tilespmem:$0x1E380] =	vst v63  }
0x3a: {  	_ =	swait.ge @!p0 [sflag:s8], $0xA0  }
0x3b: {  	[sflag:s8] =	ssyncset.done @!p0 $0x0  }
0x3c: {  	[sflag:s8] =	ssyncadd.s32 @!p0 $0xFFFFFF60  }
0x3d: {  	_ =	swait.ge @!p0 [sflag:s8], $0x50  }
0x3e: {  	[sflag:s8] =	ssyncset.done @!p0 $0x0  }
0x3f: {  	[sflag:s8] =	ssyncadd.s32 @!p0 $0xFFFFFFB0  }
0x40: {  	p6 =	por $0x0, $0x0;
	_ =	swait.ge @!p0 [sflag:s8], $0x50  }
0x41: {  	p1 =	por !p0, p6;
	[sflag:s8] =	ssyncset.done @!p0 $0x0  }
0x42: {  	s21 =	simm.s32 @!p0 $0x5380;
	s1 =	simm.s32 @!p0 $0x50;
	[sflag:s8] =	ssyncadd.s32 @!p0 $0xFFFFFFB0  }
0x43: {  	[tilespmem:s21], [sflag:$0x4] =	stream.indirect.gather @!p0 [hbm4b:s5+s1], $0x80, s9, s1, $0xb8;
	[tilespmem:$0x1E380] =	vst v63  }
0x44: {  	s8 =	simm.s32 @!p0 $0x7B80;
	s9 =	simm.s32 @!p0 $0xF0;
	s21 =	simm.s32 @!p1 $0x5  }
0x45: {  	[tilespmem:s8], [sflag:$0x4] =	stream.indirect.gather @!p0 [hbm4b:s5+s1], $0x80, s9, s1, $0xb8;
	[tilespmem:$0x1E380] =	vst v63  }
0x46: {  	_ =	swait.ge @!p1 [sflag:s21], $0x2800  }
0x47: {  	[sflag:s21] =	ssyncset.done @!p1 $0x0  }
0x48: {  	[sflag:s21] =	ssyncadd.s32 @!p1 $0xFFFFD800  }
0x49: {  	_ =	swait.ge @!p1 [sflag:s21], $0x2800  }
0x4a: {  	s1 =	sshrl.u32 @!p1 s16, $0x3;
	[sflag:s21] =	ssyncset.done @!p1 $0x0  }
0x4b: {  	s9 =	simm.s32 @!p1 $0x0;
	s8 =	sadd.s32 @!p1 s2, s1;
	[sflag:s21] =	ssyncadd.s32 @!p1 $0xFFFFD800  }
0x4c: {  	[tilespmem:s9], [sflag:$0x1] =	stream.linear.gather @!p1 [hbm4b:s8+s9], $0xA0, $0x38;
	[tilespmem:$0x1E380] =	vst v63  }
0x4d: {  	s1 =	sadd.s32 @!p1 s6, s1;
	s8 =	simm.s32 @!p1 $0x180  }
0x4e: {  	[tilespmem:s8], [sflag:$0x1] =	stream.linear.gather @!p1 [hbm4b:s1+s9], $0x50, $0x38;
	[tilespmem:$0x1E380] =	vst v63  }
0x4f: {  	s1 =	simm.s32 @!p1 $0x200;
	s8 =	simm.s32 @!p1 $0x1  }
0x50: {  	[tilespmem:s1], [sflag:$0x1] =	stream.linear.gather @!p1 [hbm4b:s17+s9], $0x50, $0x38;
	[tilespmem:$0x1E380] =	vst v63  }
0x51: {  	_ =	swait.ge @!p1 [sflag:s8], $0xA0  }
0x52: {  	[sflag:s8] =	ssyncset.done @!p1 $0x0  }
0x53: {  	[sflag:s8] =	ssyncadd.s32 @!p1 $0xFFFFFF60  }
0x54: {  	_ =	swait.ge @!p1 [sflag:s8], $0x50  }
0x55: {  	[sflag:s8] =	ssyncset.done @!p1 $0x0  }
0x56: {  	[sflag:s8] =	ssyncadd.s32 @!p1 $0xFFFFFFB0  }
0x57: {  	_ =	swait.ge @!p1 [sflag:s8], $0x50  }
0x58: {  	[sflag:s8] =	ssyncset.done @!p1 $0x0  }
0x59: {  	s21 =	simm.s32 @!p1 $0x380;
	s1 =	simm.s32 @!p1 $0x50;
	[sflag:s8] =	ssyncadd.s32 @!p1 $0xFFFFFFB0  }
0x5a: {  	[tilespmem:s21], [sflag:$0x3] =	stream.indirect.gather @!p1 [hbm4b:s5+s1], $0x80, s9, s1, $0xb8;
	[tilespmem:$0x1E380] =	vst v63  }
0x5b: {  	p2 =	sne.s32 s13, $0x0;
	s8 =	simm.s32 @!p1 $0x2B80  }
0x5c: {  	[tilespmem:s8], [sflag:$0x3] =	stream.indirect.gather @!p1 [hbm4b:s5+s1], $0x80, s1, s1, $0xb8;
	[tilespmem:$0x1E380] =	vst v63  }
0x5d: {  	s1 =	simm.s32 @!p2 $0x3  }
0x5e: {  	_ =	swait.ge @!p2 [sflag:s1], $0x2800  }
0x5f: {  	[sflag:s1] =	ssyncset.done @!p2 $0x0  }
0x60: {  	[sflag:s1] =	ssyncadd.s32 @!p2 $0xFFFFD800  }
0x61: {  	s31 =	sadd.s32 $0x14, s17;
	_ =	swait.ge @!p2 [sflag:s1], $0x2800  }
0x62: {  	s0 =	simm.s32 $0x1;
	s21 =	simm.s32 @!p2 $0x50;
	[sflag:s1] =	ssyncset.done @!p2 $0x0  }
0x63: {  	s9 =	simm.s32 @!p2 $0x180;
	s8 =	simm.s32 @!p2 $0x380;
	[sflag:s1] =	ssyncadd.s32 @!p2 $0xFFFFD800  }
0x64: {  	[spmem:s3] =	stream.indirect.scatter.add.f32 @!p2 [tilespmem:s8], [sflag:$0x5], $0x80, s9, s21, $0xb8;
	[tilespmem:$0x1E380] =	vst v63  }
0x65: {  	s1 =	simm.s32 @!p2 $0x200;
	s8 =	simm.s32 @!p2 $0x2B80;
	s9 =	simm.s32 @p0 $0x4  }
0x66: {  	[spmem:s3] =	stream.indirect.scatter.add.f32 @!p2 [tilespmem:s8], [sflag:$0x5], $0x80, s1, s21, $0xb8;
	[tilespmem:$0x1E380] =	vst v63  }
0x67: {  	s25 =	simm.s32 $0x2;
	s1 =	sand.u32 $0x1, s0;
	_ =	swait.ge @p0 [sflag:s9], $0x2800  }
0x68: {  	s21 =	sadd.s32 $0xA0, s16;
	p2 =	seq.s32 s1, $0x1;
	[sflag:s9] =	ssyncset.done @p0 $0x0  }
0x69: {  	p3 =	por @!p2 $0x0, $0x0;
	s8 =	sshrl.u32 @!p2 s21, $0x3;
	[sflag:s9] =	ssyncadd.s32 @p0 $0xFFFFD800  }
.LBB2_2:
0x6a: {  	p3 =	por p3, p2;
	_ =	swait.ge @p0 [sflag:s9], $0x2800;
	s10 =	simm.s32 @p0 $0x5380  }
0x6b: {  	s11 =	simm.s32 @p0 $0x50;
	s12 =	simm.s32 @p0 $0x280;
	[sflag:s9] =	ssyncset.done @p0 $0x0  }
0x6c: {  	s13 =	simm.s32 @p0 $0x7B80;
	[sflag:s9] =	ssyncadd.s32 @p0 $0xFFFFD800;
	s9 =	simm.s32 @p0 $0x300  }
0x6d: {  	[spmem:s3] =	stream.indirect.scatter.add.f32 @p0 [tilespmem:s10], [sflag:$0x6], $0x80, s12, s11, $0xb8;
	[tilespmem:$0x1E380] =	vst v63  }
0x6e: {  	s10 =	simm.s32 @!p3 $0x6;
	s12 =	smov.u32 s25;
	s25 =	sadd.s32 $0x1, s25  }
0x6f: {  	[spmem:s3] =	stream.indirect.scatter.add.f32 @p0 [tilespmem:s13], [sflag:$0x6], $0x80, s9, s11, $0xb8;
	[tilespmem:$0x1E380] =	vst v63  }
0x70: {  	p1 =	sne.s32 s25, $0x3E;
	p0 =	por p2, p2;
	_ =	swait.ge @!p3 [sflag:s10], $0x2800  }
0x71: {  	[sflag:s10] =	ssyncset.done @!p3 $0x0  }
0x72: {  	s9 =	simm.s32 @!p0 $0xA0;
	[sflag:s10] =	ssyncadd.s32 @!p3 $0xFFFFD800  }
0x73: {  	s11 =	sadd.s32 @!p0 s2, s8;
	s13 =	simm.s32 @!p0 $0x0;
	_ =	swait.ge @!p3 [sflag:s10], $0x2800  }
0x74: {  	[sflag:s10] =	ssyncset.done @!p3 $0x0  }
0x75: {  	[sflag:s10] =	ssyncadd.s32 @!p3 $0xFFFFD800  }
0x76: {  	[tilespmem:s9], [sflag:$0x2] =	stream.linear.gather @!p0 [hbm4b:s11+s13], $0xA0, $0x38;
	[tilespmem:$0x1E380] =	vst v63  }
0x77: {  	s8 =	sadd.s32 @!p0 s6, s8;
	s10 =	simm.s32 @!p0 $0x280  }
0x78: {  	[tilespmem:s10], [sflag:$0x2] =	stream.linear.gather @!p0 [hbm4b:s8+s13], $0x50, $0x38;
	[tilespmem:$0x1E380] =	vst v63  }
0x79: {  	s8 =	simm.s32 @!p0 $0x300;
	s10 =	simm.s32 @!p0 $0x2  }
0x7a: {  	[tilespmem:s8], [sflag:$0x2] =	stream.linear.gather @!p0 [hbm4b:s31+s13], $0x50, $0x38;
	[tilespmem:$0x1E380] =	vst v63  }
0x7b: {  	_ =	swait.ge @!p0 [sflag:s10], $0xA0  }
0x7c: {  	[sflag:s10] =	ssyncset.done @!p0 $0x0  }
0x7d: {  	[sflag:s10] =	ssyncadd.s32 @!p0 $0xFFFFFF60  }
0x7e: {  	_ =	swait.ge @!p0 [sflag:s10], $0x50  }
0x7f: {  	[sflag:s10] =	ssyncset.done @!p0 $0x0  }
0x80: {  	[sflag:s10] =	ssyncadd.s32 @!p0 $0xFFFFFFB0  }
0x81: {  	s11 =	simm.s32 @!p0 $0x5380;
	s8 =	simm.s32 @!p0 $0x50;
	_ =	swait.ge @!p0 [sflag:s10], $0x50  }
0x82: {  	p2 =	seq.s32 s0, $0x3D;
	s0 =	smov.u32 s12;
	[sflag:s10] =	ssyncset.done @!p0 $0x0  }
0x83: {  	p2 =	por !p0, p2;
	[sflag:s10] =	ssyncadd.s32 @!p0 $0xFFFFFFB0;
	s10 =	simm.s32 @!p0 $0x7B80  }
0x84: {  	[tilespmem:s11], [sflag:$0x4] =	stream.indirect.gather @!p0 [hbm4b:s5+s8], $0x80, s9, s8, $0xb8;
	[tilespmem:$0x1E380] =	vst v63  }
0x85: {  	s12 =	sshrl.u32 @!p2 s21, $0x3;
	s9 =	simm.s32 @!p0 $0xF0;
	s11 =	simm.s32 @!p2 $0x5  }
0x86: {  	[tilespmem:s10], [sflag:$0x4] =	stream.indirect.gather @!p0 [hbm4b:s5+s8], $0x80, s9, s8, $0xb8;
	[tilespmem:$0x1E380] =	vst v63  }
0x87: {  	s8 =	sadd.s32 @!p2 s2, s12;
	s9 =	sadd.s32 @!p2 s6, s12;
	_ =	swait.ge @!p2 [sflag:s11], $0x2800  }
0x88: {  	[sflag:s11] =	ssyncset.done @!p2 $0x0  }
0x89: {  	[sflag:s11] =	ssyncadd.s32 @!p2 $0xFFFFD800  }
0x8a: {  	_ =	swait.ge @!p2 [sflag:s11], $0x2800  }
0x8b: {  	s10 =	simm.s32 @!p2 $0x0;
	[sflag:s11] =	ssyncset.done @!p2 $0x0  }
0x8c: {  	[sflag:s11] =	ssyncadd.s32 @!p2 $0xFFFFD800  }
0x8d: {  	[tilespmem:s10], [sflag:$0x1] =	stream.linear.gather @!p2 [hbm4b:s8+s10], $0xA0, $0x38;
	[tilespmem:$0x1E380] =	vst v63  }
0x8e: {  	s8 =	simm.s32 @!p2 $0x180  }
0x8f: {  	[tilespmem:s8], [sflag:$0x1] =	stream.linear.gather @!p2 [hbm4b:s9+s10], $0x50, $0x38;
	[tilespmem:$0x1E380] =	vst v63  }
0x90: {  	s8 =	simm.s32 @!p2 $0x200;
	s9 =	simm.s32 @!p2 $0x1  }
0x91: {  	[tilespmem:s8], [sflag:$0x1] =	stream.linear.gather @!p2 [hbm4b:s31+s10], $0x50, $0x38;
	[tilespmem:$0x1E380] =	vst v63  }
0x92: {  	_ =	swait.ge @!p2 [sflag:s9], $0xA0  }
0x93: {  	[sflag:s9] =	ssyncset.done @!p2 $0x0  }
0x94: {  	[sflag:s9] =	ssyncadd.s32 @!p2 $0xFFFFFF60  }
0x95: {  	_ =	swait.ge @!p2 [sflag:s9], $0x50  }
0x96: {  	[sflag:s9] =	ssyncset.done @!p2 $0x0  }
0x97: {  	[sflag:s9] =	ssyncadd.s32 @!p2 $0xFFFFFFB0  }
0x98: {  	_ =	swait.ge @!p2 [sflag:s9], $0x50  }
0x99: {  	s11 =	simm.s32 @!p2 $0x380;
	s8 =	simm.s32 @!p2 $0x50;
	[sflag:s9] =	ssyncset.done @!p2 $0x0  }
0x9a: {  	[sflag:s9] =	ssyncadd.s32 @!p2 $0xFFFFFFB0  }
0x9b: {  	[tilespmem:s11], [sflag:$0x3] =	stream.indirect.gather @!p2 [hbm4b:s5+s8], $0x80, s10, s8, $0xb8;
	[tilespmem:$0x1E380] =	vst v63  }
0x9c: {  	p3 =	sne.s32 s1, $0x0;
	s9 =	simm.s32 @!p2 $0x2B80  }
0x9d: {  	[tilespmem:s9], [sflag:$0x3] =	stream.indirect.gather @!p2 [hbm4b:s5+s8], $0x80, s8, s8, $0xb8;
	[tilespmem:$0x1E380] =	vst v63  }
0x9e: {  	s1 =	simm.s32 @!p3 $0x3  }
0x9f: {  	_ =	swait.ge @!p3 [sflag:s1], $0x2800  }
0xa0: {  	[sflag:s1] =	ssyncset.done @!p3 $0x0  }
0xa1: {  	s8 =	simm.s32 @!p3 $0x380;
	[sflag:s1] =	ssyncadd.s32 @!p3 $0xFFFFD800  }
0xa2: {  	s10 =	simm.s32 @!p3 $0x50;
	s9 =	simm.s32 @!p3 $0x180;
	_ =	swait.ge @!p3 [sflag:s1], $0x2800  }
0xa3: {  	s12 =	simm.s32 @!p3 $0x2B80;
	s11 =	simm.s32 @!p3 $0x200;
	[sflag:s1] =	ssyncset.done @!p3 $0x0  }
0xa4: {  	[sflag:s1] =	ssyncadd.s32 @!p3 $0xFFFFD800  }
0xa5: {  	[spmem:s3] =	stream.indirect.scatter.add.f32 @!p3 [tilespmem:s8], [sflag:$0x5], $0x80, s9, s10, $0xb8;
	[tilespmem:$0x1E380] =	vst v63  }
.Ltmp0:
0xa6: {  	s9 =	simm.s32 @p0 $0x4;
	(pc) =	sbr.rel @p1 .LBB2_2-.Ltmp0, $4  }
0xa7: {  	[spmem:s3] =	stream.indirect.scatter.add.f32 @!p3 [tilespmem:s12], [sflag:$0x5], $0x80, s11, s10, $0xb8;
	[tilespmem:$0x1E380] =	vst v63  }
0xa8: {  	s31 =	sadd.s32 $0x14, s31;
	s1 =	sand.u32 $0x1, s0;
	_ =	swait.ge @p0 [sflag:s9], $0x2800  }
0xa9: {  	s21 =	sadd.s32 $0xA0, s21;
	p2 =	seq.s32 s1, $0x1;
	[sflag:s9] =	ssyncset.done @p0 $0x0  }
0xaa: {  	s8 =	sshrl.u32 @!p2 s21, $0x3;
	p3 =	seq.s32 @!p2 s0, $0x0;
	[sflag:s9] =	ssyncadd.s32 @p0 $0xFFFFD800  }
0xab: {  	_ =	swait.ge @p0 [sflag:s9], $0x2800  }
0xac: {  	s10 =	simm.s32 @p0 $0x5380;
	[sflag:s9] =	ssyncset.done @p0 $0x0  }
0xad: {  	s11 =	simm.s32 @p0 $0x50;
	[sflag:s9] =	ssyncadd.s32 @p0 $0xFFFFD800;
	s9 =	simm.s32 @p0 $0x280  }
0xae: {  	[spmem:s3] =	stream.indirect.scatter.add.f32 @p0 [tilespmem:s10], [sflag:$0x6], $0x80, s9, s11, $0xb8;
	[tilespmem:$0x1E380] =	vst v63  }
0xaf: {  	p1 =	por p3, p2;
	s9 =	simm.s32 @p0 $0x300;
	s10 =	simm.s32 @p0 $0x7B80  }
0xb0: {  	[spmem:s3] =	stream.indirect.scatter.add.f32 @p0 [tilespmem:s10], [sflag:$0x6], $0x80, s9, s11, $0xb8;
	[tilespmem:$0x1E380] =	vst v63  }
0xb1: {  	s9 =	simm.s32 @!p1 $0x6  }
0xb2: {  	_ =	swait.ge @!p1 [sflag:s9], $0x2800  }
0xb3: {  	[sflag:s9] =	ssyncset.done @!p1 $0x0  }
0xb4: {  	[sflag:s9] =	ssyncadd.s32 @!p1 $0xFFFFD800  }
0xb5: {  	p0 =	por p2, p2;
	_ =	swait.ge @!p1 [sflag:s9], $0x2800  }
0xb6: {  	s10 =	simm.s32 @!p0 $0xA0;
	[sflag:s9] =	ssyncset.done @!p1 $0x0  }
0xb7: {  	s11 =	sadd.s32 @!p0 s2, s8;
	[sflag:s9] =	ssyncadd.s32 @!p1 $0xFFFFD800;
	s9 =	simm.s32 @!p0 $0x0  }
0xb8: {  	[tilespmem:s10], [sflag:$0x2] =	stream.linear.gather @!p0 [hbm4b:s11+s9], $0xA0, $0x38;
	[tilespmem:$0x1E380] =	vst v63  }
0xb9: {  	s8 =	sadd.s32 @!p0 s6, s8;
	s11 =	simm.s32 @!p0 $0x280  }
0xba: {  	[tilespmem:s11], [sflag:$0x2] =	stream.linear.gather @!p0 [hbm4b:s8+s9], $0x50, $0x38;
	[tilespmem:$0x1E380] =	vst v63  }
0xbb: {  	s8 =	simm.s32 @!p0 $0x300  }
0xbc: {  	[tilespmem:s8], [sflag:$0x2] =	stream.linear.gather @!p0 [hbm4b:s31+s9], $0x50, $0x38;
	[tilespmem:$0x1E380] =	vst v63  }
0xbd: {  	s8 =	simm.s32 @!p0 $0x2  }
0xbe: {  	_ =	swait.ge @!p0 [sflag:s8], $0xA0  }
0xbf: {  	[sflag:s8] =	ssyncset.done @!p0 $0x0  }
0xc0: {  	[sflag:s8] =	ssyncadd.s32 @!p0 $0xFFFFFF60  }
0xc1: {  	_ =	swait.ge @!p0 [sflag:s8], $0x50  }
0xc2: {  	[sflag:s8] =	ssyncset.done @!p0 $0x0  }
0xc3: {  	[sflag:s8] =	ssyncadd.s32 @!p0 $0xFFFFFFB0  }
0xc4: {  	p6 =	seq.s32 s0, $0x3D;
	_ =	swait.ge @!p0 [sflag:s8], $0x50  }
0xc5: {  	p1 =	por !p0, p6;
	[sflag:s8] =	ssyncset.done @!p0 $0x0  }
0xc6: {  	s9 =	simm.s32 @!p0 $0x50;
	[sflag:s8] =	ssyncadd.s32 @!p0 $0xFFFFFFB0;
	s8 =	simm.s32 @!p0 $0x5380  }
0xc7: {  	[tilespmem:s8], [sflag:$0x4] =	stream.indirect.gather @!p0 [hbm4b:s5+s9], $0x80, s10, s9, $0xb8;
	[tilespmem:$0x1E380] =	vst v63  }
0xc8: {  	s0 =	simm.s32 @!p1 $0x5;
	s8 =	simm.s32 @!p0 $0x7B80;
	s10 =	simm.s32 @!p0 $0xF0  }
0xc9: {  	[tilespmem:s8], [sflag:$0x4] =	stream.indirect.gather @!p0 [hbm4b:s5+s9], $0x80, s10, s9, $0xb8;
	[tilespmem:$0x1E380] =	vst v63  }
0xca: {  	_ =	swait.ge @!p1 [sflag:s0], $0x2800  }
0xcb: {  	[sflag:s0] =	ssyncset.done @!p1 $0x0  }
0xcc: {  	[sflag:s0] =	ssyncadd.s32 @!p1 $0xFFFFD800  }
0xcd: {  	_ =	swait.ge @!p1 [sflag:s0], $0x2800  }
0xce: {  	s8 =	sshrl.u32 @!p1 s21, $0x3;
	[sflag:s0] =	ssyncset.done @!p1 $0x0  }
0xcf: {  	s9 =	sadd.s32 @!p1 s2, s8;
	[sflag:s0] =	ssyncadd.s32 @!p1 $0xFFFFD800;
	s0 =	simm.s32 @!p1 $0x0  }
0xd0: {  	[tilespmem:s0], [sflag:$0x1] =	stream.linear.gather @!p1 [hbm4b:s9+s0], $0xA0, $0x38;
	[tilespmem:$0x1E380] =	vst v63  }
0xd1: {  	s8 =	sadd.s32 @!p1 s6, s8;
	s9 =	simm.s32 @!p1 $0x180  }
0xd2: {  	[tilespmem:s9], [sflag:$0x1] =	stream.linear.gather @!p1 [hbm4b:s8+s0], $0x50, $0x38;
	[tilespmem:$0x1E380] =	vst v63  }
0xd3: {  	s8 =	simm.s32 @!p1 $0x200  }
0xd4: {  	[tilespmem:s8], [sflag:$0x1] =	stream.linear.gather @!p1 [hbm4b:s31+s0], $0x50, $0x38;
	[tilespmem:$0x1E380] =	vst v63  }
0xd5: {  	s8 =	simm.s32 @!p1 $0x1  }
0xd6: {  	_ =	swait.ge @!p1 [sflag:s8], $0xA0  }
0xd7: {  	[sflag:s8] =	ssyncset.done @!p1 $0x0  }
0xd8: {  	[sflag:s8] =	ssyncadd.s32 @!p1 $0xFFFFFF60  }
0xd9: {  	_ =	swait.ge @!p1 [sflag:s8], $0x50  }
0xda: {  	[sflag:s8] =	ssyncset.done @!p1 $0x0  }
0xdb: {  	[sflag:s8] =	ssyncadd.s32 @!p1 $0xFFFFFFB0  }
0xdc: {  	_ =	swait.ge @!p1 [sflag:s8], $0x50  }
0xdd: {  	[sflag:s8] =	ssyncset.done @!p1 $0x0  }
0xde: {  	s9 =	simm.s32 @!p1 $0x50;
	[sflag:s8] =	ssyncadd.s32 @!p1 $0xFFFFFFB0;
	s8 =	simm.s32 @!p1 $0x380  }
0xdf: {  	[tilespmem:s8], [sflag:$0x3] =	stream.indirect.gather @!p1 [hbm4b:s5+s9], $0x80, s0, s9, $0xb8;
	[tilespmem:$0x1E380] =	vst v63  }
0xe0: {  	p2 =	sne.s32 s1, $0x0;
	s0 =	simm.s32 @!p1 $0x2B80  }
0xe1: {  	[tilespmem:s0], [sflag:$0x3] =	stream.indirect.gather @!p1 [hbm4b:s5+s9], $0x80, s9, s9, $0xb8;
	[tilespmem:$0x1E380] =	vst v63  }
0xe2: {  	s0 =	simm.s32 @!p2 $0x3  }
0xe3: {  	_ =	swait.ge @!p2 [sflag:s0], $0x2800  }
0xe4: {  	[sflag:s0] =	ssyncset.done @!p2 $0x0  }
0xe5: {  	[sflag:s0] =	ssyncadd.s32 @!p2 $0xFFFFD800  }
0xe6: {  	_ =	swait.ge @!p2 [sflag:s0], $0x2800  }
0xe7: {  	s1 =	simm.s32 @!p2 $0x380;
	[sflag:s0] =	ssyncset.done @!p2 $0x0  }
0xe8: {  	s8 =	simm.s32 @!p2 $0x50;
	[sflag:s0] =	ssyncadd.s32 @!p2 $0xFFFFD800;
	s0 =	simm.s32 @!p2 $0x180  }
0xe9: {  	[spmem:s3] =	stream.indirect.scatter.add.f32 @!p2 [tilespmem:s1], [sflag:$0x5], $0x80, s0, s8, $0xb8;
	[tilespmem:$0x1E380] =	vst v63  }
0xea: {  	s0 =	simm.s32 @!p2 $0x200;
	s1 =	simm.s32 @!p2 $0x2B80  }
0xeb: {  	[spmem:s3] =	stream.indirect.scatter.add.f32 @!p2 [tilespmem:s1], [sflag:$0x5], $0x80, s0, s8, $0xb8;
	[tilespmem:$0x1E380] =	vst v63  }
0xec: {  	s0 =	simm.s32 @p0 $0x4  }
0xed: {  	_ =	swait.ge @p0 [sflag:s0], $0x2800  }
0xee: {  	[sflag:s0] =	ssyncset.done @p0 $0x0  }
0xef: {  	[sflag:s0] =	ssyncadd.s32 @p0 $0xFFFFD800  }
0xf0: {  	_ =	swait.ge @p0 [sflag:s0], $0x2800  }
0xf1: {  	s1 =	simm.s32 @p0 $0x5380;
	[sflag:s0] =	ssyncset.done @p0 $0x0  }
0xf2: {  	s8 =	simm.s32 @p0 $0x50;
	[sflag:s0] =	ssyncadd.s32 @p0 $0xFFFFD800;
	s0 =	simm.s32 @p0 $0x280  }
0xf3: {  	[spmem:s3] =	stream.indirect.scatter.add.f32 @p0 [tilespmem:s1], [sflag:$0x6], $0x80, s0, s8, $0xb8;
	[tilespmem:$0x1E380] =	vst v63  }
0xf4: {  	s0 =	simm.s32 @p0 $0x300;
	s1 =	simm.s32 @p0 $0x7B80  }
0xf5: {  	[spmem:s3] =	stream.indirect.scatter.add.f32 @p0 [tilespmem:s1], [sflag:$0x6], $0x80, s0, s8, $0xb8;
	[tilespmem:$0x1E380] =	vst v63  }
0xf6: {  	_ =	swait.ge [sflag:s26], $0x2800  }
0xf7: {  	[sflag:s26] =	ssyncset.done $0x0  }
0xf8: {  	[sflag:s26] =	ssyncadd.s32 $0xFFFFD800  }
0xf9: {  	_ =	swait.ge [sflag:s26], $0x2800  }
0xfa: {  	[sflag:s26] =	ssyncset.done $0x0  }
0xfb: {  	[sflag:s26] =	ssyncadd.s32 $0xFFFFD800  }
0xfc: {  	_ =	swait.ge [sflag:s28], $0x2800  }
0xfd: {  	[sflag:s28] =	ssyncset.done $0x0  }
0xfe: {  	[sflag:s28] =	ssyncadd.s32 $0xFFFFD800  }
0xff: {  	_ =	swait.ge [sflag:s28], $0x2800  }
0x100: {  	[sflag:s28] =	ssyncset.done $0x0  }
0x101: {  	s13 =	rddreg [dreg:$0x6];
	[sflag:s28] =	ssyncadd.s32 $0xFFFFD800  }
0x102: {  	[tilespmem:s4], [sflag:$0x7] =	stream.linear.gather [hbm4b:s13+s4], $0x50, $0x38;
	[tilespmem:$0x1E380] =	vst v63  }
0x103: {  	_ =	swait.ge [sflag:s19], $0x50  }
0x104: {  	[sflag:s19] =	ssyncset.done $0x0  }
0x105: {  	s21 =	rddreg [dreg:$0x7];
	[sflag:s19] =	ssyncadd.s32 $0xFFFFFFB0  }
0x106: {  	[tilespmem:s20], [sflag:$0x7] =	stream.linear.gather [hbm4b:s21+s4], $0x50, $0x38;
	[tilespmem:$0x1E380] =	vst v63  }
0x107: {  	_ =	swait.ge [sflag:s19], $0x50  }
0x108: {  	[sflag:s19] =	ssyncset.done $0x0  }
0x109: {  	[sflag:s19] =	ssyncadd.s32 $0xFFFFFFB0  }
0x10a: {  	[tilespmem:s24], [sflag:$0x3] =	stream.indirect.gather [hbm4b:s5+s23], $0x80, s4, s23, $0xb8;
	[tilespmem:$0x1E380] =	vst v63  }
0x10b: {  	_ =	swait.ge [sflag:s29], $0x2800  }
0x10c: {  	[sflag:s29] =	ssyncset.done $0x0  }
0x10d: {  	[sflag:s29] =	ssyncadd.s32 $0xFFFFD800  }
0x10e: {  	[spmem:s3] =	stream.indirect.scatter.add.f32 [tilespmem:s24], [sflag:$0x7], $0x80, s20, s23, $0xb8;
	[tilespmem:$0x1E380] =	vst v63  }
0x10f: {  	_ =	swait.ge [sflag:s19], $0x2800  }
0x110: {  	[sflag:s19] =	ssyncset.done $0x0  }
0x111: {  	[sflag:s19] =	ssyncadd.s32 $0xFFFFD800  }
0x112: {  	[bflag:$0x0] =	sbarrier.arrive $0xFFFF  }
0x113: {  	s25 =	rddreg [dreg:$0x8]  }
0x114: {  	[hbm:s25], [sflag:s15] =	dma.local [spmem:s18], $0x2800  }
0x115: {  	_ =	swait.ge [sflag:s19], $0x2800  }
0x116: {  	s30 =	sadd.s32 $0x1, s30;
	s31 =	rddreg [dreg:$0x9]  }
0x117: {  	p0 =	sne.s32 s30, s31  }
.Ltmp1:
0x118: {  	_ = 	snop;
	(pc) =	sbr.rel @p0 .LBB2_1-.Ltmp1, $3  }
0x119: {  	_ =	sdelay $0x1  }
0x11a: {  	[sflag:s19] =	ssyncset.done $0x0  }
0x11b: {  	[sflag:s19] =	ssyncadd.s32 $0xFFFFD800  }
0x11c: {  	_ =	sfence.sel $0x180000  }
0x11d: {  	[bflag:$0x0] =	sbarrier.arrive $0xFFFF  }
0x11e: {  	_ =	strace $0x9000004A  }
0x11f: {  	s0 =	stileid.u32;
	[bflag:$0x2] =	sbarrier.arrive $0xFFFF  }
0x120: {  	p0 =	sne.s32 s0, $0x0;
	s0 =	rddreg [dreg:$0x3]  }
0x121: {  	s0 =	sadd.s32 @!p0 $0x100000, s0  }
0x122: {  	[sflag:s0] =	ssyncadd.tile.s32 @!p0 $0x1;
	_ =	shalt  }
.Lfunc_end2:
_tile_overlayer_lowered:
.L_overlay_start_2:
0x123: {  	(tag) =	ssettag $0x2  }
0x124: {  	s0 =	rddreg [dreg:$0x0];
	s2 =	stileid.u32  }
0x125: {  	s1 =	rddreg [dreg:$0x1];
	p0 =	sne.s32 s2, $0x0  }
0x126: {  	s3 =	rddreg [dreg:$0x2];
	[bflag:$0x3] =	sbarrier.arrive $0xFFFF;
	s2 =	simm.s32 @!p0 $0x1C07  }
0x127: {  	[timem:s3], [sflag:s2] =	dma.local @!p0 [hbm:s0], s1  }
0x128: {  	s0 =	simm.s32 @!p0 $0x7  }
0x129: {  	_ =	swait.ge @!p0 [sflag:s0], s1  }
0x12a: {  	s1 =	ssub.s32 @!p0 $0x0, s1;
	[sflag:s0] =	ssyncset.done @!p0 $0x0  }
0x12b: {  	[sflag:s0] =	ssyncadd.s32 @!p0 s1  }
0x12c: {  	[bflag:$0x3] =	sbarrier.arrive $0xFFFF  }
0x12d: {  	_ =	shalt  }

// kernel: kernel.14.cloned.1.call-start
scs
__scs_entry_jumppad:
0x0: {  	(pc) =	sbr.rel $0x88, $3  }
0x1: {  	(tag) =	ssettag $0x0;
	lr =	simm.s32 $0x1  }
0x2: {  	[smem:$0x3F95] =	sst lr;
	_ =	strace $0xD0000000  }
0x3: {  	_ = 	snop  }
0x4: {  	_ = 	snop  }
0x5: {  	_ = 	snop  }
0x6: {  	_ = 	snop  }
0x7: {  	_ = 	snop  }
__scs_overlays_trampoline_lowered:
0x8: {  	[smem:$0x3FA4] =	sst s0  }
0x9: {  	[smem:$0x3FA5] =	sst s1  }
0xa: {  	[smem:$0x3FA6] =	sst s2  }
0xb: {  	[smem:$0x3FA7] =	sst s3  }
0xc: {  	[smem:$0x3FA8] =	sst s4  }
0xd: {  	[smem:$0x3FA9] =	sst s5  }
0xe: {  	[smem:$0x3FAA] =	sst s6  }
0xf: {  	[smem:$0x3FAB] =	sst s7  }
0x10: {  	[smem:$0x3FAC] =	sst s8  }
0x11: {  	[smem:$0x3FAD] =	sst s9;
	s0 =	simm.s32 @!p0 $0x0  }
0x12: {  	s1 =	sld [smem:$0x3F93];
	s0 =	simm.s32 @p0 $0x1  }
0x13: {  	[smem:$0x3FAE] =	sst s0;
	s0 =	simm.s32 @!p1 $0x0  }
0x14: {  	s2 =	sld [smem:$0x3F92];
	s0 =	simm.s32 @p1 $0x1  }
0x15: {  	[smem:$0x3FAF] =	sst s0;
	s0 =	simm.s32 @!p2 $0x0  }
0x16: {  	s3 =	sld [smem:$0x3FDB];
	s0 =	simm.s32 @p2 $0x1  }
0x17: {  	s4 =	simm.s32 $0x1BF5;
	[smem:$0x3FB1] =	sst s0  }
0x18: {  	s0 =	sld [smem:$0x3F94];
	_ =	swait.ge [sflag:s4], $0x0  }
0x19: {  	s7 =	sld [smem:$0x3F95]  }
0x1a: {  	s8 =	sadd.s32 $0xFFFFE003, lr  }
0x1b: {  	s9 =	sadd.s32 $0xFFFFFEF7, lr;
	s5 =	simm.s32 $0xFFFFFFFF;
	p2 =	slt.u32 s8, $0xFFFFF086  }
0x1c: {  	p1 =	slt.u32 s9, $0xF7A;
	s5 =	simm.s32 @!p2 $0x0  }
0x1d: {  	s5 =	simm.s32 @p1 $0x1;
	p0 =	seq.s32 s7, s2  }
0x1e: {  	s7 =	smul.u32 @!p0 $0xF7A, s2;
	p2 =	seq.s32 @!p0 s5, $0x0  }
0x1f: {  	s9 =	smul.u32 $0xF7A, s1;
	s8 =	simm.s32 @!p0 $0x1BF5;
	p2 =	por !p2, p0  }
0x20: {  	[sflag:s8] =	ssyncset.s32 @!p0 $0xFFFFF086;
	s6 =	sadd.s32 @!p0 s3, s7;
	s7 =	simm.s32 @!p0 $0x108  }
0x21: {  	s3 =	sadd.s32 s3, s9;
	s6 =	sadd.s32 @!p0 $0x88, s6;
	s7 =	simm.s32 @p2 $0x1082  }
0x22: {  	[simem:s7], [sflag:s8] =	dma.local @!p0 [hbm:s6], $0xF7A  }
0x23: {  	s9 =	sor.u32 $0xD0000000, s2;
	s6 =	simm.s32 $0x108;
	_ =	swait.ge @!p0 [sflag:s8], $0x0  }
0x24: {  	s3 =	sadd.s32 $0x88, s3;
	s6 =	simm.s32 @!p1 $0x1082;
	[sflag:s4] =	ssyncset.s32 $0xFFFFF086  }
0x25: {  	[simem:s6], [sflag:s4] =	dma.local [hbm:s3], $0xF7A  }
0x26: {  	[smem:$0x3F95] =	sst s1;
	(tag) =	ssettag s2;
	_ =	strace s9  }
0x27: {  	s1 =	sld [smem:$0x3FA5]  }
0x28: {  	s2 =	sld [smem:$0x3FA6]  }
0x29: {  	s4 =	sld [smem:$0x3FA8]  }
0x2a: {  	p0 =	seq.s32 s5, $0x0;
	s5 =	sld [smem:$0x3FA9]  }
0x2b: {  	s6 =	sld [smem:$0x3FAA]  }
0x2c: {  	s7 =	sld [smem:$0x3FAB]  }
0x2d: {  	s3 =	simm.s32 $0x108;
	s8 =	sld [smem:$0x3FAC]  }
0x2e: {  	s3 =	simm.s32 @!p0 $0x1082;
	s9 =	sld [smem:$0x3FAD]  }
0x2f: {  	lr =	sadd.s32 s0, s3;
	s0 =	sld [smem:$0x3FA4]  }
0x30: {  	s3 =	sld [smem:$0x3FA7]  }
0x31: {  	[smem:$0x3FB0] =	sst s10  }
0x32: {  	s10 =	sld [smem:$0x3FAE];
	_ =	sdelay $0x3  }
0x33: {  	p0 =	seq.s32 s10, $0x1;
	s10 =	sld [smem:$0x3FB0];
	_ =	sdelay $0x3  }
0x34: {  	[smem:$0x3FB0] =	sst s10  }
0x35: {  	s10 =	sld [smem:$0x3FAF];
	_ =	sdelay $0x3  }
0x36: {  	p1 =	seq.s32 s10, $0x1;
	s10 =	sld [smem:$0x3FB0];
	_ =	sdelay $0x3  }
0x37: {  	[smem:$0x3FB0] =	sst s10  }
0x38: {  	s10 =	sld [smem:$0x3FB1]  }
0x39: {  	_ = 	snop;
	(pc) =	sbr.ind lr, $3  }
0x3a: {  	_ = 	snop  }
0x3b: {  	_ = 	snop  }
0x3c: {  	p2 =	seq.s32 s10, $0x1;
	s10 =	sld [smem:$0x3FB0]  }
0x3d: {  	_ =	shalt  }
0x3e: {  	_ =	shalt  }
0x3f: {  	_ =	shalt  }
0x40: {  	_ =	shalt  }
0x41: {  	_ =	shalt  }
0x42: {  	_ =	shalt  }
0x43: {  	_ =	shalt  }
0x44: {  	_ =	shalt  }
0x45: {  	_ =	shalt  }
0x46: {  	_ =	shalt  }
0x47: {  	_ =	shalt  }
0x48: {  	_ =	shalt  }
0x49: {  	_ =	shalt  }
0x4a: {  	_ =	shalt  }
0x4b: {  	_ =	shalt  }
0x4c: {  	_ =	shalt  }
0x4d: {  	_ =	shalt  }
0x4e: {  	_ =	shalt  }
0x4f: {  	_ =	shalt  }
0x50: {  	_ =	shalt  }
0x51: {  	_ =	shalt  }
0x52: {  	_ =	shalt  }
0x53: {  	_ =	shalt  }
0x54: {  	_ =	shalt  }
0x55: {  	_ =	shalt  }
0x56: {  	_ =	shalt  }
0x57: {  	_ =	shalt  }
0x58: {  	_ =	shalt  }
0x59: {  	_ =	shalt  }
0x5a: {  	_ =	shalt  }
0x5b: {  	_ =	shalt  }
0x5c: {  	_ =	shalt  }
0x5d: {  	_ =	shalt  }
0x5e: {  	_ =	shalt  }
0x5f: {  	_ =	shalt  }
0x60: {  	_ =	shalt  }
0x61: {  	_ =	shalt  }
0x62: {  	_ =	shalt  }
0x63: {  	_ =	shalt  }
0x64: {  	_ =	shalt  }
0x65: {  	_ =	shalt  }
0x66: {  	_ =	shalt  }
0x67: {  	_ =	shalt  }
0x68: {  	_ =	shalt  }
0x69: {  	_ =	shalt  }
0x6a: {  	_ =	shalt  }
0x6b: {  	_ =	shalt  }
0x6c: {  	_ =	shalt  }
0x6d: {  	_ =	shalt  }
0x6e: {  	_ =	shalt  }
0x6f: {  	_ =	shalt  }
0x70: {  	_ =	shalt  }
0x71: {  	_ =	shalt  }
0x72: {  	_ =	shalt  }
0x73: {  	_ =	shalt  }
0x74: {  	_ =	shalt  }
0x75: {  	_ =	shalt  }
0x76: {  	_ =	shalt  }
0x77: {  	_ =	shalt  }
0x78: {  	_ =	shalt  }
0x79: {  	_ =	shalt  }
0x7a: {  	_ =	shalt  }
0x7b: {  	_ =	shalt  }
0x7c: {  	_ =	shalt  }
0x7d: {  	_ =	shalt  }
0x7e: {  	_ =	shalt  }
0x7f: {  	_ =	shalt  }
0x80: {  	_ =	shalt  }
0x81: {  	_ =	shalt  }
0x82: {  	_ =	shalt  }
0x83: {  	_ =	shalt  }
0x84: {  	_ =	shalt  }
0x85: {  	_ =	shalt  }
0x86: {  	_ =	shalt  }
0x87: {  	_ =	shalt  }
.Lfunc_end0:
.L_simem_size_0:
called_computation.2_lowered:
.L_overlay_start_0:
0x88: {  	s2 =	sld [smem:$0x3FD9]  }
0x89: {  	s3 =	sld [smem:$0x3FFE];
	_ =	sdelay $0x1  }
0x8a: {  	s1 =	srdreg.scid  }
0x8b: {  	s0 =	sand.u32 $0x1, s1  }
0x8c: {  	s17 =	sshll.u32 s0, $0xA;
	s2 =	sadd.s32 s3, s2  }
0x8d: {  	s2 =	sadd.s32 s2, s17  }
0x8e: {  	[smem:$0x3FBC] =	sst s2  }
0x8f: {  	_ = 	snop  }
0x90: {  	s2 =	sld [smem:$0x3FD0];
	(tm) =	ssettm $0x1  }
0x91: {  	s18 =	sld [smem:$0x3FFB];
	_ =	sdelay $0x3  }
0x92: {  	_ =	strace s18  }
0x93: {  	s3 =	sld [smem:$0x3FFC];
	_ =	sdelay $0x3  }
0x94: {  	_ =	strace s3  }
0x95: {  	s3 =	sld [smem:$0x3FFD];
	_ =	sdelay $0x3  }
0x96: {  	_ =	strace s3  }
0x97: {  	_ =	strace $0x8FFFFFFF  }
0x98: {  	s19 =	sld [smem:$0x3FDB];
	_ =	sdelay $0x1  }
0x99: {  	s4 =	simm.s32 $_scs_section_size  }
0x9a: {  	s5 =	simm.s32 $_size__tile_overlayer_lowered;
	s6 =	simm.s32 $_tile_overlayer_lowered  }
0x9b: {  	s22 =	simm.s32 $0x1BFF;
	s21 =	sshll.u32 s6, $0x1;
	s3 =	sadd.s32 s4, s19  }
0x9c: {  	s7 =	simm.s32 $0x0;
	s20 =	sshll.u32 s5, $0x1;
	s5 =	sadd.s32 s21, s3  }
0x9d: {  	[timem:s7], [sflag:s22] =	dma.local [hbm:s5], s20  }
0x9e: {  	_ =	swait.ge [sflag:s22], s20  }
0x9f: {  	s4 =	ssub.s32 $0x0, s20;
	[sflag:s22] =	ssyncset.done $0x0  }
0xa0: {  	[sflag:s22] =	ssyncadd.s32 s4;
	_ =	sdelay $0x1  }
0xa1: {  	s23 =	simm.s32 $0x1B8B  }
0xa2: {  	_ =	swait.ge [sflag:s23], $0x1  }
0xa3: {  	[sflag:s23] =	ssyncset.done $0x0  }
0xa4: {  	s25 =	simm.s32 $0x1B8E;
	s24 =	sld [smem:$0x3FFE];
	[sflag:s23] =	ssyncadd.s32 $0xFFFFFFFF  }
0xa5: {  	s26 =	simm.s32 $execute0_lowered;
	[smem:$0x3FD2] =	sst s25  }
0xa6: {  	s5 =	sshll.u32 s26, $0x1;
	_ =	strace $0x8000004C;
	[dreg:$0x1] =	wrdreg $0xFFFFFFFF  }
0xa7: {  	s28 =	simm.s32 $_size_execute0_lowered;
	s3 =	sadd.s32 s3, s5;
	[dreg:$0x0] =	wrdreg $0x0  }
0xa8: {  	s5 =	sshll.u32 s28, $0x1;
	[dreg:$0x2] =	wrdreg s3  }
0xa9: {  	[dreg:$0x3] =	wrdreg s5  }
0xaa: {  	[dreg:$0x4] =	wrdreg $0xC0  }
0xab: {  	_ =	task [dreg:s7], $0x5FFFF  }
0xac: {  	[dreg:$0x1] =	wrdreg $0xFFFFFFFF  }
0xad: {  	[dreg:$0x0] =	wrdreg $0x60  }
0xae: {  	[dreg:$0x2] =	wrdreg s24  }
0xaf: {  	[dreg:$0x3] =	wrdreg s2  }
0xb0: {  	[dreg:$0x4] =	wrdreg $0xA3800  }
0xb1: {  	[dreg:$0x5] =	wrdreg $0x9  }
0xb2: {  	_ =	task.clear_ibuf [dreg:s7], $0x6FFFF;
	_ =	strace $0x9000004C  }
0xb3: {  	s29 =	simm.s32 $0x9;
	_ =	strace $0x8000004E  }
0xb4: {  	_ =	swait.ge [sflag:s29], $0x1  }
0xb5: {  	[sflag:s29] =	ssyncadd.s32 $0xFFFFFFFF  }
0xb6: {  	_ =	strace $0x9000004E  }
0xb7: {  	_ =	sfence  }
0xb8: {  	s30 =	sld [smem:$0x0];
	_ =	sdelay $0x2  }
0xb9: {  	s31 =	sshll.u32 s1, $0xD;
	s1 =	sshrl.u32 s1, $0x2  }
0xba: {  	s3 =	sand.u32 $0x4000, s31;
	s1 =	sadd.s32 s1, s30  }
0xbb: {  	s0 =	sor.u32 s3, s0;
	s1 =	sshll.u32 s1, $0x11  }
0xbc: {  	s0 =	sor.u32 s1, s0  }
0xbd: {  	s0 =	sadd.s32 $0x8F2B, s0  }
0xbe: {  	[sflag:s0] =	ssyncadd.remote.s32 $0x1  }
0xbf: {  	_ =	sfence.sel $0xFFFF  }
0xc0: {  	[dreg:$0x0] =	wrdreg $0xFFFFFFFF;
	(pc) =	sbr.abs _section_cstart, $3  }
0xc1: {  	[dreg:$0x1] =	wrdreg $0xFFFFFFFF  }
0xc2: {  	_ =	task.clear_ibuf [dreg:s7], $0x2FFFF;
	_ =	strace $0x9FFFFFFF  }
0xc3: {  	(tm) =	ssettm $0x7FFFFFFF  }
tec
execute0_lowered:
.L_overlay_start_1:
0x0: {  	(tag) =	ssettag $0x1  }
0x1: {  	s0 =	rddreg [dreg:$0x0]  }
0x2: {  	s2 =	rddreg [dreg:$0x1]  }
0x3: {  	s3 =	rddreg [dreg:$0x2]  }
0x4: {  	s1 =	srdreg.scid;
	s15 =	stileid.u32  }
0x5: {  	s4 =	simm.s32 $0x0;
	s28 =	simm.s32 $0x6;
	s29 =	simm.s32 $0x3  }
0x6: {  	s30 =	simm.s32 $0x0;
	s1 =	sand.u32 $0x1, s1;
	s8 =	smul.u32 $0x2800, s15  }
0x7: {  	[smem:$0x7FF] =	sst s4;
	s5 =	sadd.s32 $0x34400, s0;
	s12 =	smul.u32 $0x50000, s15  }
0x8: {  	s6 =	sadd.s32 $0x2600, s0;
	s9 =	sadd.s32 $0xC400, s0;
	s14 =	smul.u32 $0x4E20, s15  }
0x9: {  	s10 =	sshll.u32 s15, $0x1;
	s31 =	sshll.u32 s15, $0x6;
	s7 =	smul.u32 $0x28000, s1  }
0xa: {  	_ =	strace $0x8000004D;
	s11 =	ssub.s32 $0x2, s1;
	s10 =	sor.u32 s1, s10  }
0xb: {  	p0 =	seq.s32 s1, $0x0;
	s1 =	smul.u32 $0x2710, s1;
	s15 =	sor.u32 $0x1C07, s31  }
0xc: {  	s18 =	sshrl.u32 s11, $0x1;
	s10 =	smul.u32 $0x2710, s10;
	s19 =	sshrl.u32 s12, $0x2  }
0xd: {  	s9 =	smov.u32 @p0 s5;
	s7 =	sadd.s32 s8, s7;
	s13 =	ssub.s32 s11, s18  }
0xe: {  	s18 =	sadd.s32 s19, s3;
	s24 =	sadd.s32 s1, s14;
	s14 =	sadd.s32 s9, s8  }
0xf: {  	s19 =	simm.s32 $0x7;
	s0 =	sadd.s32 s7, s0;
	s10 =	sshrl.u32 s10, $0x3  }
0x10: {  	s25 =	smax.u32 s13, $0x1;
	s26 =	sadd.s32 $0xF0, s24;
	s16 =	sadd.s32 $0xA0, s24  }
0x11: {  	s18 =	sshrl.u32 s18, $0x3;
	s24 =	simm.s32 $0x380;
	s7 =	sadd.s32 s6, s10  }
0x12: {  	s20 =	sadd.s32 $0x4D8, s10;
	s10 =	sadd.s32 s2, s10;
	[dreg:$0x9] =	wrdreg s25  }
0x13: {  	s0 =	sadd.s32 $0x5C400, s0;
	s1 =	sshrl.u32 s26, $0x3;
	[dreg:$0x4] =	wrdreg s10  }
0x14: {  	s26 =	simm.s32 $0x5;
	s21 =	sadd.s32 $0xA, s7;
	[dreg:$0x8] =	wrdreg s0  }
0x15: {  	s22 =	sadd.s32 s2, s20;
	s23 =	sadd.s32 s6, s20;
	[dreg:$0x5] =	wrdreg s21  }
0x16: {  	s17 =	sadd.s32 s1, s6;
	s20 =	simm.s32 $0x180;
	[dreg:$0x6] =	wrdreg s22  }
0x17: {  	[dreg:$0x7] =	wrdreg s23;
	s22 =	simm.s32 $0x1;
	s23 =	simm.s32 $0x50  }
.LBB2_1:
0x18: {  	[spmem:s18], [sflag:s15] =	dma.local [hbm:s14], $0x2800  }
0x19: {  	_ =	swait.ge [sflag:s19], $0x2800  }
0x1a: {  	[sflag:s19] =	ssyncset.done $0x0  }
0x1b: {  	[sflag:s19] =	ssyncadd.s32 $0xFFFFD800  }
0x1c: {  	[bflag:$0x0] =	sbarrier.arrive $0xFFFF  }
0x1d: {  	s0 =	rddreg [dreg:$0x4]  }
0x1e: {  	[tilespmem:s4], [sflag:$0x1] =	stream.linear.gather [hbm4b:s0+s4], $0xA0, $0x38;
	[tilespmem:$0x1E380] =	vst v63  }
0x1f: {  	_ = 	snop  }
0x20: {  	[tilespmem:s20], [sflag:$0x1] =	stream.linear.gather [hbm4b:s7+s4], $0x50, $0x38;
	[tilespmem:$0x1E380] =	vst v63  }
0x21: {  	s1 =	simm.s32 $0x200;
	s11 =	rddreg [dreg:$0x5]  }
0x22: {  	[tilespmem:s1], [sflag:$0x1] =	stream.linear.gather [hbm4b:s11+s4], $0x50, $0x38;
	[tilespmem:$0x1E380] =	vst v63  }
0x23: {  	_ =	swait.ge [sflag:s22], $0xA0  }
0x24: {  	[sflag:s22] =	ssyncset.done $0x0  }
0x25: {  	[sflag:s22] =	ssyncadd.s32 $0xFFFFFF60  }
0x26: {  	_ =	swait.ge [sflag:s22], $0x50  }
0x27: {  	[sflag:s22] =	ssyncset.done $0x0  }
0x28: {  	s13 =	sand.u32 $0x1, s4;
	[sflag:s22] =	ssyncadd.s32 $0xFFFFFFB0  }
0x29: {  	p1 =	seq.s32 s13, $0x1;
	_ =	swait.ge [sflag:s22], $0x50  }
0x2a: {  	p0 =	por @!p1 $0x1, $0x1;
	[sflag:s22] =	ssyncset.done $0x0  }
0x2b: {  	p2 =	por p0, p1;
	[sflag:s22] =	ssyncadd.s32 $0xFFFFFFB0  }
0x2c: {  	[tilespmem:s24], [sflag:$0x3] =	stream.indirect.gather [hbm4b:s5+s23], $0x80, s4, s23, $0xb8;
	[tilespmem:$0x1E380] =	vst v63  }
0x2d: {  	s12 =	simm.s32 $0x2B80;
	s1 =	simm.s32 @!p2 $0x6  }
0x2e: {  	[tilespmem:s12], [sflag:$0x3] =	stream.indirect.gather [hbm4b:s5+s23], $0x80, s23, s23, $0xb8;
	[tilespmem:$0x1E380] =	vst v63  }
0x2f: {  	_ =	swait.ge @!p2 [sflag:s1], $0x2800  }
0x30: {  	[sflag:s1] =	ssyncset.done @!p2 $0x0  }
0x31: {  	[sflag:s1] =	ssyncadd.s32 @!p2 $0xFFFFD800  }
0x32: {  	p0 =	por p1, p1;
	_ =	swait.ge @!p2 [sflag:s1], $0x2800  }
0x33: {  	s8 =	sshrl.u32 @!p1 s16, $0x3;
	s9 =	simm.s32 @!p0 $0xA0;
	[sflag:s1] =	ssyncset.done @!p2 $0x0  }
0x34: {  	s21 =	sadd.s32 @!p0 s2, s8;
	s25 =	simm.s32 @!p0 $0x0;
	[sflag:s1] =	ssyncadd.s32 @!p2 $0xFFFFD800  }
0x35: {  	[tilespmem:s9], [sflag:$0x2] =	stream.linear.gather @!p0 [hbm4b:s21+s25], $0xA0, $0x38;
	[tilespmem:$0x1E380] =	vst v63  }
0x36: {  	s1 =	sadd.s32 @!p0 s6, s8;
	s8 =	simm.s32 @!p0 $0x280  }
0x37: {  	[tilespmem:s8], [sflag:$0x2] =	stream.linear.gather @!p0 [hbm4b:s1+s25], $0x50, $0x38;
	[tilespmem:$0x1E380] =	vst v63  }
0x38: {  	s1 =	simm.s32 @!p0 $0x300;
	s8 =	simm.s32 @!p0 $0x2  }
0x39: {  	[tilespmem:s1], [sflag:$0x2] =	stream.linear.gather @!p0 [hbm4b:s17+s25], $0x50, $0x38;
	[tilespmem:$0x1E380] =	vst v63  }
0x3a: {  	_ =	swait.ge @!p0 [sflag:s8], $0xA0  }
0x3b: {  	[sflag:s8] =	ssyncset.done @!p0 $0x0  }
0x3c: {  	[sflag:s8] =	ssyncadd.s32 @!p0 $0xFFFFFF60  }
0x3d: {  	_ =	swait.ge @!p0 [sflag:s8], $0x50  }
0x3e: {  	[sflag:s8] =	ssyncset.done @!p0 $0x0  }
0x3f: {  	[sflag:s8] =	ssyncadd.s32 @!p0 $0xFFFFFFB0  }
0x40: {  	p6 =	por $0x0, $0x0;
	_ =	swait.ge @!p0 [sflag:s8], $0x50  }
0x41: {  	p1 =	por !p0, p6;
	[sflag:s8] =	ssyncset.done @!p0 $0x0  }
0x42: {  	s21 =	simm.s32 @!p0 $0x5380;
	s1 =	simm.s32 @!p0 $0x50;
	[sflag:s8] =	ssyncadd.s32 @!p0 $0xFFFFFFB0  }
0x43: {  	[tilespmem:s21], [sflag:$0x4] =	stream.indirect.gather @!p0 [hbm4b:s5+s1], $0x80, s9, s1, $0xb8;
	[tilespmem:$0x1E380] =	vst v63  }
0x44: {  	s8 =	simm.s32 @!p0 $0x7B80;
	s9 =	simm.s32 @!p0 $0xF0;
	s21 =	simm.s32 @!p1 $0x5  }
0x45: {  	[tilespmem:s8], [sflag:$0x4] =	stream.indirect.gather @!p0 [hbm4b:s5+s1], $0x80, s9, s1, $0xb8;
	[tilespmem:$0x1E380] =	vst v63  }
0x46: {  	_ =	swait.ge @!p1 [sflag:s21], $0x2800  }
0x47: {  	[sflag:s21] =	ssyncset.done @!p1 $0x0  }
0x48: {  	[sflag:s21] =	ssyncadd.s32 @!p1 $0xFFFFD800  }
0x49: {  	_ =	swait.ge @!p1 [sflag:s21], $0x2800  }
0x4a: {  	s1 =	sshrl.u32 @!p1 s16, $0x3;
	[sflag:s21] =	ssyncset.done @!p1 $0x0  }
0x4b: {  	s9 =	simm.s32 @!p1 $0x0;
	s8 =	sadd.s32 @!p1 s2, s1;
	[sflag:s21] =	ssyncadd.s32 @!p1 $0xFFFFD800  }
0x4c: {  	[tilespmem:s9], [sflag:$0x1] =	stream.linear.gather @!p1 [hbm4b:s8+s9], $0xA0, $0x38;
	[tilespmem:$0x1E380] =	vst v63  }
0x4d: {  	s1 =	sadd.s32 @!p1 s6, s1;
	s8 =	simm.s32 @!p1 $0x180  }
0x4e: {  	[tilespmem:s8], [sflag:$0x1] =	stream.linear.gather @!p1 [hbm4b:s1+s9], $0x50, $0x38;
	[tilespmem:$0x1E380] =	vst v63  }
0x4f: {  	s1 =	simm.s32 @!p1 $0x200;
	s8 =	simm.s32 @!p1 $0x1  }
0x50: {  	[tilespmem:s1], [sflag:$0x1] =	stream.linear.gather @!p1 [hbm4b:s17+s9], $0x50, $0x38;
	[tilespmem:$0x1E380] =	vst v63  }
0x51: {  	_ =	swait.ge @!p1 [sflag:s8], $0xA0  }
0x52: {  	[sflag:s8] =	ssyncset.done @!p1 $0x0  }
0x53: {  	[sflag:s8] =	ssyncadd.s32 @!p1 $0xFFFFFF60  }
0x54: {  	_ =	swait.ge @!p1 [sflag:s8], $0x50  }
0x55: {  	[sflag:s8] =	ssyncset.done @!p1 $0x0  }
0x56: {  	[sflag:s8] =	ssyncadd.s32 @!p1 $0xFFFFFFB0  }
0x57: {  	_ =	swait.ge @!p1 [sflag:s8], $0x50  }
0x58: {  	[sflag:s8] =	ssyncset.done @!p1 $0x0  }
0x59: {  	s21 =	simm.s32 @!p1 $0x380;
	s1 =	simm.s32 @!p1 $0x50;
	[sflag:s8] =	ssyncadd.s32 @!p1 $0xFFFFFFB0  }
0x5a: {  	[tilespmem:s21], [sflag:$0x3] =	stream.indirect.gather @!p1 [hbm4b:s5+s1], $0x80, s9, s1, $0xb8;
	[tilespmem:$0x1E380] =	vst v63  }
0x5b: {  	p2 =	sne.s32 s13, $0x0;
	s8 =	simm.s32 @!p1 $0x2B80  }
0x5c: {  	[tilespmem:s8], [sflag:$0x3] =	stream.indirect.gather @!p1 [hbm4b:s5+s1], $0x80, s1, s1, $0xb8;
	[tilespmem:$0x1E380] =	vst v63  }
0x5d: {  	s1 =	simm.s32 @!p2 $0x3  }
0x5e: {  	_ =	swait.ge @!p2 [sflag:s1], $0x2800  }
0x5f: {  	[sflag:s1] =	ssyncset.done @!p2 $0x0  }
0x60: {  	[sflag:s1] =	ssyncadd.s32 @!p2 $0xFFFFD800  }
0x61: {  	s31 =	sadd.s32 $0x14, s17;
	_ =	swait.ge @!p2 [sflag:s1], $0x2800  }
0x62: {  	s0 =	simm.s32 $0x1;
	s21 =	simm.s32 @!p2 $0x50;
	[sflag:s1] =	ssyncset.done @!p2 $0x0  }
0x63: {  	s9 =	simm.s32 @!p2 $0x180;
	s8 =	simm.s32 @!p2 $0x380;
	[sflag:s1] =	ssyncadd.s32 @!p2 $0xFFFFD800  }
0x64: {  	[spmem:s3] =	stream.indirect.scatter.add.f32 @!p2 [tilespmem:s8], [sflag:$0x5], $0x80, s9, s21, $0xb8;
	[tilespmem:$0x1E380] =	vst v63  }
0x65: {  	s1 =	simm.s32 @!p2 $0x200;
	s8 =	simm.s32 @!p2 $0x2B80;
	s9 =	simm.s32 @p0 $0x4  }
0x66: {  	[spmem:s3] =	stream.indirect.scatter.add.f32 @!p2 [tilespmem:s8], [sflag:$0x5], $0x80, s1, s21, $0xb8;
	[tilespmem:$0x1E380] =	vst v63  }
0x67: {  	s25 =	simm.s32 $0x2;
	s1 =	sand.u32 $0x1, s0;
	_ =	swait.ge @p0 [sflag:s9], $0x2800  }
0x68: {  	s21 =	sadd.s32 $0xA0, s16;
	p2 =	seq.s32 s1, $0x1;
	[sflag:s9] =	ssyncset.done @p0 $0x0  }
0x69: {  	p3 =	por @!p2 $0x0, $0x0;
	s8 =	sshrl.u32 @!p2 s21, $0x3;
	[sflag:s9] =	ssyncadd.s32 @p0 $0xFFFFD800  }
.LBB2_2:
0x6a: {  	p3 =	por p3, p2;
	_ =	swait.ge @p0 [sflag:s9], $0x2800;
	s10 =	simm.s32 @p0 $0x5380  }
0x6b: {  	s11 =	simm.s32 @p0 $0x50;
	s12 =	simm.s32 @p0 $0x280;
	[sflag:s9] =	ssyncset.done @p0 $0x0  }
0x6c: {  	s13 =	simm.s32 @p0 $0x7B80;
	[sflag:s9] =	ssyncadd.s32 @p0 $0xFFFFD800;
	s9 =	simm.s32 @p0 $0x300  }
0x6d: {  	[spmem:s3] =	stream.indirect.scatter.add.f32 @p0 [tilespmem:s10], [sflag:$0x6], $0x80, s12, s11, $0xb8;
	[tilespmem:$0x1E380] =	vst v63  }
0x6e: {  	s10 =	simm.s32 @!p3 $0x6;
	s12 =	smov.u32 s25;
	s25 =	sadd.s32 $0x1, s25  }
0x6f: {  	[spmem:s3] =	stream.indirect.scatter.add.f32 @p0 [tilespmem:s13], [sflag:$0x6], $0x80, s9, s11, $0xb8;
	[tilespmem:$0x1E380] =	vst v63  }
0x70: {  	p1 =	sne.s32 s25, $0x3E;
	p0 =	por p2, p2;
	_ =	swait.ge @!p3 [sflag:s10], $0x2800  }
0x71: {  	[sflag:s10] =	ssyncset.done @!p3 $0x0  }
0x72: {  	s9 =	simm.s32 @!p0 $0xA0;
	[sflag:s10] =	ssyncadd.s32 @!p3 $0xFFFFD800  }
0x73: {  	s11 =	sadd.s32 @!p0 s2, s8;
	s13 =	simm.s32 @!p0 $0x0;
	_ =	swait.ge @!p3 [sflag:s10], $0x2800  }
0x74: {  	[sflag:s10] =	ssyncset.done @!p3 $0x0  }
0x75: {  	[sflag:s10] =	ssyncadd.s32 @!p3 $0xFFFFD800  }
0x76: {  	[tilespmem:s9], [sflag:$0x2] =	stream.linear.gather @!p0 [hbm4b:s11+s13], $0xA0, $0x38;
	[tilespmem:$0x1E380] =	vst v63  }
0x77: {  	s8 =	sadd.s32 @!p0 s6, s8;
	s10 =	simm.s32 @!p0 $0x280  }
0x78: {  	[tilespmem:s10], [sflag:$0x2] =	stream.linear.gather @!p0 [hbm4b:s8+s13], $0x50, $0x38;
	[tilespmem:$0x1E380] =	vst v63  }
0x79: {  	s8 =	simm.s32 @!p0 $0x300;
	s10 =	simm.s32 @!p0 $0x2  }
0x7a: {  	[tilespmem:s8], [sflag:$0x2] =	stream.linear.gather @!p0 [hbm4b:s31+s13], $0x50, $0x38;
	[tilespmem:$0x1E380] =	vst v63  }
0x7b: {  	_ =	swait.ge @!p0 [sflag:s10], $0xA0  }
0x7c: {  	[sflag:s10] =	ssyncset.done @!p0 $0x0  }
0x7d: {  	[sflag:s10] =	ssyncadd.s32 @!p0 $0xFFFFFF60  }
0x7e: {  	_ =	swait.ge @!p0 [sflag:s10], $0x50  }
0x7f: {  	[sflag:s10] =	ssyncset.done @!p0 $0x0  }
0x80: {  	[sflag:s10] =	ssyncadd.s32 @!p0 $0xFFFFFFB0  }
0x81: {  	s11 =	simm.s32 @!p0 $0x5380;
	s8 =	simm.s32 @!p0 $0x50;
	_ =	swait.ge @!p0 [sflag:s10], $0x50  }
0x82: {  	p2 =	seq.s32 s0, $0x3D;
	s0 =	smov.u32 s12;
	[sflag:s10] =	ssyncset.done @!p0 $0x0  }
0x83: {  	p2 =	por !p0, p2;
	[sflag:s10] =	ssyncadd.s32 @!p0 $0xFFFFFFB0;
	s10 =	simm.s32 @!p0 $0x7B80  }
0x84: {  	[tilespmem:s11], [sflag:$0x4] =	stream.indirect.gather @!p0 [hbm4b:s5+s8], $0x80, s9, s8, $0xb8;
	[tilespmem:$0x1E380] =	vst v63  }
0x85: {  	s12 =	sshrl.u32 @!p2 s21, $0x3;
	s9 =	simm.s32 @!p0 $0xF0;
	s11 =	simm.s32 @!p2 $0x5  }
0x86: {  	[tilespmem:s10], [sflag:$0x4] =	stream.indirect.gather @!p0 [hbm4b:s5+s8], $0x80, s9, s8, $0xb8;
	[tilespmem:$0x1E380] =	vst v63  }
0x87: {  	s8 =	sadd.s32 @!p2 s2, s12;
	s9 =	sadd.s32 @!p2 s6, s12;
	_ =	swait.ge @!p2 [sflag:s11], $0x2800  }
0x88: {  	[sflag:s11] =	ssyncset.done @!p2 $0x0  }
0x89: {  	[sflag:s11] =	ssyncadd.s32 @!p2 $0xFFFFD800  }
0x8a: {  	_ =	swait.ge @!p2 [sflag:s11], $0x2800  }
0x8b: {  	s10 =	simm.s32 @!p2 $0x0;
	[sflag:s11] =	ssyncset.done @!p2 $0x0  }
0x8c: {  	[sflag:s11] =	ssyncadd.s32 @!p2 $0xFFFFD800  }
0x8d: {  	[tilespmem:s10], [sflag:$0x1] =	stream.linear.gather @!p2 [hbm4b:s8+s10], $0xA0, $0x38;
	[tilespmem:$0x1E380] =	vst v63  }
0x8e: {  	s8 =	simm.s32 @!p2 $0x180  }
0x8f: {  	[tilespmem:s8], [sflag:$0x1] =	stream.linear.gather @!p2 [hbm4b:s9+s10], $0x50, $0x38;
	[tilespmem:$0x1E380] =	vst v63  }
0x90: {  	s8 =	simm.s32 @!p2 $0x200;
	s9 =	simm.s32 @!p2 $0x1  }
0x91: {  	[tilespmem:s8], [sflag:$0x1] =	stream.linear.gather @!p2 [hbm4b:s31+s10], $0x50, $0x38;
	[tilespmem:$0x1E380] =	vst v63  }
0x92: {  	_ =	swait.ge @!p2 [sflag:s9], $0xA0  }
0x93: {  	[sflag:s9] =	ssyncset.done @!p2 $0x0  }
0x94: {  	[sflag:s9] =	ssyncadd.s32 @!p2 $0xFFFFFF60  }
0x95: {  	_ =	swait.ge @!p2 [sflag:s9], $0x50  }
0x96: {  	[sflag:s9] =	ssyncset.done @!p2 $0x0  }
0x97: {  	[sflag:s9] =	ssyncadd.s32 @!p2 $0xFFFFFFB0  }
0x98: {  	_ =	swait.ge @!p2 [sflag:s9], $0x50  }
0x99: {  	s11 =	simm.s32 @!p2 $0x380;
	s8 =	simm.s32 @!p2 $0x50;
	[sflag:s9] =	ssyncset.done @!p2 $0x0  }
0x9a: {  	[sflag:s9] =	ssyncadd.s32 @!p2 $0xFFFFFFB0  }
0x9b: {  	[tilespmem:s11], [sflag:$0x3] =	stream.indirect.gather @!p2 [hbm4b:s5+s8], $0x80, s10, s8, $0xb8;
	[tilespmem:$0x1E380] =	vst v63  }
0x9c: {  	p3 =	sne.s32 s1, $0x0;
	s9 =	simm.s32 @!p2 $0x2B80  }
0x9d: {  	[tilespmem:s9], [sflag:$0x3] =	stream.indirect.gather @!p2 [hbm4b:s5+s8], $0x80, s8, s8, $0xb8;
	[tilespmem:$0x1E380] =	vst v63  }
0x9e: {  	s1 =	simm.s32 @!p3 $0x3  }
0x9f: {  	_ =	swait.ge @!p3 [sflag:s1], $0x2800  }
0xa0: {  	[sflag:s1] =	ssyncset.done @!p3 $0x0  }
0xa1: {  	s8 =	simm.s32 @!p3 $0x380;
	[sflag:s1] =	ssyncadd.s32 @!p3 $0xFFFFD800  }
0xa2: {  	s10 =	simm.s32 @!p3 $0x50;
	s9 =	simm.s32 @!p3 $0x180;
	_ =	swait.ge @!p3 [sflag:s1], $0x2800  }
0xa3: {  	s12 =	simm.s32 @!p3 $0x2B80;
	s11 =	simm.s32 @!p3 $0x200;
	[sflag:s1] =	ssyncset.done @!p3 $0x0  }
0xa4: {  	[sflag:s1] =	ssyncadd.s32 @!p3 $0xFFFFD800  }
0xa5: {  	[spmem:s3] =	stream.indirect.scatter.add.f32 @!p3 [tilespmem:s8], [sflag:$0x5], $0x80, s9, s10, $0xb8;
	[tilespmem:$0x1E380] =	vst v63  }
.Ltmp0:
0xa6: {  	s9 =	simm.s32 @p0 $0x4;
	(pc) =	sbr.rel @p1 .LBB2_2-.Ltmp0, $4  }
0xa7: {  	[spmem:s3] =	stream.indirect.scatter.add.f32 @!p3 [tilespmem:s12], [sflag:$0x5], $0x80, s11, s10, $0xb8;
	[tilespmem:$0x1E380] =	vst v63  }
0xa8: {  	s31 =	sadd.s32 $0x14, s31;
	s1 =	sand.u32 $0x1, s0;
	_ =	swait.ge @p0 [sflag:s9], $0x2800  }
0xa9: {  	s21 =	sadd.s32 $0xA0, s21;
	p2 =	seq.s32 s1, $0x1;
	[sflag:s9] =	ssyncset.done @p0 $0x0  }
0xaa: {  	s8 =	sshrl.u32 @!p2 s21, $0x3;
	p3 =	seq.s32 @!p2 s0, $0x0;
	[sflag:s9] =	ssyncadd.s32 @p0 $0xFFFFD800  }
0xab: {  	_ =	swait.ge @p0 [sflag:s9], $0x2800  }
0xac: {  	s10 =	simm.s32 @p0 $0x5380;
	[sflag:s9] =	ssyncset.done @p0 $0x0  }
0xad: {  	s11 =	simm.s32 @p0 $0x50;
	[sflag:s9] =	ssyncadd.s32 @p0 $0xFFFFD800;
	s9 =	simm.s32 @p0 $0x280  }
0xae: {  	[spmem:s3] =	stream.indirect.scatter.add.f32 @p0 [tilespmem:s10], [sflag:$0x6], $0x80, s9, s11, $0xb8;
	[tilespmem:$0x1E380] =	vst v63  }
0xaf: {  	p1 =	por p3, p2;
	s9 =	simm.s32 @p0 $0x300;
	s10 =	simm.s32 @p0 $0x7B80  }
0xb0: {  	[spmem:s3] =	stream.indirect.scatter.add.f32 @p0 [tilespmem:s10], [sflag:$0x6], $0x80, s9, s11, $0xb8;
	[tilespmem:$0x1E380] =	vst v63  }
0xb1: {  	s9 =	simm.s32 @!p1 $0x6  }
0xb2: {  	_ =	swait.ge @!p1 [sflag:s9], $0x2800  }
0xb3: {  	[sflag:s9] =	ssyncset.done @!p1 $0x0  }
0xb4: {  	[sflag:s9] =	ssyncadd.s32 @!p1 $0xFFFFD800  }
0xb5: {  	p0 =	por p2, p2;
	_ =	swait.ge @!p1 [sflag:s9], $0x2800  }
0xb6: {  	s10 =	simm.s32 @!p0 $0xA0;
	[sflag:s9] =	ssyncset.done @!p1 $0x0  }
0xb7: {  	s11 =	sadd.s32 @!p0 s2, s8;
	[sflag:s9] =	ssyncadd.s32 @!p1 $0xFFFFD800;
	s9 =	simm.s32 @!p0 $0x0  }
0xb8: {  	[tilespmem:s10], [sflag:$0x2] =	stream.linear.gather @!p0 [hbm4b:s11+s9], $0xA0, $0x38;
	[tilespmem:$0x1E380] =	vst v63  }
0xb9: {  	s8 =	sadd.s32 @!p0 s6, s8;
	s11 =	simm.s32 @!p0 $0x280  }
0xba: {  	[tilespmem:s11], [sflag:$0x2] =	stream.linear.gather @!p0 [hbm4b:s8+s9], $0x50, $0x38;
	[tilespmem:$0x1E380] =	vst v63  }
0xbb: {  	s8 =	simm.s32 @!p0 $0x300  }
0xbc: {  	[tilespmem:s8], [sflag:$0x2] =	stream.linear.gather @!p0 [hbm4b:s31+s9], $0x50, $0x38;
	[tilespmem:$0x1E380] =	vst v63  }
0xbd: {  	s8 =	simm.s32 @!p0 $0x2  }
0xbe: {  	_ =	swait.ge @!p0 [sflag:s8], $0xA0  }
0xbf: {  	[sflag:s8] =	ssyncset.done @!p0 $0x0  }
0xc0: {  	[sflag:s8] =	ssyncadd.s32 @!p0 $0xFFFFFF60  }
0xc1: {  	_ =	swait.ge @!p0 [sflag:s8], $0x50  }
0xc2: {  	[sflag:s8] =	ssyncset.done @!p0 $0x0  }
0xc3: {  	[sflag:s8] =	ssyncadd.s32 @!p0 $0xFFFFFFB0  }
0xc4: {  	p6 =	seq.s32 s0, $0x3D;
	_ =	swait.ge @!p0 [sflag:s8], $0x50  }
0xc5: {  	p1 =	por !p0, p6;
	[sflag:s8] =	ssyncset.done @!p0 $0x0  }
0xc6: {  	s9 =	simm.s32 @!p0 $0x50;
	[sflag:s8] =	ssyncadd.s32 @!p0 $0xFFFFFFB0;
	s8 =	simm.s32 @!p0 $0x5380  }
0xc7: {  	[tilespmem:s8], [sflag:$0x4] =	stream.indirect.gather @!p0 [hbm4b:s5+s9], $0x80, s10, s9, $0xb8;
	[tilespmem:$0x1E380] =	vst v63  }
0xc8: {  	s0 =	simm.s32 @!p1 $0x5;
	s8 =	simm.s32 @!p0 $0x7B80;
	s10 =	simm.s32 @!p0 $0xF0  }
0xc9: {  	[tilespmem:s8], [sflag:$0x4] =	stream.indirect.gather @!p0 [hbm4b:s5+s9], $0x80, s10, s9, $0xb8;
	[tilespmem:$0x1E380] =	vst v63  }
0xca: {  	_ =	swait.ge @!p1 [sflag:s0], $0x2800  }
0xcb: {  	[sflag:s0] =	ssyncset.done @!p1 $0x0  }
0xcc: {  	[sflag:s0] =	ssyncadd.s32 @!p1 $0xFFFFD800  }
0xcd: {  	_ =	swait.ge @!p1 [sflag:s0], $0x2800  }
0xce: {  	s8 =	sshrl.u32 @!p1 s21, $0x3;
	[sflag:s0] =	ssyncset.done @!p1 $0x0  }
0xcf: {  	s9 =	sadd.s32 @!p1 s2, s8;
	[sflag:s0] =	ssyncadd.s32 @!p1 $0xFFFFD800;
	s0 =	simm.s32 @!p1 $0x0  }
0xd0: {  	[tilespmem:s0], [sflag:$0x1] =	stream.linear.gather @!p1 [hbm4b:s9+s0], $0xA0, $0x38;
	[tilespmem:$0x1E380] =	vst v63  }
0xd1: {  	s8 =	sadd.s32 @!p1 s6, s8;
	s9 =	simm.s32 @!p1 $0x180  }
0xd2: {  	[tilespmem:s9], [sflag:$0x1] =	stream.linear.gather @!p1 [hbm4b:s8+s0], $0x50, $0x38;
	[tilespmem:$0x1E380] =	vst v63  }
0xd3: {  	s8 =	simm.s32 @!p1 $0x200  }
0xd4: {  	[tilespmem:s8], [sflag:$0x1] =	stream.linear.gather @!p1 [hbm4b:s31+s0], $0x50, $0x38;
	[tilespmem:$0x1E380] =	vst v63  }
0xd5: {  	s8 =	simm.s32 @!p1 $0x1  }
0xd6: {  	_ =	swait.ge @!p1 [sflag:s8], $0xA0  }
0xd7: {  	[sflag:s8] =	ssyncset.done @!p1 $0x0  }
0xd8: {  	[sflag:s8] =	ssyncadd.s32 @!p1 $0xFFFFFF60  }
0xd9: {  	_ =	swait.ge @!p1 [sflag:s8], $0x50  }
0xda: {  	[sflag:s8] =	ssyncset.done @!p1 $0x0  }
0xdb: {  	[sflag:s8] =	ssyncadd.s32 @!p1 $0xFFFFFFB0  }
0xdc: {  	_ =	swait.ge @!p1 [sflag:s8], $0x50  }
0xdd: {  	[sflag:s8] =	ssyncset.done @!p1 $0x0  }
0xde: {  	s9 =	simm.s32 @!p1 $0x50;
	[sflag:s8] =	ssyncadd.s32 @!p1 $0xFFFFFFB0;
	s8 =	simm.s32 @!p1 $0x380  }
0xdf: {  	[tilespmem:s8], [sflag:$0x3] =	stream.indirect.gather @!p1 [hbm4b:s5+s9], $0x80, s0, s9, $0xb8;
	[tilespmem:$0x1E380] =	vst v63  }
0xe0: {  	p2 =	sne.s32 s1, $0x0;
	s0 =	simm.s32 @!p1 $0x2B80  }
0xe1: {  	[tilespmem:s0], [sflag:$0x3] =	stream.indirect.gather @!p1 [hbm4b:s5+s9], $0x80, s9, s9, $0xb8;
	[tilespmem:$0x1E380] =	vst v63  }
0xe2: {  	s0 =	simm.s32 @!p2 $0x3  }
0xe3: {  	_ =	swait.ge @!p2 [sflag:s0], $0x2800  }
0xe4: {  	[sflag:s0] =	ssyncset.done @!p2 $0x0  }
0xe5: {  	[sflag:s0] =	ssyncadd.s32 @!p2 $0xFFFFD800  }
0xe6: {  	_ =	swait.ge @!p2 [sflag:s0], $0x2800  }
0xe7: {  	s1 =	simm.s32 @!p2 $0x380;
	[sflag:s0] =	ssyncset.done @!p2 $0x0  }
0xe8: {  	s8 =	simm.s32 @!p2 $0x50;
	[sflag:s0] =	ssyncadd.s32 @!p2 $0xFFFFD800;
	s0 =	simm.s32 @!p2 $0x180  }
0xe9: {  	[spmem:s3] =	stream.indirect.scatter.add.f32 @!p2 [tilespmem:s1], [sflag:$0x5], $0x80, s0, s8, $0xb8;
	[tilespmem:$0x1E380] =	vst v63  }
0xea: {  	s0 =	simm.s32 @!p2 $0x200;
	s1 =	simm.s32 @!p2 $0x2B80  }
0xeb: {  	[spmem:s3] =	stream.indirect.scatter.add.f32 @!p2 [tilespmem:s1], [sflag:$0x5], $0x80, s0, s8, $0xb8;
	[tilespmem:$0x1E380] =	vst v63  }
0xec: {  	s0 =	simm.s32 @p0 $0x4  }
0xed: {  	_ =	swait.ge @p0 [sflag:s0], $0x2800  }
0xee: {  	[sflag:s0] =	ssyncset.done @p0 $0x0  }
0xef: {  	[sflag:s0] =	ssyncadd.s32 @p0 $0xFFFFD800  }
0xf0: {  	_ =	swait.ge @p0 [sflag:s0], $0x2800  }
0xf1: {  	s1 =	simm.s32 @p0 $0x5380;
	[sflag:s0] =	ssyncset.done @p0 $0x0  }
0xf2: {  	s8 =	simm.s32 @p0 $0x50;
	[sflag:s0] =	ssyncadd.s32 @p0 $0xFFFFD800;
	s0 =	simm.s32 @p0 $0x280  }
0xf3: {  	[spmem:s3] =	stream.indirect.scatter.add.f32 @p0 [tilespmem:s1], [sflag:$0x6], $0x80, s0, s8, $0xb8;
	[tilespmem:$0x1E380] =	vst v63  }
0xf4: {  	s0 =	simm.s32 @p0 $0x300;
	s1 =	simm.s32 @p0 $0x7B80  }
0xf5: {  	[spmem:s3] =	stream.indirect.scatter.add.f32 @p0 [tilespmem:s1], [sflag:$0x6], $0x80, s0, s8, $0xb8;
	[tilespmem:$0x1E380] =	vst v63  }
0xf6: {  	_ =	swait.ge [sflag:s26], $0x2800  }
0xf7: {  	[sflag:s26] =	ssyncset.done $0x0  }
0xf8: {  	[sflag:s26] =	ssyncadd.s32 $0xFFFFD800  }
0xf9: {  	_ =	swait.ge [sflag:s26], $0x2800  }
0xfa: {  	[sflag:s26] =	ssyncset.done $0x0  }
0xfb: {  	[sflag:s26] =	ssyncadd.s32 $0xFFFFD800  }
0xfc: {  	_ =	swait.ge [sflag:s28], $0x2800  }
0xfd: {  	[sflag:s28] =	ssyncset.done $0x0  }
0xfe: {  	[sflag:s28] =	ssyncadd.s32 $0xFFFFD800  }
0xff: {  	_ =	swait.ge [sflag:s28], $0x2800  }
0x100: {  	[sflag:s28] =	ssyncset.done $0x0  }
0x101: {  	s13 =	rddreg [dreg:$0x6];
	[sflag:s28] =	ssyncadd.s32 $0xFFFFD800  }
0x102: {  	[tilespmem:s4], [sflag:$0x7] =	stream.linear.gather [hbm4b:s13+s4], $0x50, $0x38;
	[tilespmem:$0x1E380] =	vst v63  }
0x103: {  	_ =	swait.ge [sflag:s19], $0x50  }
0x104: {  	[sflag:s19] =	ssyncset.done $0x0  }
0x105: {  	s21 =	rddreg [dreg:$0x7];
	[sflag:s19] =	ssyncadd.s32 $0xFFFFFFB0  }
0x106: {  	[tilespmem:s20], [sflag:$0x7] =	stream.linear.gather [hbm4b:s21+s4], $0x50, $0x38;
	[tilespmem:$0x1E380] =	vst v63  }
0x107: {  	_ =	swait.ge [sflag:s19], $0x50  }
0x108: {  	[sflag:s19] =	ssyncset.done $0x0  }
0x109: {  	[sflag:s19] =	ssyncadd.s32 $0xFFFFFFB0  }
0x10a: {  	[tilespmem:s24], [sflag:$0x3] =	stream.indirect.gather [hbm4b:s5+s23], $0x80, s4, s23, $0xb8;
	[tilespmem:$0x1E380] =	vst v63  }
0x10b: {  	_ =	swait.ge [sflag:s29], $0x2800  }
0x10c: {  	[sflag:s29] =	ssyncset.done $0x0  }
0x10d: {  	[sflag:s29] =	ssyncadd.s32 $0xFFFFD800  }
0x10e: {  	[spmem:s3] =	stream.indirect.scatter.add.f32 [tilespmem:s24], [sflag:$0x7], $0x80, s20, s23, $0xb8;
	[tilespmem:$0x1E380] =	vst v63  }
0x10f: {  	_ =	swait.ge [sflag:s19], $0x2800  }
0x110: {  	[sflag:s19] =	ssyncset.done $0x0  }
0x111: {  	[sflag:s19] =	ssyncadd.s32 $0xFFFFD800  }
0x112: {  	[bflag:$0x0] =	sbarrier.arrive $0xFFFF  }
0x113: {  	s25 =	rddreg [dreg:$0x8]  }
0x114: {  	[hbm:s25], [sflag:s15] =	dma.local [spmem:s18], $0x2800  }
0x115: {  	_ =	swait.ge [sflag:s19], $0x2800  }
0x116: {  	s30 =	sadd.s32 $0x1, s30;
	s31 =	rddreg [dreg:$0x9]  }
0x117: {  	p0 =	sne.s32 s30, s31  }
.Ltmp1:
0x118: {  	_ = 	snop;
	(pc) =	sbr.rel @p0 .LBB2_1-.Ltmp1, $3  }
0x119: {  	_ =	sdelay $0x1  }
0x11a: {  	[sflag:s19] =	ssyncset.done $0x0  }
0x11b: {  	[sflag:s19] =	ssyncadd.s32 $0xFFFFD800  }
0x11c: {  	_ =	sfence.sel $0x180000  }
0x11d: {  	[bflag:$0x0] =	sbarrier.arrive $0xFFFF  }
0x11e: {  	_ =	strace $0x9000004D  }
0x11f: {  	s0 =	stileid.u32;
	[bflag:$0x2] =	sbarrier.arrive $0xFFFF  }
0x120: {  	p0 =	sne.s32 s0, $0x0;
	s0 =	rddreg [dreg:$0x3]  }
0x121: {  	s0 =	sadd.s32 @!p0 $0x100000, s0  }
0x122: {  	[sflag:s0] =	ssyncadd.tile.s32 @!p0 $0x1;
	_ =	shalt  }
.Lfunc_end2:
_tile_overlayer_lowered:
.L_overlay_start_2:
0x123: {  	(tag) =	ssettag $0x2  }
0x124: {  	s0 =	rddreg [dreg:$0x0];
	s2 =	stileid.u32  }
0x125: {  	s1 =	rddreg [dreg:$0x1];
	p0 =	sne.s32 s2, $0x0  }
0x126: {  	s3 =	rddreg [dreg:$0x2];
	[bflag:$0x3] =	sbarrier.arrive $0xFFFF;
	s2 =	simm.s32 @!p0 $0x1C07  }
0x127: {  	[timem:s3], [sflag:s2] =	dma.local @!p0 [hbm:s0], s1  }
0x128: {  	s0 =	simm.s32 @!p0 $0x7  }
0x129: {  	_ =	swait.ge @!p0 [sflag:s0], s1  }
0x12a: {  	s1 =	ssub.s32 @!p0 $0x0, s1;
	[sflag:s0] =	ssyncset.done @!p0 $0x0  }
0x12b: {  	[sflag:s0] =	ssyncadd.s32 @!p0 s1  }
0x12c: {  	[bflag:$0x3] =	sbarrier.arrive $0xFFFF  }
0x12d: {  	_ =	shalt  }

// kernel: kernel.8.cloned.1.call-start
scs
__scs_entry_jumppad:
0x0: {  	(pc) =	sbr.rel $0x88, $3  }
0x1: {  	(tag) =	ssettag $0x0;
	lr =	simm.s32 $0x1  }
0x2: {  	[smem:$0x3F95] =	sst lr;
	_ =	strace $0xD0000000  }
0x3: {  	_ = 	snop  }
0x4: {  	_ = 	snop  }
0x5: {  	_ = 	snop  }
0x6: {  	_ = 	snop  }
0x7: {  	_ = 	snop  }
__scs_overlays_trampoline_lowered:
0x8: {  	[smem:$0x3FA4] =	sst s0  }
0x9: {  	[smem:$0x3FA5] =	sst s1  }
0xa: {  	[smem:$0x3FA6] =	sst s2  }
0xb: {  	[smem:$0x3FA7] =	sst s3  }
0xc: {  	[smem:$0x3FA8] =	sst s4  }
0xd: {  	[smem:$0x3FA9] =	sst s5  }
0xe: {  	[smem:$0x3FAA] =	sst s6  }
0xf: {  	[smem:$0x3FAB] =	sst s7  }
0x10: {  	[smem:$0x3FAC] =	sst s8  }
0x11: {  	[smem:$0x3FAD] =	sst s9;
	s0 =	simm.s32 @!p0 $0x0  }
0x12: {  	s1 =	sld [smem:$0x3F93];
	s0 =	simm.s32 @p0 $0x1  }
0x13: {  	[smem:$0x3FAE] =	sst s0;
	s0 =	simm.s32 @!p1 $0x0  }
0x14: {  	s2 =	sld [smem:$0x3F92];
	s0 =	simm.s32 @p1 $0x1  }
0x15: {  	[smem:$0x3FAF] =	sst s0;
	s0 =	simm.s32 @!p2 $0x0  }
0x16: {  	s3 =	sld [smem:$0x3FDB];
	s0 =	simm.s32 @p2 $0x1  }
0x17: {  	s4 =	simm.s32 $0x1BF5;
	[smem:$0x3FB1] =	sst s0  }
0x18: {  	s0 =	sld [smem:$0x3F94];
	_ =	swait.ge [sflag:s4], $0x0  }
0x19: {  	s7 =	sld [smem:$0x3F95]  }
0x1a: {  	s8 =	sadd.s32 $0xFFFFE003, lr  }
0x1b: {  	s9 =	sadd.s32 $0xFFFFFEF7, lr;
	s5 =	simm.s32 $0xFFFFFFFF;
	p2 =	slt.u32 s8, $0xFFFFF086  }
0x1c: {  	p1 =	slt.u32 s9, $0xF7A;
	s5 =	simm.s32 @!p2 $0x0  }
0x1d: {  	s5 =	simm.s32 @p1 $0x1;
	p0 =	seq.s32 s7, s2  }
0x1e: {  	s7 =	smul.u32 @!p0 $0xF7A, s2;
	p2 =	seq.s32 @!p0 s5, $0x0  }
0x1f: {  	s9 =	smul.u32 $0xF7A, s1;
	s8 =	simm.s32 @!p0 $0x1BF5;
	p2 =	por !p2, p0  }
0x20: {  	[sflag:s8] =	ssyncset.s32 @!p0 $0xFFFFF086;
	s6 =	sadd.s32 @!p0 s3, s7;
	s7 =	simm.s32 @!p0 $0x108  }
0x21: {  	s3 =	sadd.s32 s3, s9;
	s6 =	sadd.s32 @!p0 $0x88, s6;
	s7 =	simm.s32 @p2 $0x1082  }
0x22: {  	[simem:s7], [sflag:s8] =	dma.local @!p0 [hbm:s6], $0xF7A  }
0x23: {  	s9 =	sor.u32 $0xD0000000, s2;
	s6 =	simm.s32 $0x108;
	_ =	swait.ge @!p0 [sflag:s8], $0x0  }
0x24: {  	s3 =	sadd.s32 $0x88, s3;
	s6 =	simm.s32 @!p1 $0x1082;
	[sflag:s4] =	ssyncset.s32 $0xFFFFF086  }
0x25: {  	[simem:s6], [sflag:s4] =	dma.local [hbm:s3], $0xF7A  }
0x26: {  	[smem:$0x3F95] =	sst s1;
	(tag) =	ssettag s2;
	_ =	strace s9  }
0x27: {  	s1 =	sld [smem:$0x3FA5]  }
0x28: {  	s2 =	sld [smem:$0x3FA6]  }
0x29: {  	s4 =	sld [smem:$0x3FA8]  }
0x2a: {  	p0 =	seq.s32 s5, $0x0;
	s5 =	sld [smem:$0x3FA9]  }
0x2b: {  	s6 =	sld [smem:$0x3FAA]  }
0x2c: {  	s7 =	sld [smem:$0x3FAB]  }
0x2d: {  	s3 =	simm.s32 $0x108;
	s8 =	sld [smem:$0x3FAC]  }
0x2e: {  	s3 =	simm.s32 @!p0 $0x1082;
	s9 =	sld [smem:$0x3FAD]  }
0x2f: {  	lr =	sadd.s32 s0, s3;
	s0 =	sld [smem:$0x3FA4]  }
0x30: {  	s3 =	sld [smem:$0x3FA7]  }
0x31: {  	[smem:$0x3FB0] =	sst s10  }
0x32: {  	s10 =	sld [smem:$0x3FAE];
	_ =	sdelay $0x3  }
0x33: {  	p0 =	seq.s32 s10, $0x1;
	s10 =	sld [smem:$0x3FB0];
	_ =	sdelay $0x3  }
0x34: {  	[smem:$0x3FB0] =	sst s10  }
0x35: {  	s10 =	sld [smem:$0x3FAF];
	_ =	sdelay $0x3  }
0x36: {  	p1 =	seq.s32 s10, $0x1;
	s10 =	sld [smem:$0x3FB0];
	_ =	sdelay $0x3  }
0x37: {  	[smem:$0x3FB0] =	sst s10  }
0x38: {  	s10 =	sld [smem:$0x3FB1]  }
0x39: {  	_ = 	snop;
	(pc) =	sbr.ind lr, $3  }
0x3a: {  	_ = 	snop  }
0x3b: {  	_ = 	snop  }
0x3c: {  	p2 =	seq.s32 s10, $0x1;
	s10 =	sld [smem:$0x3FB0]  }
0x3d: {  	_ =	shalt  }
0x3e: {  	_ =	shalt  }
0x3f: {  	_ =	shalt  }
0x40: {  	_ =	shalt  }
0x41: {  	_ =	shalt  }
0x42: {  	_ =	shalt  }
0x43: {  	_ =	shalt  }
0x44: {  	_ =	shalt  }
0x45: {  	_ =	shalt  }
0x46: {  	_ =	shalt  }
0x47: {  	_ =	shalt  }
0x48: {  	_ =	shalt  }
0x49: {  	_ =	shalt  }
0x4a: {  	_ =	shalt  }
0x4b: {  	_ =	shalt  }
0x4c: {  	_ =	shalt  }
0x4d: {  	_ =	shalt  }
0x4e: {  	_ =	shalt  }
0x4f: {  	_ =	shalt  }
0x50: {  	_ =	shalt  }
0x51: {  	_ =	shalt  }
0x52: {  	_ =	shalt  }
0x53: {  	_ =	shalt  }
0x54: {  	_ =	shalt  }
0x55: {  	_ =	shalt  }
0x56: {  	_ =	shalt  }
0x57: {  	_ =	shalt  }
0x58: {  	_ =	shalt  }
0x59: {  	_ =	shalt  }
0x5a: {  	_ =	shalt  }
0x5b: {  	_ =	shalt  }
0x5c: {  	_ =	shalt  }
0x5d: {  	_ =	shalt  }
0x5e: {  	_ =	shalt  }
0x5f: {  	_ =	shalt  }
0x60: {  	_ =	shalt  }
0x61: {  	_ =	shalt  }
0x62: {  	_ =	shalt  }
0x63: {  	_ =	shalt  }
0x64: {  	_ =	shalt  }
0x65: {  	_ =	shalt  }
0x66: {  	_ =	shalt  }
0x67: {  	_ =	shalt  }
0x68: {  	_ =	shalt  }
0x69: {  	_ =	shalt  }
0x6a: {  	_ =	shalt  }
0x6b: {  	_ =	shalt  }
0x6c: {  	_ =	shalt  }
0x6d: {  	_ =	shalt  }
0x6e: {  	_ =	shalt  }
0x6f: {  	_ =	shalt  }
0x70: {  	_ =	shalt  }
0x71: {  	_ =	shalt  }
0x72: {  	_ =	shalt  }
0x73: {  	_ =	shalt  }
0x74: {  	_ =	shalt  }
0x75: {  	_ =	shalt  }
0x76: {  	_ =	shalt  }
0x77: {  	_ =	shalt  }
0x78: {  	_ =	shalt  }
0x79: {  	_ =	shalt  }
0x7a: {  	_ =	shalt  }
0x7b: {  	_ =	shalt  }
0x7c: {  	_ =	shalt  }
0x7d: {  	_ =	shalt  }
0x7e: {  	_ =	shalt  }
0x7f: {  	_ =	shalt  }
0x80: {  	_ =	shalt  }
0x81: {  	_ =	shalt  }
0x82: {  	_ =	shalt  }
0x83: {  	_ =	shalt  }
0x84: {  	_ =	shalt  }
0x85: {  	_ =	shalt  }
0x86: {  	_ =	shalt  }
0x87: {  	_ =	shalt  }
.Lfunc_end0:
.L_simem_size_0:
called_computation_lowered:
.L_overlay_start_0:
0x88: {  	s2 =	sld [smem:$0x3FD9]  }
0x89: {  	s3 =	sld [smem:$0x3FFE];
	_ =	sdelay $0x1  }
0x8a: {  	s1 =	srdreg.scid  }
0x8b: {  	s0 =	sand.u32 $0x1, s1  }
0x8c: {  	s16 =	sshll.u32 s0, $0xA;
	s2 =	sadd.s32 s3, s2  }
0x8d: {  	s2 =	sadd.s32 s2, s16  }
0x8e: {  	[smem:$0x3FBC] =	sst s2  }
0x8f: {  	_ = 	snop  }
0x90: {  	(tm) =	ssettm $0x1  }
0x91: {  	s17 =	sld [smem:$0x3FFB];
	_ =	sdelay $0x3  }
0x92: {  	_ =	strace s17  }
0x93: {  	s2 =	sld [smem:$0x3FFC];
	_ =	sdelay $0x3  }
0x94: {  	_ =	strace s2  }
0x95: {  	s2 =	sld [smem:$0x3FFD];
	_ =	sdelay $0x3  }
0x96: {  	_ =	strace s2  }
0x97: {  	_ =	strace $0x8FFFFFFF  }
0x98: {  	s18 =	sld [smem:$0x3FDB];
	_ =	sdelay $0x1  }
0x99: {  	s19 =	simm.s32 $_scs_section_size  }
0x9a: {  	s4 =	simm.s32 $_size__tile_overlayer_lowered;
	s5 =	simm.s32 $_tile_overlayer_lowered  }
0x9b: {  	s22 =	simm.s32 $0x1BFF;
	s21 =	sshll.u32 s5, $0x1;
	s2 =	sadd.s32 s19, s18  }
0x9c: {  	s6 =	simm.s32 $0x0;
	s20 =	sshll.u32 s4, $0x1;
	s4 =	sadd.s32 s21, s2  }
0x9d: {  	[timem:s6], [sflag:s22] =	dma.local [hbm:s4], s20  }
0x9e: {  	_ =	swait.ge [sflag:s22], s20  }
0x9f: {  	s3 =	ssub.s32 $0x0, s20;
	[sflag:s22] =	ssyncset.done $0x0  }
0xa0: {  	[sflag:s22] =	ssyncadd.s32 s3;
	_ =	sdelay $0x1  }
0xa1: {  	s23 =	simm.s32 $0x1B8B  }
0xa2: {  	_ =	swait.ge [sflag:s23], $0x1  }
0xa3: {  	[sflag:s23] =	ssyncset.done $0x0  }
0xa4: {  	s25 =	simm.s32 $0x1B8E;
	s24 =	sld [smem:$0x3FFE];
	[sflag:s23] =	ssyncadd.s32 $0xFFFFFFFF  }
0xa5: {  	s26 =	simm.s32 $execute0_lowered;
	[smem:$0x3FD2] =	sst s25  }
0xa6: {  	s4 =	sshll.u32 s26, $0x1;
	_ =	strace $0x80000046;
	[dreg:$0x1] =	wrdreg $0xFFFFFFFF  }
0xa7: {  	s28 =	simm.s32 $_size_execute0_lowered;
	s2 =	sadd.s32 s2, s4;
	[dreg:$0x0] =	wrdreg $0x0  }
0xa8: {  	s4 =	sshll.u32 s28, $0x1;
	[dreg:$0x2] =	wrdreg s2  }
0xa9: {  	[dreg:$0x3] =	wrdreg s4  }
0xaa: {  	[dreg:$0x4] =	wrdreg $0xC0  }
0xab: {  	_ =	task [dreg:s6], $0x5FFFF  }
0xac: {  	[dreg:$0x1] =	wrdreg $0xFFFFFFFF  }
0xad: {  	[dreg:$0x0] =	wrdreg $0x60  }
0xae: {  	[dreg:$0x2] =	wrdreg s24  }
0xaf: {  	[dreg:$0x3] =	wrdreg $0x2C000  }
0xb0: {  	[dreg:$0x4] =	wrdreg $0x9  }
0xb1: {  	_ =	task.clear_ibuf [dreg:s6], $0x5FFFF;
	_ =	strace $0x90000046  }
0xb2: {  	s29 =	simm.s32 $0x9;
	_ =	strace $0x80000048  }
0xb3: {  	_ =	swait.ge [sflag:s29], $0x1  }
0xb4: {  	[sflag:s29] =	ssyncadd.s32 $0xFFFFFFFF  }
0xb5: {  	_ =	strace $0x90000048  }
0xb6: {  	_ =	sfence  }
0xb7: {  	s30 =	sld [smem:$0x0];
	_ =	sdelay $0x2  }
0xb8: {  	s31 =	sshll.u32 s1, $0xD;
	s1 =	sshrl.u32 s1, $0x2  }
0xb9: {  	s3 =	sand.u32 $0x4000, s31;
	s1 =	sadd.s32 s1, s30  }
0xba: {  	s0 =	sor.u32 s3, s0;
	s1 =	sshll.u32 s1, $0x11  }
0xbb: {  	s0 =	sor.u32 s1, s0  }
0xbc: {  	s0 =	sadd.s32 $0x8F2B, s0  }
0xbd: {  	[sflag:s0] =	ssyncadd.remote.s32 $0x1  }
0xbe: {  	_ =	sfence.sel $0xFFFF  }
0xbf: {  	[dreg:$0x0] =	wrdreg $0xFFFFFFFF;
	(pc) =	sbr.abs _section_cstart, $3  }
0xc0: {  	[dreg:$0x1] =	wrdreg $0xFFFFFFFF  }
0xc1: {  	_ =	task.clear_ibuf [dreg:s6], $0x2FFFF;
	_ =	strace $0x9FFFFFFF  }
0xc2: {  	(tm) =	ssettm $0x7FFFFFFF  }
0xc3: {  	_ =	shalt  }
tec
execute0_lowered:
.L_overlay_start_1:
0x0: {  	(tag) =	ssettag $0x1  }
0x1: {  	s0 =	rddreg [dreg:$0x0]  }
0x2: {  	s2 =	rddreg [dreg:$0x1];
	s3 =	simm.s32 $0x0  }
0x3: {  	s11 =	stileid.u32;
	s4 =	srdreg.scid;
	s28 =	simm.s32 $0x3  }
0x4: {  	s29 =	simm.s32 $0x4;
	s30 =	simm.s32 $0x5;
	s31 =	simm.s32 $0x6  }
0x5: {  	[smem:$0x7FF] =	sst s3;
	s1 =	smul.u32 $0x2800, s11;
	s5 =	sadd.s32 $0x2600, s0  }
0x6: {  	s6 =	sadd.s32 $0x34400, s0;
	s4 =	sand.u32 $0x1, s4;
	s10 =	smul.u32 $0x50000, s11  }
0x7: {  	s8 =	sshll.u32 s11, $0x1;
	s25 =	smul.u32 $0x4E20, s11;
	_ =	strace $0x80000047  }
0x8: {  	[dreg:$0x9] =	wrdreg s6;
	s7 =	smul.u32 $0x28000, s4;
	s9 =	ssub.s32 $0x2, s4  }
0x9: {  	s8 =	sor.u32 s4, s8;
	s4 =	smul.u32 $0x2710, s4;
	s20 =	sadd.s32 s1, s0  }
0xa: {  	s21 =	sshrl.u32 s9, $0x1;
	s8 =	smul.u32 $0x2710, s8;
	s23 =	sshrl.u32 s10, $0x2  }
0xb: {  	s1 =	sadd.s32 s1, s7;
	s22 =	ssub.s32 s9, s21;
	s7 =	sadd.s32 s23, s2  }
0xc: {  	s6 =	sadd.s32 $0xC400, s20;
	s4 =	sadd.s32 s4, s25;
	[dreg:$0xa] =	wrdreg s7  }
0xd: {  	s0 =	sadd.s32 s1, s0;
	s24 =	sshrl.u32 s8, $0x3;
	[dreg:$0xb] =	wrdreg s6  }
0xe: {  	s12 =	sshrl.u32 s4, $0x3;
	s13 =	sadd.s32 $0x230, s4;
	s1 =	smax.u32 s22, $0x1  }
0xf: {  	s16 =	sadd.s32 $0x1E0, s4;
	s18 =	sadd.s32 $0x190, s4;
	s19 =	sadd.s32 $0x140, s4  }
0x10: {  	s23 =	sadd.s32 $0xF0, s4;
	s25 =	sadd.s32 $0xA0, s4;
	s4 =	sadd.s32 $0x50, s4  }
0x11: {  	s26 =	sadd.s32 s5, s24;
	s0 =	sadd.s32 $0x34A00, s0;
	[dreg:$0x12] =	wrdreg s1  }
0x12: {  	s14 =	sshrl.u32 s13, $0x3;
	s17 =	sshrl.u32 s16, $0x3;
	s1 =	sshrl.u32 s18, $0x3  }
0x13: {  	s21 =	sshrl.u32 s19, $0x3;
	s24 =	sshrl.u32 s23, $0x3;
	s16 =	simm.s32 $0x400  }
0x14: {  	s18 =	simm.s32 $0x80;
	s7 =	sadd.s32 $0x4B0, s26;
	[dreg:$0x11] =	wrdreg s0  }
0x15: {  	s19 =	simm.s32 $0x100;
	s9 =	sadd.s32 $0x4BA, s26;
	[dreg:$0xc] =	wrdreg s7  }
0x16: {  	s23 =	simm.s32 $0x300;
	s10 =	sadd.s32 $0x4C4, s26;
	[dreg:$0xd] =	wrdreg s9  }
0x17: {  	s11 =	sadd.s32 $0x4CE, s26;
	s6 =	sadd.s32 $0x4D8, s26;
	[dreg:$0xe] =	wrdreg s10  }
0x18: {  	s0 =	sadd.s32 s12, s5;
	s15 =	sadd.s32 s14, s5;
	[dreg:$0xf] =	wrdreg s11  }
0x19: {  	s20 =	sadd.s32 s1, s5;
	s22 =	sadd.s32 s21, s5;
	[dreg:$0x10] =	wrdreg s6  }
0x1a: {  	s1 =	sshrl.u32 s25, $0x3;
	s26 =	sshrl.u32 s4, $0x3;
	[dreg:$0x3] =	wrdreg s0  }
0x1b: {  	s21 =	simm.s32 $0x200;
	s25 =	simm.s32 $0x1;
	[dreg:$0x4] =	wrdreg s15  }
0x1c: {  	s4 =	simm.s32 $0x50;
	s0 =	sadd.s32 s17, s5;
	[dreg:$0x6] =	wrdreg s20  }
0x1d: {  	[dreg:$0x7] =	wrdreg s22;
	s14 =	sadd.s32 s1, s5;
	s15 =	sadd.s32 s26, s5  }
0x1e: {  	s17 =	simm.s32 $0xA;
	s20 =	simm.s32 $0x180;
	s22 =	simm.s32 $0x280  }
0x1f: {  	s26 =	simm.s32 $0x2;
	s1 =	simm.s32 $0x8;
	s6 =	simm.s32 $0x0  }
0x20: {  	[dreg:$0x5] =	wrdreg s0;
	s0 =	sadd.s32 s24, s5;
	s24 =	simm.s32 $0x380  }
0x21: {  	s5 =	simm.s32 $0x9;
	[dreg:$0x8] =	wrdreg s0;
	s0 =	simm.s32 $0x7  }
.LBB2_1:
0x22: {  	s7 =	rddreg [dreg:$0x9]  }
0x23: {  	[tilespmem:s16], [sflag:$0xA] =	stream.linear.gather [hbm4b:s7+s3], $0x2800, $0x38;
	[tilespmem:$0x16C00] =	vst v63  }
0x24: {  	s11 =	stileid.u32;
	_ =	swait.ge [sflag:s17], $0x2800  }
0x25: {  	s7 =	sshll.u32 s11, $0x6;
	s12 =	rddreg [dreg:$0xa]  }
0x26: {  	s9 =	sor.u32 $0x1C0A, s7;
	[sflag:s17] =	ssyncset.done $0x0;
	s13 =	rddreg [dreg:$0xb]  }
0x27: {  	[dreg:$0x13] =	wrdreg s9;
	[sflag:s17] =	ssyncadd.s32 $0xFFFFD800;
	s8 =	sshrl.u32 s12, $0x3  }
0x28: {  	[spmem:s8], [sflag:s9] =	dma.local [hbm:s13], $0x2800  }
0x29: {  	_ =	swait.ge [sflag:s17], $0x2800  }
0x2a: {  	p0 =	por $0x1, $0x1;
	[sflag:s17] =	ssyncset.done $0x0  }
0x2b: {  	p0 =	por p0, p0;
	[sflag:s17] =	ssyncadd.s32 $0xFFFFD800  }
0x2c: {  	s9 =	simm.s32 @!p0 $0x9;
	[bflag:$0x0] =	sbarrier.arrive $0xFFFF  }
0x2d: {  	_ =	swait.ge @!p0 [sflag:s9], $0x2800  }
0x2e: {  	[sflag:s9] =	ssyncset.done @!p0 $0x0  }
0x2f: {  	[sflag:s9] =	ssyncadd.s32 @!p0 $0xFFFFD800  }
0x30: {  	_ =	swait.ge @!p0 [sflag:s9], $0x2800  }
0x31: {  	[sflag:s9] =	ssyncset.done @!p0 $0x0  }
0x32: {  	[sflag:s9] =	ssyncadd.s32 @!p0 $0xFFFFD800  }
0x33: {  	_ =	swait.ge @!p0 [sflag:s9], $0x2800  }
0x34: {  	[sflag:s9] =	ssyncset.done @!p0 $0x0  }
0x35: {  	[sflag:s9] =	ssyncadd.s32 @!p0 $0xFFFFD800  }
0x36: {  	_ =	swait.ge @!p0 [sflag:s9], $0x2800  }
0x37: {  	[sflag:s9] =	ssyncset.done @!p0 $0x0  }
0x38: {  	[sflag:s9] =	ssyncadd.s32 @!p0 $0xFFFFD800  }
0x39: {  	_ =	swait.ge @!p0 [sflag:s9], $0x2800  }
0x3a: {  	[sflag:s9] =	ssyncset.done @!p0 $0x0  }
0x3b: {  	[sflag:s9] =	ssyncadd.s32 @!p0 $0xFFFFD800  }
0x3c: {  	_ =	swait.ge @!p0 [sflag:s9], $0x2800  }
0x3d: {  	[sflag:s9] =	ssyncset.done @!p0 $0x0  }
0x3e: {  	[sflag:s9] =	ssyncadd.s32 @!p0 $0xFFFFD800  }
0x3f: {  	_ =	swait.ge @!p0 [sflag:s9], $0x2800  }
0x40: {  	[sflag:s9] =	ssyncset.done @!p0 $0x0  }
0x41: {  	[sflag:s9] =	ssyncadd.s32 @!p0 $0xFFFFD800  }
0x42: {  	_ =	swait.ge @!p0 [sflag:s9], $0x2800  }
0x43: {  	s10 =	rddreg [dreg:$0x3];
	[sflag:s9] =	ssyncset.done @!p0 $0x0  }
0x44: {  	[sflag:s9] =	ssyncadd.s32 @!p0 $0xFFFFD800;
	s7 =	sadd.s32 $0x0, s10  }
0x45: {  	[tilespmem:s3], [sflag:$0x1] =	stream.linear.gather [hbm4b:s7+s3], $0x50, $0x38;
	[tilespmem:$0x16C00] =	vst v63  }
0x46: {  	s10 =	sadd.s32 $0x0, s15  }
0x47: {  	[tilespmem:s18], [sflag:$0x2] =	stream.linear.gather [hbm4b:s10+s3], $0x50, $0x38;
	[tilespmem:$0x16C00] =	vst v63  }
0x48: {  	s12 =	sadd.s32 $0x0, s14;
	s11 =	rddreg [dreg:$0x8]  }
0x49: {  	[tilespmem:s19], [sflag:$0x3] =	stream.linear.gather [hbm4b:s12+s3], $0x50, $0x38;
	[tilespmem:$0x16C00] =	vst v63  }
0x4a: {  	s13 =	rddreg [dreg:$0x7];
	s10 =	sadd.s32 $0x0, s11  }
0x4b: {  	[tilespmem:s20], [sflag:$0x4] =	stream.linear.gather [hbm4b:s10+s3], $0x50, $0x38;
	[tilespmem:$0x16C00] =	vst v63  }
0x4c: {  	s9 =	sadd.s32 $0x0, s13;
	s7 =	rddreg [dreg:$0x6]  }
0x4d: {  	[tilespmem:s21], [sflag:$0x5] =	stream.linear.gather [hbm4b:s9+s3], $0x50, $0x38;
	[tilespmem:$0x16C00] =	vst v63  }
0x4e: {  	s11 =	rddreg [dreg:$0x5];
	s10 =	sadd.s32 $0x0, s7  }
0x4f: {  	[tilespmem:s22], [sflag:$0x6] =	stream.linear.gather [hbm4b:s10+s3], $0x50, $0x38;
	[tilespmem:$0x16C00] =	vst v63  }
0x50: {  	s12 =	rddreg [dreg:$0x4];
	s9 =	sadd.s32 $0x0, s11  }
0x51: {  	[tilespmem:s23], [sflag:$0x7] =	stream.linear.gather [hbm4b:s9+s3], $0x50, $0x38;
	[tilespmem:$0x16C00] =	vst v63  }
0x52: {  	s13 =	sadd.s32 $0x0, s12  }
0x53: {  	[tilespmem:s24], [sflag:$0x8] =	stream.linear.gather [hbm4b:s13+s3], $0x50, $0x38;
	[tilespmem:$0x16C00] =	vst v63  }
0x54: {  	_ =	swait.ge [sflag:s25], $0x50  }
0x55: {  	[sflag:s25] =	ssyncset.done $0x0  }
0x56: {  	[sflag:s25] =	ssyncadd.s32 $0xFFFFFFB0  }
0x57: {  	_ =	swait.ge [sflag:s26], $0x50  }
0x58: {  	[sflag:s26] =	ssyncset.done $0x0  }
0x59: {  	[sflag:s26] =	ssyncadd.s32 $0xFFFFFFB0  }
0x5a: {  	_ =	swait.ge [sflag:s28], $0x50  }
0x5b: {  	[sflag:s28] =	ssyncset.done $0x0  }
0x5c: {  	[sflag:s28] =	ssyncadd.s32 $0xFFFFFFB0  }
0x5d: {  	_ =	swait.ge [sflag:s29], $0x50  }
0x5e: {  	[sflag:s29] =	ssyncset.done $0x0  }
0x5f: {  	[sflag:s29] =	ssyncadd.s32 $0xFFFFFFB0  }
0x60: {  	_ =	swait.ge [sflag:s30], $0x50  }
0x61: {  	[sflag:s30] =	ssyncset.done $0x0  }
0x62: {  	[sflag:s30] =	ssyncadd.s32 $0xFFFFFFB0  }
0x63: {  	_ =	swait.ge [sflag:s31], $0x50  }
0x64: {  	[sflag:s31] =	ssyncset.done $0x0  }
0x65: {  	[sflag:s31] =	ssyncadd.s32 $0xFFFFFFB0  }
0x66: {  	_ =	swait.ge [sflag:s0], $0x50  }
0x67: {  	[sflag:s0] =	ssyncset.done $0x0  }
0x68: {  	[sflag:s0] =	ssyncadd.s32 $0xFFFFFFB0  }
0x69: {  	_ =	swait.ge [sflag:s1], $0x50  }
0x6a: {  	[sflag:s1] =	ssyncset.done $0x0  }
0x6b: {  	[sflag:s1] =	ssyncadd.s32 $0xFFFFFFB0  }
0x6c: {  	[spmem:s2] =	stream.indirect.scatter.add.f32 [tilespmem:s16], [sflag:$0x9], $0x80, s3, s4, $0xb8;
	[tilespmem:$0x16C00] =	vst v63  }
0x6d: {  	_ = 	snop  }
0x6e: {  	[spmem:s2] =	stream.indirect.scatter.add.f32 [tilespmem:s16], [sflag:$0x9], $0x80, s18, s4, $0xb8;
	[tilespmem:$0x16C00] =	vst v63  }
0x6f: {  	_ = 	snop  }
0x70: {  	[spmem:s2] =	stream.indirect.scatter.add.f32 [tilespmem:s16], [sflag:$0x9], $0x80, s19, s4, $0xb8;
	[tilespmem:$0x16C00] =	vst v63  }
0x71: {  	_ = 	snop  }
0x72: {  	[spmem:s2] =	stream.indirect.scatter.add.f32 [tilespmem:s16], [sflag:$0x9], $0x80, s20, s4, $0xb8;
	[tilespmem:$0x16C00] =	vst v63  }
0x73: {  	_ = 	snop  }
0x74: {  	[spmem:s2] =	stream.indirect.scatter.add.f32 [tilespmem:s16], [sflag:$0x9], $0x80, s21, s4, $0xb8;
	[tilespmem:$0x16C00] =	vst v63  }
0x75: {  	p6 =	por $0x0, $0x0  }
0x76: {  	[spmem:s2] =	stream.indirect.scatter.add.f32 [tilespmem:s16], [sflag:$0x9], $0x80, s22, s4, $0xb8;
	[tilespmem:$0x16C00] =	vst v63  }
0x77: {  	p0 =	por p6, p6;
	s10 =	simm.s32 $0xA0;
	s9 =	simm.s32 $0x50  }
0x78: {  	[spmem:s2] =	stream.indirect.scatter.add.f32 [tilespmem:s16], [sflag:$0x9], $0x80, s23, s4, $0xb8;
	[tilespmem:$0x16C00] =	vst v63  }
.LBB2_2:
0x79: {  	[spmem:s2] =	stream.indirect.scatter.add.f32 [tilespmem:s16], [sflag:$0x9], $0x80, s24, s4, $0xb8;
	[tilespmem:$0x16C00] =	vst v63  }
0x7a: {  	s12 =	simm.s32 @!p0 $0x9  }
0x7b: {  	_ =	swait.ge @!p0 [sflag:s12], $0x2800  }
0x7c: {  	[sflag:s12] =	ssyncset.done @!p0 $0x0  }
0x7d: {  	[sflag:s12] =	ssyncadd.s32 @!p0 $0xFFFFD800  }
0x7e: {  	_ =	swait.ge @!p0 [sflag:s12], $0x2800  }
0x7f: {  	[sflag:s12] =	ssyncset.done @!p0 $0x0  }
0x80: {  	[sflag:s12] =	ssyncadd.s32 @!p0 $0xFFFFD800  }
0x81: {  	_ =	swait.ge @!p0 [sflag:s12], $0x2800  }
0x82: {  	[sflag:s12] =	ssyncset.done @!p0 $0x0  }
0x83: {  	[sflag:s12] =	ssyncadd.s32 @!p0 $0xFFFFD800  }
0x84: {  	_ =	swait.ge @!p0 [sflag:s12], $0x2800  }
0x85: {  	[sflag:s12] =	ssyncset.done @!p0 $0x0  }
0x86: {  	[sflag:s12] =	ssyncadd.s32 @!p0 $0xFFFFD800  }
0x87: {  	_ =	swait.ge @!p0 [sflag:s12], $0x2800  }
0x88: {  	[sflag:s12] =	ssyncset.done @!p0 $0x0  }
0x89: {  	[sflag:s12] =	ssyncadd.s32 @!p0 $0xFFFFD800  }
0x8a: {  	_ =	swait.ge @!p0 [sflag:s12], $0x2800  }
0x8b: {  	[sflag:s12] =	ssyncset.done @!p0 $0x0  }
0x8c: {  	[sflag:s12] =	ssyncadd.s32 @!p0 $0xFFFFD800  }
0x8d: {  	_ =	swait.ge @!p0 [sflag:s12], $0x2800  }
0x8e: {  	[sflag:s12] =	ssyncset.done @!p0 $0x0  }
0x8f: {  	[sflag:s12] =	ssyncadd.s32 @!p0 $0xFFFFD800  }
0x90: {  	_ =	swait.ge @!p0 [sflag:s12], $0x2800  }
0x91: {  	s13 =	rddreg [dreg:$0x3];
	[sflag:s12] =	ssyncset.done @!p0 $0x0  }
0x92: {  	[sflag:s12] =	ssyncadd.s32 @!p0 $0xFFFFD800;
	s13 =	sadd.s32 s9, s13  }
0x93: {  	[tilespmem:s3], [sflag:$0x1] =	stream.linear.gather [hbm4b:s13+s3], $0x50, $0x38;
	[tilespmem:$0x16C00] =	vst v63  }
0x94: {  	s7 =	sadd.s32 s9, s15  }
0x95: {  	[tilespmem:s18], [sflag:$0x2] =	stream.linear.gather [hbm4b:s7+s3], $0x50, $0x38;
	[tilespmem:$0x16C00] =	vst v63  }
0x96: {  	s12 =	sadd.s32 s9, s14;
	s13 =	rddreg [dreg:$0x8]  }
0x97: {  	[tilespmem:s19], [sflag:$0x3] =	stream.linear.gather [hbm4b:s12+s3], $0x50, $0x38;
	[tilespmem:$0x16C00] =	vst v63  }
0x98: {  	s7 =	rddreg [dreg:$0x7];
	s12 =	sadd.s32 s9, s13  }
0x99: {  	[tilespmem:s20], [sflag:$0x4] =	stream.linear.gather [hbm4b:s12+s3], $0x50, $0x38;
	[tilespmem:$0x16C00] =	vst v63  }
0x9a: {  	s7 =	sadd.s32 s9, s7;
	s13 =	rddreg [dreg:$0x6]  }
0x9b: {  	[tilespmem:s21], [sflag:$0x5] =	stream.linear.gather [hbm4b:s7+s3], $0x50, $0x38;
	[tilespmem:$0x16C00] =	vst v63  }
0x9c: {  	s12 =	rddreg [dreg:$0x5];
	s7 =	sadd.s32 s9, s13  }
0x9d: {  	[tilespmem:s22], [sflag:$0x6] =	stream.linear.gather [hbm4b:s7+s3], $0x50, $0x38;
	[tilespmem:$0x16C00] =	vst v63  }
0x9e: {  	s12 =	sadd.s32 s9, s12;
	s13 =	rddreg [dreg:$0x4]  }
0x9f: {  	[tilespmem:s23], [sflag:$0x7] =	stream.linear.gather [hbm4b:s12+s3], $0x50, $0x38;
	[tilespmem:$0x16C00] =	vst v63  }
0xa0: {  	s13 =	sadd.s32 s9, s13  }
0xa1: {  	[tilespmem:s24], [sflag:$0x8] =	stream.linear.gather [hbm4b:s13+s3], $0x50, $0x38;
	[tilespmem:$0x16C00] =	vst v63  }
0xa2: {  	_ =	swait.ge [sflag:s25], $0x50  }
0xa3: {  	[sflag:s25] =	ssyncset.done $0x0  }
0xa4: {  	[sflag:s25] =	ssyncadd.s32 $0xFFFFFFB0  }
0xa5: {  	_ =	swait.ge [sflag:s26], $0x50  }
0xa6: {  	[sflag:s26] =	ssyncset.done $0x0  }
0xa7: {  	[sflag:s26] =	ssyncadd.s32 $0xFFFFFFB0  }
0xa8: {  	_ =	swait.ge [sflag:s28], $0x50  }
0xa9: {  	[sflag:s28] =	ssyncset.done $0x0  }
0xaa: {  	[sflag:s28] =	ssyncadd.s32 $0xFFFFFFB0  }
0xab: {  	_ =	swait.ge [sflag:s29], $0x50  }
0xac: {  	[sflag:s29] =	ssyncset.done $0x0  }
0xad: {  	[sflag:s29] =	ssyncadd.s32 $0xFFFFFFB0  }
0xae: {  	_ =	swait.ge [sflag:s30], $0x50  }
0xaf: {  	[sflag:s30] =	ssyncset.done $0x0  }
0xb0: {  	[sflag:s30] =	ssyncadd.s32 $0xFFFFFFB0  }
0xb1: {  	_ =	swait.ge [sflag:s31], $0x50  }
0xb2: {  	[sflag:s31] =	ssyncset.done $0x0  }
0xb3: {  	[sflag:s31] =	ssyncadd.s32 $0xFFFFFFB0  }
0xb4: {  	_ =	swait.ge [sflag:s0], $0x50  }
0xb5: {  	[sflag:s0] =	ssyncset.done $0x0  }
0xb6: {  	[sflag:s0] =	ssyncadd.s32 $0xFFFFFFB0  }
0xb7: {  	_ =	swait.ge [sflag:s1], $0x50  }
0xb8: {  	[sflag:s1] =	ssyncset.done $0x0  }
0xb9: {  	[sflag:s1] =	ssyncadd.s32 $0xFFFFFFB0  }
0xba: {  	[spmem:s2] =	stream.indirect.scatter.add.f32 [tilespmem:s16], [sflag:$0x9], $0x80, s3, s4, $0xb8;
	[tilespmem:$0x16C00] =	vst v63  }
0xbb: {  	_ = 	snop  }
0xbc: {  	[spmem:s2] =	stream.indirect.scatter.add.f32 [tilespmem:s16], [sflag:$0x9], $0x80, s18, s4, $0xb8;
	[tilespmem:$0x16C00] =	vst v63  }
0xbd: {  	_ = 	snop  }
0xbe: {  	[spmem:s2] =	stream.indirect.scatter.add.f32 [tilespmem:s16], [sflag:$0x9], $0x80, s19, s4, $0xb8;
	[tilespmem:$0x16C00] =	vst v63  }
0xbf: {  	s11 =	smov.u32 s10;
	s10 =	sadd.s32 $0x50, s10  }
0xc0: {  	[spmem:s2] =	stream.indirect.scatter.add.f32 [tilespmem:s16], [sflag:$0x9], $0x80, s20, s4, $0xb8;
	[tilespmem:$0x16C00] =	vst v63  }
0xc1: {  	p1 =	sne.s32 s10, $0x4B0  }
0xc2: {  	[spmem:s2] =	stream.indirect.scatter.add.f32 [tilespmem:s16], [sflag:$0x9], $0x80, s21, s4, $0xb8;
	[tilespmem:$0x16C00] =	vst v63  }
.Ltmp0:
0xc3: {  	_ = 	snop;
	(pc) =	sbr.rel @p1 .LBB2_2-.Ltmp0, $4  }
0xc4: {  	p2 =	seq.s32 s11, $0x0  }
0xc5: {  	[spmem:s2] =	stream.indirect.scatter.add.f32 [tilespmem:s16], [sflag:$0x9], $0x80, s22, s4, $0xb8;
	[tilespmem:$0x16C00] =	vst v63  }
0xc6: {  	p0 =	por p2, p2;
	s9 =	smov.u32 s11  }
0xc7: {  	[spmem:s2] =	stream.indirect.scatter.add.f32 [tilespmem:s16], [sflag:$0x9], $0x80, s23, s4, $0xb8;
	[tilespmem:$0x16C00] =	vst v63  }
0xc8: {  	[spmem:s2] =	stream.indirect.scatter.add.f32 [tilespmem:s16], [sflag:$0x9], $0x80, s24, s4, $0xb8;
	[tilespmem:$0x16C00] =	vst v63  }
0xc9: {  	s7 =	simm.s32 @!p0 $0x9  }
0xca: {  	_ =	swait.ge @!p0 [sflag:s7], $0x2800  }
0xcb: {  	[sflag:s7] =	ssyncset.done @!p0 $0x0  }
0xcc: {  	[sflag:s7] =	ssyncadd.s32 @!p0 $0xFFFFD800  }
0xcd: {  	_ =	swait.ge @!p0 [sflag:s7], $0x2800  }
0xce: {  	[sflag:s7] =	ssyncset.done @!p0 $0x0  }
0xcf: {  	[sflag:s7] =	ssyncadd.s32 @!p0 $0xFFFFD800  }
0xd0: {  	_ =	swait.ge @!p0 [sflag:s7], $0x2800  }
0xd1: {  	[sflag:s7] =	ssyncset.done @!p0 $0x0  }
0xd2: {  	[sflag:s7] =	ssyncadd.s32 @!p0 $0xFFFFD800  }
0xd3: {  	_ =	swait.ge @!p0 [sflag:s7], $0x2800  }
0xd4: {  	[sflag:s7] =	ssyncset.done @!p0 $0x0  }
0xd5: {  	[sflag:s7] =	ssyncadd.s32 @!p0 $0xFFFFD800  }
0xd6: {  	_ =	swait.ge @!p0 [sflag:s7], $0x2800  }
0xd7: {  	[sflag:s7] =	ssyncset.done @!p0 $0x0  }
0xd8: {  	[sflag:s7] =	ssyncadd.s32 @!p0 $0xFFFFD800  }
0xd9: {  	_ =	swait.ge @!p0 [sflag:s7], $0x2800  }
0xda: {  	[sflag:s7] =	ssyncset.done @!p0 $0x0  }
0xdb: {  	[sflag:s7] =	ssyncadd.s32 @!p0 $0xFFFFD800  }
0xdc: {  	_ =	swait.ge @!p0 [sflag:s7], $0x2800  }
0xdd: {  	[sflag:s7] =	ssyncset.done @!p0 $0x0  }
0xde: {  	[sflag:s7] =	ssyncadd.s32 @!p0 $0xFFFFD800  }
0xdf: {  	_ =	swait.ge @!p0 [sflag:s7], $0x2800  }
0xe0: {  	s10 =	rddreg [dreg:$0x3];
	[sflag:s7] =	ssyncset.done @!p0 $0x0  }
0xe1: {  	[sflag:s7] =	ssyncadd.s32 @!p0 $0xFFFFD800;
	s13 =	sadd.s32 s9, s10  }
0xe2: {  	[tilespmem:s3], [sflag:$0x1] =	stream.linear.gather [hbm4b:s13+s3], $0x50, $0x38;
	[tilespmem:$0x16C00] =	vst v63  }
0xe3: {  	s10 =	sadd.s32 s9, s15  }
0xe4: {  	[tilespmem:s18], [sflag:$0x2] =	stream.linear.gather [hbm4b:s10+s3], $0x50, $0x38;
	[tilespmem:$0x16C00] =	vst v63  }
0xe5: {  	s12 =	sadd.s32 s9, s14;
	s11 =	rddreg [dreg:$0x8]  }
0xe6: {  	[tilespmem:s19], [sflag:$0x3] =	stream.linear.gather [hbm4b:s12+s3], $0x50, $0x38;
	[tilespmem:$0x16C00] =	vst v63  }
0xe7: {  	s13 =	rddreg [dreg:$0x7];
	s10 =	sadd.s32 s9, s11  }
0xe8: {  	[tilespmem:s20], [sflag:$0x4] =	stream.linear.gather [hbm4b:s10+s3], $0x50, $0x38;
	[tilespmem:$0x16C00] =	vst v63  }
0xe9: {  	s7 =	sadd.s32 s9, s13;
	s11 =	rddreg [dreg:$0x6]  }
0xea: {  	[tilespmem:s21], [sflag:$0x5] =	stream.linear.gather [hbm4b:s7+s3], $0x50, $0x38;
	[tilespmem:$0x16C00] =	vst v63  }
0xeb: {  	s12 =	rddreg [dreg:$0x5];
	s10 =	sadd.s32 s9, s11  }
0xec: {  	[tilespmem:s22], [sflag:$0x6] =	stream.linear.gather [hbm4b:s10+s3], $0x50, $0x38;
	[tilespmem:$0x16C00] =	vst v63  }
0xed: {  	s13 =	rddreg [dreg:$0x4];
	s7 =	sadd.s32 s9, s12  }
0xee: {  	[tilespmem:s23], [sflag:$0x7] =	stream.linear.gather [hbm4b:s7+s3], $0x50, $0x38;
	[tilespmem:$0x16C00] =	vst v63  }
0xef: {  	s10 =	sadd.s32 s9, s13  }
0xf0: {  	[tilespmem:s24], [sflag:$0x8] =	stream.linear.gather [hbm4b:s10+s3], $0x50, $0x38;
	[tilespmem:$0x16C00] =	vst v63  }
0xf1: {  	_ =	swait.ge [sflag:s25], $0x50  }
0xf2: {  	[sflag:s25] =	ssyncset.done $0x0  }
0xf3: {  	[sflag:s25] =	ssyncadd.s32 $0xFFFFFFB0  }
0xf4: {  	_ =	swait.ge [sflag:s26], $0x50  }
0xf5: {  	[sflag:s26] =	ssyncset.done $0x0  }
0xf6: {  	[sflag:s26] =	ssyncadd.s32 $0xFFFFFFB0  }
0xf7: {  	_ =	swait.ge [sflag:s28], $0x50  }
0xf8: {  	[sflag:s28] =	ssyncset.done $0x0  }
0xf9: {  	[sflag:s28] =	ssyncadd.s32 $0xFFFFFFB0  }
0xfa: {  	_ =	swait.ge [sflag:s29], $0x50  }
0xfb: {  	[sflag:s29] =	ssyncset.done $0x0  }
0xfc: {  	[sflag:s29] =	ssyncadd.s32 $0xFFFFFFB0  }
0xfd: {  	_ =	swait.ge [sflag:s30], $0x50  }
0xfe: {  	[sflag:s30] =	ssyncset.done $0x0  }
0xff: {  	[sflag:s30] =	ssyncadd.s32 $0xFFFFFFB0  }
0x100: {  	_ =	swait.ge [sflag:s31], $0x50  }
0x101: {  	[sflag:s31] =	ssyncset.done $0x0  }
0x102: {  	[sflag:s31] =	ssyncadd.s32 $0xFFFFFFB0  }
0x103: {  	_ =	swait.ge [sflag:s0], $0x50  }
0x104: {  	[sflag:s0] =	ssyncset.done $0x0  }
0x105: {  	[sflag:s0] =	ssyncadd.s32 $0xFFFFFFB0  }
0x106: {  	_ =	swait.ge [sflag:s1], $0x50  }
0x107: {  	[sflag:s1] =	ssyncset.done $0x0  }
0x108: {  	[sflag:s1] =	ssyncadd.s32 $0xFFFFFFB0  }
0x109: {  	[spmem:s2] =	stream.indirect.scatter.add.f32 [tilespmem:s16], [sflag:$0x9], $0x80, s3, s4, $0xb8;
	[tilespmem:$0x16C00] =	vst v63  }
0x10a: {  	_ = 	snop  }
0x10b: {  	[spmem:s2] =	stream.indirect.scatter.add.f32 [tilespmem:s16], [sflag:$0x9], $0x80, s18, s4, $0xb8;
	[tilespmem:$0x16C00] =	vst v63  }
0x10c: {  	_ = 	snop  }
0x10d: {  	[spmem:s2] =	stream.indirect.scatter.add.f32 [tilespmem:s16], [sflag:$0x9], $0x80, s19, s4, $0xb8;
	[tilespmem:$0x16C00] =	vst v63  }
0x10e: {  	_ = 	snop  }
0x10f: {  	[spmem:s2] =	stream.indirect.scatter.add.f32 [tilespmem:s16], [sflag:$0x9], $0x80, s20, s4, $0xb8;
	[tilespmem:$0x16C00] =	vst v63  }
0x110: {  	_ = 	snop  }
0x111: {  	[spmem:s2] =	stream.indirect.scatter.add.f32 [tilespmem:s16], [sflag:$0x9], $0x80, s21, s4, $0xb8;
	[tilespmem:$0x16C00] =	vst v63  }
0x112: {  	_ = 	snop  }
0x113: {  	[spmem:s2] =	stream.indirect.scatter.add.f32 [tilespmem:s16], [sflag:$0x9], $0x80, s22, s4, $0xb8;
	[tilespmem:$0x16C00] =	vst v63  }
0x114: {  	_ = 	snop  }
0x115: {  	[spmem:s2] =	stream.indirect.scatter.add.f32 [tilespmem:s16], [sflag:$0x9], $0x80, s23, s4, $0xb8;
	[tilespmem:$0x16C00] =	vst v63  }
0x116: {  	_ = 	snop  }
0x117: {  	[spmem:s2] =	stream.indirect.scatter.add.f32 [tilespmem:s16], [sflag:$0x9], $0x80, s24, s4, $0xb8;
	[tilespmem:$0x16C00] =	vst v63  }
0x118: {  	_ =	swait.ge [sflag:s5], $0x2800  }
0x119: {  	[sflag:s5] =	ssyncset.done $0x0  }
0x11a: {  	[sflag:s5] =	ssyncadd.s32 $0xFFFFD800  }
0x11b: {  	_ =	swait.ge [sflag:s5], $0x2800  }
0x11c: {  	[sflag:s5] =	ssyncset.done $0x0  }
0x11d: {  	[sflag:s5] =	ssyncadd.s32 $0xFFFFD800  }
0x11e: {  	_ =	swait.ge [sflag:s5], $0x2800  }
0x11f: {  	[sflag:s5] =	ssyncset.done $0x0  }
0x120: {  	[sflag:s5] =	ssyncadd.s32 $0xFFFFD800  }
0x121: {  	_ =	swait.ge [sflag:s5], $0x2800  }
0x122: {  	[sflag:s5] =	ssyncset.done $0x0  }
0x123: {  	[sflag:s5] =	ssyncadd.s32 $0xFFFFD800  }
0x124: {  	_ =	swait.ge [sflag:s5], $0x2800  }
0x125: {  	[sflag:s5] =	ssyncset.done $0x0  }
0x126: {  	[sflag:s5] =	ssyncadd.s32 $0xFFFFD800  }
0x127: {  	_ =	swait.ge [sflag:s5], $0x2800  }
0x128: {  	[sflag:s5] =	ssyncset.done $0x0  }
0x129: {  	[sflag:s5] =	ssyncadd.s32 $0xFFFFD800  }
0x12a: {  	_ =	swait.ge [sflag:s5], $0x2800  }
0x12b: {  	[sflag:s5] =	ssyncset.done $0x0  }
0x12c: {  	[sflag:s5] =	ssyncadd.s32 $0xFFFFD800  }
0x12d: {  	_ =	swait.ge [sflag:s5], $0x2800  }
0x12e: {  	[sflag:s5] =	ssyncset.done $0x0  }
0x12f: {  	s11 =	rddreg [dreg:$0xc];
	[sflag:s5] =	ssyncadd.s32 $0xFFFFD800  }
0x130: {  	[tilespmem:s3], [sflag:$0xA] =	stream.linear.gather [hbm4b:s11+s3], $0x50, $0x38;
	[tilespmem:$0x16C00] =	vst v63  }
0x131: {  	_ =	swait.ge [sflag:s17], $0x50  }
0x132: {  	[sflag:s17] =	ssyncset.done $0x0  }
0x133: {  	[sflag:s17] =	ssyncadd.s32 $0xFFFFFFB0  }
0x134: {  	[spmem:s2] =	stream.indirect.scatter.add.f32 [tilespmem:s16], [sflag:$0xA], $0x80, s3, s4, $0xb8;
	[tilespmem:$0x16C00] =	vst v63  }
0x135: {  	_ =	swait.ge [sflag:s17], $0x2800  }
0x136: {  	[sflag:s17] =	ssyncset.done $0x0  }
0x137: {  	s12 =	rddreg [dreg:$0xd];
	[sflag:s17] =	ssyncadd.s32 $0xFFFFD800  }
0x138: {  	[tilespmem:s3], [sflag:$0xA] =	stream.linear.gather [hbm4b:s12+s3], $0x50, $0x38;
	[tilespmem:$0x16C00] =	vst v63  }
0x139: {  	_ =	swait.ge [sflag:s17], $0x50  }
0x13a: {  	[sflag:s17] =	ssyncset.done $0x0  }
0x13b: {  	[sflag:s17] =	ssyncadd.s32 $0xFFFFFFB0  }
0x13c: {  	[spmem:s2] =	stream.indirect.scatter.add.f32 [tilespmem:s16], [sflag:$0xA], $0x80, s3, s4, $0xb8;
	[tilespmem:$0x16C00] =	vst v63  }
0x13d: {  	_ =	swait.ge [sflag:s17], $0x2800  }
0x13e: {  	[sflag:s17] =	ssyncset.done $0x0  }
0x13f: {  	s13 =	rddreg [dreg:$0xe];
	[sflag:s17] =	ssyncadd.s32 $0xFFFFD800  }
0x140: {  	[tilespmem:s3], [sflag:$0xA] =	stream.linear.gather [hbm4b:s13+s3], $0x50, $0x38;
	[tilespmem:$0x16C00] =	vst v63  }
0x141: {  	_ =	swait.ge [sflag:s17], $0x50  }
0x142: {  	[sflag:s17] =	ssyncset.done $0x0  }
0x143: {  	[sflag:s17] =	ssyncadd.s32 $0xFFFFFFB0  }
0x144: {  	[spmem:s2] =	stream.indirect.scatter.add.f32 [tilespmem:s16], [sflag:$0xA], $0x80, s3, s4, $0xb8;
	[tilespmem:$0x16C00] =	vst v63  }
0x145: {  	_ =	swait.ge [sflag:s17], $0x2800  }
0x146: {  	[sflag:s17] =	ssyncset.done $0x0  }
0x147: {  	s9 =	rddreg [dreg:$0xf];
	[sflag:s17] =	ssyncadd.s32 $0xFFFFD800  }
0x148: {  	[tilespmem:s3], [sflag:$0xA] =	stream.linear.gather [hbm4b:s9+s3], $0x50, $0x38;
	[tilespmem:$0x16C00] =	vst v63  }
0x149: {  	_ =	swait.ge [sflag:s17], $0x50  }
0x14a: {  	[sflag:s17] =	ssyncset.done $0x0  }
0x14b: {  	[sflag:s17] =	ssyncadd.s32 $0xFFFFFFB0  }
0x14c: {  	[spmem:s2] =	stream.indirect.scatter.add.f32 [tilespmem:s16], [sflag:$0xA], $0x80, s3, s4, $0xb8;
	[tilespmem:$0x16C00] =	vst v63  }
0x14d: {  	_ =	swait.ge [sflag:s17], $0x2800  }
0x14e: {  	[sflag:s17] =	ssyncset.done $0x0  }
0x14f: {  	s10 =	rddreg [dreg:$0x10];
	[sflag:s17] =	ssyncadd.s32 $0xFFFFD800  }
0x150: {  	[tilespmem:s3], [sflag:$0xA] =	stream.linear.gather [hbm4b:s10+s3], $0x50, $0x38;
	[tilespmem:$0x16C00] =	vst v63  }
0x151: {  	_ =	swait.ge [sflag:s17], $0x50  }
0x152: {  	[sflag:s17] =	ssyncset.done $0x0  }
0x153: {  	[sflag:s17] =	ssyncadd.s32 $0xFFFFFFB0  }
0x154: {  	[spmem:s2] =	stream.indirect.scatter.add.f32 [tilespmem:s16], [sflag:$0xA], $0x80, s3, s4, $0xb8;
	[tilespmem:$0x16C00] =	vst v63  }
0x155: {  	_ =	swait.ge [sflag:s17], $0x2800  }
0x156: {  	[sflag:s17] =	ssyncset.done $0x0  }
0x157: {  	[sflag:s17] =	ssyncadd.s32 $0xFFFFD800  }
0x158: {  	[bflag:$0x0] =	sbarrier.arrive $0xFFFF  }
0x159: {  	s11 =	rddreg [dreg:$0x11]  }
0x15a: {  	s12 =	rddreg [dreg:$0x13]  }
0x15b: {  	[hbm:s11], [sflag:s12] =	dma.local [spmem:s8], $0x2800  }
0x15c: {  	_ =	swait.ge [sflag:s17], $0x2800  }
0x15d: {  	s6 =	sadd.s32 $0x1, s6;
	s13 =	rddreg [dreg:$0x12]  }
0x15e: {  	p0 =	sne.s32 s6, s13  }
.Ltmp1:
0x15f: {  	_ = 	snop;
	(pc) =	sbr.rel @p0 .LBB2_1-.Ltmp1, $3  }
0x160: {  	_ =	sdelay $0x1  }
0x161: {  	[sflag:s17] =	ssyncset.done $0x0  }
0x162: {  	[sflag:s17] =	ssyncadd.s32 $0xFFFFD800  }
0x163: {  	_ =	sfence.sel $0x180000  }
0x164: {  	[bflag:$0x0] =	sbarrier.arrive $0xFFFF  }
0x165: {  	_ =	strace $0x90000047  }
0x166: {  	s0 =	stileid.u32;
	[bflag:$0x2] =	sbarrier.arrive $0xFFFF  }
0x167: {  	p0 =	sne.s32 s0, $0x0;
	s0 =	rddreg [dreg:$0x2]  }
0x168: {  	s0 =	sadd.s32 @!p0 $0x100000, s0  }
0x169: {  	[sflag:s0] =	ssyncadd.tile.s32 @!p0 $0x1;
	_ =	shalt  }
.Lfunc_end2:
_tile_overlayer_lowered:
.L_overlay_start_2:
0x16a: {  	(tag) =	ssettag $0x2  }
0x16b: {  	s0 =	rddreg [dreg:$0x0];
	s2 =	stileid.u32  }
0x16c: {  	s1 =	rddreg [dreg:$0x1];
	p0 =	sne.s32 s2, $0x0  }
0x16d: {  	s3 =	rddreg [dreg:$0x2];
	[bflag:$0x3] =	sbarrier.arrive $0xFFFF;
	s2 =	simm.s32 @!p0 $0x1C0A  }
0x16e: {  	[timem:s3], [sflag:s2] =	dma.local @!p0 [hbm:s0], s1  }
0x16f: {  	s0 =	simm.s32 @!p0 $0xA  }
0x170: {  	_ =	swait.ge @!p0 [sflag:s0], s1  }
0x171: {  	s1 =	ssub.s32 @!p0 $0x0, s1;
	[sflag:s0] =	ssyncset.done @!p0 $0x0  }
0x172: {  	[sflag:s0] =	ssyncadd.s32 @!p0 s1  }
0x173: {  	[bflag:$0x3] =	sbarrier.arrive $0xFFFF  }
0x174: {  	_ =	shalt  }

</sc_bundles>
